<compile_context>
chip_gen: v7x
topology: tpu7x:2x2x1
jax: 0.10.2.dev20260603
libtpu: 0.0.44.dev20260713+nightly
codegen_flags: <defaults>
</compile_context>

<pallas_src>
import functools

import jax
import jax.numpy as jnp
from jax import lax
from jax.experimental import pallas as pl
from jax.experimental.pallas import tpu as pltpu
from jax.experimental.pallas import tpu_sc as plsc


def _proj_body(x_ref, w_ref, wb_ref, u_ref, v_ref):
    for k in range(8):
        p = jnp.dot(w_ref[...], x_ref[k], preferred_element_type=jnp.float32)
        e = jnp.exp(-(p + wb_ref[...]))
        u_ref[k] = e[0:1, :]
        v_ref[k] = e[1:2, :]


def _make_sc_pairwise(B, N):
    L = 16
    NW = 32
    RPW = (B * N) // NW
    G = 16
    NG = RPW // G
    CH = N // L
    half_chunks = RPW // L

    mesh = plsc.VectorSubcoreMesh(core_axis_name="c", subcore_axis_name="s")

    @functools.partial(
        pl.kernel,
        out_type=jax.ShapeDtypeStruct((B * N, N), jnp.float32),
        mesh=mesh,
        scratch_types=[
            pltpu.VMEM((N,), jnp.float32),
            pltpu.VMEM((N,), jnp.float32),
            pltpu.VMEM((G, N), jnp.float32),
            pltpu.VMEM((G, N), jnp.float32),
            pltpu.SemaphoreType.DMA,
            pltpu.SemaphoreType.DMA,
        ],
    )
    def sc_pair(u_hbm, v_hbm, out_hbm, u_v, v_v, buf0, buf1, sem0, sem1):
        cid = lax.axis_index("c")
        sid = lax.axis_index("s")
        wid = sid * 2 + cid
        bw = wid // 2
        half = wid % 2
        base_row = wid * RPW
        cg0 = half * half_chunks

        pltpu.sync_copy(u_hbm.at[bw], u_v)
        pltpu.sync_copy(v_hbm.at[bw], v_v)

        jl = lax.iota(jnp.int32, 16)

        def emit_group(g, buf):
            cg = cg0 + g
            uc = u_v[pl.ds(cg * L, L)]
            vc = v_v[pl.ds(cg * L, L)]
            u_spl = [jnp.full((L,), uc[r], dtype=jnp.float32) for r in range(G)]
            v_spl = [jnp.full((L,), vc[r], dtype=jnp.float32) for r in range(G)]

            @plsc.parallel_loop(0, cg, unroll=2)
            def _lower(c):
                uch = u_v[pl.ds(c * L, L)]
                for r in range(G):
                    buf[r, pl.ds(c * L, L)] = 1.0 / (1.0 + uch * v_spl[r])

            @plsc.parallel_loop(cg + 1, CH, unroll=2)
            def _upper(c):
                vch = v_v[pl.ds(c * L, L)]
                for r in range(G):
                    buf[r, pl.ds(c * L, L)] = 1.0 / (1.0 + u_spl[r] * vch)

            for r in range(G):
                e = jnp.where(jl > r, u_spl[r] * vc, uc * v_spl[r])
                s = 1.0 / (1.0 + e)
                buf[r, pl.ds(cg * L, L)] = jnp.where(jl == r, 0.0, s)

        def loop_body(gg, _):
            g0 = gg * 2
            g1 = gg * 2 + 1

            @pl.when(gg > 0)
            def _():
                pltpu.make_async_copy(
                    buf0, out_hbm.at[pl.ds(base_row, G)], sem0).wait()

            emit_group(g0, buf0)
            pltpu.async_copy(
                buf0, out_hbm.at[pl.ds(base_row + g0 * G, G)], sem0)

            @pl.when(gg > 0)
            def _():
                pltpu.make_async_copy(
                    buf1, out_hbm.at[pl.ds(base_row, G)], sem1).wait()

            emit_group(g1, buf1)
            pltpu.async_copy(
                buf1, out_hbm.at[pl.ds(base_row + g1 * G, G)], sem1)
            return 0

        lax.fori_loop(0, NG // 2, loop_body, 0)
        pltpu.make_async_copy(buf0, out_hbm.at[pl.ds(base_row, G)], sem0).wait()
        pltpu.make_async_copy(buf1, out_hbm.at[pl.ds(base_row, G)], sem1).wait()

    return sc_pair


def kernel(node_features, W, b):
    B, F, N = node_features.shape
    Wr = W.reshape(2, F)
    Wb = jnp.stack([jnp.zeros((), W.dtype), b[0]]).reshape(2, 1)

    u3, v3 = pl.pallas_call(
        _proj_body,
        grid=(B // 8,),
        in_specs=[
            pl.BlockSpec((8, F, N), lambda i: (i, 0, 0)),
            pl.BlockSpec((2, F), lambda i: (0, 0)),
            pl.BlockSpec((2, 1), lambda i: (0, 0)),
        ],
        out_specs=[
            pl.BlockSpec((8, 1, N), lambda i: (i, 0, 0)),
            pl.BlockSpec((8, 1, N), lambda i: (i, 0, 0)),
        ],
        out_shape=[
            jax.ShapeDtypeStruct((B, 1, N), jnp.float32),
            jax.ShapeDtypeStruct((B, 1, N), jnp.float32),
        ],
    )(node_features, Wr, Wb)

    out_flat = _make_sc_pairwise(B, N)(u3.reshape(B, N), v3.reshape(B, N))
    return out_flat.reshape(B, N, N)

# --- scband reference (transcript-rebuilt; emitter-appended) ---
"""Pipeline reference for scband-graph-learning-32220844655187 (READ-ONLY COPY).

The authoritative reference and input builder live on the scoring server;
editing this copy changes nothing except your own understanding.
"""

import jax, jax.numpy as jnp
import numpy as np


def setup_inputs(seed: int = 0) -> dict:
    key = jax.random.key(seed)
    k1, k2, k3 = jax.random.split(key, 3)
    B, F, N = 16, 256, 1024
    node_features = jax.random.normal(k1, (B, F, N), dtype=jnp.float32)
    # fc1 = nn.Linear(2*F, 1): weight [1, 2F], bias [1]
    bound = 1.0 / np.sqrt(2 * F)
    W = jax.random.uniform(k2, (1, 2 * F), dtype=jnp.float32, minval=-bound, maxval=bound)
    b = jax.random.uniform(k3, (1,), dtype=jnp.float32, minval=-bound, maxval=bound)
    return {"node_features": node_features, "W": W, "b": b}


def reference(node_features, W, b):
    # Faithful vectorization of the original pairwise loop:
    #   for i < j: A[:, i, j] = A[:, j, i] = sigmoid(fc1(cat(x[:, :, i], x[:, :, j])))
    #   diagonal stays zero.
    # fc1(cat(xi, xj)) = xi @ W[:, :F].T + xj @ W[:, F:].T + b, which decomposes
    # into two per-node projections plus a broadcast add (identical math).
    B, F, N = node_features.shape
    W1 = W[0, :F]  # [F]
    W2 = W[0, F:]  # [F]
    x = jnp.transpose(node_features, (0, 2, 1))  # [B, N, F]
    proj_i = x @ W1  # [B, N]
    proj_j = x @ W2  # [B, N]
    scores = jax.nn.sigmoid(proj_i[:, :, None] + proj_j[:, None, :] + b[0])  # [B, N, N]
    upper = jnp.triu(scores, k=1)  # only i < j pairs, diagonal zero
    adjacency_matrix = upper + jnp.transpose(upper, (0, 2, 1))  # symmetrize
    return adjacency_matrix

if __name__ == "__main__":
    import jax
    _d = setup_inputs()
    print(jax.jit(kernel)(*tuple(_d.values())))

</pallas_src>

<mosaic_0001>
#map = affine_map<(d0, d1) -> (0, 0)>
module attributes {stable_mosaic.version = 14 : i64} {
  func.func @sc_pair(%arg0: i32, %arg1: i32, %arg2: memref<16x1024xf32, #tpu.memory_space<hbm>>, %arg3: memref<16x1024xf32, #tpu.memory_space<hbm>>, %arg4: memref<16384x1024xf32, #tpu.memory_space<hbm>>, %arg5: memref<1024xf32, #tpu.memory_space<vmem>>, %arg6: memref<1024xf32, #tpu.memory_space<vmem>>, %arg7: memref<16x1024xf32, #tpu.memory_space<vmem>>, %arg8: memref<16x1024xf32, #tpu.memory_space<vmem>>, %arg9: memref<!tpu.dma_semaphore, #tpu.memory_space<semaphore_mem>>, %arg10: memref<!tpu.dma_semaphore, #tpu.memory_space<semaphore_mem>>) attributes {dimension_semantics = [#tpu.dimension_semantics<core_parallel>, #tpu.dimension_semantics<subcore_parallel>], iteration_bounds = array<i64: 2, 16>, scalar_prefetch = 0 : i64, scratch_operands = 6 : i64, tpu.core_type = #tpu.core_type<sc_vector_subcore>, window_params = [{transform_indices = #map}, {transform_indices = #map}, {transform_indices = #map}]} {
    %mul3A = arith.constant 2 : i32
    %mul3A_0 = arith.muli %arg1, %mul3A : i32
    %add3A = arith.addi %mul3A_0, %arg0 : i32
    %jit3A = arith.constant 2 : i32
    %div3A = arith.divsi %add3A, %jit3A : i32
    %sign3A = arith.constant 0 : i32
    %sign3A_1 = arith.cmpi sgt, %add3A, %sign3A : i32
    %sign3A_2 = arith.extui %sign3A_1 : i1 to i32
    %sign3A_3 = arith.constant 0 : i32
    %sign3A_4 = arith.cmpi slt, %add3A, %sign3A_3 : i32
    %sign3A_5 = arith.extui %sign3A_4 : i1 to i32
    %sign3A_6 = arith.subi %sign3A_2, %sign3A_5 : i32
    %sign3A_7 = arith.constant 0 : i32
    %sign3A_8 = arith.cmpi sgt, %jit3A, %sign3A_7 : i32
    %sign3A_9 = arith.extui %sign3A_8 : i1 to i32
    %sign3A_10 = arith.constant 0 : i32
    %sign3A_11 = arith.cmpi slt, %jit3A, %sign3A_10 : i32
    %sign3A_12 = arith.extui %sign3A_11 : i1 to i32
    %sign3A_13 = arith.subi %sign3A_9, %sign3A_12 : i32
    %ne3A = arith.cmpi ne, %sign3A_6, %sign3A_13 : i32
    %rem3A = arith.remsi %add3A, %jit3A : i32
    %ne3A_14 = arith.constant 0 : i32
    %ne3A_15 = arith.cmpi ne, %rem3A, %ne3A_14 : i32
    %and3A = arith.andi %ne3A, %ne3A_15 : i1
    %sub3A = arith.constant 1 : i32
    %sub3A_16 = arith.subi %div3A, %sub3A : i32
    %select_n3A = arith.select %and3A, %sub3A_16, %div3A : i32
    %jit3A_17 = arith.constant 2 : i32
    %eq3A = arith.constant 0 : i32
    %eq3A_18 = arith.cmpi eq, %jit3A_17, %eq3A : i32
    %jit3A_19 = arith.constant 1 : i32
    %select_n3A_20 = arith.select %eq3A_18, %jit3A_19, %jit3A_17 : i32
    %rem3A_21 = arith.remsi %add3A, %select_n3A_20 : i32
    %ne3A_22 = arith.constant 0 : i32
    %ne3A_23 = arith.cmpi ne, %rem3A_21, %ne3A_22 : i32
    %lt3A = arith.constant 0 : i32
    %lt3A_24 = arith.cmpi slt, %rem3A_21, %lt3A : i32
    %lt3A_25 = arith.constant 0 : i32
    %lt3A_26 = arith.cmpi slt, %select_n3A_20, %lt3A_25 : i32
    %ne3A_27 = arith.xori %lt3A_24, %lt3A_26 : i1
    %and3A_28 = arith.andi %ne3A_27, %ne3A_23 : i1
    %add3A_29 = arith.addi %rem3A_21, %select_n3A_20 : i32
    %select_n3A_30 = arith.select %and3A_28, %add3A_29, %rem3A_21 : i32
    %mul3A_31 = arith.constant 512 : i32
    %mul3A_32 = arith.muli %add3A, %mul3A_31 : i32
    %mul3A_33 = arith.constant 32 : i32
    %mul3A_34 = arith.muli %select_n3A_30, %mul3A_33 : i32
    "tpu.region"() ({
      %run_scoped3A = tpu.sem_alloc : memref<!tpu.dma_semaphore, #tpu.memory_space<semaphore_mem>>
      %dma_start3A = arith.constant 0 : i32
      %dma_start3A_48 = tpu.memref_slice %arg2[%select_n3A, %dma_start3A] : memref<16x1024xf32, #tpu.memory_space<hbm>> -> memref<1x1024xf32, #tpu.memory_space<hbm>>
      %dma_start3A_49 = tpu.memref_squeeze %dma_start3A_48 : memref<1x1024xf32, #tpu.memory_space<hbm>> -> memref<1024xf32, #tpu.memory_space<hbm>>
      %dma_start3A_50 = arith.constant 0 : i32
      %dma_start3A_51 = tpu.memref_slice %arg2[%select_n3A, %dma_start3A_50] : memref<16x1024xf32, #tpu.memory_space<hbm>> -> memref<1x1024xf32, #tpu.memory_space<hbm>>
      %dma_start3A_52 = tpu.memref_squeeze %dma_start3A_51 : memref<1x1024xf32, #tpu.memory_space<hbm>> -> memref<1024xf32, #tpu.memory_space<hbm>>
      tpu.enqueue_dma source(%dma_start3A_52 : memref<1024xf32, #tpu.memory_space<hbm>>) target(%arg5 : memref<1024xf32, #tpu.memory_space<vmem>>) target_semaphore(%run_scoped3A : memref<!tpu.dma_semaphore, #tpu.memory_space<semaphore_mem>>)
      %dma_wait3A_53 = arith.constant 0 : i32
      %dma_wait3A_54 = tpu.memref_slice %arg2[%select_n3A, %dma_wait3A_53] : memref<16x1024xf32, #tpu.memory_space<hbm>> -> memref<1x1024xf32, #tpu.memory_space<hbm>>
      %dma_wait3A_55 = tpu.memref_squeeze %dma_wait3A_54 : memref<1x1024xf32, #tpu.memory_space<hbm>> -> memref<1024xf32, #tpu.memory_space<hbm>>
      %dma_wait3A_56 = arith.constant 0 : i32
      %dma_wait3A_57 = tpu.memref_slice %arg2[%select_n3A, %dma_wait3A_56] : memref<16x1024xf32, #tpu.memory_space<hbm>> -> memref<1x1024xf32, #tpu.memory_space<hbm>>
      %dma_wait3A_58 = tpu.memref_squeeze %dma_wait3A_57 : memref<1x1024xf32, #tpu.memory_space<hbm>> -> memref<1024xf32, #tpu.memory_space<hbm>>
      tpu.wait_dma2 semaphore(%run_scoped3A : memref<!tpu.dma_semaphore, #tpu.memory_space<semaphore_mem>>) src(%dma_wait3A_58 : memref<1024xf32, #tpu.memory_space<hbm>>) dst(%arg5 : memref<1024xf32, #tpu.memory_space<vmem>>)
      tpu.yield
    }) : () -> ()
    "tpu.region"() ({
      %run_scoped3A = tpu.sem_alloc : memref<!tpu.dma_semaphore, #tpu.memory_space<semaphore_mem>>
      %dma_start3A = arith.constant 0 : i32
      %dma_start3A_48 = tpu.memref_slice %arg3[%select_n3A, %dma_start3A] : memref<16x1024xf32, #tpu.memory_space<hbm>> -> memref<1x1024xf32, #tpu.memory_space<hbm>>
      %dma_start3A_49 = tpu.memref_squeeze %dma_start3A_48 : memref<1x1024xf32, #tpu.memory_space<hbm>> -> memref<1024xf32, #tpu.memory_space<hbm>>
      %dma_start3A_50 = arith.constant 0 : i32
      %dma_start3A_51 = tpu.memref_slice %arg3[%select_n3A, %dma_start3A_50] : memref<16x1024xf32, #tpu.memory_space<hbm>> -> memref<1x1024xf32, #tpu.memory_space<hbm>>
      %dma_start3A_52 = tpu.memref_squeeze %dma_start3A_51 : memref<1x1024xf32, #tpu.memory_space<hbm>> -> memref<1024xf32, #tpu.memory_space<hbm>>
      tpu.enqueue_dma source(%dma_start3A_52 : memref<1024xf32, #tpu.memory_space<hbm>>) target(%arg6 : memref<1024xf32, #tpu.memory_space<vmem>>) target_semaphore(%run_scoped3A : memref<!tpu.dma_semaphore, #tpu.memory_space<semaphore_mem>>)
      %dma_wait3A_53 = arith.constant 0 : i32
      %dma_wait3A_54 = tpu.memref_slice %arg3[%select_n3A, %dma_wait3A_53] : memref<16x1024xf32, #tpu.memory_space<hbm>> -> memref<1x1024xf32, #tpu.memory_space<hbm>>
      %dma_wait3A_55 = tpu.memref_squeeze %dma_wait3A_54 : memref<1x1024xf32, #tpu.memory_space<hbm>> -> memref<1024xf32, #tpu.memory_space<hbm>>
      %dma_wait3A_56 = arith.constant 0 : i32
      %dma_wait3A_57 = tpu.memref_slice %arg3[%select_n3A, %dma_wait3A_56] : memref<16x1024xf32, #tpu.memory_space<hbm>> -> memref<1x1024xf32, #tpu.memory_space<hbm>>
      %dma_wait3A_58 = tpu.memref_squeeze %dma_wait3A_57 : memref<1x1024xf32, #tpu.memory_space<hbm>> -> memref<1024xf32, #tpu.memory_space<hbm>>
      tpu.wait_dma2 semaphore(%run_scoped3A : memref<!tpu.dma_semaphore, #tpu.memory_space<semaphore_mem>>) src(%dma_wait3A_58 : memref<1024xf32, #tpu.memory_space<hbm>>) dst(%arg6 : memref<1024xf32, #tpu.memory_space<vmem>>)
      tpu.yield
    }) : () -> ()
    %iota3A = tpu.iota {dimensions = array<i32: 0>} : vector<16xi32>
    %scan3A = arith.constant 0 : i32
    %scan3A_35 = arith.constant 0 : i32
    %scan3A_36 = arith.constant 16 : i32
    %scan3A_37 = arith.addi %scan3A_35, %scan3A_36 : i32
    %scan3A_38 = arith.constant 1 : i32
    %scan3A_39 = scf.for %scan3A_48 = %scan3A_35 to %scan3A_37 step %scan3A_38 iter_args(%scan3A_49 = %scan3A) -> (i32)  : i32 {
      %mul3A_50 = arith.constant 2 : i32
      %mul3A_51 = arith.muli %scan3A_48, %mul3A_50 : i32
      %mul3A_52 = arith.constant 2 : i32
      %mul3A_53 = arith.muli %scan3A_48, %mul3A_52 : i32
      %add3A_54 = arith.constant 1 : i32
      %add3A_55 = arith.addi %mul3A_53, %add3A_54 : i32
      %gt3A = arith.constant 0 : i32
      %gt3A_56 = arith.cmpi sgt, %scan3A_48, %gt3A : i32
      %convert_element_type3A = arith.extui %gt3A_56 : i1 to i32
      %cond3A = arith.constant 0 : i32
      %cond3A_57 = arith.cmpi ne, %convert_element_type3A, %cond3A : i32
      scf.if %cond3A_57 {
        %dma_wait3A_1129 = arith.constant 0 : i32
        %dma_wait3A_1130 = tpu.memref_slice %arg4[%mul3A_32, %dma_wait3A_1129] : memref<16384x1024xf32, #tpu.memory_space<hbm>> -> memref<16x1024xf32, #tpu.memory_space<hbm>>
        %dma_wait3A_1131 = arith.constant 0 : i32
        %dma_wait3A_1132 = tpu.memref_slice %arg4[%mul3A_32, %dma_wait3A_1131] : memref<16384x1024xf32, #tpu.memory_space<hbm>> -> memref<16x1024xf32, #tpu.memory_space<hbm>>
        tpu.wait_dma2 semaphore(%arg9 : memref<!tpu.dma_semaphore, #tpu.memory_space<semaphore_mem>>) src(%arg7 : memref<16x1024xf32, #tpu.memory_space<vmem>>) dst(%dma_wait3A_1132 : memref<16x1024xf32, #tpu.memory_space<hbm>>)
      } else {
      }
      %add3A_58 = arith.addi %mul3A_34, %mul3A_51 : i32
      %mul3A_59 = arith.constant 16 : i32
      %mul3A_60 = arith.muli %add3A_58, %mul3A_59 : i32
      %get3A = arith.index_cast %mul3A_60 : i32 to index
      %get3A_61 = tpu.vector_load %arg5[%get3A] {strides = array<i32>} : memref<1024xf32, #tpu.memory_space<vmem>>, vector<16xf32>,
      %get3A_62 = vector.shape_cast %get3A_61 : vector<16xf32> to vector<16xf32>
      %mul3A_63 = arith.constant 16 : i32
      %mul3A_64 = arith.muli %add3A_58, %mul3A_63 : i32
      %get3A_65 = arith.index_cast %mul3A_64 : i32 to index
      %get3A_66 = tpu.vector_load %arg6[%get3A_65] {strides = array<i32>} : memref<1024xf32, #tpu.memory_space<vmem>>, vector<16xf32>,
      %get3A_67 = vector.shape_cast %get3A_66 : vector<16xf32> to vector<16xf32>
      %slice3A = vector.extract_strided_slice %get3A_62 {offsets = [0], sizes = [1], strides = [1]} : vector<16xf32> to vector<1xf32>
      %squeeze3A = vector.extract %slice3A[0] : f32 from vector<1xf32>
      %broadcast_in_dim3A = vector.broadcast %squeeze3A : f32 to vector<16xf32>
      %slice3A_68 = vector.extract_strided_slice %get3A_62 {offsets = [1], sizes = [1], strides = [1]} : vector<16xf32> to vector<1xf32>
      %squeeze3A_69 = vector.extract %slice3A_68[0] : f32 from vector<1xf32>
      %broadcast_in_dim3A_70 = vector.broadcast %squeeze3A_69 : f32 to vector<16xf32>
      %slice3A_71 = vector.extract_strided_slice %get3A_62 {offsets = [2], sizes = [1], strides = [1]} : vector<16xf32> to vector<1xf32>
      %squeeze3A_72 = vector.extract %slice3A_71[0] : f32 from vector<1xf32>
      %broadcast_in_dim3A_73 = vector.broadcast %squeeze3A_72 : f32 to vector<16xf32>
      %slice3A_74 = vector.extract_strided_slice %get3A_62 {offsets = [3], sizes = [1], strides = [1]} : vector<16xf32> to vector<1xf32>
      %squeeze3A_75 = vector.extract %slice3A_74[0] : f32 from vector<1xf32>
      %broadcast_in_dim3A_76 = vector.broadcast %squeeze3A_75 : f32 to vector<16xf32>
      %slice3A_77 = vector.extract_strided_slice %get3A_62 {offsets = [4], sizes = [1], strides = [1]} : vector<16xf32> to vector<1xf32>
      %squeeze3A_78 = vector.extract %slice3A_77[0] : f32 from vector<1xf32>
      %broadcast_in_dim3A_79 = vector.broadcast %squeeze3A_78 : f32 to vector<16xf32>
      %slice3A_80 = vector.extract_strided_slice %get3A_62 {offsets = [5], sizes = [1], strides = [1]} : vector<16xf32> to vector<1xf32>
      %squeeze3A_81 = vector.extract %slice3A_80[0] : f32 from vector<1xf32>
      %broadcast_in_dim3A_82 = vector.broadcast %squeeze3A_81 : f32 to vector<16xf32>
      %slice3A_83 = vector.extract_strided_slice %get3A_62 {offsets = [6], sizes = [1], strides = [1]} : vector<16xf32> to vector<1xf32>
      %squeeze3A_84 = vector.extract %slice3A_83[0] : f32 from vector<1xf32>
      %broadcast_in_dim3A_85 = vector.broadcast %squeeze3A_84 : f32 to vector<16xf32>
      %slice3A_86 = vector.extract_strided_slice %get3A_62 {offsets = [7], sizes = [1], strides = [1]} : vector<16xf32> to vector<1xf32>
      %squeeze3A_87 = vector.extract %slice3A_86[0] : f32 from vector<1xf32>
      %broadcast_in_dim3A_88 = vector.broadcast %squeeze3A_87 : f32 to vector<16xf32>
      %slice3A_89 = vector.extract_strided_slice %get3A_62 {offsets = [8], sizes = [1], strides = [1]} : vector<16xf32> to vector<1xf32>
      %squeeze3A_90 = vector.extract %slice3A_89[0] : f32 from vector<1xf32>
      %broadcast_in_dim3A_91 = vector.broadcast %squeeze3A_90 : f32 to vector<16xf32>
      %slice3A_92 = vector.extract_strided_slice %get3A_62 {offsets = [9], sizes = [1], strides = [1]} : vector<16xf32> to vector<1xf32>
      %squeeze3A_93 = vector.extract %slice3A_92[0] : f32 from vector<1xf32>
      %broadcast_in_dim3A_94 = vector.broadcast %squeeze3A_93 : f32 to vector<16xf32>
      %slice3A_95 = vector.extract_strided_slice %get3A_62 {offsets = [10], sizes = [1], strides = [1]} : vector<16xf32> to vector<1xf32>
      %squeeze3A_96 = vector.extract %slice3A_95[0] : f32 from vector<1xf32>
      %broadcast_in_dim3A_97 = vector.broadcast %squeeze3A_96 : f32 to vector<16xf32>
      %slice3A_98 = vector.extract_strided_slice %get3A_62 {offsets = [11], sizes = [1], strides = [1]} : vector<16xf32> to vector<1xf32>
      %squeeze3A_99 = vector.extract %slice3A_98[0] : f32 from vector<1xf32>
      %broadcast_in_dim3A_100 = vector.broadcast %squeeze3A_99 : f32 to vector<16xf32>
      %slice3A_101 = vector.extract_strided_slice %get3A_62 {offsets = [12], sizes = [1], strides = [1]} : vector<16xf32> to vector<1xf32>
      %squeeze3A_102 = vector.extract %slice3A_101[0] : f32 from vector<1xf32>
      %broadcast_in_dim3A_103 = vector.broadcast %squeeze3A_102 : f32 to vector<16xf32>
      %slice3A_104 = vector.extract_strided_slice %get3A_62 {offsets = [13], sizes = [1], strides = [1]} : vector<16xf32> to vector<1xf32>
      %squeeze3A_105 = vector.extract %slice3A_104[0] : f32 from vector<1xf32>
      %broadcast_in_dim3A_106 = vector.broadcast %squeeze3A_105 : f32 to vector<16xf32>
      %slice3A_107 = vector.extract_strided_slice %get3A_62 {offsets = [14], sizes = [1], strides = [1]} : vector<16xf32> to vector<1xf32>
      %squeeze3A_108 = vector.extract %slice3A_107[0] : f32 from vector<1xf32>
      %broadcast_in_dim3A_109 = vector.broadcast %squeeze3A_108 : f32 to vector<16xf32>
      %slice3A_110 = vector.extract_strided_slice %get3A_62 {offsets = [15], sizes = [1], strides = [1]} : vector<16xf32> to vector<1xf32>
      %squeeze3A_111 = vector.extract %slice3A_110[0] : f32 from vector<1xf32>
      %broadcast_in_dim3A_112 = vector.broadcast %squeeze3A_111 : f32 to vector<16xf32>
      %slice3A_113 = vector.extract_strided_slice %get3A_67 {offsets = [0], sizes = [1], strides = [1]} : vector<16xf32> to vector<1xf32>
      %squeeze3A_114 = vector.extract %slice3A_113[0] : f32 from vector<1xf32>
      %broadcast_in_dim3A_115 = vector.broadcast %squeeze3A_114 : f32 to vector<16xf32>
      %slice3A_116 = vector.extract_strided_slice %get3A_67 {offsets = [1], sizes = [1], strides = [1]} : vector<16xf32> to vector<1xf32>
      %squeeze3A_117 = vector.extract %slice3A_116[0] : f32 from vector<1xf32>
      %broadcast_in_dim3A_118 = vector.broadcast %squeeze3A_117 : f32 to vector<16xf32>
      %slice3A_119 = vector.extract_strided_slice %get3A_67 {offsets = [2], sizes = [1], strides = [1]} : vector<16xf32> to vector<1xf32>
      %squeeze3A_120 = vector.extract %slice3A_119[0] : f32 from vector<1xf32>
      %broadcast_in_dim3A_121 = vector.broadcast %squeeze3A_120 : f32 to vector<16xf32>
      %slice3A_122 = vector.extract_strided_slice %get3A_67 {offsets = [3], sizes = [1], strides = [1]} : vector<16xf32> to vector<1xf32>
      %squeeze3A_123 = vector.extract %slice3A_122[0] : f32 from vector<1xf32>
      %broadcast_in_dim3A_124 = vector.broadcast %squeeze3A_123 : f32 to vector<16xf32>
      %slice3A_125 = vector.extract_strided_slice %get3A_67 {offsets = [4], sizes = [1], strides = [1]} : vector<16xf32> to vector<1xf32>
      %squeeze3A_126 = vector.extract %slice3A_125[0] : f32 from vector<1xf32>
      %broadcast_in_dim3A_127 = vector.broadcast %squeeze3A_126 : f32 to vector<16xf32>
      %slice3A_128 = vector.extract_strided_slice %get3A_67 {offsets = [5], sizes = [1], strides = [1]} : vector<16xf32> to vector<1xf32>
      %squeeze3A_129 = vector.extract %slice3A_128[0] : f32 from vector<1xf32>
      %broadcast_in_dim3A_130 = vector.broadcast %squeeze3A_129 : f32 to vector<16xf32>
      %slice3A_131 = vector.extract_strided_slice %get3A_67 {offsets = [6], sizes = [1], strides = [1]} : vector<16xf32> to vector<1xf32>
      %squeeze3A_132 = vector.extract %slice3A_131[0] : f32 from vector<1xf32>
      %broadcast_in_dim3A_133 = vector.broadcast %squeeze3A_132 : f32 to vector<16xf32>
      %slice3A_134 = vector.extract_strided_slice %get3A_67 {offsets = [7], sizes = [1], strides = [1]} : vector<16xf32> to vector<1xf32>
      %squeeze3A_135 = vector.extract %slice3A_134[0] : f32 from vector<1xf32>
      %broadcast_in_dim3A_136 = vector.broadcast %squeeze3A_135 : f32 to vector<16xf32>
      %slice3A_137 = vector.extract_strided_slice %get3A_67 {offsets = [8], sizes = [1], strides = [1]} : vector<16xf32> to vector<1xf32>
      %squeeze3A_138 = vector.extract %slice3A_137[0] : f32 from vector<1xf32>
      %broadcast_in_dim3A_139 = vector.broadcast %squeeze3A_138 : f32 to vector<16xf32>
      %slice3A_140 = vector.extract_strided_slice %get3A_67 {offsets = [9], sizes = [1], strides = [1]} : vector<16xf32> to vector<1xf32>
      %squeeze3A_141 = vector.extract %slice3A_140[0] : f32 from vector<1xf32>
      %broadcast_in_dim3A_142 = vector.broadcast %squeeze3A_141 : f32 to vector<16xf32>
      %slice3A_143 = vector.extract_strided_slice %get3A_67 {offsets = [10], sizes = [1], strides = [1]} : vector<16xf32> to vector<1xf32>
      %squeeze3A_144 = vector.extract %slice3A_143[0] : f32 from vector<1xf32>
      %broadcast_in_dim3A_145 = vector.broadcast %squeeze3A_144 : f32 to vector<16xf32>
      %slice3A_146 = vector.extract_strided_slice %get3A_67 {offsets = [11], sizes = [1], strides = [1]} : vector<16xf32> to vector<1xf32>
      %squeeze3A_147 = vector.extract %slice3A_146[0] : f32 from vector<1xf32>
      %broadcast_in_dim3A_148 = vector.broadcast %squeeze3A_147 : f32 to vector<16xf32>
      %slice3A_149 = vector.extract_strided_slice %get3A_67 {offsets = [12], sizes = [1], strides = [1]} : vector<16xf32> to vector<1xf32>
      %squeeze3A_150 = vector.extract %slice3A_149[0] : f32 from vector<1xf32>
      %broadcast_in_dim3A_151 = vector.broadcast %squeeze3A_150 : f32 to vector<16xf32>
      %slice3A_152 = vector.extract_strided_slice %get3A_67 {offsets = [13], sizes = [1], strides = [1]} : vector<16xf32> to vector<1xf32>
      %squeeze3A_153 = vector.extract %slice3A_152[0] : f32 from vector<1xf32>
      %broadcast_in_dim3A_154 = vector.broadcast %squeeze3A_153 : f32 to vector<16xf32>
      %slice3A_155 = vector.extract_strided_slice %get3A_67 {offsets = [14], sizes = [1], strides = [1]} : vector<16xf32> to vector<1xf32>
      %squeeze3A_156 = vector.extract %slice3A_155[0] : f32 from vector<1xf32>
      %broadcast_in_dim3A_157 = vector.broadcast %squeeze3A_156 : f32 to vector<16xf32>
      %slice3A_158 = vector.extract_strided_slice %get3A_67 {offsets = [15], sizes = [1], strides = [1]} : vector<16xf32> to vector<1xf32>
      %squeeze3A_159 = vector.extract %slice3A_158[0] : f32 from vector<1xf32>
      %broadcast_in_dim3A_160 = vector.broadcast %squeeze3A_159 : f32 to vector<16xf32>
      %parallel_loop3A = arith.constant 0 : i32
      %parallel_loop3A_161 = arith.constant 1 : i32
      scf.for %parallel_loop3A_1129 = %parallel_loop3A to %add3A_58 step %parallel_loop3A_161  : i32 {
        %parallel_loop3A_1130 = arith.constant 16 : i32
        %parallel_loop3A_1131 = arith.muli %parallel_loop3A_1129, %parallel_loop3A_1130 : i32
        %parallel_loop3A_1132 = arith.index_cast %parallel_loop3A_1131 : i32 to index
        %parallel_loop3A_1133 = tpu.vector_load %arg5[%parallel_loop3A_1132] {strides = array<i32>} : memref<1024xf32, #tpu.memory_space<vmem>>, vector<16xf32>,
        %parallel_loop3A_1134 = vector.shape_cast %parallel_loop3A_1133 : vector<16xf32> to vector<16xf32>
        %parallel_loop3A_1135 = arith.mulf %parallel_loop3A_1134, %broadcast_in_dim3A_115 : vector<16xf32>
        %parallel_loop3A_1136 = arith.constant 1.000000e+00 : f32
        %parallel_loop3A_1137 = vector.broadcast %parallel_loop3A_1136 : f32 to vector<16xf32>
        %parallel_loop3A_1138 = arith.addf %parallel_loop3A_1137, %parallel_loop3A_1135 : vector<16xf32>
        %parallel_loop3A_1139 = arith.constant 1.000000e+00 : f32
        %parallel_loop3A_1140 = vector.broadcast %parallel_loop3A_1139 : f32 to vector<16xf32>
        %parallel_loop3A_1141 = arith.divf %parallel_loop3A_1140, %parallel_loop3A_1138 : vector<16xf32>
        %parallel_loop3A_1142 = arith.constant 16 : i32
        %parallel_loop3A_1143 = arith.muli %parallel_loop3A_1129, %parallel_loop3A_1142 : i32
        %parallel_loop3A_1144 = arith.constant 0 : i32
        %parallel_loop3A_1145 = arith.index_cast %parallel_loop3A_1144 : i32 to index
        %parallel_loop3A_1146 = arith.index_cast %parallel_loop3A_1143 : i32 to index
        %parallel_loop3A_1147 = tpu.vector_load %arg7[%parallel_loop3A_1145, %parallel_loop3A_1146] {strides = array<i32>} : memref<16x1024xf32, #tpu.memory_space<vmem>>, vector<1x16xf32>,
        %parallel_loop3A_1148 = vector.shape_cast %parallel_loop3A_1147 : vector<1x16xf32> to vector<16xf32>
        %parallel_loop3A_1149 = vector.shape_cast %parallel_loop3A_1141 : vector<16xf32> to vector<1x16xf32>
        tpu.vector_store %arg7[%parallel_loop3A_1145, %parallel_loop3A_1146], %parallel_loop3A_1149 {strides = array<i32>} : memref<16x1024xf32, #tpu.memory_space<vmem>>, vector<1x16xf32>,
        %parallel_loop3A_1150 = arith.mulf %parallel_loop3A_1134, %broadcast_in_dim3A_118 : vector<16xf32>
        %parallel_loop3A_1151 = arith.constant 1.000000e+00 : f32
        %parallel_loop3A_1152 = vector.broadcast %parallel_loop3A_1151 : f32 to vector<16xf32>
        %parallel_loop3A_1153 = arith.addf %parallel_loop3A_1152, %parallel_loop3A_1150 : vector<16xf32>
        %parallel_loop3A_1154 = arith.constant 1.000000e+00 : f32
        %parallel_loop3A_1155 = vector.broadcast %parallel_loop3A_1154 : f32 to vector<16xf32>
        %parallel_loop3A_1156 = arith.divf %parallel_loop3A_1155, %parallel_loop3A_1153 : vector<16xf32>
        %parallel_loop3A_1157 = arith.constant 16 : i32
        %parallel_loop3A_1158 = arith.muli %parallel_loop3A_1129, %parallel_loop3A_1157 : i32
        %parallel_loop3A_1159 = arith.constant 1 : i32
        %parallel_loop3A_1160 = arith.index_cast %parallel_loop3A_1159 : i32 to index
        %parallel_loop3A_1161 = arith.index_cast %parallel_loop3A_1158 : i32 to index
        %parallel_loop3A_1162 = tpu.vector_load %arg7[%parallel_loop3A_1160, %parallel_loop3A_1161] {strides = array<i32>} : memref<16x1024xf32, #tpu.memory_space<vmem>>, vector<1x16xf32>,
        %parallel_loop3A_1163 = vector.shape_cast %parallel_loop3A_1162 : vector<1x16xf32> to vector<16xf32>
        %parallel_loop3A_1164 = vector.shape_cast %parallel_loop3A_1156 : vector<16xf32> to vector<1x16xf32>
        tpu.vector_store %arg7[%parallel_loop3A_1160, %parallel_loop3A_1161], %parallel_loop3A_1164 {strides = array<i32>} : memref<16x1024xf32, #tpu.memory_space<vmem>>, vector<1x16xf32>,
        %parallel_loop3A_1165 = arith.mulf %parallel_loop3A_1134, %broadcast_in_dim3A_121 : vector<16xf32>
        %parallel_loop3A_1166 = arith.constant 1.000000e+00 : f32
        %parallel_loop3A_1167 = vector.broadcast %parallel_loop3A_1166 : f32 to vector<16xf32>
        %parallel_loop3A_1168 = arith.addf %parallel_loop3A_1167, %parallel_loop3A_1165 : vector<16xf32>
        %parallel_loop3A_1169 = arith.constant 1.000000e+00 : f32
        %parallel_loop3A_1170 = vector.broadcast %parallel_loop3A_1169 : f32 to vector<16xf32>
        %parallel_loop3A_1171 = arith.divf %parallel_loop3A_1170, %parallel_loop3A_1168 : vector<16xf32>
        %parallel_loop3A_1172 = arith.constant 16 : i32
        %parallel_loop3A_1173 = arith.muli %parallel_loop3A_1129, %parallel_loop3A_1172 : i32
        %parallel_loop3A_1174 = arith.constant 2 : i32
        %parallel_loop3A_1175 = arith.index_cast %parallel_loop3A_1174 : i32 to index
        %parallel_loop3A_1176 = arith.index_cast %parallel_loop3A_1173 : i32 to index
        %parallel_loop3A_1177 = tpu.vector_load %arg7[%parallel_loop3A_1175, %parallel_loop3A_1176] {strides = array<i32>} : memref<16x1024xf32, #tpu.memory_space<vmem>>, vector<1x16xf32>,
        %parallel_loop3A_1178 = vector.shape_cast %parallel_loop3A_1177 : vector<1x16xf32> to vector<16xf32>
        %parallel_loop3A_1179 = vector.shape_cast %parallel_loop3A_1171 : vector<16xf32> to vector<1x16xf32>
        tpu.vector_store %arg7[%parallel_loop3A_1175, %parallel_loop3A_1176], %parallel_loop3A_1179 {strides = array<i32>} : memref<16x1024xf32, #tpu.memory_space<vmem>>, vector<1x16xf32>,
        %parallel_loop3A_1180 = arith.mulf %parallel_loop3A_1134, %broadcast_in_dim3A_124 : vector<16xf32>
        %parallel_loop3A_1181 = arith.constant 1.000000e+00 : f32
        %parallel_loop3A_1182 = vector.broadcast %parallel_loop3A_1181 : f32 to vector<16xf32>
        %parallel_loop3A_1183 = arith.addf %parallel_loop3A_1182, %parallel_loop3A_1180 : vector<16xf32>
        %parallel_loop3A_1184 = arith.constant 1.000000e+00 : f32
        %parallel_loop3A_1185 = vector.broadcast %parallel_loop3A_1184 : f32 to vector<16xf32>
        %parallel_loop3A_1186 = arith.divf %parallel_loop3A_1185, %parallel_loop3A_1183 : vector<16xf32>
        %parallel_loop3A_1187 = arith.constant 16 : i32
        %parallel_loop3A_1188 = arith.muli %parallel_loop3A_1129, %parallel_loop3A_1187 : i32
        %parallel_loop3A_1189 = arith.constant 3 : i32
        %parallel_loop3A_1190 = arith.index_cast %parallel_loop3A_1189 : i32 to index
        %parallel_loop3A_1191 = arith.index_cast %parallel_loop3A_1188 : i32 to index
        %parallel_loop3A_1192 = tpu.vector_load %arg7[%parallel_loop3A_1190, %parallel_loop3A_1191] {strides = array<i32>} : memref<16x1024xf32, #tpu.memory_space<vmem>>, vector<1x16xf32>,
        %parallel_loop3A_1193 = vector.shape_cast %parallel_loop3A_1192 : vector<1x16xf32> to vector<16xf32>
        %parallel_loop3A_1194 = vector.shape_cast %parallel_loop3A_1186 : vector<16xf32> to vector<1x16xf32>
        tpu.vector_store %arg7[%parallel_loop3A_1190, %parallel_loop3A_1191], %parallel_loop3A_1194 {strides = array<i32>} : memref<16x1024xf32, #tpu.memory_space<vmem>>, vector<1x16xf32>,
        %parallel_loop3A_1195 = arith.mulf %parallel_loop3A_1134, %broadcast_in_dim3A_127 : vector<16xf32>
        %parallel_loop3A_1196 = arith.constant 1.000000e+00 : f32
        %parallel_loop3A_1197 = vector.broadcast %parallel_loop3A_1196 : f32 to vector<16xf32>
        %parallel_loop3A_1198 = arith.addf %parallel_loop3A_1197, %parallel_loop3A_1195 : vector<16xf32>
        %parallel_loop3A_1199 = arith.constant 1.000000e+00 : f32
        %parallel_loop3A_1200 = vector.broadcast %parallel_loop3A_1199 : f32 to vector<16xf32>
        %parallel_loop3A_1201 = arith.divf %parallel_loop3A_1200, %parallel_loop3A_1198 : vector<16xf32>
        %parallel_loop3A_1202 = arith.constant 16 : i32
        %parallel_loop3A_1203 = arith.muli %parallel_loop3A_1129, %parallel_loop3A_1202 : i32
        %parallel_loop3A_1204 = arith.constant 4 : i32
        %parallel_loop3A_1205 = arith.index_cast %parallel_loop3A_1204 : i32 to index
        %parallel_loop3A_1206 = arith.index_cast %parallel_loop3A_1203 : i32 to index
        %parallel_loop3A_1207 = tpu.vector_load %arg7[%parallel_loop3A_1205, %parallel_loop3A_1206] {strides = array<i32>} : memref<16x1024xf32, #tpu.memory_space<vmem>>, vector<1x16xf32>,
        %parallel_loop3A_1208 = vector.shape_cast %parallel_loop3A_1207 : vector<1x16xf32> to vector<16xf32>
        %parallel_loop3A_1209 = vector.shape_cast %parallel_loop3A_1201 : vector<16xf32> to vector<1x16xf32>
        tpu.vector_store %arg7[%parallel_loop3A_1205, %parallel_loop3A_1206], %parallel_loop3A_1209 {strides = array<i32>} : memref<16x1024xf32, #tpu.memory_space<vmem>>, vector<1x16xf32>,
        %parallel_loop3A_1210 = arith.mulf %parallel_loop3A_1134, %broadcast_in_dim3A_130 : vector<16xf32>
        %parallel_loop3A_1211 = arith.constant 1.000000e+00 : f32
        %parallel_loop3A_1212 = vector.broadcast %parallel_loop3A_1211 : f32 to vector<16xf32>
        %parallel_loop3A_1213 = arith.addf %parallel_loop3A_1212, %parallel_loop3A_1210 : vector<16xf32>
        %parallel_loop3A_1214 = arith.constant 1.000000e+00 : f32
        %parallel_loop3A_1215 = vector.broadcast %parallel_loop3A_1214 : f32 to vector<16xf32>
        %parallel_loop3A_1216 = arith.divf %parallel_loop3A_1215, %parallel_loop3A_1213 : vector<16xf32>
        %parallel_loop3A_1217 = arith.constant 16 : i32
        %parallel_loop3A_1218 = arith.muli %parallel_loop3A_1129, %parallel_loop3A_1217 : i32
        %parallel_loop3A_1219 = arith.constant 5 : i32
        %parallel_loop3A_1220 = arith.index_cast %parallel_loop3A_1219 : i32 to index
        %parallel_loop3A_1221 = arith.index_cast %parallel_loop3A_1218 : i32 to index
        %parallel_loop3A_1222 = tpu.vector_load %arg7[%parallel_loop3A_1220, %parallel_loop3A_1221] {strides = array<i32>} : memref<16x1024xf32, #tpu.memory_space<vmem>>, vector<1x16xf32>,
        %parallel_loop3A_1223 = vector.shape_cast %parallel_loop3A_1222 : vector<1x16xf32> to vector<16xf32>
        %parallel_loop3A_1224 = vector.shape_cast %parallel_loop3A_1216 : vector<16xf32> to vector<1x16xf32>
        tpu.vector_store %arg7[%parallel_loop3A_1220, %parallel_loop3A_1221], %parallel_loop3A_1224 {strides = array<i32>} : memref<16x1024xf32, #tpu.memory_space<vmem>>, vector<1x16xf32>,
        %parallel_loop3A_1225 = arith.mulf %parallel_loop3A_1134, %broadcast_in_dim3A_133 : vector<16xf32>
        %parallel_loop3A_1226 = arith.constant 1.000000e+00 : f32
        %parallel_loop3A_1227 = vector.broadcast %parallel_loop3A_1226 : f32 to vector<16xf32>
        %parallel_loop3A_1228 = arith.addf %parallel_loop3A_1227, %parallel_loop3A_1225 : vector<16xf32>
        %parallel_loop3A_1229 = arith.constant 1.000000e+00 : f32
        %parallel_loop3A_1230 = vector.broadcast %parallel_loop3A_1229 : f32 to vector<16xf32>
        %parallel_loop3A_1231 = arith.divf %parallel_loop3A_1230, %parallel_loop3A_1228 : vector<16xf32>
        %parallel_loop3A_1232 = arith.constant 16 : i32
        %parallel_loop3A_1233 = arith.muli %parallel_loop3A_1129, %parallel_loop3A_1232 : i32
        %parallel_loop3A_1234 = arith.constant 6 : i32
        %parallel_loop3A_1235 = arith.index_cast %parallel_loop3A_1234 : i32 to index
        %parallel_loop3A_1236 = arith.index_cast %parallel_loop3A_1233 : i32 to index
        %parallel_loop3A_1237 = tpu.vector_load %arg7[%parallel_loop3A_1235, %parallel_loop3A_1236] {strides = array<i32>} : memref<16x1024xf32, #tpu.memory_space<vmem>>, vector<1x16xf32>,
        %parallel_loop3A_1238 = vector.shape_cast %parallel_loop3A_1237 : vector<1x16xf32> to vector<16xf32>
        %parallel_loop3A_1239 = vector.shape_cast %parallel_loop3A_1231 : vector<16xf32> to vector<1x16xf32>
        tpu.vector_store %arg7[%parallel_loop3A_1235, %parallel_loop3A_1236], %parallel_loop3A_1239 {strides = array<i32>} : memref<16x1024xf32, #tpu.memory_space<vmem>>, vector<1x16xf32>,
        %parallel_loop3A_1240 = arith.mulf %parallel_loop3A_1134, %broadcast_in_dim3A_136 : vector<16xf32>
        %parallel_loop3A_1241 = arith.constant 1.000000e+00 : f32
        %parallel_loop3A_1242 = vector.broadcast %parallel_loop3A_1241 : f32 to vector<16xf32>
        %parallel_loop3A_1243 = arith.addf %parallel_loop3A_1242, %parallel_loop3A_1240 : vector<16xf32>
        %parallel_loop3A_1244 = arith.constant 1.000000e+00 : f32
        %parallel_loop3A_1245 = vector.broadcast %parallel_loop3A_1244 : f32 to vector<16xf32>
        %parallel_loop3A_1246 = arith.divf %parallel_loop3A_1245, %parallel_loop3A_1243 : vector<16xf32>
        %parallel_loop3A_1247 = arith.constant 16 : i32
        %parallel_loop3A_1248 = arith.muli %parallel_loop3A_1129, %parallel_loop3A_1247 : i32
        %parallel_loop3A_1249 = arith.constant 7 : i32
        %parallel_loop3A_1250 = arith.index_cast %parallel_loop3A_1249 : i32 to index
        %parallel_loop3A_1251 = arith.index_cast %parallel_loop3A_1248 : i32 to index
        %parallel_loop3A_1252 = tpu.vector_load %arg7[%parallel_loop3A_1250, %parallel_loop3A_1251] {strides = array<i32>} : memref<16x1024xf32, #tpu.memory_space<vmem>>, vector<1x16xf32>,
        %parallel_loop3A_1253 = vector.shape_cast %parallel_loop3A_1252 : vector<1x16xf32> to vector<16xf32>
        %parallel_loop3A_1254 = vector.shape_cast %parallel_loop3A_1246 : vector<16xf32> to vector<1x16xf32>
        tpu.vector_store %arg7[%parallel_loop3A_1250, %parallel_loop3A_1251], %parallel_loop3A_1254 {strides = array<i32>} : memref<16x1024xf32, #tpu.memory_space<vmem>>, vector<1x16xf32>,
        %parallel_loop3A_1255 = arith.mulf %parallel_loop3A_1134, %broadcast_in_dim3A_139 : vector<16xf32>
        %parallel_loop3A_1256 = arith.constant 1.000000e+00 : f32
        %parallel_loop3A_1257 = vector.broadcast %parallel_loop3A_1256 : f32 to vector<16xf32>
        %parallel_loop3A_1258 = arith.addf %parallel_loop3A_1257, %parallel_loop3A_1255 : vector<16xf32>
        %parallel_loop3A_1259 = arith.constant 1.000000e+00 : f32
        %parallel_loop3A_1260 = vector.broadcast %parallel_loop3A_1259 : f32 to vector<16xf32>
        %parallel_loop3A_1261 = arith.divf %parallel_loop3A_1260, %parallel_loop3A_1258 : vector<16xf32>
        %parallel_loop3A_1262 = arith.constant 16 : i32
        %parallel_loop3A_1263 = arith.muli %parallel_loop3A_1129, %parallel_loop3A_1262 : i32
        %parallel_loop3A_1264 = arith.constant 8 : i32
        %parallel_loop3A_1265 = arith.index_cast %parallel_loop3A_1264 : i32 to index
        %parallel_loop3A_1266 = arith.index_cast %parallel_loop3A_1263 : i32 to index
        %parallel_loop3A_1267 = tpu.vector_load %arg7[%parallel_loop3A_1265, %parallel_loop3A_1266] {strides = array<i32>} : memref<16x1024xf32, #tpu.memory_space<vmem>>, vector<1x16xf32>,
        %parallel_loop3A_1268 = vector.shape_cast %parallel_loop3A_1267 : vector<1x16xf32> to vector<16xf32>
        %parallel_loop3A_1269 = vector.shape_cast %parallel_loop3A_1261 : vector<16xf32> to vector<1x16xf32>
        tpu.vector_store %arg7[%parallel_loop3A_1265, %parallel_loop3A_1266], %parallel_loop3A_1269 {strides = array<i32>} : memref<16x1024xf32, #tpu.memory_space<vmem>>, vector<1x16xf32>,
        %parallel_loop3A_1270 = arith.mulf %parallel_loop3A_1134, %broadcast_in_dim3A_142 : vector<16xf32>
        %parallel_loop3A_1271 = arith.constant 1.000000e+00 : f32
        %parallel_loop3A_1272 = vector.broadcast %parallel_loop3A_1271 : f32 to vector<16xf32>
        %parallel_loop3A_1273 = arith.addf %parallel_loop3A_1272, %parallel_loop3A_1270 : vector<16xf32>
        %parallel_loop3A_1274 = arith.constant 1.000000e+00 : f32
        %parallel_loop3A_1275 = vector.broadcast %parallel_loop3A_1274 : f32 to vector<16xf32>
        %parallel_loop3A_1276 = arith.divf %parallel_loop3A_1275, %parallel_loop3A_1273 : vector<16xf32>
        %parallel_loop3A_1277 = arith.constant 16 : i32
        %parallel_loop3A_1278 = arith.muli %parallel_loop3A_1129, %parallel_loop3A_1277 : i32
        %parallel_loop3A_1279 = arith.constant 9 : i32
        %parallel_loop3A_1280 = arith.index_cast %parallel_loop3A_1279 : i32 to index
        %parallel_loop3A_1281 = arith.index_cast %parallel_loop3A_1278 : i32 to index
        %parallel_loop3A_1282 = tpu.vector_load %arg7[%parallel_loop3A_1280, %parallel_loop3A_1281] {strides = array<i32>} : memref<16x1024xf32, #tpu.memory_space<vmem>>, vector<1x16xf32>,
        %parallel_loop3A_1283 = vector.shape_cast %parallel_loop3A_1282 : vector<1x16xf32> to vector<16xf32>
        %parallel_loop3A_1284 = vector.shape_cast %parallel_loop3A_1276 : vector<16xf32> to vector<1x16xf32>
        tpu.vector_store %arg7[%parallel_loop3A_1280, %parallel_loop3A_1281], %parallel_loop3A_1284 {strides = array<i32>} : memref<16x1024xf32, #tpu.memory_space<vmem>>, vector<1x16xf32>,
        %parallel_loop3A_1285 = arith.mulf %parallel_loop3A_1134, %broadcast_in_dim3A_145 : vector<16xf32>
        %parallel_loop3A_1286 = arith.constant 1.000000e+00 : f32
        %parallel_loop3A_1287 = vector.broadcast %parallel_loop3A_1286 : f32 to vector<16xf32>
        %parallel_loop3A_1288 = arith.addf %parallel_loop3A_1287, %parallel_loop3A_1285 : vector<16xf32>
        %parallel_loop3A_1289 = arith.constant 1.000000e+00 : f32
        %parallel_loop3A_1290 = vector.broadcast %parallel_loop3A_1289 : f32 to vector<16xf32>
        %parallel_loop3A_1291 = arith.divf %parallel_loop3A_1290, %parallel_loop3A_1288 : vector<16xf32>
        %parallel_loop3A_1292 = arith.constant 16 : i32
        %parallel_loop3A_1293 = arith.muli %parallel_loop3A_1129, %parallel_loop3A_1292 : i32
        %parallel_loop3A_1294 = arith.constant 10 : i32
        %parallel_loop3A_1295 = arith.index_cast %parallel_loop3A_1294 : i32 to index
        %parallel_loop3A_1296 = arith.index_cast %parallel_loop3A_1293 : i32 to index
        %parallel_loop3A_1297 = tpu.vector_load %arg7[%parallel_loop3A_1295, %parallel_loop3A_1296] {strides = array<i32>} : memref<16x1024xf32, #tpu.memory_space<vmem>>, vector<1x16xf32>,
        %parallel_loop3A_1298 = vector.shape_cast %parallel_loop3A_1297 : vector<1x16xf32> to vector<16xf32>
        %parallel_loop3A_1299 = vector.shape_cast %parallel_loop3A_1291 : vector<16xf32> to vector<1x16xf32>
        tpu.vector_store %arg7[%parallel_loop3A_1295, %parallel_loop3A_1296], %parallel_loop3A_1299 {strides = array<i32>} : memref<16x1024xf32, #tpu.memory_space<vmem>>, vector<1x16xf32>,
        %parallel_loop3A_1300 = arith.mulf %parallel_loop3A_1134, %broadcast_in_dim3A_148 : vector<16xf32>
        %parallel_loop3A_1301 = arith.constant 1.000000e+00 : f32
        %parallel_loop3A_1302 = vector.broadcast %parallel_loop3A_1301 : f32 to vector<16xf32>
        %parallel_loop3A_1303 = arith.addf %parallel_loop3A_1302, %parallel_loop3A_1300 : vector<16xf32>
        %parallel_loop3A_1304 = arith.constant 1.000000e+00 : f32
        %parallel_loop3A_1305 = vector.broadcast %parallel_loop3A_1304 : f32 to vector<16xf32>
        %parallel_loop3A_1306 = arith.divf %parallel_loop3A_1305, %parallel_loop3A_1303 : vector<16xf32>
        %parallel_loop3A_1307 = arith.constant 16 : i32
        %parallel_loop3A_1308 = arith.muli %parallel_loop3A_1129, %parallel_loop3A_1307 : i32
        %parallel_loop3A_1309 = arith.constant 11 : i32
        %parallel_loop3A_1310 = arith.index_cast %parallel_loop3A_1309 : i32 to index
        %parallel_loop3A_1311 = arith.index_cast %parallel_loop3A_1308 : i32 to index
        %parallel_loop3A_1312 = tpu.vector_load %arg7[%parallel_loop3A_1310, %parallel_loop3A_1311] {strides = array<i32>} : memref<16x1024xf32, #tpu.memory_space<vmem>>, vector<1x16xf32>,
        %parallel_loop3A_1313 = vector.shape_cast %parallel_loop3A_1312 : vector<1x16xf32> to vector<16xf32>
        %parallel_loop3A_1314 = vector.shape_cast %parallel_loop3A_1306 : vector<16xf32> to vector<1x16xf32>
        tpu.vector_store %arg7[%parallel_loop3A_1310, %parallel_loop3A_1311], %parallel_loop3A_1314 {strides = array<i32>} : memref<16x1024xf32, #tpu.memory_space<vmem>>, vector<1x16xf32>,
        %parallel_loop3A_1315 = arith.mulf %parallel_loop3A_1134, %broadcast_in_dim3A_151 : vector<16xf32>
        %parallel_loop3A_1316 = arith.constant 1.000000e+00 : f32
        %parallel_loop3A_1317 = vector.broadcast %parallel_loop3A_1316 : f32 to vector<16xf32>
        %parallel_loop3A_1318 = arith.addf %parallel_loop3A_1317, %parallel_loop3A_1315 : vector<16xf32>
        %parallel_loop3A_1319 = arith.constant 1.000000e+00 : f32
        %parallel_loop3A_1320 = vector.broadcast %parallel_loop3A_1319 : f32 to vector<16xf32>
        %parallel_loop3A_1321 = arith.divf %parallel_loop3A_1320, %parallel_loop3A_1318 : vector<16xf32>
        %parallel_loop3A_1322 = arith.constant 16 : i32
        %parallel_loop3A_1323 = arith.muli %parallel_loop3A_1129, %parallel_loop3A_1322 : i32
        %parallel_loop3A_1324 = arith.constant 12 : i32
        %parallel_loop3A_1325 = arith.index_cast %parallel_loop3A_1324 : i32 to index
        %parallel_loop3A_1326 = arith.index_cast %parallel_loop3A_1323 : i32 to index
        %parallel_loop3A_1327 = tpu.vector_load %arg7[%parallel_loop3A_1325, %parallel_loop3A_1326] {strides = array<i32>} : memref<16x1024xf32, #tpu.memory_space<vmem>>, vector<1x16xf32>,
        %parallel_loop3A_1328 = vector.shape_cast %parallel_loop3A_1327 : vector<1x16xf32> to vector<16xf32>
        %parallel_loop3A_1329 = vector.shape_cast %parallel_loop3A_1321 : vector<16xf32> to vector<1x16xf32>
        tpu.vector_store %arg7[%parallel_loop3A_1325, %parallel_loop3A_1326], %parallel_loop3A_1329 {strides = array<i32>} : memref<16x1024xf32, #tpu.memory_space<vmem>>, vector<1x16xf32>,
        %parallel_loop3A_1330 = arith.mulf %parallel_loop3A_1134, %broadcast_in_dim3A_154 : vector<16xf32>
        %parallel_loop3A_1331 = arith.constant 1.000000e+00 : f32
        %parallel_loop3A_1332 = vector.broadcast %parallel_loop3A_1331 : f32 to vector<16xf32>
        %parallel_loop3A_1333 = arith.addf %parallel_loop3A_1332, %parallel_loop3A_1330 : vector<16xf32>
        %parallel_loop3A_1334 = arith.constant 1.000000e+00 : f32
        %parallel_loop3A_1335 = vector.broadcast %parallel_loop3A_1334 : f32 to vector<16xf32>
        %parallel_loop3A_1336 = arith.divf %parallel_loop3A_1335, %parallel_loop3A_1333 : vector<16xf32>
        %parallel_loop3A_1337 = arith.constant 16 : i32
        %parallel_loop3A_1338 = arith.muli %parallel_loop3A_1129, %parallel_loop3A_1337 : i32
        %parallel_loop3A_1339 = arith.constant 13 : i32
        %parallel_loop3A_1340 = arith.index_cast %parallel_loop3A_1339 : i32 to index
        %parallel_loop3A_1341 = arith.index_cast %parallel_loop3A_1338 : i32 to index
        %parallel_loop3A_1342 = tpu.vector_load %arg7[%parallel_loop3A_1340, %parallel_loop3A_1341] {strides = array<i32>} : memref<16x1024xf32, #tpu.memory_space<vmem>>, vector<1x16xf32>,
        %parallel_loop3A_1343 = vector.shape_cast %parallel_loop3A_1342 : vector<1x16xf32> to vector<16xf32>
        %parallel_loop3A_1344 = vector.shape_cast %parallel_loop3A_1336 : vector<16xf32> to vector<1x16xf32>
        tpu.vector_store %arg7[%parallel_loop3A_1340, %parallel_loop3A_1341], %parallel_loop3A_1344 {strides = array<i32>} : memref<16x1024xf32, #tpu.memory_space<vmem>>, vector<1x16xf32>,
        %parallel_loop3A_1345 = arith.mulf %parallel_loop3A_1134, %broadcast_in_dim3A_157 : vector<16xf32>
        %parallel_loop3A_1346 = arith.constant 1.000000e+00 : f32
        %parallel_loop3A_1347 = vector.broadcast %parallel_loop3A_1346 : f32 to vector<16xf32>
        %parallel_loop3A_1348 = arith.addf %parallel_loop3A_1347, %parallel_loop3A_1345 : vector<16xf32>
        %parallel_loop3A_1349 = arith.constant 1.000000e+00 : f32
        %parallel_loop3A_1350 = vector.broadcast %parallel_loop3A_1349 : f32 to vector<16xf32>
        %parallel_loop3A_1351 = arith.divf %parallel_loop3A_1350, %parallel_loop3A_1348 : vector<16xf32>
        %parallel_loop3A_1352 = arith.constant 16 : i32
        %parallel_loop3A_1353 = arith.muli %parallel_loop3A_1129, %parallel_loop3A_1352 : i32
        %parallel_loop3A_1354 = arith.constant 14 : i32
        %parallel_loop3A_1355 = arith.index_cast %parallel_loop3A_1354 : i32 to index
        %parallel_loop3A_1356 = arith.index_cast %parallel_loop3A_1353 : i32 to index
        %parallel_loop3A_1357 = tpu.vector_load %arg7[%parallel_loop3A_1355, %parallel_loop3A_1356] {strides = array<i32>} : memref<16x1024xf32, #tpu.memory_space<vmem>>, vector<1x16xf32>,
        %parallel_loop3A_1358 = vector.shape_cast %parallel_loop3A_1357 : vector<1x16xf32> to vector<16xf32>
        %parallel_loop3A_1359 = vector.shape_cast %parallel_loop3A_1351 : vector<16xf32> to vector<1x16xf32>
        tpu.vector_store %arg7[%parallel_loop3A_1355, %parallel_loop3A_1356], %parallel_loop3A_1359 {strides = array<i32>} : memref<16x1024xf32, #tpu.memory_space<vmem>>, vector<1x16xf32>,
        %parallel_loop3A_1360 = arith.mulf %parallel_loop3A_1134, %broadcast_in_dim3A_160 : vector<16xf32>
        %parallel_loop3A_1361 = arith.constant 1.000000e+00 : f32
        %parallel_loop3A_1362 = vector.broadcast %parallel_loop3A_1361 : f32 to vector<16xf32>
        %parallel_loop3A_1363 = arith.addf %parallel_loop3A_1362, %parallel_loop3A_1360 : vector<16xf32>
        %parallel_loop3A_1364 = arith.constant 1.000000e+00 : f32
        %parallel_loop3A_1365 = vector.broadcast %parallel_loop3A_1364 : f32 to vector<16xf32>
        %parallel_loop3A_1366 = arith.divf %parallel_loop3A_1365, %parallel_loop3A_1363 : vector<16xf32>
        %parallel_loop3A_1367 = arith.constant 16 : i32
        %parallel_loop3A_1368 = arith.muli %parallel_loop3A_1129, %parallel_loop3A_1367 : i32
        %parallel_loop3A_1369 = arith.constant 15 : i32
        %parallel_loop3A_1370 = arith.index_cast %parallel_loop3A_1369 : i32 to index
        %parallel_loop3A_1371 = arith.index_cast %parallel_loop3A_1368 : i32 to index
        %parallel_loop3A_1372 = tpu.vector_load %arg7[%parallel_loop3A_1370, %parallel_loop3A_1371] {strides = array<i32>} : memref<16x1024xf32, #tpu.memory_space<vmem>>, vector<1x16xf32>,
        %parallel_loop3A_1373 = vector.shape_cast %parallel_loop3A_1372 : vector<1x16xf32> to vector<16xf32>
        %parallel_loop3A_1374 = vector.shape_cast %parallel_loop3A_1366 : vector<16xf32> to vector<1x16xf32>
        tpu.vector_store %arg7[%parallel_loop3A_1370, %parallel_loop3A_1371], %parallel_loop3A_1374 {strides = array<i32>} : memref<16x1024xf32, #tpu.memory_space<vmem>>, vector<1x16xf32>,
      } {sc.loop_unroll_factor = 2 : i64, sc.parallel_access}
      %add3A_162 = arith.constant 1 : i32
      %add3A_163 = arith.addi %add3A_58, %add3A_162 : i32
      %parallel_loop3A_164 = arith.constant 64 : i32
      %parallel_loop3A_165 = arith.constant 1 : i32
      scf.for %parallel_loop3A_1129 = %add3A_163 to %parallel_loop3A_164 step %parallel_loop3A_165  : i32 {
        %parallel_loop3A_1130 = arith.constant 16 : i32
        %parallel_loop3A_1131 = arith.muli %parallel_loop3A_1129, %parallel_loop3A_1130 : i32
        %parallel_loop3A_1132 = arith.index_cast %parallel_loop3A_1131 : i32 to index
        %parallel_loop3A_1133 = tpu.vector_load %arg6[%parallel_loop3A_1132] {strides = array<i32>} : memref<1024xf32, #tpu.memory_space<vmem>>, vector<16xf32>,
        %parallel_loop3A_1134 = vector.shape_cast %parallel_loop3A_1133 : vector<16xf32> to vector<16xf32>
        %parallel_loop3A_1135 = arith.mulf %broadcast_in_dim3A, %parallel_loop3A_1134 : vector<16xf32>
        %parallel_loop3A_1136 = arith.constant 1.000000e+00 : f32
        %parallel_loop3A_1137 = vector.broadcast %parallel_loop3A_1136 : f32 to vector<16xf32>
        %parallel_loop3A_1138 = arith.addf %parallel_loop3A_1137, %parallel_loop3A_1135 : vector<16xf32>
        %parallel_loop3A_1139 = arith.constant 1.000000e+00 : f32
        %parallel_loop3A_1140 = vector.broadcast %parallel_loop3A_1139 : f32 to vector<16xf32>
        %parallel_loop3A_1141 = arith.divf %parallel_loop3A_1140, %parallel_loop3A_1138 : vector<16xf32>
        %parallel_loop3A_1142 = arith.constant 16 : i32
        %parallel_loop3A_1143 = arith.muli %parallel_loop3A_1129, %parallel_loop3A_1142 : i32
        %parallel_loop3A_1144 = arith.constant 0 : i32
        %parallel_loop3A_1145 = arith.index_cast %parallel_loop3A_1144 : i32 to index
        %parallel_loop3A_1146 = arith.index_cast %parallel_loop3A_1143 : i32 to index
        %parallel_loop3A_1147 = tpu.vector_load %arg7[%parallel_loop3A_1145, %parallel_loop3A_1146] {strides = array<i32>} : memref<16x1024xf32, #tpu.memory_space<vmem>>, vector<1x16xf32>,
        %parallel_loop3A_1148 = vector.shape_cast %parallel_loop3A_1147 : vector<1x16xf32> to vector<16xf32>
        %parallel_loop3A_1149 = vector.shape_cast %parallel_loop3A_1141 : vector<16xf32> to vector<1x16xf32>
        tpu.vector_store %arg7[%parallel_loop3A_1145, %parallel_loop3A_1146], %parallel_loop3A_1149 {strides = array<i32>} : memref<16x1024xf32, #tpu.memory_space<vmem>>, vector<1x16xf32>,
        %parallel_loop3A_1150 = arith.mulf %broadcast_in_dim3A_70, %parallel_loop3A_1134 : vector<16xf32>
        %parallel_loop3A_1151 = arith.constant 1.000000e+00 : f32
        %parallel_loop3A_1152 = vector.broadcast %parallel_loop3A_1151 : f32 to vector<16xf32>
        %parallel_loop3A_1153 = arith.addf %parallel_loop3A_1152, %parallel_loop3A_1150 : vector<16xf32>
        %parallel_loop3A_1154 = arith.constant 1.000000e+00 : f32
        %parallel_loop3A_1155 = vector.broadcast %parallel_loop3A_1154 : f32 to vector<16xf32>
        %parallel_loop3A_1156 = arith.divf %parallel_loop3A_1155, %parallel_loop3A_1153 : vector<16xf32>
        %parallel_loop3A_1157 = arith.constant 16 : i32
        %parallel_loop3A_1158 = arith.muli %parallel_loop3A_1129, %parallel_loop3A_1157 : i32
        %parallel_loop3A_1159 = arith.constant 1 : i32
        %parallel_loop3A_1160 = arith.index_cast %parallel_loop3A_1159 : i32 to index
        %parallel_loop3A_1161 = arith.index_cast %parallel_loop3A_1158 : i32 to index
        %parallel_loop3A_1162 = tpu.vector_load %arg7[%parallel_loop3A_1160, %parallel_loop3A_1161] {strides = array<i32>} : memref<16x1024xf32, #tpu.memory_space<vmem>>, vector<1x16xf32>,
        %parallel_loop3A_1163 = vector.shape_cast %parallel_loop3A_1162 : vector<1x16xf32> to vector<16xf32>
        %parallel_loop3A_1164 = vector.shape_cast %parallel_loop3A_1156 : vector<16xf32> to vector<1x16xf32>
        tpu.vector_store %arg7[%parallel_loop3A_1160, %parallel_loop3A_1161], %parallel_loop3A_1164 {strides = array<i32>} : memref<16x1024xf32, #tpu.memory_space<vmem>>, vector<1x16xf32>,
        %parallel_loop3A_1165 = arith.mulf %broadcast_in_dim3A_73, %parallel_loop3A_1134 : vector<16xf32>
        %parallel_loop3A_1166 = arith.constant 1.000000e+00 : f32
        %parallel_loop3A_1167 = vector.broadcast %parallel_loop3A_1166 : f32 to vector<16xf32>
        %parallel_loop3A_1168 = arith.addf %parallel_loop3A_1167, %parallel_loop3A_1165 : vector<16xf32>
        %parallel_loop3A_1169 = arith.constant 1.000000e+00 : f32
        %parallel_loop3A_1170 = vector.broadcast %parallel_loop3A_1169 : f32 to vector<16xf32>
        %parallel_loop3A_1171 = arith.divf %parallel_loop3A_1170, %parallel_loop3A_1168 : vector<16xf32>
        %parallel_loop3A_1172 = arith.constant 16 : i32
        %parallel_loop3A_1173 = arith.muli %parallel_loop3A_1129, %parallel_loop3A_1172 : i32
        %parallel_loop3A_1174 = arith.constant 2 : i32
        %parallel_loop3A_1175 = arith.index_cast %parallel_loop3A_1174 : i32 to index
        %parallel_loop3A_1176 = arith.index_cast %parallel_loop3A_1173 : i32 to index
        %parallel_loop3A_1177 = tpu.vector_load %arg7[%parallel_loop3A_1175, %parallel_loop3A_1176] {strides = array<i32>} : memref<16x1024xf32, #tpu.memory_space<vmem>>, vector<1x16xf32>,
        %parallel_loop3A_1178 = vector.shape_cast %parallel_loop3A_1177 : vector<1x16xf32> to vector<16xf32>
        %parallel_loop3A_1179 = vector.shape_cast %parallel_loop3A_1171 : vector<16xf32> to vector<1x16xf32>
        tpu.vector_store %arg7[%parallel_loop3A_1175, %parallel_loop3A_1176], %parallel_loop3A_1179 {strides = array<i32>} : memref<16x1024xf32, #tpu.memory_space<vmem>>, vector<1x16xf32>,
        %parallel_loop3A_1180 = arith.mulf %broadcast_in_dim3A_76, %parallel_loop3A_1134 : vector<16xf32>
        %parallel_loop3A_1181 = arith.constant 1.000000e+00 : f32
        %parallel_loop3A_1182 = vector.broadcast %parallel_loop3A_1181 : f32 to vector<16xf32>
        %parallel_loop3A_1183 = arith.addf %parallel_loop3A_1182, %parallel_loop3A_1180 : vector<16xf32>
        %parallel_loop3A_1184 = arith.constant 1.000000e+00 : f32
        %parallel_loop3A_1185 = vector.broadcast %parallel_loop3A_1184 : f32 to vector<16xf32>
        %parallel_loop3A_1186 = arith.divf %parallel_loop3A_1185, %parallel_loop3A_1183 : vector<16xf32>
        %parallel_loop3A_1187 = arith.constant 16 : i32
        %parallel_loop3A_1188 = arith.muli %parallel_loop3A_1129, %parallel_loop3A_1187 : i32
        %parallel_loop3A_1189 = arith.constant 3 : i32
        %parallel_loop3A_1190 = arith.index_cast %parallel_loop3A_1189 : i32 to index
        %parallel_loop3A_1191 = arith.index_cast %parallel_loop3A_1188 : i32 to index
        %parallel_loop3A_1192 = tpu.vector_load %arg7[%parallel_loop3A_1190, %parallel_loop3A_1191] {strides = array<i32>} : memref<16x1024xf32, #tpu.memory_space<vmem>>, vector<1x16xf32>,
        %parallel_loop3A_1193 = vector.shape_cast %parallel_loop3A_1192 : vector<1x16xf32> to vector<16xf32>
        %parallel_loop3A_1194 = vector.shape_cast %parallel_loop3A_1186 : vector<16xf32> to vector<1x16xf32>
        tpu.vector_store %arg7[%parallel_loop3A_1190, %parallel_loop3A_1191], %parallel_loop3A_1194 {strides = array<i32>} : memref<16x1024xf32, #tpu.memory_space<vmem>>, vector<1x16xf32>,
        %parallel_loop3A_1195 = arith.mulf %broadcast_in_dim3A_79, %parallel_loop3A_1134 : vector<16xf32>
        %parallel_loop3A_1196 = arith.constant 1.000000e+00 : f32
        %parallel_loop3A_1197 = vector.broadcast %parallel_loop3A_1196 : f32 to vector<16xf32>
        %parallel_loop3A_1198 = arith.addf %parallel_loop3A_1197, %parallel_loop3A_1195 : vector<16xf32>
        %parallel_loop3A_1199 = arith.constant 1.000000e+00 : f32
        %parallel_loop3A_1200 = vector.broadcast %parallel_loop3A_1199 : f32 to vector<16xf32>
        %parallel_loop3A_1201 = arith.divf %parallel_loop3A_1200, %parallel_loop3A_1198 : vector<16xf32>
        %parallel_loop3A_1202 = arith.constant 16 : i32
        %parallel_loop3A_1203 = arith.muli %parallel_loop3A_1129, %parallel_loop3A_1202 : i32
        %parallel_loop3A_1204 = arith.constant 4 : i32
        %parallel_loop3A_1205 = arith.index_cast %parallel_loop3A_1204 : i32 to index
        %parallel_loop3A_1206 = arith.index_cast %parallel_loop3A_1203 : i32 to index
        %parallel_loop3A_1207 = tpu.vector_load %arg7[%parallel_loop3A_1205, %parallel_loop3A_1206] {strides = array<i32>} : memref<16x1024xf32, #tpu.memory_space<vmem>>, vector<1x16xf32>,
        %parallel_loop3A_1208 = vector.shape_cast %parallel_loop3A_1207 : vector<1x16xf32> to vector<16xf32>
        %parallel_loop3A_1209 = vector.shape_cast %parallel_loop3A_1201 : vector<16xf32> to vector<1x16xf32>
        tpu.vector_store %arg7[%parallel_loop3A_1205, %parallel_loop3A_1206], %parallel_loop3A_1209 {strides = array<i32>} : memref<16x1024xf32, #tpu.memory_space<vmem>>, vector<1x16xf32>,
        %parallel_loop3A_1210 = arith.mulf %broadcast_in_dim3A_82, %parallel_loop3A_1134 : vector<16xf32>
        %parallel_loop3A_1211 = arith.constant 1.000000e+00 : f32
        %parallel_loop3A_1212 = vector.broadcast %parallel_loop3A_1211 : f32 to vector<16xf32>
        %parallel_loop3A_1213 = arith.addf %parallel_loop3A_1212, %parallel_loop3A_1210 : vector<16xf32>
        %parallel_loop3A_1214 = arith.constant 1.000000e+00 : f32
        %parallel_loop3A_1215 = vector.broadcast %parallel_loop3A_1214 : f32 to vector<16xf32>
        %parallel_loop3A_1216 = arith.divf %parallel_loop3A_1215, %parallel_loop3A_1213 : vector<16xf32>
        %parallel_loop3A_1217 = arith.constant 16 : i32
        %parallel_loop3A_1218 = arith.muli %parallel_loop3A_1129, %parallel_loop3A_1217 : i32
        %parallel_loop3A_1219 = arith.constant 5 : i32
        %parallel_loop3A_1220 = arith.index_cast %parallel_loop3A_1219 : i32 to index
        %parallel_loop3A_1221 = arith.index_cast %parallel_loop3A_1218 : i32 to index
        %parallel_loop3A_1222 = tpu.vector_load %arg7[%parallel_loop3A_1220, %parallel_loop3A_1221] {strides = array<i32>} : memref<16x1024xf32, #tpu.memory_space<vmem>>, vector<1x16xf32>,
        %parallel_loop3A_1223 = vector.shape_cast %parallel_loop3A_1222 : vector<1x16xf32> to vector<16xf32>
        %parallel_loop3A_1224 = vector.shape_cast %parallel_loop3A_1216 : vector<16xf32> to vector<1x16xf32>
        tpu.vector_store %arg7[%parallel_loop3A_1220, %parallel_loop3A_1221], %parallel_loop3A_1224 {strides = array<i32>} : memref<16x1024xf32, #tpu.memory_space<vmem>>, vector<1x16xf32>,
        %parallel_loop3A_1225 = arith.mulf %broadcast_in_dim3A_85, %parallel_loop3A_1134 : vector<16xf32>
        %parallel_loop3A_1226 = arith.constant 1.000000e+00 : f32
        %parallel_loop3A_1227 = vector.broadcast %parallel_loop3A_1226 : f32 to vector<16xf32>
        %parallel_loop3A_1228 = arith.addf %parallel_loop3A_1227, %parallel_loop3A_1225 : vector<16xf32>
        %parallel_loop3A_1229 = arith.constant 1.000000e+00 : f32
        %parallel_loop3A_1230 = vector.broadcast %parallel_loop3A_1229 : f32 to vector<16xf32>
        %parallel_loop3A_1231 = arith.divf %parallel_loop3A_1230, %parallel_loop3A_1228 : vector<16xf32>
        %parallel_loop3A_1232 = arith.constant 16 : i32
        %parallel_loop3A_1233 = arith.muli %parallel_loop3A_1129, %parallel_loop3A_1232 : i32
        %parallel_loop3A_1234 = arith.constant 6 : i32
        %parallel_loop3A_1235 = arith.index_cast %parallel_loop3A_1234 : i32 to index
        %parallel_loop3A_1236 = arith.index_cast %parallel_loop3A_1233 : i32 to index
        %parallel_loop3A_1237 = tpu.vector_load %arg7[%parallel_loop3A_1235, %parallel_loop3A_1236] {strides = array<i32>} : memref<16x1024xf32, #tpu.memory_space<vmem>>, vector<1x16xf32>,
        %parallel_loop3A_1238 = vector.shape_cast %parallel_loop3A_1237 : vector<1x16xf32> to vector<16xf32>
        %parallel_loop3A_1239 = vector.shape_cast %parallel_loop3A_1231 : vector<16xf32> to vector<1x16xf32>
        tpu.vector_store %arg7[%parallel_loop3A_1235, %parallel_loop3A_1236], %parallel_loop3A_1239 {strides = array<i32>} : memref<16x1024xf32, #tpu.memory_space<vmem>>, vector<1x16xf32>,
        %parallel_loop3A_1240 = arith.mulf %broadcast_in_dim3A_88, %parallel_loop3A_1134 : vector<16xf32>
        %parallel_loop3A_1241 = arith.constant 1.000000e+00 : f32
        %parallel_loop3A_1242 = vector.broadcast %parallel_loop3A_1241 : f32 to vector<16xf32>
        %parallel_loop3A_1243 = arith.addf %parallel_loop3A_1242, %parallel_loop3A_1240 : vector<16xf32>
        %parallel_loop3A_1244 = arith.constant 1.000000e+00 : f32
        %parallel_loop3A_1245 = vector.broadcast %parallel_loop3A_1244 : f32 to vector<16xf32>
        %parallel_loop3A_1246 = arith.divf %parallel_loop3A_1245, %parallel_loop3A_1243 : vector<16xf32>
        %parallel_loop3A_1247 = arith.constant 16 : i32
        %parallel_loop3A_1248 = arith.muli %parallel_loop3A_1129, %parallel_loop3A_1247 : i32
        %parallel_loop3A_1249 = arith.constant 7 : i32
        %parallel_loop3A_1250 = arith.index_cast %parallel_loop3A_1249 : i32 to index
        %parallel_loop3A_1251 = arith.index_cast %parallel_loop3A_1248 : i32 to index
        %parallel_loop3A_1252 = tpu.vector_load %arg7[%parallel_loop3A_1250, %parallel_loop3A_1251] {strides = array<i32>} : memref<16x1024xf32, #tpu.memory_space<vmem>>, vector<1x16xf32>,
        %parallel_loop3A_1253 = vector.shape_cast %parallel_loop3A_1252 : vector<1x16xf32> to vector<16xf32>
        %parallel_loop3A_1254 = vector.shape_cast %parallel_loop3A_1246 : vector<16xf32> to vector<1x16xf32>
        tpu.vector_store %arg7[%parallel_loop3A_1250, %parallel_loop3A_1251], %parallel_loop3A_1254 {strides = array<i32>} : memref<16x1024xf32, #tpu.memory_space<vmem>>, vector<1x16xf32>,
        %parallel_loop3A_1255 = arith.mulf %broadcast_in_dim3A_91, %parallel_loop3A_1134 : vector<16xf32>
        %parallel_loop3A_1256 = arith.constant 1.000000e+00 : f32
        %parallel_loop3A_1257 = vector.broadcast %parallel_loop3A_1256 : f32 to vector<16xf32>
        %parallel_loop3A_1258 = arith.addf %parallel_loop3A_1257, %parallel_loop3A_1255 : vector<16xf32>
        %parallel_loop3A_1259 = arith.constant 1.000000e+00 : f32
        %parallel_loop3A_1260 = vector.broadcast %parallel_loop3A_1259 : f32 to vector<16xf32>
        %parallel_loop3A_1261 = arith.divf %parallel_loop3A_1260, %parallel_loop3A_1258 : vector<16xf32>
        %parallel_loop3A_1262 = arith.constant 16 : i32
        %parallel_loop3A_1263 = arith.muli %parallel_loop3A_1129, %parallel_loop3A_1262 : i32
        %parallel_loop3A_1264 = arith.constant 8 : i32
        %parallel_loop3A_1265 = arith.index_cast %parallel_loop3A_1264 : i32 to index
        %parallel_loop3A_1266 = arith.index_cast %parallel_loop3A_1263 : i32 to index
        %parallel_loop3A_1267 = tpu.vector_load %arg7[%parallel_loop3A_1265, %parallel_loop3A_1266] {strides = array<i32>} : memref<16x1024xf32, #tpu.memory_space<vmem>>, vector<1x16xf32>,
        %parallel_loop3A_1268 = vector.shape_cast %parallel_loop3A_1267 : vector<1x16xf32> to vector<16xf32>
        %parallel_loop3A_1269 = vector.shape_cast %parallel_loop3A_1261 : vector<16xf32> to vector<1x16xf32>
        tpu.vector_store %arg7[%parallel_loop3A_1265, %parallel_loop3A_1266], %parallel_loop3A_1269 {strides = array<i32>} : memref<16x1024xf32, #tpu.memory_space<vmem>>, vector<1x16xf32>,
        %parallel_loop3A_1270 = arith.mulf %broadcast_in_dim3A_94, %parallel_loop3A_1134 : vector<16xf32>
        %parallel_loop3A_1271 = arith.constant 1.000000e+00 : f32
        %parallel_loop3A_1272 = vector.broadcast %parallel_loop3A_1271 : f32 to vector<16xf32>
        %parallel_loop3A_1273 = arith.addf %parallel_loop3A_1272, %parallel_loop3A_1270 : vector<16xf32>
        %parallel_loop3A_1274 = arith.constant 1.000000e+00 : f32
        %parallel_loop3A_1275 = vector.broadcast %parallel_loop3A_1274 : f32 to vector<16xf32>
        %parallel_loop3A_1276 = arith.divf %parallel_loop3A_1275, %parallel_loop3A_1273 : vector<16xf32>
        %parallel_loop3A_1277 = arith.constant 16 : i32
        %parallel_loop3A_1278 = arith.muli %parallel_loop3A_1129, %parallel_loop3A_1277 : i32
        %parallel_loop3A_1279 = arith.constant 9 : i32
        %parallel_loop3A_1280 = arith.index_cast %parallel_loop3A_1279 : i32 to index
        %parallel_loop3A_1281 = arith.index_cast %parallel_loop3A_1278 : i32 to index
        %parallel_loop3A_1282 = tpu.vector_load %arg7[%parallel_loop3A_1280, %parallel_loop3A_1281] {strides = array<i32>} : memref<16x1024xf32, #tpu.memory_space<vmem>>, vector<1x16xf32>,
        %parallel_loop3A_1283 = vector.shape_cast %parallel_loop3A_1282 : vector<1x16xf32> to vector<16xf32>
        %parallel_loop3A_1284 = vector.shape_cast %parallel_loop3A_1276 : vector<16xf32> to vector<1x16xf32>
        tpu.vector_store %arg7[%parallel_loop3A_1280, %parallel_loop3A_1281], %parallel_loop3A_1284 {strides = array<i32>} : memref<16x1024xf32, #tpu.memory_space<vmem>>, vector<1x16xf32>,
        %parallel_loop3A_1285 = arith.mulf %broadcast_in_dim3A_97, %parallel_loop3A_1134 : vector<16xf32>
        %parallel_loop3A_1286 = arith.constant 1.000000e+00 : f32
        %parallel_loop3A_1287 = vector.broadcast %parallel_loop3A_1286 : f32 to vector<16xf32>
        %parallel_loop3A_1288 = arith.addf %parallel_loop3A_1287, %parallel_loop3A_1285 : vector<16xf32>
        %parallel_loop3A_1289 = arith.constant 1.000000e+00 : f32
        %parallel_loop3A_1290 = vector.broadcast %parallel_loop3A_1289 : f32 to vector<16xf32>
        %parallel_loop3A_1291 = arith.divf %parallel_loop3A_1290, %parallel_loop3A_1288 : vector<16xf32>
        %parallel_loop3A_1292 = arith.constant 16 : i32
        %parallel_loop3A_1293 = arith.muli %parallel_loop3A_1129, %parallel_loop3A_1292 : i32
        %parallel_loop3A_1294 = arith.constant 10 : i32
        %parallel_loop3A_1295 = arith.index_cast %parallel_loop3A_1294 : i32 to index
        %parallel_loop3A_1296 = arith.index_cast %parallel_loop3A_1293 : i32 to index
        %parallel_loop3A_1297 = tpu.vector_load %arg7[%parallel_loop3A_1295, %parallel_loop3A_1296] {strides = array<i32>} : memref<16x1024xf32, #tpu.memory_space<vmem>>, vector<1x16xf32>,
        %parallel_loop3A_1298 = vector.shape_cast %parallel_loop3A_1297 : vector<1x16xf32> to vector<16xf32>
        %parallel_loop3A_1299 = vector.shape_cast %parallel_loop3A_1291 : vector<16xf32> to vector<1x16xf32>
        tpu.vector_store %arg7[%parallel_loop3A_1295, %parallel_loop3A_1296], %parallel_loop3A_1299 {strides = array<i32>} : memref<16x1024xf32, #tpu.memory_space<vmem>>, vector<1x16xf32>,
        %parallel_loop3A_1300 = arith.mulf %broadcast_in_dim3A_100, %parallel_loop3A_1134 : vector<16xf32>
        %parallel_loop3A_1301 = arith.constant 1.000000e+00 : f32
        %parallel_loop3A_1302 = vector.broadcast %parallel_loop3A_1301 : f32 to vector<16xf32>
        %parallel_loop3A_1303 = arith.addf %parallel_loop3A_1302, %parallel_loop3A_1300 : vector<16xf32>
        %parallel_loop3A_1304 = arith.constant 1.000000e+00 : f32
        %parallel_loop3A_1305 = vector.broadcast %parallel_loop3A_1304 : f32 to vector<16xf32>
        %parallel_loop3A_1306 = arith.divf %parallel_loop3A_1305, %parallel_loop3A_1303 : vector<16xf32>
        %parallel_loop3A_1307 = arith.constant 16 : i32
        %parallel_loop3A_1308 = arith.muli %parallel_loop3A_1129, %parallel_loop3A_1307 : i32
        %parallel_loop3A_1309 = arith.constant 11 : i32
        %parallel_loop3A_1310 = arith.index_cast %parallel_loop3A_1309 : i32 to index
        %parallel_loop3A_1311 = arith.index_cast %parallel_loop3A_1308 : i32 to index
        %parallel_loop3A_1312 = tpu.vector_load %arg7[%parallel_loop3A_1310, %parallel_loop3A_1311] {strides = array<i32>} : memref<16x1024xf32, #tpu.memory_space<vmem>>, vector<1x16xf32>,
        %parallel_loop3A_1313 = vector.shape_cast %parallel_loop3A_1312 : vector<1x16xf32> to vector<16xf32>
        %parallel_loop3A_1314 = vector.shape_cast %parallel_loop3A_1306 : vector<16xf32> to vector<1x16xf32>
        tpu.vector_store %arg7[%parallel_loop3A_1310, %parallel_loop3A_1311], %parallel_loop3A_1314 {strides = array<i32>} : memref<16x1024xf32, #tpu.memory_space<vmem>>, vector<1x16xf32>,
        %parallel_loop3A_1315 = arith.mulf %broadcast_in_dim3A_103, %parallel_loop3A_1134 : vector<16xf32>
        %parallel_loop3A_1316 = arith.constant 1.000000e+00 : f32
        %parallel_loop3A_1317 = vector.broadcast %parallel_loop3A_1316 : f32 to vector<16xf32>
        %parallel_loop3A_1318 = arith.addf %parallel_loop3A_1317, %parallel_loop3A_1315 : vector<16xf32>
        %parallel_loop3A_1319 = arith.constant 1.000000e+00 : f32
        %parallel_loop3A_1320 = vector.broadcast %parallel_loop3A_1319 : f32 to vector<16xf32>
        %parallel_loop3A_1321 = arith.divf %parallel_loop3A_1320, %parallel_loop3A_1318 : vector<16xf32>
        %parallel_loop3A_1322 = arith.constant 16 : i32
        %parallel_loop3A_1323 = arith.muli %parallel_loop3A_1129, %parallel_loop3A_1322 : i32
        %parallel_loop3A_1324 = arith.constant 12 : i32
        %parallel_loop3A_1325 = arith.index_cast %parallel_loop3A_1324 : i32 to index
        %parallel_loop3A_1326 = arith.index_cast %parallel_loop3A_1323 : i32 to index
        %parallel_loop3A_1327 = tpu.vector_load %arg7[%parallel_loop3A_1325, %parallel_loop3A_1326] {strides = array<i32>} : memref<16x1024xf32, #tpu.memory_space<vmem>>, vector<1x16xf32>,
        %parallel_loop3A_1328 = vector.shape_cast %parallel_loop3A_1327 : vector<1x16xf32> to vector<16xf32>
        %parallel_loop3A_1329 = vector.shape_cast %parallel_loop3A_1321 : vector<16xf32> to vector<1x16xf32>
        tpu.vector_store %arg7[%parallel_loop3A_1325, %parallel_loop3A_1326], %parallel_loop3A_1329 {strides = array<i32>} : memref<16x1024xf32, #tpu.memory_space<vmem>>, vector<1x16xf32>,
        %parallel_loop3A_1330 = arith.mulf %broadcast_in_dim3A_106, %parallel_loop3A_1134 : vector<16xf32>
        %parallel_loop3A_1331 = arith.constant 1.000000e+00 : f32
        %parallel_loop3A_1332 = vector.broadcast %parallel_loop3A_1331 : f32 to vector<16xf32>
        %parallel_loop3A_1333 = arith.addf %parallel_loop3A_1332, %parallel_loop3A_1330 : vector<16xf32>
        %parallel_loop3A_1334 = arith.constant 1.000000e+00 : f32
        %parallel_loop3A_1335 = vector.broadcast %parallel_loop3A_1334 : f32 to vector<16xf32>
        %parallel_loop3A_1336 = arith.divf %parallel_loop3A_1335, %parallel_loop3A_1333 : vector<16xf32>
        %parallel_loop3A_1337 = arith.constant 16 : i32
        %parallel_loop3A_1338 = arith.muli %parallel_loop3A_1129, %parallel_loop3A_1337 : i32
        %parallel_loop3A_1339 = arith.constant 13 : i32
        %parallel_loop3A_1340 = arith.index_cast %parallel_loop3A_1339 : i32 to index
        %parallel_loop3A_1341 = arith.index_cast %parallel_loop3A_1338 : i32 to index
        %parallel_loop3A_1342 = tpu.vector_load %arg7[%parallel_loop3A_1340, %parallel_loop3A_1341] {strides = array<i32>} : memref<16x1024xf32, #tpu.memory_space<vmem>>, vector<1x16xf32>,
        %parallel_loop3A_1343 = vector.shape_cast %parallel_loop3A_1342 : vector<1x16xf32> to vector<16xf32>
        %parallel_loop3A_1344 = vector.shape_cast %parallel_loop3A_1336 : vector<16xf32> to vector<1x16xf32>
        tpu.vector_store %arg7[%parallel_loop3A_1340, %parallel_loop3A_1341], %parallel_loop3A_1344 {strides = array<i32>} : memref<16x1024xf32, #tpu.memory_space<vmem>>, vector<1x16xf32>,
        %parallel_loop3A_1345 = arith.mulf %broadcast_in_dim3A_109, %parallel_loop3A_1134 : vector<16xf32>
        %parallel_loop3A_1346 = arith.constant 1.000000e+00 : f32
        %parallel_loop3A_1347 = vector.broadcast %parallel_loop3A_1346 : f32 to vector<16xf32>
        %parallel_loop3A_1348 = arith.addf %parallel_loop3A_1347, %parallel_loop3A_1345 : vector<16xf32>
        %parallel_loop3A_1349 = arith.constant 1.000000e+00 : f32
        %parallel_loop3A_1350 = vector.broadcast %parallel_loop3A_1349 : f32 to vector<16xf32>
        %parallel_loop3A_1351 = arith.divf %parallel_loop3A_1350, %parallel_loop3A_1348 : vector<16xf32>
        %parallel_loop3A_1352 = arith.constant 16 : i32
        %parallel_loop3A_1353 = arith.muli %parallel_loop3A_1129, %parallel_loop3A_1352 : i32
        %parallel_loop3A_1354 = arith.constant 14 : i32
        %parallel_loop3A_1355 = arith.index_cast %parallel_loop3A_1354 : i32 to index
        %parallel_loop3A_1356 = arith.index_cast %parallel_loop3A_1353 : i32 to index
        %parallel_loop3A_1357 = tpu.vector_load %arg7[%parallel_loop3A_1355, %parallel_loop3A_1356] {strides = array<i32>} : memref<16x1024xf32, #tpu.memory_space<vmem>>, vector<1x16xf32>,
        %parallel_loop3A_1358 = vector.shape_cast %parallel_loop3A_1357 : vector<1x16xf32> to vector<16xf32>
        %parallel_loop3A_1359 = vector.shape_cast %parallel_loop3A_1351 : vector<16xf32> to vector<1x16xf32>
        tpu.vector_store %arg7[%parallel_loop3A_1355, %parallel_loop3A_1356], %parallel_loop3A_1359 {strides = array<i32>} : memref<16x1024xf32, #tpu.memory_space<vmem>>, vector<1x16xf32>,
        %parallel_loop3A_1360 = arith.mulf %broadcast_in_dim3A_112, %parallel_loop3A_1134 : vector<16xf32>
        %parallel_loop3A_1361 = arith.constant 1.000000e+00 : f32
        %parallel_loop3A_1362 = vector.broadcast %parallel_loop3A_1361 : f32 to vector<16xf32>
        %parallel_loop3A_1363 = arith.addf %parallel_loop3A_1362, %parallel_loop3A_1360 : vector<16xf32>
        %parallel_loop3A_1364 = arith.constant 1.000000e+00 : f32
        %parallel_loop3A_1365 = vector.broadcast %parallel_loop3A_1364 : f32 to vector<16xf32>
        %parallel_loop3A_1366 = arith.divf %parallel_loop3A_1365, %parallel_loop3A_1363 : vector<16xf32>
        %parallel_loop3A_1367 = arith.constant 16 : i32
        %parallel_loop3A_1368 = arith.muli %parallel_loop3A_1129, %parallel_loop3A_1367 : i32
        %parallel_loop3A_1369 = arith.constant 15 : i32
        %parallel_loop3A_1370 = arith.index_cast %parallel_loop3A_1369 : i32 to index
        %parallel_loop3A_1371 = arith.index_cast %parallel_loop3A_1368 : i32 to index
        %parallel_loop3A_1372 = tpu.vector_load %arg7[%parallel_loop3A_1370, %parallel_loop3A_1371] {strides = array<i32>} : memref<16x1024xf32, #tpu.memory_space<vmem>>, vector<1x16xf32>,
        %parallel_loop3A_1373 = vector.shape_cast %parallel_loop3A_1372 : vector<1x16xf32> to vector<16xf32>
        %parallel_loop3A_1374 = vector.shape_cast %parallel_loop3A_1366 : vector<16xf32> to vector<1x16xf32>
        tpu.vector_store %arg7[%parallel_loop3A_1370, %parallel_loop3A_1371], %parallel_loop3A_1374 {strides = array<i32>} : memref<16x1024xf32, #tpu.memory_space<vmem>>, vector<1x16xf32>,
      } {sc.loop_unroll_factor = 2 : i64, sc.parallel_access}
      %gt3A_166 = arith.constant 0 : i32
      %gt3A_167 = vector.broadcast %gt3A_166 : i32 to vector<16xi32>
      %gt3A_168 = arith.cmpi sgt, %iota3A, %gt3A_167 : vector<16xi32>
      %mul3A_169 = arith.mulf %broadcast_in_dim3A, %get3A_67 : vector<16xf32>
      %mul3A_170 = arith.mulf %get3A_62, %broadcast_in_dim3A_115 : vector<16xf32>
      %select_n3A_171 = arith.select %gt3A_168, %mul3A_169, %mul3A_170 : vector<16xi1>, vector<16xf32>
      %add3A_172 = arith.constant 1.000000e+00 : f32
      %add3A_173 = vector.broadcast %add3A_172 : f32 to vector<16xf32>
      %add3A_174 = arith.addf %add3A_173, %select_n3A_171 : vector<16xf32>
      %div3A_175 = arith.constant 1.000000e+00 : f32
      %div3A_176 = vector.broadcast %div3A_175 : f32 to vector<16xf32>
      %div3A_177 = arith.divf %div3A_176, %add3A_174 : vector<16xf32>
      %eq3A_178 = arith.constant 0 : i32
      %eq3A_179 = vector.broadcast %eq3A_178 : i32 to vector<16xi32>
      %eq3A_180 = arith.cmpi eq, %iota3A, %eq3A_179 : vector<16xi32>
      %jit3A_181 = arith.constant 0.000000e+00 : f32
      %broadcast_in_dim3A_182 = vector.broadcast %jit3A_181 : f32 to vector<16xf32>
      %select_n3A_183 = arith.select %eq3A_180, %broadcast_in_dim3A_182, %div3A_177 : vector<16xi1>, vector<16xf32>
      %mul3A_184 = arith.constant 16 : i32
      %mul3A_185 = arith.muli %add3A_58, %mul3A_184 : i32
      %swap3A = arith.constant 0 : i32
      %swap3A_186 = arith.index_cast %swap3A : i32 to index
      %swap3A_187 = arith.index_cast %mul3A_185 : i32 to index
      %swap3A_188 = tpu.vector_load %arg7[%swap3A_186, %swap3A_187] {strides = array<i32>} : memref<16x1024xf32, #tpu.memory_space<vmem>>, vector<1x16xf32>,
      %swap3A_189 = vector.shape_cast %swap3A_188 : vector<1x16xf32> to vector<16xf32>
      %swap3A_190 = vector.shape_cast %select_n3A_183 : vector<16xf32> to vector<1x16xf32>
      tpu.vector_store %arg7[%swap3A_186, %swap3A_187], %swap3A_190 {strides = array<i32>} : memref<16x1024xf32, #tpu.memory_space<vmem>>, vector<1x16xf32>,
      %gt3A_191 = arith.constant 1 : i32
      %gt3A_192 = vector.broadcast %gt3A_191 : i32 to vector<16xi32>
      %gt3A_193 = arith.cmpi sgt, %iota3A, %gt3A_192 : vector<16xi32>
      %mul3A_194 = arith.mulf %broadcast_in_dim3A_70, %get3A_67 : vector<16xf32>
      %mul3A_195 = arith.mulf %get3A_62, %broadcast_in_dim3A_118 : vector<16xf32>
      %select_n3A_196 = arith.select %gt3A_193, %mul3A_194, %mul3A_195 : vector<16xi1>, vector<16xf32>
      %add3A_197 = arith.constant 1.000000e+00 : f32
      %add3A_198 = vector.broadcast %add3A_197 : f32 to vector<16xf32>
      %add3A_199 = arith.addf %add3A_198, %select_n3A_196 : vector<16xf32>
      %div3A_200 = arith.constant 1.000000e+00 : f32
      %div3A_201 = vector.broadcast %div3A_200 : f32 to vector<16xf32>
      %div3A_202 = arith.divf %div3A_201, %add3A_199 : vector<16xf32>
      %eq3A_203 = arith.constant 1 : i32
      %eq3A_204 = vector.broadcast %eq3A_203 : i32 to vector<16xi32>
      %eq3A_205 = arith.cmpi eq, %iota3A, %eq3A_204 : vector<16xi32>
      %jit3A_206 = arith.constant 0.000000e+00 : f32
      %broadcast_in_dim3A_207 = vector.broadcast %jit3A_206 : f32 to vector<16xf32>
      %select_n3A_208 = arith.select %eq3A_205, %broadcast_in_dim3A_207, %div3A_202 : vector<16xi1>, vector<16xf32>
      %mul3A_209 = arith.constant 16 : i32
      %mul3A_210 = arith.muli %add3A_58, %mul3A_209 : i32
      %swap3A_211 = arith.constant 1 : i32
      %swap3A_212 = arith.index_cast %swap3A_211 : i32 to index
      %swap3A_213 = arith.index_cast %mul3A_210 : i32 to index
      %swap3A_214 = tpu.vector_load %arg7[%swap3A_212, %swap3A_213] {strides = array<i32>} : memref<16x1024xf32, #tpu.memory_space<vmem>>, vector<1x16xf32>,
      %swap3A_215 = vector.shape_cast %swap3A_214 : vector<1x16xf32> to vector<16xf32>
      %swap3A_216 = vector.shape_cast %select_n3A_208 : vector<16xf32> to vector<1x16xf32>
      tpu.vector_store %arg7[%swap3A_212, %swap3A_213], %swap3A_216 {strides = array<i32>} : memref<16x1024xf32, #tpu.memory_space<vmem>>, vector<1x16xf32>,
      %gt3A_217 = arith.constant 2 : i32
      %gt3A_218 = vector.broadcast %gt3A_217 : i32 to vector<16xi32>
      %gt3A_219 = arith.cmpi sgt, %iota3A, %gt3A_218 : vector<16xi32>
      %mul3A_220 = arith.mulf %broadcast_in_dim3A_73, %get3A_67 : vector<16xf32>
      %mul3A_221 = arith.mulf %get3A_62, %broadcast_in_dim3A_121 : vector<16xf32>
      %select_n3A_222 = arith.select %gt3A_219, %mul3A_220, %mul3A_221 : vector<16xi1>, vector<16xf32>
      %add3A_223 = arith.constant 1.000000e+00 : f32
      %add3A_224 = vector.broadcast %add3A_223 : f32 to vector<16xf32>
      %add3A_225 = arith.addf %add3A_224, %select_n3A_222 : vector<16xf32>
      %div3A_226 = arith.constant 1.000000e+00 : f32
      %div3A_227 = vector.broadcast %div3A_226 : f32 to vector<16xf32>
      %div3A_228 = arith.divf %div3A_227, %add3A_225 : vector<16xf32>
      %eq3A_229 = arith.constant 2 : i32
      %eq3A_230 = vector.broadcast %eq3A_229 : i32 to vector<16xi32>
      %eq3A_231 = arith.cmpi eq, %iota3A, %eq3A_230 : vector<16xi32>
      %jit3A_232 = arith.constant 0.000000e+00 : f32
      %broadcast_in_dim3A_233 = vector.broadcast %jit3A_232 : f32 to vector<16xf32>
      %select_n3A_234 = arith.select %eq3A_231, %broadcast_in_dim3A_233, %div3A_228 : vector<16xi1>, vector<16xf32>
      %mul3A_235 = arith.constant 16 : i32
      %mul3A_236 = arith.muli %add3A_58, %mul3A_235 : i32
      %swap3A_237 = arith.constant 2 : i32
      %swap3A_238 = arith.index_cast %swap3A_237 : i32 to index
      %swap3A_239 = arith.index_cast %mul3A_236 : i32 to index
      %swap3A_240 = tpu.vector_load %arg7[%swap3A_238, %swap3A_239] {strides = array<i32>} : memref<16x1024xf32, #tpu.memory_space<vmem>>, vector<1x16xf32>,
      %swap3A_241 = vector.shape_cast %swap3A_240 : vector<1x16xf32> to vector<16xf32>
      %swap3A_242 = vector.shape_cast %select_n3A_234 : vector<16xf32> to vector<1x16xf32>
      tpu.vector_store %arg7[%swap3A_238, %swap3A_239], %swap3A_242 {strides = array<i32>} : memref<16x1024xf32, #tpu.memory_space<vmem>>, vector<1x16xf32>,
      %gt3A_243 = arith.constant 3 : i32
      %gt3A_244 = vector.broadcast %gt3A_243 : i32 to vector<16xi32>
      %gt3A_245 = arith.cmpi sgt, %iota3A, %gt3A_244 : vector<16xi32>
      %mul3A_246 = arith.mulf %broadcast_in_dim3A_76, %get3A_67 : vector<16xf32>
      %mul3A_247 = arith.mulf %get3A_62, %broadcast_in_dim3A_124 : vector<16xf32>
      %select_n3A_248 = arith.select %gt3A_245, %mul3A_246, %mul3A_247 : vector<16xi1>, vector<16xf32>
      %add3A_249 = arith.constant 1.000000e+00 : f32
      %add3A_250 = vector.broadcast %add3A_249 : f32 to vector<16xf32>
      %add3A_251 = arith.addf %add3A_250, %select_n3A_248 : vector<16xf32>
      %div3A_252 = arith.constant 1.000000e+00 : f32
      %div3A_253 = vector.broadcast %div3A_252 : f32 to vector<16xf32>
      %div3A_254 = arith.divf %div3A_253, %add3A_251 : vector<16xf32>
      %eq3A_255 = arith.constant 3 : i32
      %eq3A_256 = vector.broadcast %eq3A_255 : i32 to vector<16xi32>
      %eq3A_257 = arith.cmpi eq, %iota3A, %eq3A_256 : vector<16xi32>
      %jit3A_258 = arith.constant 0.000000e+00 : f32
      %broadcast_in_dim3A_259 = vector.broadcast %jit3A_258 : f32 to vector<16xf32>
      %select_n3A_260 = arith.select %eq3A_257, %broadcast_in_dim3A_259, %div3A_254 : vector<16xi1>, vector<16xf32>
      %mul3A_261 = arith.constant 16 : i32
      %mul3A_262 = arith.muli %add3A_58, %mul3A_261 : i32
      %swap3A_263 = arith.constant 3 : i32
      %swap3A_264 = arith.index_cast %swap3A_263 : i32 to index
      %swap3A_265 = arith.index_cast %mul3A_262 : i32 to index
      %swap3A_266 = tpu.vector_load %arg7[%swap3A_264, %swap3A_265] {strides = array<i32>} : memref<16x1024xf32, #tpu.memory_space<vmem>>, vector<1x16xf32>,
      %swap3A_267 = vector.shape_cast %swap3A_266 : vector<1x16xf32> to vector<16xf32>
      %swap3A_268 = vector.shape_cast %select_n3A_260 : vector<16xf32> to vector<1x16xf32>
      tpu.vector_store %arg7[%swap3A_264, %swap3A_265], %swap3A_268 {strides = array<i32>} : memref<16x1024xf32, #tpu.memory_space<vmem>>, vector<1x16xf32>,
      %gt3A_269 = arith.constant 4 : i32
      %gt3A_270 = vector.broadcast %gt3A_269 : i32 to vector<16xi32>
      %gt3A_271 = arith.cmpi sgt, %iota3A, %gt3A_270 : vector<16xi32>
      %mul3A_272 = arith.mulf %broadcast_in_dim3A_79, %get3A_67 : vector<16xf32>
      %mul3A_273 = arith.mulf %get3A_62, %broadcast_in_dim3A_127 : vector<16xf32>
      %select_n3A_274 = arith.select %gt3A_271, %mul3A_272, %mul3A_273 : vector<16xi1>, vector<16xf32>
      %add3A_275 = arith.constant 1.000000e+00 : f32
      %add3A_276 = vector.broadcast %add3A_275 : f32 to vector<16xf32>
      %add3A_277 = arith.addf %add3A_276, %select_n3A_274 : vector<16xf32>
      %div3A_278 = arith.constant 1.000000e+00 : f32
      %div3A_279 = vector.broadcast %div3A_278 : f32 to vector<16xf32>
      %div3A_280 = arith.divf %div3A_279, %add3A_277 : vector<16xf32>
      %eq3A_281 = arith.constant 4 : i32
      %eq3A_282 = vector.broadcast %eq3A_281 : i32 to vector<16xi32>
      %eq3A_283 = arith.cmpi eq, %iota3A, %eq3A_282 : vector<16xi32>
      %jit3A_284 = arith.constant 0.000000e+00 : f32
      %broadcast_in_dim3A_285 = vector.broadcast %jit3A_284 : f32 to vector<16xf32>
      %select_n3A_286 = arith.select %eq3A_283, %broadcast_in_dim3A_285, %div3A_280 : vector<16xi1>, vector<16xf32>
      %mul3A_287 = arith.constant 16 : i32
      %mul3A_288 = arith.muli %add3A_58, %mul3A_287 : i32
      %swap3A_289 = arith.constant 4 : i32
      %swap3A_290 = arith.index_cast %swap3A_289 : i32 to index
      %swap3A_291 = arith.index_cast %mul3A_288 : i32 to index
      %swap3A_292 = tpu.vector_load %arg7[%swap3A_290, %swap3A_291] {strides = array<i32>} : memref<16x1024xf32, #tpu.memory_space<vmem>>, vector<1x16xf32>,
      %swap3A_293 = vector.shape_cast %swap3A_292 : vector<1x16xf32> to vector<16xf32>
      %swap3A_294 = vector.shape_cast %select_n3A_286 : vector<16xf32> to vector<1x16xf32>
      tpu.vector_store %arg7[%swap3A_290, %swap3A_291], %swap3A_294 {strides = array<i32>} : memref<16x1024xf32, #tpu.memory_space<vmem>>, vector<1x16xf32>,
      %gt3A_295 = arith.constant 5 : i32
      %gt3A_296 = vector.broadcast %gt3A_295 : i32 to vector<16xi32>
      %gt3A_297 = arith.cmpi sgt, %iota3A, %gt3A_296 : vector<16xi32>
      %mul3A_298 = arith.mulf %broadcast_in_dim3A_82, %get3A_67 : vector<16xf32>
      %mul3A_299 = arith.mulf %get3A_62, %broadcast_in_dim3A_130 : vector<16xf32>
      %select_n3A_300 = arith.select %gt3A_297, %mul3A_298, %mul3A_299 : vector<16xi1>, vector<16xf32>
      %add3A_301 = arith.constant 1.000000e+00 : f32
      %add3A_302 = vector.broadcast %add3A_301 : f32 to vector<16xf32>
      %add3A_303 = arith.addf %add3A_302, %select_n3A_300 : vector<16xf32>
      %div3A_304 = arith.constant 1.000000e+00 : f32
      %div3A_305 = vector.broadcast %div3A_304 : f32 to vector<16xf32>
      %div3A_306 = arith.divf %div3A_305, %add3A_303 : vector<16xf32>
      %eq3A_307 = arith.constant 5 : i32
      %eq3A_308 = vector.broadcast %eq3A_307 : i32 to vector<16xi32>
      %eq3A_309 = arith.cmpi eq, %iota3A, %eq3A_308 : vector<16xi32>
      %jit3A_310 = arith.constant 0.000000e+00 : f32
      %broadcast_in_dim3A_311 = vector.broadcast %jit3A_310 : f32 to vector<16xf32>
      %select_n3A_312 = arith.select %eq3A_309, %broadcast_in_dim3A_311, %div3A_306 : vector<16xi1>, vector<16xf32>
      %mul3A_313 = arith.constant 16 : i32
      %mul3A_314 = arith.muli %add3A_58, %mul3A_313 : i32
      %swap3A_315 = arith.constant 5 : i32
      %swap3A_316 = arith.index_cast %swap3A_315 : i32 to index
      %swap3A_317 = arith.index_cast %mul3A_314 : i32 to index
      %swap3A_318 = tpu.vector_load %arg7[%swap3A_316, %swap3A_317] {strides = array<i32>} : memref<16x1024xf32, #tpu.memory_space<vmem>>, vector<1x16xf32>,
      %swap3A_319 = vector.shape_cast %swap3A_318 : vector<1x16xf32> to vector<16xf32>
      %swap3A_320 = vector.shape_cast %select_n3A_312 : vector<16xf32> to vector<1x16xf32>
      tpu.vector_store %arg7[%swap3A_316, %swap3A_317], %swap3A_320 {strides = array<i32>} : memref<16x1024xf32, #tpu.memory_space<vmem>>, vector<1x16xf32>,
      %gt3A_321 = arith.constant 6 : i32
      %gt3A_322 = vector.broadcast %gt3A_321 : i32 to vector<16xi32>
      %gt3A_323 = arith.cmpi sgt, %iota3A, %gt3A_322 : vector<16xi32>
      %mul3A_324 = arith.mulf %broadcast_in_dim3A_85, %get3A_67 : vector<16xf32>
      %mul3A_325 = arith.mulf %get3A_62, %broadcast_in_dim3A_133 : vector<16xf32>
      %select_n3A_326 = arith.select %gt3A_323, %mul3A_324, %mul3A_325 : vector<16xi1>, vector<16xf32>
      %add3A_327 = arith.constant 1.000000e+00 : f32
      %add3A_328 = vector.broadcast %add3A_327 : f32 to vector<16xf32>
      %add3A_329 = arith.addf %add3A_328, %select_n3A_326 : vector<16xf32>
      %div3A_330 = arith.constant 1.000000e+00 : f32
      %div3A_331 = vector.broadcast %div3A_330 : f32 to vector<16xf32>
      %div3A_332 = arith.divf %div3A_331, %add3A_329 : vector<16xf32>
      %eq3A_333 = arith.constant 6 : i32
      %eq3A_334 = vector.broadcast %eq3A_333 : i32 to vector<16xi32>
      %eq3A_335 = arith.cmpi eq, %iota3A, %eq3A_334 : vector<16xi32>
      %jit3A_336 = arith.constant 0.000000e+00 : f32
      %broadcast_in_dim3A_337 = vector.broadcast %jit3A_336 : f32 to vector<16xf32>
      %select_n3A_338 = arith.select %eq3A_335, %broadcast_in_dim3A_337, %div3A_332 : vector<16xi1>, vector<16xf32>
      %mul3A_339 = arith.constant 16 : i32
      %mul3A_340 = arith.muli %add3A_58, %mul3A_339 : i32
      %swap3A_341 = arith.constant 6 : i32
      %swap3A_342 = arith.index_cast %swap3A_341 : i32 to index
      %swap3A_343 = arith.index_cast %mul3A_340 : i32 to index
      %swap3A_344 = tpu.vector_load %arg7[%swap3A_342, %swap3A_343] {strides = array<i32>} : memref<16x1024xf32, #tpu.memory_space<vmem>>, vector<1x16xf32>,
      %swap3A_345 = vector.shape_cast %swap3A_344 : vector<1x16xf32> to vector<16xf32>
      %swap3A_346 = vector.shape_cast %select_n3A_338 : vector<16xf32> to vector<1x16xf32>
      tpu.vector_store %arg7[%swap3A_342, %swap3A_343], %swap3A_346 {strides = array<i32>} : memref<16x1024xf32, #tpu.memory_space<vmem>>, vector<1x16xf32>,
      %gt3A_347 = arith.constant 7 : i32
      %gt3A_348 = vector.broadcast %gt3A_347 : i32 to vector<16xi32>
      %gt3A_349 = arith.cmpi sgt, %iota3A, %gt3A_348 : vector<16xi32>
      %mul3A_350 = arith.mulf %broadcast_in_dim3A_88, %get3A_67 : vector<16xf32>
      %mul3A_351 = arith.mulf %get3A_62, %broadcast_in_dim3A_136 : vector<16xf32>
      %select_n3A_352 = arith.select %gt3A_349, %mul3A_350, %mul3A_351 : vector<16xi1>, vector<16xf32>
      %add3A_353 = arith.constant 1.000000e+00 : f32
      %add3A_354 = vector.broadcast %add3A_353 : f32 to vector<16xf32>
      %add3A_355 = arith.addf %add3A_354, %select_n3A_352 : vector<16xf32>
      %div3A_356 = arith.constant 1.000000e+00 : f32
      %div3A_357 = vector.broadcast %div3A_356 : f32 to vector<16xf32>
      %div3A_358 = arith.divf %div3A_357, %add3A_355 : vector<16xf32>
      %eq3A_359 = arith.constant 7 : i32
      %eq3A_360 = vector.broadcast %eq3A_359 : i32 to vector<16xi32>
      %eq3A_361 = arith.cmpi eq, %iota3A, %eq3A_360 : vector<16xi32>
      %jit3A_362 = arith.constant 0.000000e+00 : f32
      %broadcast_in_dim3A_363 = vector.broadcast %jit3A_362 : f32 to vector<16xf32>
      %select_n3A_364 = arith.select %eq3A_361, %broadcast_in_dim3A_363, %div3A_358 : vector<16xi1>, vector<16xf32>
      %mul3A_365 = arith.constant 16 : i32
      %mul3A_366 = arith.muli %add3A_58, %mul3A_365 : i32
      %swap3A_367 = arith.constant 7 : i32
      %swap3A_368 = arith.index_cast %swap3A_367 : i32 to index
      %swap3A_369 = arith.index_cast %mul3A_366 : i32 to index
      %swap3A_370 = tpu.vector_load %arg7[%swap3A_368, %swap3A_369] {strides = array<i32>} : memref<16x1024xf32, #tpu.memory_space<vmem>>, vector<1x16xf32>,
      %swap3A_371 = vector.shape_cast %swap3A_370 : vector<1x16xf32> to vector<16xf32>
      %swap3A_372 = vector.shape_cast %select_n3A_364 : vector<16xf32> to vector<1x16xf32>
      tpu.vector_store %arg7[%swap3A_368, %swap3A_369], %swap3A_372 {strides = array<i32>} : memref<16x1024xf32, #tpu.memory_space<vmem>>, vector<1x16xf32>,
      %gt3A_373 = arith.constant 8 : i32
      %gt3A_374 = vector.broadcast %gt3A_373 : i32 to vector<16xi32>
      %gt3A_375 = arith.cmpi sgt, %iota3A, %gt3A_374 : vector<16xi32>
      %mul3A_376 = arith.mulf %broadcast_in_dim3A_91, %get3A_67 : vector<16xf32>
      %mul3A_377 = arith.mulf %get3A_62, %broadcast_in_dim3A_139 : vector<16xf32>
      %select_n3A_378 = arith.select %gt3A_375, %mul3A_376, %mul3A_377 : vector<16xi1>, vector<16xf32>
      %add3A_379 = arith.constant 1.000000e+00 : f32
      %add3A_380 = vector.broadcast %add3A_379 : f32 to vector<16xf32>
      %add3A_381 = arith.addf %add3A_380, %select_n3A_378 : vector<16xf32>
      %div3A_382 = arith.constant 1.000000e+00 : f32
      %div3A_383 = vector.broadcast %div3A_382 : f32 to vector<16xf32>
      %div3A_384 = arith.divf %div3A_383, %add3A_381 : vector<16xf32>
      %eq3A_385 = arith.constant 8 : i32
      %eq3A_386 = vector.broadcast %eq3A_385 : i32 to vector<16xi32>
      %eq3A_387 = arith.cmpi eq, %iota3A, %eq3A_386 : vector<16xi32>
      %jit3A_388 = arith.constant 0.000000e+00 : f32
      %broadcast_in_dim3A_389 = vector.broadcast %jit3A_388 : f32 to vector<16xf32>
      %select_n3A_390 = arith.select %eq3A_387, %broadcast_in_dim3A_389, %div3A_384 : vector<16xi1>, vector<16xf32>
      %mul3A_391 = arith.constant 16 : i32
      %mul3A_392 = arith.muli %add3A_58, %mul3A_391 : i32
      %swap3A_393 = arith.constant 8 : i32
      %swap3A_394 = arith.index_cast %swap3A_393 : i32 to index
      %swap3A_395 = arith.index_cast %mul3A_392 : i32 to index
      %swap3A_396 = tpu.vector_load %arg7[%swap3A_394, %swap3A_395] {strides = array<i32>} : memref<16x1024xf32, #tpu.memory_space<vmem>>, vector<1x16xf32>,
      %swap3A_397 = vector.shape_cast %swap3A_396 : vector<1x16xf32> to vector<16xf32>
      %swap3A_398 = vector.shape_cast %select_n3A_390 : vector<16xf32> to vector<1x16xf32>
      tpu.vector_store %arg7[%swap3A_394, %swap3A_395], %swap3A_398 {strides = array<i32>} : memref<16x1024xf32, #tpu.memory_space<vmem>>, vector<1x16xf32>,
      %gt3A_399 = arith.constant 9 : i32
      %gt3A_400 = vector.broadcast %gt3A_399 : i32 to vector<16xi32>
      %gt3A_401 = arith.cmpi sgt, %iota3A, %gt3A_400 : vector<16xi32>
      %mul3A_402 = arith.mulf %broadcast_in_dim3A_94, %get3A_67 : vector<16xf32>
      %mul3A_403 = arith.mulf %get3A_62, %broadcast_in_dim3A_142 : vector<16xf32>
      %select_n3A_404 = arith.select %gt3A_401, %mul3A_402, %mul3A_403 : vector<16xi1>, vector<16xf32>
      %add3A_405 = arith.constant 1.000000e+00 : f32
      %add3A_406 = vector.broadcast %add3A_405 : f32 to vector<16xf32>
      %add3A_407 = arith.addf %add3A_406, %select_n3A_404 : vector<16xf32>
      %div3A_408 = arith.constant 1.000000e+00 : f32
      %div3A_409 = vector.broadcast %div3A_408 : f32 to vector<16xf32>
      %div3A_410 = arith.divf %div3A_409, %add3A_407 : vector<16xf32>
      %eq3A_411 = arith.constant 9 : i32
      %eq3A_412 = vector.broadcast %eq3A_411 : i32 to vector<16xi32>
      %eq3A_413 = arith.cmpi eq, %iota3A, %eq3A_412 : vector<16xi32>
      %jit3A_414 = arith.constant 0.000000e+00 : f32
      %broadcast_in_dim3A_415 = vector.broadcast %jit3A_414 : f32 to vector<16xf32>
      %select_n3A_416 = arith.select %eq3A_413, %broadcast_in_dim3A_415, %div3A_410 : vector<16xi1>, vector<16xf32>
      %mul3A_417 = arith.constant 16 : i32
      %mul3A_418 = arith.muli %add3A_58, %mul3A_417 : i32
      %swap3A_419 = arith.constant 9 : i32
      %swap3A_420 = arith.index_cast %swap3A_419 : i32 to index
      %swap3A_421 = arith.index_cast %mul3A_418 : i32 to index
      %swap3A_422 = tpu.vector_load %arg7[%swap3A_420, %swap3A_421] {strides = array<i32>} : memref<16x1024xf32, #tpu.memory_space<vmem>>, vector<1x16xf32>,
      %swap3A_423 = vector.shape_cast %swap3A_422 : vector<1x16xf32> to vector<16xf32>
      %swap3A_424 = vector.shape_cast %select_n3A_416 : vector<16xf32> to vector<1x16xf32>
      tpu.vector_store %arg7[%swap3A_420, %swap3A_421], %swap3A_424 {strides = array<i32>} : memref<16x1024xf32, #tpu.memory_space<vmem>>, vector<1x16xf32>,
      %gt3A_425 = arith.constant 10 : i32
      %gt3A_426 = vector.broadcast %gt3A_425 : i32 to vector<16xi32>
      %gt3A_427 = arith.cmpi sgt, %iota3A, %gt3A_426 : vector<16xi32>
      %mul3A_428 = arith.mulf %broadcast_in_dim3A_97, %get3A_67 : vector<16xf32>
      %mul3A_429 = arith.mulf %get3A_62, %broadcast_in_dim3A_145 : vector<16xf32>
      %select_n3A_430 = arith.select %gt3A_427, %mul3A_428, %mul3A_429 : vector<16xi1>, vector<16xf32>
      %add3A_431 = arith.constant 1.000000e+00 : f32
      %add3A_432 = vector.broadcast %add3A_431 : f32 to vector<16xf32>
      %add3A_433 = arith.addf %add3A_432, %select_n3A_430 : vector<16xf32>
      %div3A_434 = arith.constant 1.000000e+00 : f32
      %div3A_435 = vector.broadcast %div3A_434 : f32 to vector<16xf32>
      %div3A_436 = arith.divf %div3A_435, %add3A_433 : vector<16xf32>
      %eq3A_437 = arith.constant 10 : i32
      %eq3A_438 = vector.broadcast %eq3A_437 : i32 to vector<16xi32>
      %eq3A_439 = arith.cmpi eq, %iota3A, %eq3A_438 : vector<16xi32>
      %jit3A_440 = arith.constant 0.000000e+00 : f32
      %broadcast_in_dim3A_441 = vector.broadcast %jit3A_440 : f32 to vector<16xf32>
      %select_n3A_442 = arith.select %eq3A_439, %broadcast_in_dim3A_441, %div3A_436 : vector<16xi1>, vector<16xf32>
      %mul3A_443 = arith.constant 16 : i32
      %mul3A_444 = arith.muli %add3A_58, %mul3A_443 : i32
      %swap3A_445 = arith.constant 10 : i32
      %swap3A_446 = arith.index_cast %swap3A_445 : i32 to index
      %swap3A_447 = arith.index_cast %mul3A_444 : i32 to index
      %swap3A_448 = tpu.vector_load %arg7[%swap3A_446, %swap3A_447] {strides = array<i32>} : memref<16x1024xf32, #tpu.memory_space<vmem>>, vector<1x16xf32>,
      %swap3A_449 = vector.shape_cast %swap3A_448 : vector<1x16xf32> to vector<16xf32>
      %swap3A_450 = vector.shape_cast %select_n3A_442 : vector<16xf32> to vector<1x16xf32>
      tpu.vector_store %arg7[%swap3A_446, %swap3A_447], %swap3A_450 {strides = array<i32>} : memref<16x1024xf32, #tpu.memory_space<vmem>>, vector<1x16xf32>,
      %gt3A_451 = arith.constant 11 : i32
      %gt3A_452 = vector.broadcast %gt3A_451 : i32 to vector<16xi32>
      %gt3A_453 = arith.cmpi sgt, %iota3A, %gt3A_452 : vector<16xi32>
      %mul3A_454 = arith.mulf %broadcast_in_dim3A_100, %get3A_67 : vector<16xf32>
      %mul3A_455 = arith.mulf %get3A_62, %broadcast_in_dim3A_148 : vector<16xf32>
      %select_n3A_456 = arith.select %gt3A_453, %mul3A_454, %mul3A_455 : vector<16xi1>, vector<16xf32>
      %add3A_457 = arith.constant 1.000000e+00 : f32
      %add3A_458 = vector.broadcast %add3A_457 : f32 to vector<16xf32>
      %add3A_459 = arith.addf %add3A_458, %select_n3A_456 : vector<16xf32>
      %div3A_460 = arith.constant 1.000000e+00 : f32
      %div3A_461 = vector.broadcast %div3A_460 : f32 to vector<16xf32>
      %div3A_462 = arith.divf %div3A_461, %add3A_459 : vector<16xf32>
      %eq3A_463 = arith.constant 11 : i32
      %eq3A_464 = vector.broadcast %eq3A_463 : i32 to vector<16xi32>
      %eq3A_465 = arith.cmpi eq, %iota3A, %eq3A_464 : vector<16xi32>
      %jit3A_466 = arith.constant 0.000000e+00 : f32
      %broadcast_in_dim3A_467 = vector.broadcast %jit3A_466 : f32 to vector<16xf32>
      %select_n3A_468 = arith.select %eq3A_465, %broadcast_in_dim3A_467, %div3A_462 : vector<16xi1>, vector<16xf32>
      %mul3A_469 = arith.constant 16 : i32
      %mul3A_470 = arith.muli %add3A_58, %mul3A_469 : i32
      %swap3A_471 = arith.constant 11 : i32
      %swap3A_472 = arith.index_cast %swap3A_471 : i32 to index
      %swap3A_473 = arith.index_cast %mul3A_470 : i32 to index
      %swap3A_474 = tpu.vector_load %arg7[%swap3A_472, %swap3A_473] {strides = array<i32>} : memref<16x1024xf32, #tpu.memory_space<vmem>>, vector<1x16xf32>,
      %swap3A_475 = vector.shape_cast %swap3A_474 : vector<1x16xf32> to vector<16xf32>
      %swap3A_476 = vector.shape_cast %select_n3A_468 : vector<16xf32> to vector<1x16xf32>
      tpu.vector_store %arg7[%swap3A_472, %swap3A_473], %swap3A_476 {strides = array<i32>} : memref<16x1024xf32, #tpu.memory_space<vmem>>, vector<1x16xf32>,
      %gt3A_477 = arith.constant 12 : i32
      %gt3A_478 = vector.broadcast %gt3A_477 : i32 to vector<16xi32>
      %gt3A_479 = arith.cmpi sgt, %iota3A, %gt3A_478 : vector<16xi32>
      %mul3A_480 = arith.mulf %broadcast_in_dim3A_103, %get3A_67 : vector<16xf32>
      %mul3A_481 = arith.mulf %get3A_62, %broadcast_in_dim3A_151 : vector<16xf32>
      %select_n3A_482 = arith.select %gt3A_479, %mul3A_480, %mul3A_481 : vector<16xi1>, vector<16xf32>
      %add3A_483 = arith.constant 1.000000e+00 : f32
      %add3A_484 = vector.broadcast %add3A_483 : f32 to vector<16xf32>
      %add3A_485 = arith.addf %add3A_484, %select_n3A_482 : vector<16xf32>
      %div3A_486 = arith.constant 1.000000e+00 : f32
      %div3A_487 = vector.broadcast %div3A_486 : f32 to vector<16xf32>
      %div3A_488 = arith.divf %div3A_487, %add3A_485 : vector<16xf32>
      %eq3A_489 = arith.constant 12 : i32
      %eq3A_490 = vector.broadcast %eq3A_489 : i32 to vector<16xi32>
      %eq3A_491 = arith.cmpi eq, %iota3A, %eq3A_490 : vector<16xi32>
      %jit3A_492 = arith.constant 0.000000e+00 : f32
      %broadcast_in_dim3A_493 = vector.broadcast %jit3A_492 : f32 to vector<16xf32>
      %select_n3A_494 = arith.select %eq3A_491, %broadcast_in_dim3A_493, %div3A_488 : vector<16xi1>, vector<16xf32>
      %mul3A_495 = arith.constant 16 : i32
      %mul3A_496 = arith.muli %add3A_58, %mul3A_495 : i32
      %swap3A_497 = arith.constant 12 : i32
      %swap3A_498 = arith.index_cast %swap3A_497 : i32 to index
      %swap3A_499 = arith.index_cast %mul3A_496 : i32 to index
      %swap3A_500 = tpu.vector_load %arg7[%swap3A_498, %swap3A_499] {strides = array<i32>} : memref<16x1024xf32, #tpu.memory_space<vmem>>, vector<1x16xf32>,
      %swap3A_501 = vector.shape_cast %swap3A_500 : vector<1x16xf32> to vector<16xf32>
      %swap3A_502 = vector.shape_cast %select_n3A_494 : vector<16xf32> to vector<1x16xf32>
      tpu.vector_store %arg7[%swap3A_498, %swap3A_499], %swap3A_502 {strides = array<i32>} : memref<16x1024xf32, #tpu.memory_space<vmem>>, vector<1x16xf32>,
      %gt3A_503 = arith.constant 13 : i32
      %gt3A_504 = vector.broadcast %gt3A_503 : i32 to vector<16xi32>
      %gt3A_505 = arith.cmpi sgt, %iota3A, %gt3A_504 : vector<16xi32>
      %mul3A_506 = arith.mulf %broadcast_in_dim3A_106, %get3A_67 : vector<16xf32>
      %mul3A_507 = arith.mulf %get3A_62, %broadcast_in_dim3A_154 : vector<16xf32>
      %select_n3A_508 = arith.select %gt3A_505, %mul3A_506, %mul3A_507 : vector<16xi1>, vector<16xf32>
      %add3A_509 = arith.constant 1.000000e+00 : f32
      %add3A_510 = vector.broadcast %add3A_509 : f32 to vector<16xf32>
      %add3A_511 = arith.addf %add3A_510, %select_n3A_508 : vector<16xf32>
      %div3A_512 = arith.constant 1.000000e+00 : f32
      %div3A_513 = vector.broadcast %div3A_512 : f32 to vector<16xf32>
      %div3A_514 = arith.divf %div3A_513, %add3A_511 : vector<16xf32>
      %eq3A_515 = arith.constant 13 : i32
      %eq3A_516 = vector.broadcast %eq3A_515 : i32 to vector<16xi32>
      %eq3A_517 = arith.cmpi eq, %iota3A, %eq3A_516 : vector<16xi32>
      %jit3A_518 = arith.constant 0.000000e+00 : f32
      %broadcast_in_dim3A_519 = vector.broadcast %jit3A_518 : f32 to vector<16xf32>
      %select_n3A_520 = arith.select %eq3A_517, %broadcast_in_dim3A_519, %div3A_514 : vector<16xi1>, vector<16xf32>
      %mul3A_521 = arith.constant 16 : i32
      %mul3A_522 = arith.muli %add3A_58, %mul3A_521 : i32
      %swap3A_523 = arith.constant 13 : i32
      %swap3A_524 = arith.index_cast %swap3A_523 : i32 to index
      %swap3A_525 = arith.index_cast %mul3A_522 : i32 to index
      %swap3A_526 = tpu.vector_load %arg7[%swap3A_524, %swap3A_525] {strides = array<i32>} : memref<16x1024xf32, #tpu.memory_space<vmem>>, vector<1x16xf32>,
      %swap3A_527 = vector.shape_cast %swap3A_526 : vector<1x16xf32> to vector<16xf32>
      %swap3A_528 = vector.shape_cast %select_n3A_520 : vector<16xf32> to vector<1x16xf32>
      tpu.vector_store %arg7[%swap3A_524, %swap3A_525], %swap3A_528 {strides = array<i32>} : memref<16x1024xf32, #tpu.memory_space<vmem>>, vector<1x16xf32>,
      %gt3A_529 = arith.constant 14 : i32
      %gt3A_530 = vector.broadcast %gt3A_529 : i32 to vector<16xi32>
      %gt3A_531 = arith.cmpi sgt, %iota3A, %gt3A_530 : vector<16xi32>
      %mul3A_532 = arith.mulf %broadcast_in_dim3A_109, %get3A_67 : vector<16xf32>
      %mul3A_533 = arith.mulf %get3A_62, %broadcast_in_dim3A_157 : vector<16xf32>
      %select_n3A_534 = arith.select %gt3A_531, %mul3A_532, %mul3A_533 : vector<16xi1>, vector<16xf32>
      %add3A_535 = arith.constant 1.000000e+00 : f32
      %add3A_536 = vector.broadcast %add3A_535 : f32 to vector<16xf32>
      %add3A_537 = arith.addf %add3A_536, %select_n3A_534 : vector<16xf32>
      %div3A_538 = arith.constant 1.000000e+00 : f32
      %div3A_539 = vector.broadcast %div3A_538 : f32 to vector<16xf32>
      %div3A_540 = arith.divf %div3A_539, %add3A_537 : vector<16xf32>
      %eq3A_541 = arith.constant 14 : i32
      %eq3A_542 = vector.broadcast %eq3A_541 : i32 to vector<16xi32>
      %eq3A_543 = arith.cmpi eq, %iota3A, %eq3A_542 : vector<16xi32>
      %jit3A_544 = arith.constant 0.000000e+00 : f32
      %broadcast_in_dim3A_545 = vector.broadcast %jit3A_544 : f32 to vector<16xf32>
      %select_n3A_546 = arith.select %eq3A_543, %broadcast_in_dim3A_545, %div3A_540 : vector<16xi1>, vector<16xf32>
      %mul3A_547 = arith.constant 16 : i32
      %mul3A_548 = arith.muli %add3A_58, %mul3A_547 : i32
      %swap3A_549 = arith.constant 14 : i32
      %swap3A_550 = arith.index_cast %swap3A_549 : i32 to index
      %swap3A_551 = arith.index_cast %mul3A_548 : i32 to index
      %swap3A_552 = tpu.vector_load %arg7[%swap3A_550, %swap3A_551] {strides = array<i32>} : memref<16x1024xf32, #tpu.memory_space<vmem>>, vector<1x16xf32>,
      %swap3A_553 = vector.shape_cast %swap3A_552 : vector<1x16xf32> to vector<16xf32>
      %swap3A_554 = vector.shape_cast %select_n3A_546 : vector<16xf32> to vector<1x16xf32>
      tpu.vector_store %arg7[%swap3A_550, %swap3A_551], %swap3A_554 {strides = array<i32>} : memref<16x1024xf32, #tpu.memory_space<vmem>>, vector<1x16xf32>,
      %gt3A_555 = arith.constant 15 : i32
      %gt3A_556 = vector.broadcast %gt3A_555 : i32 to vector<16xi32>
      %gt3A_557 = arith.cmpi sgt, %iota3A, %gt3A_556 : vector<16xi32>
      %mul3A_558 = arith.mulf %broadcast_in_dim3A_112, %get3A_67 : vector<16xf32>
      %mul3A_559 = arith.mulf %get3A_62, %broadcast_in_dim3A_160 : vector<16xf32>
      %select_n3A_560 = arith.select %gt3A_557, %mul3A_558, %mul3A_559 : vector<16xi1>, vector<16xf32>
      %add3A_561 = arith.constant 1.000000e+00 : f32
      %add3A_562 = vector.broadcast %add3A_561 : f32 to vector<16xf32>
      %add3A_563 = arith.addf %add3A_562, %select_n3A_560 : vector<16xf32>
      %div3A_564 = arith.constant 1.000000e+00 : f32
      %div3A_565 = vector.broadcast %div3A_564 : f32 to vector<16xf32>
      %div3A_566 = arith.divf %div3A_565, %add3A_563 : vector<16xf32>
      %eq3A_567 = arith.constant 15 : i32
      %eq3A_568 = vector.broadcast %eq3A_567 : i32 to vector<16xi32>
      %eq3A_569 = arith.cmpi eq, %iota3A, %eq3A_568 : vector<16xi32>
      %jit3A_570 = arith.constant 0.000000e+00 : f32
      %broadcast_in_dim3A_571 = vector.broadcast %jit3A_570 : f32 to vector<16xf32>
      %select_n3A_572 = arith.select %eq3A_569, %broadcast_in_dim3A_571, %div3A_566 : vector<16xi1>, vector<16xf32>
      %mul3A_573 = arith.constant 16 : i32
      %mul3A_574 = arith.muli %add3A_58, %mul3A_573 : i32
      %swap3A_575 = arith.constant 15 : i32
      %swap3A_576 = arith.index_cast %swap3A_575 : i32 to index
      %swap3A_577 = arith.index_cast %mul3A_574 : i32 to index
      %swap3A_578 = tpu.vector_load %arg7[%swap3A_576, %swap3A_577] {strides = array<i32>} : memref<16x1024xf32, #tpu.memory_space<vmem>>, vector<1x16xf32>,
      %swap3A_579 = vector.shape_cast %swap3A_578 : vector<1x16xf32> to vector<16xf32>
      %swap3A_580 = vector.shape_cast %select_n3A_572 : vector<16xf32> to vector<1x16xf32>
      tpu.vector_store %arg7[%swap3A_576, %swap3A_577], %swap3A_580 {strides = array<i32>} : memref<16x1024xf32, #tpu.memory_space<vmem>>, vector<1x16xf32>,
      %mul3A_581 = arith.constant 16 : i32
      %mul3A_582 = arith.muli %mul3A_51, %mul3A_581 : i32
      %add3A_583 = arith.addi %mul3A_32, %mul3A_582 : i32
      %dma_start3A = arith.constant 0 : i32
      %dma_start3A_584 = tpu.memref_slice %arg4[%add3A_583, %dma_start3A] : memref<16384x1024xf32, #tpu.memory_space<hbm>> -> memref<16x1024xf32, #tpu.memory_space<hbm>>
      %dma_start3A_585 = arith.constant 0 : i32
      %dma_start3A_586 = tpu.memref_slice %arg4[%add3A_583, %dma_start3A_585] : memref<16384x1024xf32, #tpu.memory_space<hbm>> -> memref<16x1024xf32, #tpu.memory_space<hbm>>
      tpu.enqueue_dma source(%arg7 : memref<16x1024xf32, #tpu.memory_space<vmem>>) target(%dma_start3A_586 : memref<16x1024xf32, #tpu.memory_space<hbm>>) target_semaphore(%arg9 : memref<!tpu.dma_semaphore, #tpu.memory_space<semaphore_mem>>)
      %gt3A_587 = arith.constant 0 : i32
      %gt3A_588 = arith.cmpi sgt, %scan3A_48, %gt3A_587 : i32
      %convert_element_type3A_589 = arith.extui %gt3A_588 : i1 to i32
      %cond3A_590 = arith.constant 0 : i32
      %cond3A_591 = arith.cmpi ne, %convert_element_type3A_589, %cond3A_590 : i32
      scf.if %cond3A_591 {
        %dma_wait3A_1129 = arith.constant 0 : i32
        %dma_wait3A_1130 = tpu.memref_slice %arg4[%mul3A_32, %dma_wait3A_1129] : memref<16384x1024xf32, #tpu.memory_space<hbm>> -> memref<16x1024xf32, #tpu.memory_space<hbm>>
        %dma_wait3A_1131 = arith.constant 0 : i32
        %dma_wait3A_1132 = tpu.memref_slice %arg4[%mul3A_32, %dma_wait3A_1131] : memref<16384x1024xf32, #tpu.memory_space<hbm>> -> memref<16x1024xf32, #tpu.memory_space<hbm>>
        tpu.wait_dma2 semaphore(%arg10 : memref<!tpu.dma_semaphore, #tpu.memory_space<semaphore_mem>>) src(%arg8 : memref<16x1024xf32, #tpu.memory_space<vmem>>) dst(%dma_wait3A_1132 : memref<16x1024xf32, #tpu.memory_space<hbm>>)
      } else {
      }
      %add3A_592 = arith.addi %mul3A_34, %add3A_55 : i32
      %mul3A_593 = arith.constant 16 : i32
      %mul3A_594 = arith.muli %add3A_592, %mul3A_593 : i32
      %get3A_595 = arith.index_cast %mul3A_594 : i32 to index
      %get3A_596 = tpu.vector_load %arg5[%get3A_595] {strides = array<i32>} : memref<1024xf32, #tpu.memory_space<vmem>>, vector<16xf32>,
      %get3A_597 = vector.shape_cast %get3A_596 : vector<16xf32> to vector<16xf32>
      %mul3A_598 = arith.constant 16 : i32
      %mul3A_599 = arith.muli %add3A_592, %mul3A_598 : i32
      %get3A_600 = arith.index_cast %mul3A_599 : i32 to index
      %get3A_601 = tpu.vector_load %arg6[%get3A_600] {strides = array<i32>} : memref<1024xf32, #tpu.memory_space<vmem>>, vector<16xf32>,
      %get3A_602 = vector.shape_cast %get3A_601 : vector<16xf32> to vector<16xf32>
      %slice3A_603 = vector.extract_strided_slice %get3A_597 {offsets = [0], sizes = [1], strides = [1]} : vector<16xf32> to vector<1xf32>
      %squeeze3A_604 = vector.extract %slice3A_603[0] : f32 from vector<1xf32>
      %broadcast_in_dim3A_605 = vector.broadcast %squeeze3A_604 : f32 to vector<16xf32>
      %slice3A_606 = vector.extract_strided_slice %get3A_597 {offsets = [1], sizes = [1], strides = [1]} : vector<16xf32> to vector<1xf32>
      %squeeze3A_607 = vector.extract %slice3A_606[0] : f32 from vector<1xf32>
      %broadcast_in_dim3A_608 = vector.broadcast %squeeze3A_607 : f32 to vector<16xf32>
      %slice3A_609 = vector.extract_strided_slice %get3A_597 {offsets = [2], sizes = [1], strides = [1]} : vector<16xf32> to vector<1xf32>
      %squeeze3A_610 = vector.extract %slice3A_609[0] : f32 from vector<1xf32>
      %broadcast_in_dim3A_611 = vector.broadcast %squeeze3A_610 : f32 to vector<16xf32>
      %slice3A_612 = vector.extract_strided_slice %get3A_597 {offsets = [3], sizes = [1], strides = [1]} : vector<16xf32> to vector<1xf32>
      %squeeze3A_613 = vector.extract %slice3A_612[0] : f32 from vector<1xf32>
      %broadcast_in_dim3A_614 = vector.broadcast %squeeze3A_613 : f32 to vector<16xf32>
      %slice3A_615 = vector.extract_strided_slice %get3A_597 {offsets = [4], sizes = [1], strides = [1]} : vector<16xf32> to vector<1xf32>
      %squeeze3A_616 = vector.extract %slice3A_615[0] : f32 from vector<1xf32>
      %broadcast_in_dim3A_617 = vector.broadcast %squeeze3A_616 : f32 to vector<16xf32>
      %slice3A_618 = vector.extract_strided_slice %get3A_597 {offsets = [5], sizes = [1], strides = [1]} : vector<16xf32> to vector<1xf32>
      %squeeze3A_619 = vector.extract %slice3A_618[0] : f32 from vector<1xf32>
      %broadcast_in_dim3A_620 = vector.broadcast %squeeze3A_619 : f32 to vector<16xf32>
      %slice3A_621 = vector.extract_strided_slice %get3A_597 {offsets = [6], sizes = [1], strides = [1]} : vector<16xf32> to vector<1xf32>
      %squeeze3A_622 = vector.extract %slice3A_621[0] : f32 from vector<1xf32>
      %broadcast_in_dim3A_623 = vector.broadcast %squeeze3A_622 : f32 to vector<16xf32>
      %slice3A_624 = vector.extract_strided_slice %get3A_597 {offsets = [7], sizes = [1], strides = [1]} : vector<16xf32> to vector<1xf32>
      %squeeze3A_625 = vector.extract %slice3A_624[0] : f32 from vector<1xf32>
      %broadcast_in_dim3A_626 = vector.broadcast %squeeze3A_625 : f32 to vector<16xf32>
      %slice3A_627 = vector.extract_strided_slice %get3A_597 {offsets = [8], sizes = [1], strides = [1]} : vector<16xf32> to vector<1xf32>
      %squeeze3A_628 = vector.extract %slice3A_627[0] : f32 from vector<1xf32>
      %broadcast_in_dim3A_629 = vector.broadcast %squeeze3A_628 : f32 to vector<16xf32>
      %slice3A_630 = vector.extract_strided_slice %get3A_597 {offsets = [9], sizes = [1], strides = [1]} : vector<16xf32> to vector<1xf32>
      %squeeze3A_631 = vector.extract %slice3A_630[0] : f32 from vector<1xf32>
      %broadcast_in_dim3A_632 = vector.broadcast %squeeze3A_631 : f32 to vector<16xf32>
      %slice3A_633 = vector.extract_strided_slice %get3A_597 {offsets = [10], sizes = [1], strides = [1]} : vector<16xf32> to vector<1xf32>
      %squeeze3A_634 = vector.extract %slice3A_633[0] : f32 from vector<1xf32>
      %broadcast_in_dim3A_635 = vector.broadcast %squeeze3A_634 : f32 to vector<16xf32>
      %slice3A_636 = vector.extract_strided_slice %get3A_597 {offsets = [11], sizes = [1], strides = [1]} : vector<16xf32> to vector<1xf32>
      %squeeze3A_637 = vector.extract %slice3A_636[0] : f32 from vector<1xf32>
      %broadcast_in_dim3A_638 = vector.broadcast %squeeze3A_637 : f32 to vector<16xf32>
      %slice3A_639 = vector.extract_strided_slice %get3A_597 {offsets = [12], sizes = [1], strides = [1]} : vector<16xf32> to vector<1xf32>
      %squeeze3A_640 = vector.extract %slice3A_639[0] : f32 from vector<1xf32>
      %broadcast_in_dim3A_641 = vector.broadcast %squeeze3A_640 : f32 to vector<16xf32>
      %slice3A_642 = vector.extract_strided_slice %get3A_597 {offsets = [13], sizes = [1], strides = [1]} : vector<16xf32> to vector<1xf32>
      %squeeze3A_643 = vector.extract %slice3A_642[0] : f32 from vector<1xf32>
      %broadcast_in_dim3A_644 = vector.broadcast %squeeze3A_643 : f32 to vector<16xf32>
      %slice3A_645 = vector.extract_strided_slice %get3A_597 {offsets = [14], sizes = [1], strides = [1]} : vector<16xf32> to vector<1xf32>
      %squeeze3A_646 = vector.extract %slice3A_645[0] : f32 from vector<1xf32>
      %broadcast_in_dim3A_647 = vector.broadcast %squeeze3A_646 : f32 to vector<16xf32>
      %slice3A_648 = vector.extract_strided_slice %get3A_597 {offsets = [15], sizes = [1], strides = [1]} : vector<16xf32> to vector<1xf32>
      %squeeze3A_649 = vector.extract %slice3A_648[0] : f32 from vector<1xf32>
      %broadcast_in_dim3A_650 = vector.broadcast %squeeze3A_649 : f32 to vector<16xf32>
      %slice3A_651 = vector.extract_strided_slice %get3A_602 {offsets = [0], sizes = [1], strides = [1]} : vector<16xf32> to vector<1xf32>
      %squeeze3A_652 = vector.extract %slice3A_651[0] : f32 from vector<1xf32>
      %broadcast_in_dim3A_653 = vector.broadcast %squeeze3A_652 : f32 to vector<16xf32>
      %slice3A_654 = vector.extract_strided_slice %get3A_602 {offsets = [1], sizes = [1], strides = [1]} : vector<16xf32> to vector<1xf32>
      %squeeze3A_655 = vector.extract %slice3A_654[0] : f32 from vector<1xf32>
      %broadcast_in_dim3A_656 = vector.broadcast %squeeze3A_655 : f32 to vector<16xf32>
      %slice3A_657 = vector.extract_strided_slice %get3A_602 {offsets = [2], sizes = [1], strides = [1]} : vector<16xf32> to vector<1xf32>
      %squeeze3A_658 = vector.extract %slice3A_657[0] : f32 from vector<1xf32>
      %broadcast_in_dim3A_659 = vector.broadcast %squeeze3A_658 : f32 to vector<16xf32>
      %slice3A_660 = vector.extract_strided_slice %get3A_602 {offsets = [3], sizes = [1], strides = [1]} : vector<16xf32> to vector<1xf32>
      %squeeze3A_661 = vector.extract %slice3A_660[0] : f32 from vector<1xf32>
      %broadcast_in_dim3A_662 = vector.broadcast %squeeze3A_661 : f32 to vector<16xf32>
      %slice3A_663 = vector.extract_strided_slice %get3A_602 {offsets = [4], sizes = [1], strides = [1]} : vector<16xf32> to vector<1xf32>
      %squeeze3A_664 = vector.extract %slice3A_663[0] : f32 from vector<1xf32>
      %broadcast_in_dim3A_665 = vector.broadcast %squeeze3A_664 : f32 to vector<16xf32>
      %slice3A_666 = vector.extract_strided_slice %get3A_602 {offsets = [5], sizes = [1], strides = [1]} : vector<16xf32> to vector<1xf32>
      %squeeze3A_667 = vector.extract %slice3A_666[0] : f32 from vector<1xf32>
      %broadcast_in_dim3A_668 = vector.broadcast %squeeze3A_667 : f32 to vector<16xf32>
      %slice3A_669 = vector.extract_strided_slice %get3A_602 {offsets = [6], sizes = [1], strides = [1]} : vector<16xf32> to vector<1xf32>
      %squeeze3A_670 = vector.extract %slice3A_669[0] : f32 from vector<1xf32>
      %broadcast_in_dim3A_671 = vector.broadcast %squeeze3A_670 : f32 to vector<16xf32>
      %slice3A_672 = vector.extract_strided_slice %get3A_602 {offsets = [7], sizes = [1], strides = [1]} : vector<16xf32> to vector<1xf32>
      %squeeze3A_673 = vector.extract %slice3A_672[0] : f32 from vector<1xf32>
      %broadcast_in_dim3A_674 = vector.broadcast %squeeze3A_673 : f32 to vector<16xf32>
      %slice3A_675 = vector.extract_strided_slice %get3A_602 {offsets = [8], sizes = [1], strides = [1]} : vector<16xf32> to vector<1xf32>
      %squeeze3A_676 = vector.extract %slice3A_675[0] : f32 from vector<1xf32>
      %broadcast_in_dim3A_677 = vector.broadcast %squeeze3A_676 : f32 to vector<16xf32>
      %slice3A_678 = vector.extract_strided_slice %get3A_602 {offsets = [9], sizes = [1], strides = [1]} : vector<16xf32> to vector<1xf32>
      %squeeze3A_679 = vector.extract %slice3A_678[0] : f32 from vector<1xf32>
      %broadcast_in_dim3A_680 = vector.broadcast %squeeze3A_679 : f32 to vector<16xf32>
      %slice3A_681 = vector.extract_strided_slice %get3A_602 {offsets = [10], sizes = [1], strides = [1]} : vector<16xf32> to vector<1xf32>
      %squeeze3A_682 = vector.extract %slice3A_681[0] : f32 from vector<1xf32>
      %broadcast_in_dim3A_683 = vector.broadcast %squeeze3A_682 : f32 to vector<16xf32>
      %slice3A_684 = vector.extract_strided_slice %get3A_602 {offsets = [11], sizes = [1], strides = [1]} : vector<16xf32> to vector<1xf32>
      %squeeze3A_685 = vector.extract %slice3A_684[0] : f32 from vector<1xf32>
      %broadcast_in_dim3A_686 = vector.broadcast %squeeze3A_685 : f32 to vector<16xf32>
      %slice3A_687 = vector.extract_strided_slice %get3A_602 {offsets = [12], sizes = [1], strides = [1]} : vector<16xf32> to vector<1xf32>
      %squeeze3A_688 = vector.extract %slice3A_687[0] : f32 from vector<1xf32>
      %broadcast_in_dim3A_689 = vector.broadcast %squeeze3A_688 : f32 to vector<16xf32>
      %slice3A_690 = vector.extract_strided_slice %get3A_602 {offsets = [13], sizes = [1], strides = [1]} : vector<16xf32> to vector<1xf32>
      %squeeze3A_691 = vector.extract %slice3A_690[0] : f32 from vector<1xf32>
      %broadcast_in_dim3A_692 = vector.broadcast %squeeze3A_691 : f32 to vector<16xf32>
      %slice3A_693 = vector.extract_strided_slice %get3A_602 {offsets = [14], sizes = [1], strides = [1]} : vector<16xf32> to vector<1xf32>
      %squeeze3A_694 = vector.extract %slice3A_693[0] : f32 from vector<1xf32>
      %broadcast_in_dim3A_695 = vector.broadcast %squeeze3A_694 : f32 to vector<16xf32>
      %slice3A_696 = vector.extract_strided_slice %get3A_602 {offsets = [15], sizes = [1], strides = [1]} : vector<16xf32> to vector<1xf32>
      %squeeze3A_697 = vector.extract %slice3A_696[0] : f32 from vector<1xf32>
      %broadcast_in_dim3A_698 = vector.broadcast %squeeze3A_697 : f32 to vector<16xf32>
      %parallel_loop3A_699 = arith.constant 0 : i32
      %parallel_loop3A_700 = arith.constant 1 : i32
      scf.for %parallel_loop3A_1129 = %parallel_loop3A_699 to %add3A_592 step %parallel_loop3A_700  : i32 {
        %parallel_loop3A_1130 = arith.constant 16 : i32
        %parallel_loop3A_1131 = arith.muli %parallel_loop3A_1129, %parallel_loop3A_1130 : i32
        %parallel_loop3A_1132 = arith.index_cast %parallel_loop3A_1131 : i32 to index
        %parallel_loop3A_1133 = tpu.vector_load %arg5[%parallel_loop3A_1132] {strides = array<i32>} : memref<1024xf32, #tpu.memory_space<vmem>>, vector<16xf32>,
        %parallel_loop3A_1134 = vector.shape_cast %parallel_loop3A_1133 : vector<16xf32> to vector<16xf32>
        %parallel_loop3A_1135 = arith.mulf %parallel_loop3A_1134, %broadcast_in_dim3A_653 : vector<16xf32>
        %parallel_loop3A_1136 = arith.constant 1.000000e+00 : f32
        %parallel_loop3A_1137 = vector.broadcast %parallel_loop3A_1136 : f32 to vector<16xf32>
        %parallel_loop3A_1138 = arith.addf %parallel_loop3A_1137, %parallel_loop3A_1135 : vector<16xf32>
        %parallel_loop3A_1139 = arith.constant 1.000000e+00 : f32
        %parallel_loop3A_1140 = vector.broadcast %parallel_loop3A_1139 : f32 to vector<16xf32>
        %parallel_loop3A_1141 = arith.divf %parallel_loop3A_1140, %parallel_loop3A_1138 : vector<16xf32>
        %parallel_loop3A_1142 = arith.constant 16 : i32
        %parallel_loop3A_1143 = arith.muli %parallel_loop3A_1129, %parallel_loop3A_1142 : i32
        %parallel_loop3A_1144 = arith.constant 0 : i32
        %parallel_loop3A_1145 = arith.index_cast %parallel_loop3A_1144 : i32 to index
        %parallel_loop3A_1146 = arith.index_cast %parallel_loop3A_1143 : i32 to index
        %parallel_loop3A_1147 = tpu.vector_load %arg8[%parallel_loop3A_1145, %parallel_loop3A_1146] {strides = array<i32>} : memref<16x1024xf32, #tpu.memory_space<vmem>>, vector<1x16xf32>,
        %parallel_loop3A_1148 = vector.shape_cast %parallel_loop3A_1147 : vector<1x16xf32> to vector<16xf32>
        %parallel_loop3A_1149 = vector.shape_cast %parallel_loop3A_1141 : vector<16xf32> to vector<1x16xf32>
        tpu.vector_store %arg8[%parallel_loop3A_1145, %parallel_loop3A_1146], %parallel_loop3A_1149 {strides = array<i32>} : memref<16x1024xf32, #tpu.memory_space<vmem>>, vector<1x16xf32>,
        %parallel_loop3A_1150 = arith.mulf %parallel_loop3A_1134, %broadcast_in_dim3A_656 : vector<16xf32>
        %parallel_loop3A_1151 = arith.constant 1.000000e+00 : f32
        %parallel_loop3A_1152 = vector.broadcast %parallel_loop3A_1151 : f32 to vector<16xf32>
        %parallel_loop3A_1153 = arith.addf %parallel_loop3A_1152, %parallel_loop3A_1150 : vector<16xf32>
        %parallel_loop3A_1154 = arith.constant 1.000000e+00 : f32
        %parallel_loop3A_1155 = vector.broadcast %parallel_loop3A_1154 : f32 to vector<16xf32>
        %parallel_loop3A_1156 = arith.divf %parallel_loop3A_1155, %parallel_loop3A_1153 : vector<16xf32>
        %parallel_loop3A_1157 = arith.constant 16 : i32
        %parallel_loop3A_1158 = arith.muli %parallel_loop3A_1129, %parallel_loop3A_1157 : i32
        %parallel_loop3A_1159 = arith.constant 1 : i32
        %parallel_loop3A_1160 = arith.index_cast %parallel_loop3A_1159 : i32 to index
        %parallel_loop3A_1161 = arith.index_cast %parallel_loop3A_1158 : i32 to index
        %parallel_loop3A_1162 = tpu.vector_load %arg8[%parallel_loop3A_1160, %parallel_loop3A_1161] {strides = array<i32>} : memref<16x1024xf32, #tpu.memory_space<vmem>>, vector<1x16xf32>,
        %parallel_loop3A_1163 = vector.shape_cast %parallel_loop3A_1162 : vector<1x16xf32> to vector<16xf32>
        %parallel_loop3A_1164 = vector.shape_cast %parallel_loop3A_1156 : vector<16xf32> to vector<1x16xf32>
        tpu.vector_store %arg8[%parallel_loop3A_1160, %parallel_loop3A_1161], %parallel_loop3A_1164 {strides = array<i32>} : memref<16x1024xf32, #tpu.memory_space<vmem>>, vector<1x16xf32>,
        %parallel_loop3A_1165 = arith.mulf %parallel_loop3A_1134, %broadcast_in_dim3A_659 : vector<16xf32>
        %parallel_loop3A_1166 = arith.constant 1.000000e+00 : f32
        %parallel_loop3A_1167 = vector.broadcast %parallel_loop3A_1166 : f32 to vector<16xf32>
        %parallel_loop3A_1168 = arith.addf %parallel_loop3A_1167, %parallel_loop3A_1165 : vector<16xf32>
        %parallel_loop3A_1169 = arith.constant 1.000000e+00 : f32
        %parallel_loop3A_1170 = vector.broadcast %parallel_loop3A_1169 : f32 to vector<16xf32>
        %parallel_loop3A_1171 = arith.divf %parallel_loop3A_1170, %parallel_loop3A_1168 : vector<16xf32>
        %parallel_loop3A_1172 = arith.constant 16 : i32
        %parallel_loop3A_1173 = arith.muli %parallel_loop3A_1129, %parallel_loop3A_1172 : i32
        %parallel_loop3A_1174 = arith.constant 2 : i32
        %parallel_loop3A_1175 = arith.index_cast %parallel_loop3A_1174 : i32 to index
        %parallel_loop3A_1176 = arith.index_cast %parallel_loop3A_1173 : i32 to index
        %parallel_loop3A_1177 = tpu.vector_load %arg8[%parallel_loop3A_1175, %parallel_loop3A_1176] {strides = array<i32>} : memref<16x1024xf32, #tpu.memory_space<vmem>>, vector<1x16xf32>,
        %parallel_loop3A_1178 = vector.shape_cast %parallel_loop3A_1177 : vector<1x16xf32> to vector<16xf32>
        %parallel_loop3A_1179 = vector.shape_cast %parallel_loop3A_1171 : vector<16xf32> to vector<1x16xf32>
        tpu.vector_store %arg8[%parallel_loop3A_1175, %parallel_loop3A_1176], %parallel_loop3A_1179 {strides = array<i32>} : memref<16x1024xf32, #tpu.memory_space<vmem>>, vector<1x16xf32>,
        %parallel_loop3A_1180 = arith.mulf %parallel_loop3A_1134, %broadcast_in_dim3A_662 : vector<16xf32>
        %parallel_loop3A_1181 = arith.constant 1.000000e+00 : f32
        %parallel_loop3A_1182 = vector.broadcast %parallel_loop3A_1181 : f32 to vector<16xf32>
        %parallel_loop3A_1183 = arith.addf %parallel_loop3A_1182, %parallel_loop3A_1180 : vector<16xf32>
        %parallel_loop3A_1184 = arith.constant 1.000000e+00 : f32
        %parallel_loop3A_1185 = vector.broadcast %parallel_loop3A_1184 : f32 to vector<16xf32>
        %parallel_loop3A_1186 = arith.divf %parallel_loop3A_1185, %parallel_loop3A_1183 : vector<16xf32>
        %parallel_loop3A_1187 = arith.constant 16 : i32
        %parallel_loop3A_1188 = arith.muli %parallel_loop3A_1129, %parallel_loop3A_1187 : i32
        %parallel_loop3A_1189 = arith.constant 3 : i32
        %parallel_loop3A_1190 = arith.index_cast %parallel_loop3A_1189 : i32 to index
        %parallel_loop3A_1191 = arith.index_cast %parallel_loop3A_1188 : i32 to index
        %parallel_loop3A_1192 = tpu.vector_load %arg8[%parallel_loop3A_1190, %parallel_loop3A_1191] {strides = array<i32>} : memref<16x1024xf32, #tpu.memory_space<vmem>>, vector<1x16xf32>,
        %parallel_loop3A_1193 = vector.shape_cast %parallel_loop3A_1192 : vector<1x16xf32> to vector<16xf32>
        %parallel_loop3A_1194 = vector.shape_cast %parallel_loop3A_1186 : vector<16xf32> to vector<1x16xf32>
        tpu.vector_store %arg8[%parallel_loop3A_1190, %parallel_loop3A_1191], %parallel_loop3A_1194 {strides = array<i32>} : memref<16x1024xf32, #tpu.memory_space<vmem>>, vector<1x16xf32>,
        %parallel_loop3A_1195 = arith.mulf %parallel_loop3A_1134, %broadcast_in_dim3A_665 : vector<16xf32>
        %parallel_loop3A_1196 = arith.constant 1.000000e+00 : f32
        %parallel_loop3A_1197 = vector.broadcast %parallel_loop3A_1196 : f32 to vector<16xf32>
        %parallel_loop3A_1198 = arith.addf %parallel_loop3A_1197, %parallel_loop3A_1195 : vector<16xf32>
        %parallel_loop3A_1199 = arith.constant 1.000000e+00 : f32
        %parallel_loop3A_1200 = vector.broadcast %parallel_loop3A_1199 : f32 to vector<16xf32>
        %parallel_loop3A_1201 = arith.divf %parallel_loop3A_1200, %parallel_loop3A_1198 : vector<16xf32>
        %parallel_loop3A_1202 = arith.constant 16 : i32
        %parallel_loop3A_1203 = arith.muli %parallel_loop3A_1129, %parallel_loop3A_1202 : i32
        %parallel_loop3A_1204 = arith.constant 4 : i32
        %parallel_loop3A_1205 = arith.index_cast %parallel_loop3A_1204 : i32 to index
        %parallel_loop3A_1206 = arith.index_cast %parallel_loop3A_1203 : i32 to index
        %parallel_loop3A_1207 = tpu.vector_load %arg8[%parallel_loop3A_1205, %parallel_loop3A_1206] {strides = array<i32>} : memref<16x1024xf32, #tpu.memory_space<vmem>>, vector<1x16xf32>,
        %parallel_loop3A_1208 = vector.shape_cast %parallel_loop3A_1207 : vector<1x16xf32> to vector<16xf32>
        %parallel_loop3A_1209 = vector.shape_cast %parallel_loop3A_1201 : vector<16xf32> to vector<1x16xf32>
        tpu.vector_store %arg8[%parallel_loop3A_1205, %parallel_loop3A_1206], %parallel_loop3A_1209 {strides = array<i32>} : memref<16x1024xf32, #tpu.memory_space<vmem>>, vector<1x16xf32>,
        %parallel_loop3A_1210 = arith.mulf %parallel_loop3A_1134, %broadcast_in_dim3A_668 : vector<16xf32>
        %parallel_loop3A_1211 = arith.constant 1.000000e+00 : f32
        %parallel_loop3A_1212 = vector.broadcast %parallel_loop3A_1211 : f32 to vector<16xf32>
        %parallel_loop3A_1213 = arith.addf %parallel_loop3A_1212, %parallel_loop3A_1210 : vector<16xf32>
        %parallel_loop3A_1214 = arith.constant 1.000000e+00 : f32
        %parallel_loop3A_1215 = vector.broadcast %parallel_loop3A_1214 : f32 to vector<16xf32>
        %parallel_loop3A_1216 = arith.divf %parallel_loop3A_1215, %parallel_loop3A_1213 : vector<16xf32>
        %parallel_loop3A_1217 = arith.constant 16 : i32
        %parallel_loop3A_1218 = arith.muli %parallel_loop3A_1129, %parallel_loop3A_1217 : i32
        %parallel_loop3A_1219 = arith.constant 5 : i32
        %parallel_loop3A_1220 = arith.index_cast %parallel_loop3A_1219 : i32 to index
        %parallel_loop3A_1221 = arith.index_cast %parallel_loop3A_1218 : i32 to index
        %parallel_loop3A_1222 = tpu.vector_load %arg8[%parallel_loop3A_1220, %parallel_loop3A_1221] {strides = array<i32>} : memref<16x1024xf32, #tpu.memory_space<vmem>>, vector<1x16xf32>,
        %parallel_loop3A_1223 = vector.shape_cast %parallel_loop3A_1222 : vector<1x16xf32> to vector<16xf32>
        %parallel_loop3A_1224 = vector.shape_cast %parallel_loop3A_1216 : vector<16xf32> to vector<1x16xf32>
        tpu.vector_store %arg8[%parallel_loop3A_1220, %parallel_loop3A_1221], %parallel_loop3A_1224 {strides = array<i32>} : memref<16x1024xf32, #tpu.memory_space<vmem>>, vector<1x16xf32>,
        %parallel_loop3A_1225 = arith.mulf %parallel_loop3A_1134, %broadcast_in_dim3A_671 : vector<16xf32>
        %parallel_loop3A_1226 = arith.constant 1.000000e+00 : f32
        %parallel_loop3A_1227 = vector.broadcast %parallel_loop3A_1226 : f32 to vector<16xf32>
        %parallel_loop3A_1228 = arith.addf %parallel_loop3A_1227, %parallel_loop3A_1225 : vector<16xf32>
        %parallel_loop3A_1229 = arith.constant 1.000000e+00 : f32
        %parallel_loop3A_1230 = vector.broadcast %parallel_loop3A_1229 : f32 to vector<16xf32>
        %parallel_loop3A_1231 = arith.divf %parallel_loop3A_1230, %parallel_loop3A_1228 : vector<16xf32>
        %parallel_loop3A_1232 = arith.constant 16 : i32
        %parallel_loop3A_1233 = arith.muli %parallel_loop3A_1129, %parallel_loop3A_1232 : i32
        %parallel_loop3A_1234 = arith.constant 6 : i32
        %parallel_loop3A_1235 = arith.index_cast %parallel_loop3A_1234 : i32 to index
        %parallel_loop3A_1236 = arith.index_cast %parallel_loop3A_1233 : i32 to index
        %parallel_loop3A_1237 = tpu.vector_load %arg8[%parallel_loop3A_1235, %parallel_loop3A_1236] {strides = array<i32>} : memref<16x1024xf32, #tpu.memory_space<vmem>>, vector<1x16xf32>,
        %parallel_loop3A_1238 = vector.shape_cast %parallel_loop3A_1237 : vector<1x16xf32> to vector<16xf32>
        %parallel_loop3A_1239 = vector.shape_cast %parallel_loop3A_1231 : vector<16xf32> to vector<1x16xf32>
        tpu.vector_store %arg8[%parallel_loop3A_1235, %parallel_loop3A_1236], %parallel_loop3A_1239 {strides = array<i32>} : memref<16x1024xf32, #tpu.memory_space<vmem>>, vector<1x16xf32>,
        %parallel_loop3A_1240 = arith.mulf %parallel_loop3A_1134, %broadcast_in_dim3A_674 : vector<16xf32>
        %parallel_loop3A_1241 = arith.constant 1.000000e+00 : f32
        %parallel_loop3A_1242 = vector.broadcast %parallel_loop3A_1241 : f32 to vector<16xf32>
        %parallel_loop3A_1243 = arith.addf %parallel_loop3A_1242, %parallel_loop3A_1240 : vector<16xf32>
        %parallel_loop3A_1244 = arith.constant 1.000000e+00 : f32
        %parallel_loop3A_1245 = vector.broadcast %parallel_loop3A_1244 : f32 to vector<16xf32>
        %parallel_loop3A_1246 = arith.divf %parallel_loop3A_1245, %parallel_loop3A_1243 : vector<16xf32>
        %parallel_loop3A_1247 = arith.constant 16 : i32
        %parallel_loop3A_1248 = arith.muli %parallel_loop3A_1129, %parallel_loop3A_1247 : i32
        %parallel_loop3A_1249 = arith.constant 7 : i32
        %parallel_loop3A_1250 = arith.index_cast %parallel_loop3A_1249 : i32 to index
        %parallel_loop3A_1251 = arith.index_cast %parallel_loop3A_1248 : i32 to index
        %parallel_loop3A_1252 = tpu.vector_load %arg8[%parallel_loop3A_1250, %parallel_loop3A_1251] {strides = array<i32>} : memref<16x1024xf32, #tpu.memory_space<vmem>>, vector<1x16xf32>,
        %parallel_loop3A_1253 = vector.shape_cast %parallel_loop3A_1252 : vector<1x16xf32> to vector<16xf32>
        %parallel_loop3A_1254 = vector.shape_cast %parallel_loop3A_1246 : vector<16xf32> to vector<1x16xf32>
        tpu.vector_store %arg8[%parallel_loop3A_1250, %parallel_loop3A_1251], %parallel_loop3A_1254 {strides = array<i32>} : memref<16x1024xf32, #tpu.memory_space<vmem>>, vector<1x16xf32>,
        %parallel_loop3A_1255 = arith.mulf %parallel_loop3A_1134, %broadcast_in_dim3A_677 : vector<16xf32>
        %parallel_loop3A_1256 = arith.constant 1.000000e+00 : f32
        %parallel_loop3A_1257 = vector.broadcast %parallel_loop3A_1256 : f32 to vector<16xf32>
        %parallel_loop3A_1258 = arith.addf %parallel_loop3A_1257, %parallel_loop3A_1255 : vector<16xf32>
        %parallel_loop3A_1259 = arith.constant 1.000000e+00 : f32
        %parallel_loop3A_1260 = vector.broadcast %parallel_loop3A_1259 : f32 to vector<16xf32>
        %parallel_loop3A_1261 = arith.divf %parallel_loop3A_1260, %parallel_loop3A_1258 : vector<16xf32>
        %parallel_loop3A_1262 = arith.constant 16 : i32
        %parallel_loop3A_1263 = arith.muli %parallel_loop3A_1129, %parallel_loop3A_1262 : i32
        %parallel_loop3A_1264 = arith.constant 8 : i32
        %parallel_loop3A_1265 = arith.index_cast %parallel_loop3A_1264 : i32 to index
        %parallel_loop3A_1266 = arith.index_cast %parallel_loop3A_1263 : i32 to index
        %parallel_loop3A_1267 = tpu.vector_load %arg8[%parallel_loop3A_1265, %parallel_loop3A_1266] {strides = array<i32>} : memref<16x1024xf32, #tpu.memory_space<vmem>>, vector<1x16xf32>,
        %parallel_loop3A_1268 = vector.shape_cast %parallel_loop3A_1267 : vector<1x16xf32> to vector<16xf32>
        %parallel_loop3A_1269 = vector.shape_cast %parallel_loop3A_1261 : vector<16xf32> to vector<1x16xf32>
        tpu.vector_store %arg8[%parallel_loop3A_1265, %parallel_loop3A_1266], %parallel_loop3A_1269 {strides = array<i32>} : memref<16x1024xf32, #tpu.memory_space<vmem>>, vector<1x16xf32>,
        %parallel_loop3A_1270 = arith.mulf %parallel_loop3A_1134, %broadcast_in_dim3A_680 : vector<16xf32>
        %parallel_loop3A_1271 = arith.constant 1.000000e+00 : f32
        %parallel_loop3A_1272 = vector.broadcast %parallel_loop3A_1271 : f32 to vector<16xf32>
        %parallel_loop3A_1273 = arith.addf %parallel_loop3A_1272, %parallel_loop3A_1270 : vector<16xf32>
        %parallel_loop3A_1274 = arith.constant 1.000000e+00 : f32
        %parallel_loop3A_1275 = vector.broadcast %parallel_loop3A_1274 : f32 to vector<16xf32>
        %parallel_loop3A_1276 = arith.divf %parallel_loop3A_1275, %parallel_loop3A_1273 : vector<16xf32>
        %parallel_loop3A_1277 = arith.constant 16 : i32
        %parallel_loop3A_1278 = arith.muli %parallel_loop3A_1129, %parallel_loop3A_1277 : i32
        %parallel_loop3A_1279 = arith.constant 9 : i32
        %parallel_loop3A_1280 = arith.index_cast %parallel_loop3A_1279 : i32 to index
        %parallel_loop3A_1281 = arith.index_cast %parallel_loop3A_1278 : i32 to index
        %parallel_loop3A_1282 = tpu.vector_load %arg8[%parallel_loop3A_1280, %parallel_loop3A_1281] {strides = array<i32>} : memref<16x1024xf32, #tpu.memory_space<vmem>>, vector<1x16xf32>,
        %parallel_loop3A_1283 = vector.shape_cast %parallel_loop3A_1282 : vector<1x16xf32> to vector<16xf32>
        %parallel_loop3A_1284 = vector.shape_cast %parallel_loop3A_1276 : vector<16xf32> to vector<1x16xf32>
        tpu.vector_store %arg8[%parallel_loop3A_1280, %parallel_loop3A_1281], %parallel_loop3A_1284 {strides = array<i32>} : memref<16x1024xf32, #tpu.memory_space<vmem>>, vector<1x16xf32>,
        %parallel_loop3A_1285 = arith.mulf %parallel_loop3A_1134, %broadcast_in_dim3A_683 : vector<16xf32>
        %parallel_loop3A_1286 = arith.constant 1.000000e+00 : f32
        %parallel_loop3A_1287 = vector.broadcast %parallel_loop3A_1286 : f32 to vector<16xf32>
        %parallel_loop3A_1288 = arith.addf %parallel_loop3A_1287, %parallel_loop3A_1285 : vector<16xf32>
        %parallel_loop3A_1289 = arith.constant 1.000000e+00 : f32
        %parallel_loop3A_1290 = vector.broadcast %parallel_loop3A_1289 : f32 to vector<16xf32>
        %parallel_loop3A_1291 = arith.divf %parallel_loop3A_1290, %parallel_loop3A_1288 : vector<16xf32>
        %parallel_loop3A_1292 = arith.constant 16 : i32
        %parallel_loop3A_1293 = arith.muli %parallel_loop3A_1129, %parallel_loop3A_1292 : i32
        %parallel_loop3A_1294 = arith.constant 10 : i32
        %parallel_loop3A_1295 = arith.index_cast %parallel_loop3A_1294 : i32 to index
        %parallel_loop3A_1296 = arith.index_cast %parallel_loop3A_1293 : i32 to index
        %parallel_loop3A_1297 = tpu.vector_load %arg8[%parallel_loop3A_1295, %parallel_loop3A_1296] {strides = array<i32>} : memref<16x1024xf32, #tpu.memory_space<vmem>>, vector<1x16xf32>,
        %parallel_loop3A_1298 = vector.shape_cast %parallel_loop3A_1297 : vector<1x16xf32> to vector<16xf32>
        %parallel_loop3A_1299 = vector.shape_cast %parallel_loop3A_1291 : vector<16xf32> to vector<1x16xf32>
        tpu.vector_store %arg8[%parallel_loop3A_1295, %parallel_loop3A_1296], %parallel_loop3A_1299 {strides = array<i32>} : memref<16x1024xf32, #tpu.memory_space<vmem>>, vector<1x16xf32>,
        %parallel_loop3A_1300 = arith.mulf %parallel_loop3A_1134, %broadcast_in_dim3A_686 : vector<16xf32>
        %parallel_loop3A_1301 = arith.constant 1.000000e+00 : f32
        %parallel_loop3A_1302 = vector.broadcast %parallel_loop3A_1301 : f32 to vector<16xf32>
        %parallel_loop3A_1303 = arith.addf %parallel_loop3A_1302, %parallel_loop3A_1300 : vector<16xf32>
        %parallel_loop3A_1304 = arith.constant 1.000000e+00 : f32
        %parallel_loop3A_1305 = vector.broadcast %parallel_loop3A_1304 : f32 to vector<16xf32>
        %parallel_loop3A_1306 = arith.divf %parallel_loop3A_1305, %parallel_loop3A_1303 : vector<16xf32>
        %parallel_loop3A_1307 = arith.constant 16 : i32
        %parallel_loop3A_1308 = arith.muli %parallel_loop3A_1129, %parallel_loop3A_1307 : i32
        %parallel_loop3A_1309 = arith.constant 11 : i32
        %parallel_loop3A_1310 = arith.index_cast %parallel_loop3A_1309 : i32 to index
        %parallel_loop3A_1311 = arith.index_cast %parallel_loop3A_1308 : i32 to index
        %parallel_loop3A_1312 = tpu.vector_load %arg8[%parallel_loop3A_1310, %parallel_loop3A_1311] {strides = array<i32>} : memref<16x1024xf32, #tpu.memory_space<vmem>>, vector<1x16xf32>,
        %parallel_loop3A_1313 = vector.shape_cast %parallel_loop3A_1312 : vector<1x16xf32> to vector<16xf32>
        %parallel_loop3A_1314 = vector.shape_cast %parallel_loop3A_1306 : vector<16xf32> to vector<1x16xf32>
        tpu.vector_store %arg8[%parallel_loop3A_1310, %parallel_loop3A_1311], %parallel_loop3A_1314 {strides = array<i32>} : memref<16x1024xf32, #tpu.memory_space<vmem>>, vector<1x16xf32>,
        %parallel_loop3A_1315 = arith.mulf %parallel_loop3A_1134, %broadcast_in_dim3A_689 : vector<16xf32>
        %parallel_loop3A_1316 = arith.constant 1.000000e+00 : f32
        %parallel_loop3A_1317 = vector.broadcast %parallel_loop3A_1316 : f32 to vector<16xf32>
        %parallel_loop3A_1318 = arith.addf %parallel_loop3A_1317, %parallel_loop3A_1315 : vector<16xf32>
        %parallel_loop3A_1319 = arith.constant 1.000000e+00 : f32
        %parallel_loop3A_1320 = vector.broadcast %parallel_loop3A_1319 : f32 to vector<16xf32>
        %parallel_loop3A_1321 = arith.divf %parallel_loop3A_1320, %parallel_loop3A_1318 : vector<16xf32>
        %parallel_loop3A_1322 = arith.constant 16 : i32
        %parallel_loop3A_1323 = arith.muli %parallel_loop3A_1129, %parallel_loop3A_1322 : i32
        %parallel_loop3A_1324 = arith.constant 12 : i32
        %parallel_loop3A_1325 = arith.index_cast %parallel_loop3A_1324 : i32 to index
        %parallel_loop3A_1326 = arith.index_cast %parallel_loop3A_1323 : i32 to index
        %parallel_loop3A_1327 = tpu.vector_load %arg8[%parallel_loop3A_1325, %parallel_loop3A_1326] {strides = array<i32>} : memref<16x1024xf32, #tpu.memory_space<vmem>>, vector<1x16xf32>,
        %parallel_loop3A_1328 = vector.shape_cast %parallel_loop3A_1327 : vector<1x16xf32> to vector<16xf32>
        %parallel_loop3A_1329 = vector.shape_cast %parallel_loop3A_1321 : vector<16xf32> to vector<1x16xf32>
        tpu.vector_store %arg8[%parallel_loop3A_1325, %parallel_loop3A_1326], %parallel_loop3A_1329 {strides = array<i32>} : memref<16x1024xf32, #tpu.memory_space<vmem>>, vector<1x16xf32>,
        %parallel_loop3A_1330 = arith.mulf %parallel_loop3A_1134, %broadcast_in_dim3A_692 : vector<16xf32>
        %parallel_loop3A_1331 = arith.constant 1.000000e+00 : f32
        %parallel_loop3A_1332 = vector.broadcast %parallel_loop3A_1331 : f32 to vector<16xf32>
        %parallel_loop3A_1333 = arith.addf %parallel_loop3A_1332, %parallel_loop3A_1330 : vector<16xf32>
        %parallel_loop3A_1334 = arith.constant 1.000000e+00 : f32
        %parallel_loop3A_1335 = vector.broadcast %parallel_loop3A_1334 : f32 to vector<16xf32>
        %parallel_loop3A_1336 = arith.divf %parallel_loop3A_1335, %parallel_loop3A_1333 : vector<16xf32>
        %parallel_loop3A_1337 = arith.constant 16 : i32
        %parallel_loop3A_1338 = arith.muli %parallel_loop3A_1129, %parallel_loop3A_1337 : i32
        %parallel_loop3A_1339 = arith.constant 13 : i32
        %parallel_loop3A_1340 = arith.index_cast %parallel_loop3A_1339 : i32 to index
        %parallel_loop3A_1341 = arith.index_cast %parallel_loop3A_1338 : i32 to index
        %parallel_loop3A_1342 = tpu.vector_load %arg8[%parallel_loop3A_1340, %parallel_loop3A_1341] {strides = array<i32>} : memref<16x1024xf32, #tpu.memory_space<vmem>>, vector<1x16xf32>,
        %parallel_loop3A_1343 = vector.shape_cast %parallel_loop3A_1342 : vector<1x16xf32> to vector<16xf32>
        %parallel_loop3A_1344 = vector.shape_cast %parallel_loop3A_1336 : vector<16xf32> to vector<1x16xf32>
        tpu.vector_store %arg8[%parallel_loop3A_1340, %parallel_loop3A_1341], %parallel_loop3A_1344 {strides = array<i32>} : memref<16x1024xf32, #tpu.memory_space<vmem>>, vector<1x16xf32>,
        %parallel_loop3A_1345 = arith.mulf %parallel_loop3A_1134, %broadcast_in_dim3A_695 : vector<16xf32>
        %parallel_loop3A_1346 = arith.constant 1.000000e+00 : f32
        %parallel_loop3A_1347 = vector.broadcast %parallel_loop3A_1346 : f32 to vector<16xf32>
        %parallel_loop3A_1348 = arith.addf %parallel_loop3A_1347, %parallel_loop3A_1345 : vector<16xf32>
        %parallel_loop3A_1349 = arith.constant 1.000000e+00 : f32
        %parallel_loop3A_1350 = vector.broadcast %parallel_loop3A_1349 : f32 to vector<16xf32>
        %parallel_loop3A_1351 = arith.divf %parallel_loop3A_1350, %parallel_loop3A_1348 : vector<16xf32>
        %parallel_loop3A_1352 = arith.constant 16 : i32
        %parallel_loop3A_1353 = arith.muli %parallel_loop3A_1129, %parallel_loop3A_1352 : i32
        %parallel_loop3A_1354 = arith.constant 14 : i32
        %parallel_loop3A_1355 = arith.index_cast %parallel_loop3A_1354 : i32 to index
        %parallel_loop3A_1356 = arith.index_cast %parallel_loop3A_1353 : i32 to index
        %parallel_loop3A_1357 = tpu.vector_load %arg8[%parallel_loop3A_1355, %parallel_loop3A_1356] {strides = array<i32>} : memref<16x1024xf32, #tpu.memory_space<vmem>>, vector<1x16xf32>,
        %parallel_loop3A_1358 = vector.shape_cast %parallel_loop3A_1357 : vector<1x16xf32> to vector<16xf32>
        %parallel_loop3A_1359 = vector.shape_cast %parallel_loop3A_1351 : vector<16xf32> to vector<1x16xf32>
        tpu.vector_store %arg8[%parallel_loop3A_1355, %parallel_loop3A_1356], %parallel_loop3A_1359 {strides = array<i32>} : memref<16x1024xf32, #tpu.memory_space<vmem>>, vector<1x16xf32>,
        %parallel_loop3A_1360 = arith.mulf %parallel_loop3A_1134, %broadcast_in_dim3A_698 : vector<16xf32>
        %parallel_loop3A_1361 = arith.constant 1.000000e+00 : f32
        %parallel_loop3A_1362 = vector.broadcast %parallel_loop3A_1361 : f32 to vector<16xf32>
        %parallel_loop3A_1363 = arith.addf %parallel_loop3A_1362, %parallel_loop3A_1360 : vector<16xf32>
        %parallel_loop3A_1364 = arith.constant 1.000000e+00 : f32
        %parallel_loop3A_1365 = vector.broadcast %parallel_loop3A_1364 : f32 to vector<16xf32>
        %parallel_loop3A_1366 = arith.divf %parallel_loop3A_1365, %parallel_loop3A_1363 : vector<16xf32>
        %parallel_loop3A_1367 = arith.constant 16 : i32
        %parallel_loop3A_1368 = arith.muli %parallel_loop3A_1129, %parallel_loop3A_1367 : i32
        %parallel_loop3A_1369 = arith.constant 15 : i32
        %parallel_loop3A_1370 = arith.index_cast %parallel_loop3A_1369 : i32 to index
        %parallel_loop3A_1371 = arith.index_cast %parallel_loop3A_1368 : i32 to index
        %parallel_loop3A_1372 = tpu.vector_load %arg8[%parallel_loop3A_1370, %parallel_loop3A_1371] {strides = array<i32>} : memref<16x1024xf32, #tpu.memory_space<vmem>>, vector<1x16xf32>,
        %parallel_loop3A_1373 = vector.shape_cast %parallel_loop3A_1372 : vector<1x16xf32> to vector<16xf32>
        %parallel_loop3A_1374 = vector.shape_cast %parallel_loop3A_1366 : vector<16xf32> to vector<1x16xf32>
        tpu.vector_store %arg8[%parallel_loop3A_1370, %parallel_loop3A_1371], %parallel_loop3A_1374 {strides = array<i32>} : memref<16x1024xf32, #tpu.memory_space<vmem>>, vector<1x16xf32>,
      } {sc.loop_unroll_factor = 2 : i64, sc.parallel_access}
      %add3A_701 = arith.constant 1 : i32
      %add3A_702 = arith.addi %add3A_592, %add3A_701 : i32
      %parallel_loop3A_703 = arith.constant 64 : i32
      %parallel_loop3A_704 = arith.constant 1 : i32
      scf.for %parallel_loop3A_1129 = %add3A_702 to %parallel_loop3A_703 step %parallel_loop3A_704  : i32 {
        %parallel_loop3A_1130 = arith.constant 16 : i32
        %parallel_loop3A_1131 = arith.muli %parallel_loop3A_1129, %parallel_loop3A_1130 : i32
        %parallel_loop3A_1132 = arith.index_cast %parallel_loop3A_1131 : i32 to index
        %parallel_loop3A_1133 = tpu.vector_load %arg6[%parallel_loop3A_1132] {strides = array<i32>} : memref<1024xf32, #tpu.memory_space<vmem>>, vector<16xf32>,
        %parallel_loop3A_1134 = vector.shape_cast %parallel_loop3A_1133 : vector<16xf32> to vector<16xf32>
        %parallel_loop3A_1135 = arith.mulf %broadcast_in_dim3A_605, %parallel_loop3A_1134 : vector<16xf32>
        %parallel_loop3A_1136 = arith.constant 1.000000e+00 : f32
        %parallel_loop3A_1137 = vector.broadcast %parallel_loop3A_1136 : f32 to vector<16xf32>
        %parallel_loop3A_1138 = arith.addf %parallel_loop3A_1137, %parallel_loop3A_1135 : vector<16xf32>
        %parallel_loop3A_1139 = arith.constant 1.000000e+00 : f32
        %parallel_loop3A_1140 = vector.broadcast %parallel_loop3A_1139 : f32 to vector<16xf32>
        %parallel_loop3A_1141 = arith.divf %parallel_loop3A_1140, %parallel_loop3A_1138 : vector<16xf32>
        %parallel_loop3A_1142 = arith.constant 16 : i32
        %parallel_loop3A_1143 = arith.muli %parallel_loop3A_1129, %parallel_loop3A_1142 : i32
        %parallel_loop3A_1144 = arith.constant 0 : i32
        %parallel_loop3A_1145 = arith.index_cast %parallel_loop3A_1144 : i32 to index
        %parallel_loop3A_1146 = arith.index_cast %parallel_loop3A_1143 : i32 to index
        %parallel_loop3A_1147 = tpu.vector_load %arg8[%parallel_loop3A_1145, %parallel_loop3A_1146] {strides = array<i32>} : memref<16x1024xf32, #tpu.memory_space<vmem>>, vector<1x16xf32>,
        %parallel_loop3A_1148 = vector.shape_cast %parallel_loop3A_1147 : vector<1x16xf32> to vector<16xf32>
        %parallel_loop3A_1149 = vector.shape_cast %parallel_loop3A_1141 : vector<16xf32> to vector<1x16xf32>
        tpu.vector_store %arg8[%parallel_loop3A_1145, %parallel_loop3A_1146], %parallel_loop3A_1149 {strides = array<i32>} : memref<16x1024xf32, #tpu.memory_space<vmem>>, vector<1x16xf32>,
        %parallel_loop3A_1150 = arith.mulf %broadcast_in_dim3A_608, %parallel_loop3A_1134 : vector<16xf32>
        %parallel_loop3A_1151 = arith.constant 1.000000e+00 : f32
        %parallel_loop3A_1152 = vector.broadcast %parallel_loop3A_1151 : f32 to vector<16xf32>
        %parallel_loop3A_1153 = arith.addf %parallel_loop3A_1152, %parallel_loop3A_1150 : vector<16xf32>
        %parallel_loop3A_1154 = arith.constant 1.000000e+00 : f32
        %parallel_loop3A_1155 = vector.broadcast %parallel_loop3A_1154 : f32 to vector<16xf32>
        %parallel_loop3A_1156 = arith.divf %parallel_loop3A_1155, %parallel_loop3A_1153 : vector<16xf32>
        %parallel_loop3A_1157 = arith.constant 16 : i32
        %parallel_loop3A_1158 = arith.muli %parallel_loop3A_1129, %parallel_loop3A_1157 : i32
        %parallel_loop3A_1159 = arith.constant 1 : i32
        %parallel_loop3A_1160 = arith.index_cast %parallel_loop3A_1159 : i32 to index
        %parallel_loop3A_1161 = arith.index_cast %parallel_loop3A_1158 : i32 to index
        %parallel_loop3A_1162 = tpu.vector_load %arg8[%parallel_loop3A_1160, %parallel_loop3A_1161] {strides = array<i32>} : memref<16x1024xf32, #tpu.memory_space<vmem>>, vector<1x16xf32>,
        %parallel_loop3A_1163 = vector.shape_cast %parallel_loop3A_1162 : vector<1x16xf32> to vector<16xf32>
        %parallel_loop3A_1164 = vector.shape_cast %parallel_loop3A_1156 : vector<16xf32> to vector<1x16xf32>
        tpu.vector_store %arg8[%parallel_loop3A_1160, %parallel_loop3A_1161], %parallel_loop3A_1164 {strides = array<i32>} : memref<16x1024xf32, #tpu.memory_space<vmem>>, vector<1x16xf32>,
        %parallel_loop3A_1165 = arith.mulf %broadcast_in_dim3A_611, %parallel_loop3A_1134 : vector<16xf32>
        %parallel_loop3A_1166 = arith.constant 1.000000e+00 : f32
        %parallel_loop3A_1167 = vector.broadcast %parallel_loop3A_1166 : f32 to vector<16xf32>
        %parallel_loop3A_1168 = arith.addf %parallel_loop3A_1167, %parallel_loop3A_1165 : vector<16xf32>
        %parallel_loop3A_1169 = arith.constant 1.000000e+00 : f32
        %parallel_loop3A_1170 = vector.broadcast %parallel_loop3A_1169 : f32 to vector<16xf32>
        %parallel_loop3A_1171 = arith.divf %parallel_loop3A_1170, %parallel_loop3A_1168 : vector<16xf32>
        %parallel_loop3A_1172 = arith.constant 16 : i32
        %parallel_loop3A_1173 = arith.muli %parallel_loop3A_1129, %parallel_loop3A_1172 : i32
        %parallel_loop3A_1174 = arith.constant 2 : i32
        %parallel_loop3A_1175 = arith.index_cast %parallel_loop3A_1174 : i32 to index
        %parallel_loop3A_1176 = arith.index_cast %parallel_loop3A_1173 : i32 to index
        %parallel_loop3A_1177 = tpu.vector_load %arg8[%parallel_loop3A_1175, %parallel_loop3A_1176] {strides = array<i32>} : memref<16x1024xf32, #tpu.memory_space<vmem>>, vector<1x16xf32>,
        %parallel_loop3A_1178 = vector.shape_cast %parallel_loop3A_1177 : vector<1x16xf32> to vector<16xf32>
        %parallel_loop3A_1179 = vector.shape_cast %parallel_loop3A_1171 : vector<16xf32> to vector<1x16xf32>
        tpu.vector_store %arg8[%parallel_loop3A_1175, %parallel_loop3A_1176], %parallel_loop3A_1179 {strides = array<i32>} : memref<16x1024xf32, #tpu.memory_space<vmem>>, vector<1x16xf32>,
        %parallel_loop3A_1180 = arith.mulf %broadcast_in_dim3A_614, %parallel_loop3A_1134 : vector<16xf32>
        %parallel_loop3A_1181 = arith.constant 1.000000e+00 : f32
        %parallel_loop3A_1182 = vector.broadcast %parallel_loop3A_1181 : f32 to vector<16xf32>
        %parallel_loop3A_1183 = arith.addf %parallel_loop3A_1182, %parallel_loop3A_1180 : vector<16xf32>
        %parallel_loop3A_1184 = arith.constant 1.000000e+00 : f32
        %parallel_loop3A_1185 = vector.broadcast %parallel_loop3A_1184 : f32 to vector<16xf32>
        %parallel_loop3A_1186 = arith.divf %parallel_loop3A_1185, %parallel_loop3A_1183 : vector<16xf32>
        %parallel_loop3A_1187 = arith.constant 16 : i32
        %parallel_loop3A_1188 = arith.muli %parallel_loop3A_1129, %parallel_loop3A_1187 : i32
        %parallel_loop3A_1189 = arith.constant 3 : i32
        %parallel_loop3A_1190 = arith.index_cast %parallel_loop3A_1189 : i32 to index
        %parallel_loop3A_1191 = arith.index_cast %parallel_loop3A_1188 : i32 to index
        %parallel_loop3A_1192 = tpu.vector_load %arg8[%parallel_loop3A_1190, %parallel_loop3A_1191] {strides = array<i32>} : memref<16x1024xf32, #tpu.memory_space<vmem>>, vector<1x16xf32>,
        %parallel_loop3A_1193 = vector.shape_cast %parallel_loop3A_1192 : vector<1x16xf32> to vector<16xf32>
        %parallel_loop3A_1194 = vector.shape_cast %parallel_loop3A_1186 : vector<16xf32> to vector<1x16xf32>
        tpu.vector_store %arg8[%parallel_loop3A_1190, %parallel_loop3A_1191], %parallel_loop3A_1194 {strides = array<i32>} : memref<16x1024xf32, #tpu.memory_space<vmem>>, vector<1x16xf32>,
        %parallel_loop3A_1195 = arith.mulf %broadcast_in_dim3A_617, %parallel_loop3A_1134 : vector<16xf32>
        %parallel_loop3A_1196 = arith.constant 1.000000e+00 : f32
        %parallel_loop3A_1197 = vector.broadcast %parallel_loop3A_1196 : f32 to vector<16xf32>
        %parallel_loop3A_1198 = arith.addf %parallel_loop3A_1197, %parallel_loop3A_1195 : vector<16xf32>
        %parallel_loop3A_1199 = arith.constant 1.000000e+00 : f32
        %parallel_loop3A_1200 = vector.broadcast %parallel_loop3A_1199 : f32 to vector<16xf32>
        %parallel_loop3A_1201 = arith.divf %parallel_loop3A_1200, %parallel_loop3A_1198 : vector<16xf32>
        %parallel_loop3A_1202 = arith.constant 16 : i32
        %parallel_loop3A_1203 = arith.muli %parallel_loop3A_1129, %parallel_loop3A_1202 : i32
        %parallel_loop3A_1204 = arith.constant 4 : i32
        %parallel_loop3A_1205 = arith.index_cast %parallel_loop3A_1204 : i32 to index
        %parallel_loop3A_1206 = arith.index_cast %parallel_loop3A_1203 : i32 to index
        %parallel_loop3A_1207 = tpu.vector_load %arg8[%parallel_loop3A_1205, %parallel_loop3A_1206] {strides = array<i32>} : memref<16x1024xf32, #tpu.memory_space<vmem>>, vector<1x16xf32>,
        %parallel_loop3A_1208 = vector.shape_cast %parallel_loop3A_1207 : vector<1x16xf32> to vector<16xf32>
        %parallel_loop3A_1209 = vector.shape_cast %parallel_loop3A_1201 : vector<16xf32> to vector<1x16xf32>
        tpu.vector_store %arg8[%parallel_loop3A_1205, %parallel_loop3A_1206], %parallel_loop3A_1209 {strides = array<i32>} : memref<16x1024xf32, #tpu.memory_space<vmem>>, vector<1x16xf32>,
        %parallel_loop3A_1210 = arith.mulf %broadcast_in_dim3A_620, %parallel_loop3A_1134 : vector<16xf32>
        %parallel_loop3A_1211 = arith.constant 1.000000e+00 : f32
        %parallel_loop3A_1212 = vector.broadcast %parallel_loop3A_1211 : f32 to vector<16xf32>
        %parallel_loop3A_1213 = arith.addf %parallel_loop3A_1212, %parallel_loop3A_1210 : vector<16xf32>
        %parallel_loop3A_1214 = arith.constant 1.000000e+00 : f32
        %parallel_loop3A_1215 = vector.broadcast %parallel_loop3A_1214 : f32 to vector<16xf32>
        %parallel_loop3A_1216 = arith.divf %parallel_loop3A_1215, %parallel_loop3A_1213 : vector<16xf32>
        %parallel_loop3A_1217 = arith.constant 16 : i32
        %parallel_loop3A_1218 = arith.muli %parallel_loop3A_1129, %parallel_loop3A_1217 : i32
        %parallel_loop3A_1219 = arith.constant 5 : i32
        %parallel_loop3A_1220 = arith.index_cast %parallel_loop3A_1219 : i32 to index
        %parallel_loop3A_1221 = arith.index_cast %parallel_loop3A_1218 : i32 to index
        %parallel_loop3A_1222 = tpu.vector_load %arg8[%parallel_loop3A_1220, %parallel_loop3A_1221] {strides = array<i32>} : memref<16x1024xf32, #tpu.memory_space<vmem>>, vector<1x16xf32>,
        %parallel_loop3A_1223 = vector.shape_cast %parallel_loop3A_1222 : vector<1x16xf32> to vector<16xf32>
        %parallel_loop3A_1224 = vector.shape_cast %parallel_loop3A_1216 : vector<16xf32> to vector<1x16xf32>
        tpu.vector_store %arg8[%parallel_loop3A_1220, %parallel_loop3A_1221], %parallel_loop3A_1224 {strides = array<i32>} : memref<16x1024xf32, #tpu.memory_space<vmem>>, vector<1x16xf32>,
        %parallel_loop3A_1225 = arith.mulf %broadcast_in_dim3A_623, %parallel_loop3A_1134 : vector<16xf32>
        %parallel_loop3A_1226 = arith.constant 1.000000e+00 : f32
        %parallel_loop3A_1227 = vector.broadcast %parallel_loop3A_1226 : f32 to vector<16xf32>
        %parallel_loop3A_1228 = arith.addf %parallel_loop3A_1227, %parallel_loop3A_1225 : vector<16xf32>
        %parallel_loop3A_1229 = arith.constant 1.000000e+00 : f32
        %parallel_loop3A_1230 = vector.broadcast %parallel_loop3A_1229 : f32 to vector<16xf32>
        %parallel_loop3A_1231 = arith.divf %parallel_loop3A_1230, %parallel_loop3A_1228 : vector<16xf32>
        %parallel_loop3A_1232 = arith.constant 16 : i32
        %parallel_loop3A_1233 = arith.muli %parallel_loop3A_1129, %parallel_loop3A_1232 : i32
        %parallel_loop3A_1234 = arith.constant 6 : i32
        %parallel_loop3A_1235 = arith.index_cast %parallel_loop3A_1234 : i32 to index
        %parallel_loop3A_1236 = arith.index_cast %parallel_loop3A_1233 : i32 to index
        %parallel_loop3A_1237 = tpu.vector_load %arg8[%parallel_loop3A_1235, %parallel_loop3A_1236] {strides = array<i32>} : memref<16x1024xf32, #tpu.memory_space<vmem>>, vector<1x16xf32>,
        %parallel_loop3A_1238 = vector.shape_cast %parallel_loop3A_1237 : vector<1x16xf32> to vector<16xf32>
        %parallel_loop3A_1239 = vector.shape_cast %parallel_loop3A_1231 : vector<16xf32> to vector<1x16xf32>
        tpu.vector_store %arg8[%parallel_loop3A_1235, %parallel_loop3A_1236], %parallel_loop3A_1239 {strides = array<i32>} : memref<16x1024xf32, #tpu.memory_space<vmem>>, vector<1x16xf32>,
        %parallel_loop3A_1240 = arith.mulf %broadcast_in_dim3A_626, %parallel_loop3A_1134 : vector<16xf32>
        %parallel_loop3A_1241 = arith.constant 1.000000e+00 : f32
        %parallel_loop3A_1242 = vector.broadcast %parallel_loop3A_1241 : f32 to vector<16xf32>
        %parallel_loop3A_1243 = arith.addf %parallel_loop3A_1242, %parallel_loop3A_1240 : vector<16xf32>
        %parallel_loop3A_1244 = arith.constant 1.000000e+00 : f32
        %parallel_loop3A_1245 = vector.broadcast %parallel_loop3A_1244 : f32 to vector<16xf32>
        %parallel_loop3A_1246 = arith.divf %parallel_loop3A_1245, %parallel_loop3A_1243 : vector<16xf32>
        %parallel_loop3A_1247 = arith.constant 16 : i32
        %parallel_loop3A_1248 = arith.muli %parallel_loop3A_1129, %parallel_loop3A_1247 : i32
        %parallel_loop3A_1249 = arith.constant 7 : i32
        %parallel_loop3A_1250 = arith.index_cast %parallel_loop3A_1249 : i32 to index
        %parallel_loop3A_1251 = arith.index_cast %parallel_loop3A_1248 : i32 to index
        %parallel_loop3A_1252 = tpu.vector_load %arg8[%parallel_loop3A_1250, %parallel_loop3A_1251] {strides = array<i32>} : memref<16x1024xf32, #tpu.memory_space<vmem>>, vector<1x16xf32>,
        %parallel_loop3A_1253 = vector.shape_cast %parallel_loop3A_1252 : vector<1x16xf32> to vector<16xf32>
        %parallel_loop3A_1254 = vector.shape_cast %parallel_loop3A_1246 : vector<16xf32> to vector<1x16xf32>
        tpu.vector_store %arg8[%parallel_loop3A_1250, %parallel_loop3A_1251], %parallel_loop3A_1254 {strides = array<i32>} : memref<16x1024xf32, #tpu.memory_space<vmem>>, vector<1x16xf32>,
        %parallel_loop3A_1255 = arith.mulf %broadcast_in_dim3A_629, %parallel_loop3A_1134 : vector<16xf32>
        %parallel_loop3A_1256 = arith.constant 1.000000e+00 : f32
        %parallel_loop3A_1257 = vector.broadcast %parallel_loop3A_1256 : f32 to vector<16xf32>
        %parallel_loop3A_1258 = arith.addf %parallel_loop3A_1257, %parallel_loop3A_1255 : vector<16xf32>
        %parallel_loop3A_1259 = arith.constant 1.000000e+00 : f32
        %parallel_loop3A_1260 = vector.broadcast %parallel_loop3A_1259 : f32 to vector<16xf32>
        %parallel_loop3A_1261 = arith.divf %parallel_loop3A_1260, %parallel_loop3A_1258 : vector<16xf32>
        %parallel_loop3A_1262 = arith.constant 16 : i32
        %parallel_loop3A_1263 = arith.muli %parallel_loop3A_1129, %parallel_loop3A_1262 : i32
        %parallel_loop3A_1264 = arith.constant 8 : i32
        %parallel_loop3A_1265 = arith.index_cast %parallel_loop3A_1264 : i32 to index
        %parallel_loop3A_1266 = arith.index_cast %parallel_loop3A_1263 : i32 to index
        %parallel_loop3A_1267 = tpu.vector_load %arg8[%parallel_loop3A_1265, %parallel_loop3A_1266] {strides = array<i32>} : memref<16x1024xf32, #tpu.memory_space<vmem>>, vector<1x16xf32>,
        %parallel_loop3A_1268 = vector.shape_cast %parallel_loop3A_1267 : vector<1x16xf32> to vector<16xf32>
        %parallel_loop3A_1269 = vector.shape_cast %parallel_loop3A_1261 : vector<16xf32> to vector<1x16xf32>
        tpu.vector_store %arg8[%parallel_loop3A_1265, %parallel_loop3A_1266], %parallel_loop3A_1269 {strides = array<i32>} : memref<16x1024xf32, #tpu.memory_space<vmem>>, vector<1x16xf32>,
        %parallel_loop3A_1270 = arith.mulf %broadcast_in_dim3A_632, %parallel_loop3A_1134 : vector<16xf32>
        %parallel_loop3A_1271 = arith.constant 1.000000e+00 : f32
        %parallel_loop3A_1272 = vector.broadcast %parallel_loop3A_1271 : f32 to vector<16xf32>
        %parallel_loop3A_1273 = arith.addf %parallel_loop3A_1272, %parallel_loop3A_1270 : vector<16xf32>
        %parallel_loop3A_1274 = arith.constant 1.000000e+00 : f32
        %parallel_loop3A_1275 = vector.broadcast %parallel_loop3A_1274 : f32 to vector<16xf32>
        %parallel_loop3A_1276 = arith.divf %parallel_loop3A_1275, %parallel_loop3A_1273 : vector<16xf32>
        %parallel_loop3A_1277 = arith.constant 16 : i32
        %parallel_loop3A_1278 = arith.muli %parallel_loop3A_1129, %parallel_loop3A_1277 : i32
        %parallel_loop3A_1279 = arith.constant 9 : i32
        %parallel_loop3A_1280 = arith.index_cast %parallel_loop3A_1279 : i32 to index
        %parallel_loop3A_1281 = arith.index_cast %parallel_loop3A_1278 : i32 to index
        %parallel_loop3A_1282 = tpu.vector_load %arg8[%parallel_loop3A_1280, %parallel_loop3A_1281] {strides = array<i32>} : memref<16x1024xf32, #tpu.memory_space<vmem>>, vector<1x16xf32>,
        %parallel_loop3A_1283 = vector.shape_cast %parallel_loop3A_1282 : vector<1x16xf32> to vector<16xf32>
        %parallel_loop3A_1284 = vector.shape_cast %parallel_loop3A_1276 : vector<16xf32> to vector<1x16xf32>
        tpu.vector_store %arg8[%parallel_loop3A_1280, %parallel_loop3A_1281], %parallel_loop3A_1284 {strides = array<i32>} : memref<16x1024xf32, #tpu.memory_space<vmem>>, vector<1x16xf32>,
        %parallel_loop3A_1285 = arith.mulf %broadcast_in_dim3A_635, %parallel_loop3A_1134 : vector<16xf32>
        %parallel_loop3A_1286 = arith.constant 1.000000e+00 : f32
        %parallel_loop3A_1287 = vector.broadcast %parallel_loop3A_1286 : f32 to vector<16xf32>
        %parallel_loop3A_1288 = arith.addf %parallel_loop3A_1287, %parallel_loop3A_1285 : vector<16xf32>
        %parallel_loop3A_1289 = arith.constant 1.000000e+00 : f32
        %parallel_loop3A_1290 = vector.broadcast %parallel_loop3A_1289 : f32 to vector<16xf32>
        %parallel_loop3A_1291 = arith.divf %parallel_loop3A_1290, %parallel_loop3A_1288 : vector<16xf32>
        %parallel_loop3A_1292 = arith.constant 16 : i32
        %parallel_loop3A_1293 = arith.muli %parallel_loop3A_1129, %parallel_loop3A_1292 : i32
        %parallel_loop3A_1294 = arith.constant 10 : i32
        %parallel_loop3A_1295 = arith.index_cast %parallel_loop3A_1294 : i32 to index
        %parallel_loop3A_1296 = arith.index_cast %parallel_loop3A_1293 : i32 to index
        %parallel_loop3A_1297 = tpu.vector_load %arg8[%parallel_loop3A_1295, %parallel_loop3A_1296] {strides = array<i32>} : memref<16x1024xf32, #tpu.memory_space<vmem>>, vector<1x16xf32>,
        %parallel_loop3A_1298 = vector.shape_cast %parallel_loop3A_1297 : vector<1x16xf32> to vector<16xf32>
        %parallel_loop3A_1299 = vector.shape_cast %parallel_loop3A_1291 : vector<16xf32> to vector<1x16xf32>
        tpu.vector_store %arg8[%parallel_loop3A_1295, %parallel_loop3A_1296], %parallel_loop3A_1299 {strides = array<i32>} : memref<16x1024xf32, #tpu.memory_space<vmem>>, vector<1x16xf32>,
        %parallel_loop3A_1300 = arith.mulf %broadcast_in_dim3A_638, %parallel_loop3A_1134 : vector<16xf32>
        %parallel_loop3A_1301 = arith.constant 1.000000e+00 : f32
        %parallel_loop3A_1302 = vector.broadcast %parallel_loop3A_1301 : f32 to vector<16xf32>
        %parallel_loop3A_1303 = arith.addf %parallel_loop3A_1302, %parallel_loop3A_1300 : vector<16xf32>
        %parallel_loop3A_1304 = arith.constant 1.000000e+00 : f32
        %parallel_loop3A_1305 = vector.broadcast %parallel_loop3A_1304 : f32 to vector<16xf32>
        %parallel_loop3A_1306 = arith.divf %parallel_loop3A_1305, %parallel_loop3A_1303 : vector<16xf32>
        %parallel_loop3A_1307 = arith.constant 16 : i32
        %parallel_loop3A_1308 = arith.muli %parallel_loop3A_1129, %parallel_loop3A_1307 : i32
        %parallel_loop3A_1309 = arith.constant 11 : i32
        %parallel_loop3A_1310 = arith.index_cast %parallel_loop3A_1309 : i32 to index
        %parallel_loop3A_1311 = arith.index_cast %parallel_loop3A_1308 : i32 to index
        %parallel_loop3A_1312 = tpu.vector_load %arg8[%parallel_loop3A_1310, %parallel_loop3A_1311] {strides = array<i32>} : memref<16x1024xf32, #tpu.memory_space<vmem>>, vector<1x16xf32>,
        %parallel_loop3A_1313 = vector.shape_cast %parallel_loop3A_1312 : vector<1x16xf32> to vector<16xf32>
        %parallel_loop3A_1314 = vector.shape_cast %parallel_loop3A_1306 : vector<16xf32> to vector<1x16xf32>
        tpu.vector_store %arg8[%parallel_loop3A_1310, %parallel_loop3A_1311], %parallel_loop3A_1314 {strides = array<i32>} : memref<16x1024xf32, #tpu.memory_space<vmem>>, vector<1x16xf32>,
        %parallel_loop3A_1315 = arith.mulf %broadcast_in_dim3A_641, %parallel_loop3A_1134 : vector<16xf32>
        %parallel_loop3A_1316 = arith.constant 1.000000e+00 : f32
        %parallel_loop3A_1317 = vector.broadcast %parallel_loop3A_1316 : f32 to vector<16xf32>
        %parallel_loop3A_1318 = arith.addf %parallel_loop3A_1317, %parallel_loop3A_1315 : vector<16xf32>
        %parallel_loop3A_1319 = arith.constant 1.000000e+00 : f32
        %parallel_loop3A_1320 = vector.broadcast %parallel_loop3A_1319 : f32 to vector<16xf32>
        %parallel_loop3A_1321 = arith.divf %parallel_loop3A_1320, %parallel_loop3A_1318 : vector<16xf32>
        %parallel_loop3A_1322 = arith.constant 16 : i32
        %parallel_loop3A_1323 = arith.muli %parallel_loop3A_1129, %parallel_loop3A_1322 : i32
        %parallel_loop3A_1324 = arith.constant 12 : i32
        %parallel_loop3A_1325 = arith.index_cast %parallel_loop3A_1324 : i32 to index
        %parallel_loop3A_1326 = arith.index_cast %parallel_loop3A_1323 : i32 to index
        %parallel_loop3A_1327 = tpu.vector_load %arg8[%parallel_loop3A_1325, %parallel_loop3A_1326] {strides = array<i32>} : memref<16x1024xf32, #tpu.memory_space<vmem>>, vector<1x16xf32>,
        %parallel_loop3A_1328 = vector.shape_cast %parallel_loop3A_1327 : vector<1x16xf32> to vector<16xf32>
        %parallel_loop3A_1329 = vector.shape_cast %parallel_loop3A_1321 : vector<16xf32> to vector<1x16xf32>
        tpu.vector_store %arg8[%parallel_loop3A_1325, %parallel_loop3A_1326], %parallel_loop3A_1329 {strides = array<i32>} : memref<16x1024xf32, #tpu.memory_space<vmem>>, vector<1x16xf32>,
        %parallel_loop3A_1330 = arith.mulf %broadcast_in_dim3A_644, %parallel_loop3A_1134 : vector<16xf32>
        %parallel_loop3A_1331 = arith.constant 1.000000e+00 : f32
        %parallel_loop3A_1332 = vector.broadcast %parallel_loop3A_1331 : f32 to vector<16xf32>
        %parallel_loop3A_1333 = arith.addf %parallel_loop3A_1332, %parallel_loop3A_1330 : vector<16xf32>
        %parallel_loop3A_1334 = arith.constant 1.000000e+00 : f32
        %parallel_loop3A_1335 = vector.broadcast %parallel_loop3A_1334 : f32 to vector<16xf32>
        %parallel_loop3A_1336 = arith.divf %parallel_loop3A_1335, %parallel_loop3A_1333 : vector<16xf32>
        %parallel_loop3A_1337 = arith.constant 16 : i32
        %parallel_loop3A_1338 = arith.muli %parallel_loop3A_1129, %parallel_loop3A_1337 : i32
        %parallel_loop3A_1339 = arith.constant 13 : i32
        %parallel_loop3A_1340 = arith.index_cast %parallel_loop3A_1339 : i32 to index
        %parallel_loop3A_1341 = arith.index_cast %parallel_loop3A_1338 : i32 to index
        %parallel_loop3A_1342 = tpu.vector_load %arg8[%parallel_loop3A_1340, %parallel_loop3A_1341] {strides = array<i32>} : memref<16x1024xf32, #tpu.memory_space<vmem>>, vector<1x16xf32>,
        %parallel_loop3A_1343 = vector.shape_cast %parallel_loop3A_1342 : vector<1x16xf32> to vector<16xf32>
        %parallel_loop3A_1344 = vector.shape_cast %parallel_loop3A_1336 : vector<16xf32> to vector<1x16xf32>
        tpu.vector_store %arg8[%parallel_loop3A_1340, %parallel_loop3A_1341], %parallel_loop3A_1344 {strides = array<i32>} : memref<16x1024xf32, #tpu.memory_space<vmem>>, vector<1x16xf32>,
        %parallel_loop3A_1345 = arith.mulf %broadcast_in_dim3A_647, %parallel_loop3A_1134 : vector<16xf32>
        %parallel_loop3A_1346 = arith.constant 1.000000e+00 : f32
        %parallel_loop3A_1347 = vector.broadcast %parallel_loop3A_1346 : f32 to vector<16xf32>
        %parallel_loop3A_1348 = arith.addf %parallel_loop3A_1347, %parallel_loop3A_1345 : vector<16xf32>
        %parallel_loop3A_1349 = arith.constant 1.000000e+00 : f32
        %parallel_loop3A_1350 = vector.broadcast %parallel_loop3A_1349 : f32 to vector<16xf32>
        %parallel_loop3A_1351 = arith.divf %parallel_loop3A_1350, %parallel_loop3A_1348 : vector<16xf32>
        %parallel_loop3A_1352 = arith.constant 16 : i32
        %parallel_loop3A_1353 = arith.muli %parallel_loop3A_1129, %parallel_loop3A_1352 : i32
        %parallel_loop3A_1354 = arith.constant 14 : i32
        %parallel_loop3A_1355 = arith.index_cast %parallel_loop3A_1354 : i32 to index
        %parallel_loop3A_1356 = arith.index_cast %parallel_loop3A_1353 : i32 to index
        %parallel_loop3A_1357 = tpu.vector_load %arg8[%parallel_loop3A_1355, %parallel_loop3A_1356] {strides = array<i32>} : memref<16x1024xf32, #tpu.memory_space<vmem>>, vector<1x16xf32>,
        %parallel_loop3A_1358 = vector.shape_cast %parallel_loop3A_1357 : vector<1x16xf32> to vector<16xf32>
        %parallel_loop3A_1359 = vector.shape_cast %parallel_loop3A_1351 : vector<16xf32> to vector<1x16xf32>
        tpu.vector_store %arg8[%parallel_loop3A_1355, %parallel_loop3A_1356], %parallel_loop3A_1359 {strides = array<i32>} : memref<16x1024xf32, #tpu.memory_space<vmem>>, vector<1x16xf32>,
        %parallel_loop3A_1360 = arith.mulf %broadcast_in_dim3A_650, %parallel_loop3A_1134 : vector<16xf32>
        %parallel_loop3A_1361 = arith.constant 1.000000e+00 : f32
        %parallel_loop3A_1362 = vector.broadcast %parallel_loop3A_1361 : f32 to vector<16xf32>
        %parallel_loop3A_1363 = arith.addf %parallel_loop3A_1362, %parallel_loop3A_1360 : vector<16xf32>
        %parallel_loop3A_1364 = arith.constant 1.000000e+00 : f32
        %parallel_loop3A_1365 = vector.broadcast %parallel_loop3A_1364 : f32 to vector<16xf32>
        %parallel_loop3A_1366 = arith.divf %parallel_loop3A_1365, %parallel_loop3A_1363 : vector<16xf32>
        %parallel_loop3A_1367 = arith.constant 16 : i32
        %parallel_loop3A_1368 = arith.muli %parallel_loop3A_1129, %parallel_loop3A_1367 : i32
        %parallel_loop3A_1369 = arith.constant 15 : i32
        %parallel_loop3A_1370 = arith.index_cast %parallel_loop3A_1369 : i32 to index
        %parallel_loop3A_1371 = arith.index_cast %parallel_loop3A_1368 : i32 to index
        %parallel_loop3A_1372 = tpu.vector_load %arg8[%parallel_loop3A_1370, %parallel_loop3A_1371] {strides = array<i32>} : memref<16x1024xf32, #tpu.memory_space<vmem>>, vector<1x16xf32>,
        %parallel_loop3A_1373 = vector.shape_cast %parallel_loop3A_1372 : vector<1x16xf32> to vector<16xf32>
        %parallel_loop3A_1374 = vector.shape_cast %parallel_loop3A_1366 : vector<16xf32> to vector<1x16xf32>
        tpu.vector_store %arg8[%parallel_loop3A_1370, %parallel_loop3A_1371], %parallel_loop3A_1374 {strides = array<i32>} : memref<16x1024xf32, #tpu.memory_space<vmem>>, vector<1x16xf32>,
      } {sc.loop_unroll_factor = 2 : i64, sc.parallel_access}
      %gt3A_705 = arith.constant 0 : i32
      %gt3A_706 = vector.broadcast %gt3A_705 : i32 to vector<16xi32>
      %gt3A_707 = arith.cmpi sgt, %iota3A, %gt3A_706 : vector<16xi32>
      %mul3A_708 = arith.mulf %broadcast_in_dim3A_605, %get3A_602 : vector<16xf32>
      %mul3A_709 = arith.mulf %get3A_597, %broadcast_in_dim3A_653 : vector<16xf32>
      %select_n3A_710 = arith.select %gt3A_707, %mul3A_708, %mul3A_709 : vector<16xi1>, vector<16xf32>
      %add3A_711 = arith.constant 1.000000e+00 : f32
      %add3A_712 = vector.broadcast %add3A_711 : f32 to vector<16xf32>
      %add3A_713 = arith.addf %add3A_712, %select_n3A_710 : vector<16xf32>
      %div3A_714 = arith.constant 1.000000e+00 : f32
      %div3A_715 = vector.broadcast %div3A_714 : f32 to vector<16xf32>
      %div3A_716 = arith.divf %div3A_715, %add3A_713 : vector<16xf32>
      %eq3A_717 = arith.constant 0 : i32
      %eq3A_718 = vector.broadcast %eq3A_717 : i32 to vector<16xi32>
      %eq3A_719 = arith.cmpi eq, %iota3A, %eq3A_718 : vector<16xi32>
      %jit3A_720 = arith.constant 0.000000e+00 : f32
      %broadcast_in_dim3A_721 = vector.broadcast %jit3A_720 : f32 to vector<16xf32>
      %select_n3A_722 = arith.select %eq3A_719, %broadcast_in_dim3A_721, %div3A_716 : vector<16xi1>, vector<16xf32>
      %mul3A_723 = arith.constant 16 : i32
      %mul3A_724 = arith.muli %add3A_592, %mul3A_723 : i32
      %swap3A_725 = arith.constant 0 : i32
      %swap3A_726 = arith.index_cast %swap3A_725 : i32 to index
      %swap3A_727 = arith.index_cast %mul3A_724 : i32 to index
      %swap3A_728 = tpu.vector_load %arg8[%swap3A_726, %swap3A_727] {strides = array<i32>} : memref<16x1024xf32, #tpu.memory_space<vmem>>, vector<1x16xf32>,
      %swap3A_729 = vector.shape_cast %swap3A_728 : vector<1x16xf32> to vector<16xf32>
      %swap3A_730 = vector.shape_cast %select_n3A_722 : vector<16xf32> to vector<1x16xf32>
      tpu.vector_store %arg8[%swap3A_726, %swap3A_727], %swap3A_730 {strides = array<i32>} : memref<16x1024xf32, #tpu.memory_space<vmem>>, vector<1x16xf32>,
      %gt3A_731 = arith.constant 1 : i32
      %gt3A_732 = vector.broadcast %gt3A_731 : i32 to vector<16xi32>
      %gt3A_733 = arith.cmpi sgt, %iota3A, %gt3A_732 : vector<16xi32>
      %mul3A_734 = arith.mulf %broadcast_in_dim3A_608, %get3A_602 : vector<16xf32>
      %mul3A_735 = arith.mulf %get3A_597, %broadcast_in_dim3A_656 : vector<16xf32>
      %select_n3A_736 = arith.select %gt3A_733, %mul3A_734, %mul3A_735 : vector<16xi1>, vector<16xf32>
      %add3A_737 = arith.constant 1.000000e+00 : f32
      %add3A_738 = vector.broadcast %add3A_737 : f32 to vector<16xf32>
      %add3A_739 = arith.addf %add3A_738, %select_n3A_736 : vector<16xf32>
      %div3A_740 = arith.constant 1.000000e+00 : f32
      %div3A_741 = vector.broadcast %div3A_740 : f32 to vector<16xf32>
      %div3A_742 = arith.divf %div3A_741, %add3A_739 : vector<16xf32>
      %eq3A_743 = arith.constant 1 : i32
      %eq3A_744 = vector.broadcast %eq3A_743 : i32 to vector<16xi32>
      %eq3A_745 = arith.cmpi eq, %iota3A, %eq3A_744 : vector<16xi32>
      %jit3A_746 = arith.constant 0.000000e+00 : f32
      %broadcast_in_dim3A_747 = vector.broadcast %jit3A_746 : f32 to vector<16xf32>
      %select_n3A_748 = arith.select %eq3A_745, %broadcast_in_dim3A_747, %div3A_742 : vector<16xi1>, vector<16xf32>
      %mul3A_749 = arith.constant 16 : i32
      %mul3A_750 = arith.muli %add3A_592, %mul3A_749 : i32
      %swap3A_751 = arith.constant 1 : i32
      %swap3A_752 = arith.index_cast %swap3A_751 : i32 to index
      %swap3A_753 = arith.index_cast %mul3A_750 : i32 to index
      %swap3A_754 = tpu.vector_load %arg8[%swap3A_752, %swap3A_753] {strides = array<i32>} : memref<16x1024xf32, #tpu.memory_space<vmem>>, vector<1x16xf32>,
      %swap3A_755 = vector.shape_cast %swap3A_754 : vector<1x16xf32> to vector<16xf32>
      %swap3A_756 = vector.shape_cast %select_n3A_748 : vector<16xf32> to vector<1x16xf32>
      tpu.vector_store %arg8[%swap3A_752, %swap3A_753], %swap3A_756 {strides = array<i32>} : memref<16x1024xf32, #tpu.memory_space<vmem>>, vector<1x16xf32>,
      %gt3A_757 = arith.constant 2 : i32
      %gt3A_758 = vector.broadcast %gt3A_757 : i32 to vector<16xi32>
      %gt3A_759 = arith.cmpi sgt, %iota3A, %gt3A_758 : vector<16xi32>
      %mul3A_760 = arith.mulf %broadcast_in_dim3A_611, %get3A_602 : vector<16xf32>
      %mul3A_761 = arith.mulf %get3A_597, %broadcast_in_dim3A_659 : vector<16xf32>
      %select_n3A_762 = arith.select %gt3A_759, %mul3A_760, %mul3A_761 : vector<16xi1>, vector<16xf32>
      %add3A_763 = arith.constant 1.000000e+00 : f32
      %add3A_764 = vector.broadcast %add3A_763 : f32 to vector<16xf32>
      %add3A_765 = arith.addf %add3A_764, %select_n3A_762 : vector<16xf32>
      %div3A_766 = arith.constant 1.000000e+00 : f32
      %div3A_767 = vector.broadcast %div3A_766 : f32 to vector<16xf32>
      %div3A_768 = arith.divf %div3A_767, %add3A_765 : vector<16xf32>
      %eq3A_769 = arith.constant 2 : i32
      %eq3A_770 = vector.broadcast %eq3A_769 : i32 to vector<16xi32>
      %eq3A_771 = arith.cmpi eq, %iota3A, %eq3A_770 : vector<16xi32>
      %jit3A_772 = arith.constant 0.000000e+00 : f32
      %broadcast_in_dim3A_773 = vector.broadcast %jit3A_772 : f32 to vector<16xf32>
      %select_n3A_774 = arith.select %eq3A_771, %broadcast_in_dim3A_773, %div3A_768 : vector<16xi1>, vector<16xf32>
      %mul3A_775 = arith.constant 16 : i32
      %mul3A_776 = arith.muli %add3A_592, %mul3A_775 : i32
      %swap3A_777 = arith.constant 2 : i32
      %swap3A_778 = arith.index_cast %swap3A_777 : i32 to index
      %swap3A_779 = arith.index_cast %mul3A_776 : i32 to index
      %swap3A_780 = tpu.vector_load %arg8[%swap3A_778, %swap3A_779] {strides = array<i32>} : memref<16x1024xf32, #tpu.memory_space<vmem>>, vector<1x16xf32>,
      %swap3A_781 = vector.shape_cast %swap3A_780 : vector<1x16xf32> to vector<16xf32>
      %swap3A_782 = vector.shape_cast %select_n3A_774 : vector<16xf32> to vector<1x16xf32>
      tpu.vector_store %arg8[%swap3A_778, %swap3A_779], %swap3A_782 {strides = array<i32>} : memref<16x1024xf32, #tpu.memory_space<vmem>>, vector<1x16xf32>,
      %gt3A_783 = arith.constant 3 : i32
      %gt3A_784 = vector.broadcast %gt3A_783 : i32 to vector<16xi32>
      %gt3A_785 = arith.cmpi sgt, %iota3A, %gt3A_784 : vector<16xi32>
      %mul3A_786 = arith.mulf %broadcast_in_dim3A_614, %get3A_602 : vector<16xf32>
      %mul3A_787 = arith.mulf %get3A_597, %broadcast_in_dim3A_662 : vector<16xf32>
      %select_n3A_788 = arith.select %gt3A_785, %mul3A_786, %mul3A_787 : vector<16xi1>, vector<16xf32>
      %add3A_789 = arith.constant 1.000000e+00 : f32
      %add3A_790 = vector.broadcast %add3A_789 : f32 to vector<16xf32>
      %add3A_791 = arith.addf %add3A_790, %select_n3A_788 : vector<16xf32>
      %div3A_792 = arith.constant 1.000000e+00 : f32
      %div3A_793 = vector.broadcast %div3A_792 : f32 to vector<16xf32>
      %div3A_794 = arith.divf %div3A_793, %add3A_791 : vector<16xf32>
      %eq3A_795 = arith.constant 3 : i32
      %eq3A_796 = vector.broadcast %eq3A_795 : i32 to vector<16xi32>
      %eq3A_797 = arith.cmpi eq, %iota3A, %eq3A_796 : vector<16xi32>
      %jit3A_798 = arith.constant 0.000000e+00 : f32
      %broadcast_in_dim3A_799 = vector.broadcast %jit3A_798 : f32 to vector<16xf32>
      %select_n3A_800 = arith.select %eq3A_797, %broadcast_in_dim3A_799, %div3A_794 : vector<16xi1>, vector<16xf32>
      %mul3A_801 = arith.constant 16 : i32
      %mul3A_802 = arith.muli %add3A_592, %mul3A_801 : i32
      %swap3A_803 = arith.constant 3 : i32
      %swap3A_804 = arith.index_cast %swap3A_803 : i32 to index
      %swap3A_805 = arith.index_cast %mul3A_802 : i32 to index
      %swap3A_806 = tpu.vector_load %arg8[%swap3A_804, %swap3A_805] {strides = array<i32>} : memref<16x1024xf32, #tpu.memory_space<vmem>>, vector<1x16xf32>,
      %swap3A_807 = vector.shape_cast %swap3A_806 : vector<1x16xf32> to vector<16xf32>
      %swap3A_808 = vector.shape_cast %select_n3A_800 : vector<16xf32> to vector<1x16xf32>
      tpu.vector_store %arg8[%swap3A_804, %swap3A_805], %swap3A_808 {strides = array<i32>} : memref<16x1024xf32, #tpu.memory_space<vmem>>, vector<1x16xf32>,
      %gt3A_809 = arith.constant 4 : i32
      %gt3A_810 = vector.broadcast %gt3A_809 : i32 to vector<16xi32>
      %gt3A_811 = arith.cmpi sgt, %iota3A, %gt3A_810 : vector<16xi32>
      %mul3A_812 = arith.mulf %broadcast_in_dim3A_617, %get3A_602 : vector<16xf32>
      %mul3A_813 = arith.mulf %get3A_597, %broadcast_in_dim3A_665 : vector<16xf32>
      %select_n3A_814 = arith.select %gt3A_811, %mul3A_812, %mul3A_813 : vector<16xi1>, vector<16xf32>
      %add3A_815 = arith.constant 1.000000e+00 : f32
      %add3A_816 = vector.broadcast %add3A_815 : f32 to vector<16xf32>
      %add3A_817 = arith.addf %add3A_816, %select_n3A_814 : vector<16xf32>
      %div3A_818 = arith.constant 1.000000e+00 : f32
      %div3A_819 = vector.broadcast %div3A_818 : f32 to vector<16xf32>
      %div3A_820 = arith.divf %div3A_819, %add3A_817 : vector<16xf32>
      %eq3A_821 = arith.constant 4 : i32
      %eq3A_822 = vector.broadcast %eq3A_821 : i32 to vector<16xi32>
      %eq3A_823 = arith.cmpi eq, %iota3A, %eq3A_822 : vector<16xi32>
      %jit3A_824 = arith.constant 0.000000e+00 : f32
      %broadcast_in_dim3A_825 = vector.broadcast %jit3A_824 : f32 to vector<16xf32>
      %select_n3A_826 = arith.select %eq3A_823, %broadcast_in_dim3A_825, %div3A_820 : vector<16xi1>, vector<16xf32>
      %mul3A_827 = arith.constant 16 : i32
      %mul3A_828 = arith.muli %add3A_592, %mul3A_827 : i32
      %swap3A_829 = arith.constant 4 : i32
      %swap3A_830 = arith.index_cast %swap3A_829 : i32 to index
      %swap3A_831 = arith.index_cast %mul3A_828 : i32 to index
      %swap3A_832 = tpu.vector_load %arg8[%swap3A_830, %swap3A_831] {strides = array<i32>} : memref<16x1024xf32, #tpu.memory_space<vmem>>, vector<1x16xf32>,
      %swap3A_833 = vector.shape_cast %swap3A_832 : vector<1x16xf32> to vector<16xf32>
      %swap3A_834 = vector.shape_cast %select_n3A_826 : vector<16xf32> to vector<1x16xf32>
      tpu.vector_store %arg8[%swap3A_830, %swap3A_831], %swap3A_834 {strides = array<i32>} : memref<16x1024xf32, #tpu.memory_space<vmem>>, vector<1x16xf32>,
      %gt3A_835 = arith.constant 5 : i32
      %gt3A_836 = vector.broadcast %gt3A_835 : i32 to vector<16xi32>
      %gt3A_837 = arith.cmpi sgt, %iota3A, %gt3A_836 : vector<16xi32>
      %mul3A_838 = arith.mulf %broadcast_in_dim3A_620, %get3A_602 : vector<16xf32>
      %mul3A_839 = arith.mulf %get3A_597, %broadcast_in_dim3A_668 : vector<16xf32>
      %select_n3A_840 = arith.select %gt3A_837, %mul3A_838, %mul3A_839 : vector<16xi1>, vector<16xf32>
      %add3A_841 = arith.constant 1.000000e+00 : f32
      %add3A_842 = vector.broadcast %add3A_841 : f32 to vector<16xf32>
      %add3A_843 = arith.addf %add3A_842, %select_n3A_840 : vector<16xf32>
      %div3A_844 = arith.constant 1.000000e+00 : f32
      %div3A_845 = vector.broadcast %div3A_844 : f32 to vector<16xf32>
      %div3A_846 = arith.divf %div3A_845, %add3A_843 : vector<16xf32>
      %eq3A_847 = arith.constant 5 : i32
      %eq3A_848 = vector.broadcast %eq3A_847 : i32 to vector<16xi32>
      %eq3A_849 = arith.cmpi eq, %iota3A, %eq3A_848 : vector<16xi32>
      %jit3A_850 = arith.constant 0.000000e+00 : f32
      %broadcast_in_dim3A_851 = vector.broadcast %jit3A_850 : f32 to vector<16xf32>
      %select_n3A_852 = arith.select %eq3A_849, %broadcast_in_dim3A_851, %div3A_846 : vector<16xi1>, vector<16xf32>
      %mul3A_853 = arith.constant 16 : i32
      %mul3A_854 = arith.muli %add3A_592, %mul3A_853 : i32
      %swap3A_855 = arith.constant 5 : i32
      %swap3A_856 = arith.index_cast %swap3A_855 : i32 to index
      %swap3A_857 = arith.index_cast %mul3A_854 : i32 to index
      %swap3A_858 = tpu.vector_load %arg8[%swap3A_856, %swap3A_857] {strides = array<i32>} : memref<16x1024xf32, #tpu.memory_space<vmem>>, vector<1x16xf32>,
      %swap3A_859 = vector.shape_cast %swap3A_858 : vector<1x16xf32> to vector<16xf32>
      %swap3A_860 = vector.shape_cast %select_n3A_852 : vector<16xf32> to vector<1x16xf32>
      tpu.vector_store %arg8[%swap3A_856, %swap3A_857], %swap3A_860 {strides = array<i32>} : memref<16x1024xf32, #tpu.memory_space<vmem>>, vector<1x16xf32>,
      %gt3A_861 = arith.constant 6 : i32
      %gt3A_862 = vector.broadcast %gt3A_861 : i32 to vector<16xi32>
      %gt3A_863 = arith.cmpi sgt, %iota3A, %gt3A_862 : vector<16xi32>
      %mul3A_864 = arith.mulf %broadcast_in_dim3A_623, %get3A_602 : vector<16xf32>
      %mul3A_865 = arith.mulf %get3A_597, %broadcast_in_dim3A_671 : vector<16xf32>
      %select_n3A_866 = arith.select %gt3A_863, %mul3A_864, %mul3A_865 : vector<16xi1>, vector<16xf32>
      %add3A_867 = arith.constant 1.000000e+00 : f32
      %add3A_868 = vector.broadcast %add3A_867 : f32 to vector<16xf32>
      %add3A_869 = arith.addf %add3A_868, %select_n3A_866 : vector<16xf32>
      %div3A_870 = arith.constant 1.000000e+00 : f32
      %div3A_871 = vector.broadcast %div3A_870 : f32 to vector<16xf32>
      %div3A_872 = arith.divf %div3A_871, %add3A_869 : vector<16xf32>
      %eq3A_873 = arith.constant 6 : i32
      %eq3A_874 = vector.broadcast %eq3A_873 : i32 to vector<16xi32>
      %eq3A_875 = arith.cmpi eq, %iota3A, %eq3A_874 : vector<16xi32>
      %jit3A_876 = arith.constant 0.000000e+00 : f32
      %broadcast_in_dim3A_877 = vector.broadcast %jit3A_876 : f32 to vector<16xf32>
      %select_n3A_878 = arith.select %eq3A_875, %broadcast_in_dim3A_877, %div3A_872 : vector<16xi1>, vector<16xf32>
      %mul3A_879 = arith.constant 16 : i32
      %mul3A_880 = arith.muli %add3A_592, %mul3A_879 : i32
      %swap3A_881 = arith.constant 6 : i32
      %swap3A_882 = arith.index_cast %swap3A_881 : i32 to index
      %swap3A_883 = arith.index_cast %mul3A_880 : i32 to index
      %swap3A_884 = tpu.vector_load %arg8[%swap3A_882, %swap3A_883] {strides = array<i32>} : memref<16x1024xf32, #tpu.memory_space<vmem>>, vector<1x16xf32>,
      %swap3A_885 = vector.shape_cast %swap3A_884 : vector<1x16xf32> to vector<16xf32>
      %swap3A_886 = vector.shape_cast %select_n3A_878 : vector<16xf32> to vector<1x16xf32>
      tpu.vector_store %arg8[%swap3A_882, %swap3A_883], %swap3A_886 {strides = array<i32>} : memref<16x1024xf32, #tpu.memory_space<vmem>>, vector<1x16xf32>,
      %gt3A_887 = arith.constant 7 : i32
      %gt3A_888 = vector.broadcast %gt3A_887 : i32 to vector<16xi32>
      %gt3A_889 = arith.cmpi sgt, %iota3A, %gt3A_888 : vector<16xi32>
      %mul3A_890 = arith.mulf %broadcast_in_dim3A_626, %get3A_602 : vector<16xf32>
      %mul3A_891 = arith.mulf %get3A_597, %broadcast_in_dim3A_674 : vector<16xf32>
      %select_n3A_892 = arith.select %gt3A_889, %mul3A_890, %mul3A_891 : vector<16xi1>, vector<16xf32>
      %add3A_893 = arith.constant 1.000000e+00 : f32
      %add3A_894 = vector.broadcast %add3A_893 : f32 to vector<16xf32>
      %add3A_895 = arith.addf %add3A_894, %select_n3A_892 : vector<16xf32>
      %div3A_896 = arith.constant 1.000000e+00 : f32
      %div3A_897 = vector.broadcast %div3A_896 : f32 to vector<16xf32>
      %div3A_898 = arith.divf %div3A_897, %add3A_895 : vector<16xf32>
      %eq3A_899 = arith.constant 7 : i32
      %eq3A_900 = vector.broadcast %eq3A_899 : i32 to vector<16xi32>
      %eq3A_901 = arith.cmpi eq, %iota3A, %eq3A_900 : vector<16xi32>
      %jit3A_902 = arith.constant 0.000000e+00 : f32
      %broadcast_in_dim3A_903 = vector.broadcast %jit3A_902 : f32 to vector<16xf32>
      %select_n3A_904 = arith.select %eq3A_901, %broadcast_in_dim3A_903, %div3A_898 : vector<16xi1>, vector<16xf32>
      %mul3A_905 = arith.constant 16 : i32
      %mul3A_906 = arith.muli %add3A_592, %mul3A_905 : i32
      %swap3A_907 = arith.constant 7 : i32
      %swap3A_908 = arith.index_cast %swap3A_907 : i32 to index
      %swap3A_909 = arith.index_cast %mul3A_906 : i32 to index
      %swap3A_910 = tpu.vector_load %arg8[%swap3A_908, %swap3A_909] {strides = array<i32>} : memref<16x1024xf32, #tpu.memory_space<vmem>>, vector<1x16xf32>,
      %swap3A_911 = vector.shape_cast %swap3A_910 : vector<1x16xf32> to vector<16xf32>
      %swap3A_912 = vector.shape_cast %select_n3A_904 : vector<16xf32> to vector<1x16xf32>
      tpu.vector_store %arg8[%swap3A_908, %swap3A_909], %swap3A_912 {strides = array<i32>} : memref<16x1024xf32, #tpu.memory_space<vmem>>, vector<1x16xf32>,
      %gt3A_913 = arith.constant 8 : i32
      %gt3A_914 = vector.broadcast %gt3A_913 : i32 to vector<16xi32>
      %gt3A_915 = arith.cmpi sgt, %iota3A, %gt3A_914 : vector<16xi32>
      %mul3A_916 = arith.mulf %broadcast_in_dim3A_629, %get3A_602 : vector<16xf32>
      %mul3A_917 = arith.mulf %get3A_597, %broadcast_in_dim3A_677 : vector<16xf32>
      %select_n3A_918 = arith.select %gt3A_915, %mul3A_916, %mul3A_917 : vector<16xi1>, vector<16xf32>
      %add3A_919 = arith.constant 1.000000e+00 : f32
      %add3A_920 = vector.broadcast %add3A_919 : f32 to vector<16xf32>
      %add3A_921 = arith.addf %add3A_920, %select_n3A_918 : vector<16xf32>
      %div3A_922 = arith.constant 1.000000e+00 : f32
      %div3A_923 = vector.broadcast %div3A_922 : f32 to vector<16xf32>
      %div3A_924 = arith.divf %div3A_923, %add3A_921 : vector<16xf32>
      %eq3A_925 = arith.constant 8 : i32
      %eq3A_926 = vector.broadcast %eq3A_925 : i32 to vector<16xi32>
      %eq3A_927 = arith.cmpi eq, %iota3A, %eq3A_926 : vector<16xi32>
      %jit3A_928 = arith.constant 0.000000e+00 : f32
      %broadcast_in_dim3A_929 = vector.broadcast %jit3A_928 : f32 to vector<16xf32>
      %select_n3A_930 = arith.select %eq3A_927, %broadcast_in_dim3A_929, %div3A_924 : vector<16xi1>, vector<16xf32>
      %mul3A_931 = arith.constant 16 : i32
      %mul3A_932 = arith.muli %add3A_592, %mul3A_931 : i32
      %swap3A_933 = arith.constant 8 : i32
      %swap3A_934 = arith.index_cast %swap3A_933 : i32 to index
      %swap3A_935 = arith.index_cast %mul3A_932 : i32 to index
      %swap3A_936 = tpu.vector_load %arg8[%swap3A_934, %swap3A_935] {strides = array<i32>} : memref<16x1024xf32, #tpu.memory_space<vmem>>, vector<1x16xf32>,
      %swap3A_937 = vector.shape_cast %swap3A_936 : vector<1x16xf32> to vector<16xf32>
      %swap3A_938 = vector.shape_cast %select_n3A_930 : vector<16xf32> to vector<1x16xf32>
      tpu.vector_store %arg8[%swap3A_934, %swap3A_935], %swap3A_938 {strides = array<i32>} : memref<16x1024xf32, #tpu.memory_space<vmem>>, vector<1x16xf32>,
      %gt3A_939 = arith.constant 9 : i32
      %gt3A_940 = vector.broadcast %gt3A_939 : i32 to vector<16xi32>
      %gt3A_941 = arith.cmpi sgt, %iota3A, %gt3A_940 : vector<16xi32>
      %mul3A_942 = arith.mulf %broadcast_in_dim3A_632, %get3A_602 : vector<16xf32>
      %mul3A_943 = arith.mulf %get3A_597, %broadcast_in_dim3A_680 : vector<16xf32>
      %select_n3A_944 = arith.select %gt3A_941, %mul3A_942, %mul3A_943 : vector<16xi1>, vector<16xf32>
      %add3A_945 = arith.constant 1.000000e+00 : f32
      %add3A_946 = vector.broadcast %add3A_945 : f32 to vector<16xf32>
      %add3A_947 = arith.addf %add3A_946, %select_n3A_944 : vector<16xf32>
      %div3A_948 = arith.constant 1.000000e+00 : f32
      %div3A_949 = vector.broadcast %div3A_948 : f32 to vector<16xf32>
      %div3A_950 = arith.divf %div3A_949, %add3A_947 : vector<16xf32>
      %eq3A_951 = arith.constant 9 : i32
      %eq3A_952 = vector.broadcast %eq3A_951 : i32 to vector<16xi32>
      %eq3A_953 = arith.cmpi eq, %iota3A, %eq3A_952 : vector<16xi32>
      %jit3A_954 = arith.constant 0.000000e+00 : f32
      %broadcast_in_dim3A_955 = vector.broadcast %jit3A_954 : f32 to vector<16xf32>
      %select_n3A_956 = arith.select %eq3A_953, %broadcast_in_dim3A_955, %div3A_950 : vector<16xi1>, vector<16xf32>
      %mul3A_957 = arith.constant 16 : i32
      %mul3A_958 = arith.muli %add3A_592, %mul3A_957 : i32
      %swap3A_959 = arith.constant 9 : i32
      %swap3A_960 = arith.index_cast %swap3A_959 : i32 to index
      %swap3A_961 = arith.index_cast %mul3A_958 : i32 to index
      %swap3A_962 = tpu.vector_load %arg8[%swap3A_960, %swap3A_961] {strides = array<i32>} : memref<16x1024xf32, #tpu.memory_space<vmem>>, vector<1x16xf32>,
      %swap3A_963 = vector.shape_cast %swap3A_962 : vector<1x16xf32> to vector<16xf32>
      %swap3A_964 = vector.shape_cast %select_n3A_956 : vector<16xf32> to vector<1x16xf32>
      tpu.vector_store %arg8[%swap3A_960, %swap3A_961], %swap3A_964 {strides = array<i32>} : memref<16x1024xf32, #tpu.memory_space<vmem>>, vector<1x16xf32>,
      %gt3A_965 = arith.constant 10 : i32
      %gt3A_966 = vector.broadcast %gt3A_965 : i32 to vector<16xi32>
      %gt3A_967 = arith.cmpi sgt, %iota3A, %gt3A_966 : vector<16xi32>
      %mul3A_968 = arith.mulf %broadcast_in_dim3A_635, %get3A_602 : vector<16xf32>
      %mul3A_969 = arith.mulf %get3A_597, %broadcast_in_dim3A_683 : vector<16xf32>
      %select_n3A_970 = arith.select %gt3A_967, %mul3A_968, %mul3A_969 : vector<16xi1>, vector<16xf32>
      %add3A_971 = arith.constant 1.000000e+00 : f32
      %add3A_972 = vector.broadcast %add3A_971 : f32 to vector<16xf32>
      %add3A_973 = arith.addf %add3A_972, %select_n3A_970 : vector<16xf32>
      %div3A_974 = arith.constant 1.000000e+00 : f32
      %div3A_975 = vector.broadcast %div3A_974 : f32 to vector<16xf32>
      %div3A_976 = arith.divf %div3A_975, %add3A_973 : vector<16xf32>
      %eq3A_977 = arith.constant 10 : i32
      %eq3A_978 = vector.broadcast %eq3A_977 : i32 to vector<16xi32>
      %eq3A_979 = arith.cmpi eq, %iota3A, %eq3A_978 : vector<16xi32>
      %jit3A_980 = arith.constant 0.000000e+00 : f32
      %broadcast_in_dim3A_981 = vector.broadcast %jit3A_980 : f32 to vector<16xf32>
      %select_n3A_982 = arith.select %eq3A_979, %broadcast_in_dim3A_981, %div3A_976 : vector<16xi1>, vector<16xf32>
      %mul3A_983 = arith.constant 16 : i32
      %mul3A_984 = arith.muli %add3A_592, %mul3A_983 : i32
      %swap3A_985 = arith.constant 10 : i32
      %swap3A_986 = arith.index_cast %swap3A_985 : i32 to index
      %swap3A_987 = arith.index_cast %mul3A_984 : i32 to index
      %swap3A_988 = tpu.vector_load %arg8[%swap3A_986, %swap3A_987] {strides = array<i32>} : memref<16x1024xf32, #tpu.memory_space<vmem>>, vector<1x16xf32>,
      %swap3A_989 = vector.shape_cast %swap3A_988 : vector<1x16xf32> to vector<16xf32>
      %swap3A_990 = vector.shape_cast %select_n3A_982 : vector<16xf32> to vector<1x16xf32>
      tpu.vector_store %arg8[%swap3A_986, %swap3A_987], %swap3A_990 {strides = array<i32>} : memref<16x1024xf32, #tpu.memory_space<vmem>>, vector<1x16xf32>,
      %gt3A_991 = arith.constant 11 : i32
      %gt3A_992 = vector.broadcast %gt3A_991 : i32 to vector<16xi32>
      %gt3A_993 = arith.cmpi sgt, %iota3A, %gt3A_992 : vector<16xi32>
      %mul3A_994 = arith.mulf %broadcast_in_dim3A_638, %get3A_602 : vector<16xf32>
      %mul3A_995 = arith.mulf %get3A_597, %broadcast_in_dim3A_686 : vector<16xf32>
      %select_n3A_996 = arith.select %gt3A_993, %mul3A_994, %mul3A_995 : vector<16xi1>, vector<16xf32>
      %add3A_997 = arith.constant 1.000000e+00 : f32
      %add3A_998 = vector.broadcast %add3A_997 : f32 to vector<16xf32>
      %add3A_999 = arith.addf %add3A_998, %select_n3A_996 : vector<16xf32>
      %div3A_1000 = arith.constant 1.000000e+00 : f32
      %div3A_1001 = vector.broadcast %div3A_1000 : f32 to vector<16xf32>
      %div3A_1002 = arith.divf %div3A_1001, %add3A_999 : vector<16xf32>
      %eq3A_1003 = arith.constant 11 : i32
      %eq3A_1004 = vector.broadcast %eq3A_1003 : i32 to vector<16xi32>
      %eq3A_1005 = arith.cmpi eq, %iota3A, %eq3A_1004 : vector<16xi32>
      %jit3A_1006 = arith.constant 0.000000e+00 : f32
      %broadcast_in_dim3A_1007 = vector.broadcast %jit3A_1006 : f32 to vector<16xf32>
      %select_n3A_1008 = arith.select %eq3A_1005, %broadcast_in_dim3A_1007, %div3A_1002 : vector<16xi1>, vector<16xf32>
      %mul3A_1009 = arith.constant 16 : i32
      %mul3A_1010 = arith.muli %add3A_592, %mul3A_1009 : i32
      %swap3A_1011 = arith.constant 11 : i32
      %swap3A_1012 = arith.index_cast %swap3A_1011 : i32 to index
      %swap3A_1013 = arith.index_cast %mul3A_1010 : i32 to index
      %swap3A_1014 = tpu.vector_load %arg8[%swap3A_1012, %swap3A_1013] {strides = array<i32>} : memref<16x1024xf32, #tpu.memory_space<vmem>>, vector<1x16xf32>,
      %swap3A_1015 = vector.shape_cast %swap3A_1014 : vector<1x16xf32> to vector<16xf32>
      %swap3A_1016 = vector.shape_cast %select_n3A_1008 : vector<16xf32> to vector<1x16xf32>
      tpu.vector_store %arg8[%swap3A_1012, %swap3A_1013], %swap3A_1016 {strides = array<i32>} : memref<16x1024xf32, #tpu.memory_space<vmem>>, vector<1x16xf32>,
      %gt3A_1017 = arith.constant 12 : i32
      %gt3A_1018 = vector.broadcast %gt3A_1017 : i32 to vector<16xi32>
      %gt3A_1019 = arith.cmpi sgt, %iota3A, %gt3A_1018 : vector<16xi32>
      %mul3A_1020 = arith.mulf %broadcast_in_dim3A_641, %get3A_602 : vector<16xf32>
      %mul3A_1021 = arith.mulf %get3A_597, %broadcast_in_dim3A_689 : vector<16xf32>
      %select_n3A_1022 = arith.select %gt3A_1019, %mul3A_1020, %mul3A_1021 : vector<16xi1>, vector<16xf32>
      %add3A_1023 = arith.constant 1.000000e+00 : f32
      %add3A_1024 = vector.broadcast %add3A_1023 : f32 to vector<16xf32>
      %add3A_1025 = arith.addf %add3A_1024, %select_n3A_1022 : vector<16xf32>
      %div3A_1026 = arith.constant 1.000000e+00 : f32
      %div3A_1027 = vector.broadcast %div3A_1026 : f32 to vector<16xf32>
      %div3A_1028 = arith.divf %div3A_1027, %add3A_1025 : vector<16xf32>
      %eq3A_1029 = arith.constant 12 : i32
      %eq3A_1030 = vector.broadcast %eq3A_1029 : i32 to vector<16xi32>
      %eq3A_1031 = arith.cmpi eq, %iota3A, %eq3A_1030 : vector<16xi32>
      %jit3A_1032 = arith.constant 0.000000e+00 : f32
      %broadcast_in_dim3A_1033 = vector.broadcast %jit3A_1032 : f32 to vector<16xf32>
      %select_n3A_1034 = arith.select %eq3A_1031, %broadcast_in_dim3A_1033, %div3A_1028 : vector<16xi1>, vector<16xf32>
      %mul3A_1035 = arith.constant 16 : i32
      %mul3A_1036 = arith.muli %add3A_592, %mul3A_1035 : i32
      %swap3A_1037 = arith.constant 12 : i32
      %swap3A_1038 = arith.index_cast %swap3A_1037 : i32 to index
      %swap3A_1039 = arith.index_cast %mul3A_1036 : i32 to index
      %swap3A_1040 = tpu.vector_load %arg8[%swap3A_1038, %swap3A_1039] {strides = array<i32>} : memref<16x1024xf32, #tpu.memory_space<vmem>>, vector<1x16xf32>,
      %swap3A_1041 = vector.shape_cast %swap3A_1040 : vector<1x16xf32> to vector<16xf32>
      %swap3A_1042 = vector.shape_cast %select_n3A_1034 : vector<16xf32> to vector<1x16xf32>
      tpu.vector_store %arg8[%swap3A_1038, %swap3A_1039], %swap3A_1042 {strides = array<i32>} : memref<16x1024xf32, #tpu.memory_space<vmem>>, vector<1x16xf32>,
      %gt3A_1043 = arith.constant 13 : i32
      %gt3A_1044 = vector.broadcast %gt3A_1043 : i32 to vector<16xi32>
      %gt3A_1045 = arith.cmpi sgt, %iota3A, %gt3A_1044 : vector<16xi32>
      %mul3A_1046 = arith.mulf %broadcast_in_dim3A_644, %get3A_602 : vector<16xf32>
      %mul3A_1047 = arith.mulf %get3A_597, %broadcast_in_dim3A_692 : vector<16xf32>
      %select_n3A_1048 = arith.select %gt3A_1045, %mul3A_1046, %mul3A_1047 : vector<16xi1>, vector<16xf32>
      %add3A_1049 = arith.constant 1.000000e+00 : f32
      %add3A_1050 = vector.broadcast %add3A_1049 : f32 to vector<16xf32>
      %add3A_1051 = arith.addf %add3A_1050, %select_n3A_1048 : vector<16xf32>
      %div3A_1052 = arith.constant 1.000000e+00 : f32
      %div3A_1053 = vector.broadcast %div3A_1052 : f32 to vector<16xf32>
      %div3A_1054 = arith.divf %div3A_1053, %add3A_1051 : vector<16xf32>
      %eq3A_1055 = arith.constant 13 : i32
      %eq3A_1056 = vector.broadcast %eq3A_1055 : i32 to vector<16xi32>
      %eq3A_1057 = arith.cmpi eq, %iota3A, %eq3A_1056 : vector<16xi32>
      %jit3A_1058 = arith.constant 0.000000e+00 : f32
      %broadcast_in_dim3A_1059 = vector.broadcast %jit3A_1058 : f32 to vector<16xf32>
      %select_n3A_1060 = arith.select %eq3A_1057, %broadcast_in_dim3A_1059, %div3A_1054 : vector<16xi1>, vector<16xf32>
      %mul3A_1061 = arith.constant 16 : i32
      %mul3A_1062 = arith.muli %add3A_592, %mul3A_1061 : i32
      %swap3A_1063 = arith.constant 13 : i32
      %swap3A_1064 = arith.index_cast %swap3A_1063 : i32 to index
      %swap3A_1065 = arith.index_cast %mul3A_1062 : i32 to index
      %swap3A_1066 = tpu.vector_load %arg8[%swap3A_1064, %swap3A_1065] {strides = array<i32>} : memref<16x1024xf32, #tpu.memory_space<vmem>>, vector<1x16xf32>,
      %swap3A_1067 = vector.shape_cast %swap3A_1066 : vector<1x16xf32> to vector<16xf32>
      %swap3A_1068 = vector.shape_cast %select_n3A_1060 : vector<16xf32> to vector<1x16xf32>
      tpu.vector_store %arg8[%swap3A_1064, %swap3A_1065], %swap3A_1068 {strides = array<i32>} : memref<16x1024xf32, #tpu.memory_space<vmem>>, vector<1x16xf32>,
      %gt3A_1069 = arith.constant 14 : i32
      %gt3A_1070 = vector.broadcast %gt3A_1069 : i32 to vector<16xi32>
      %gt3A_1071 = arith.cmpi sgt, %iota3A, %gt3A_1070 : vector<16xi32>
      %mul3A_1072 = arith.mulf %broadcast_in_dim3A_647, %get3A_602 : vector<16xf32>
      %mul3A_1073 = arith.mulf %get3A_597, %broadcast_in_dim3A_695 : vector<16xf32>
      %select_n3A_1074 = arith.select %gt3A_1071, %mul3A_1072, %mul3A_1073 : vector<16xi1>, vector<16xf32>
      %add3A_1075 = arith.constant 1.000000e+00 : f32
      %add3A_1076 = vector.broadcast %add3A_1075 : f32 to vector<16xf32>
      %add3A_1077 = arith.addf %add3A_1076, %select_n3A_1074 : vector<16xf32>
      %div3A_1078 = arith.constant 1.000000e+00 : f32
      %div3A_1079 = vector.broadcast %div3A_1078 : f32 to vector<16xf32>
      %div3A_1080 = arith.divf %div3A_1079, %add3A_1077 : vector<16xf32>
      %eq3A_1081 = arith.constant 14 : i32
      %eq3A_1082 = vector.broadcast %eq3A_1081 : i32 to vector<16xi32>
      %eq3A_1083 = arith.cmpi eq, %iota3A, %eq3A_1082 : vector<16xi32>
      %jit3A_1084 = arith.constant 0.000000e+00 : f32
      %broadcast_in_dim3A_1085 = vector.broadcast %jit3A_1084 : f32 to vector<16xf32>
      %select_n3A_1086 = arith.select %eq3A_1083, %broadcast_in_dim3A_1085, %div3A_1080 : vector<16xi1>, vector<16xf32>
      %mul3A_1087 = arith.constant 16 : i32
      %mul3A_1088 = arith.muli %add3A_592, %mul3A_1087 : i32
      %swap3A_1089 = arith.constant 14 : i32
      %swap3A_1090 = arith.index_cast %swap3A_1089 : i32 to index
      %swap3A_1091 = arith.index_cast %mul3A_1088 : i32 to index
      %swap3A_1092 = tpu.vector_load %arg8[%swap3A_1090, %swap3A_1091] {strides = array<i32>} : memref<16x1024xf32, #tpu.memory_space<vmem>>, vector<1x16xf32>,
      %swap3A_1093 = vector.shape_cast %swap3A_1092 : vector<1x16xf32> to vector<16xf32>
      %swap3A_1094 = vector.shape_cast %select_n3A_1086 : vector<16xf32> to vector<1x16xf32>
      tpu.vector_store %arg8[%swap3A_1090, %swap3A_1091], %swap3A_1094 {strides = array<i32>} : memref<16x1024xf32, #tpu.memory_space<vmem>>, vector<1x16xf32>,
      %gt3A_1095 = arith.constant 15 : i32
      %gt3A_1096 = vector.broadcast %gt3A_1095 : i32 to vector<16xi32>
      %gt3A_1097 = arith.cmpi sgt, %iota3A, %gt3A_1096 : vector<16xi32>
      %mul3A_1098 = arith.mulf %broadcast_in_dim3A_650, %get3A_602 : vector<16xf32>
      %mul3A_1099 = arith.mulf %get3A_597, %broadcast_in_dim3A_698 : vector<16xf32>
      %select_n3A_1100 = arith.select %gt3A_1097, %mul3A_1098, %mul3A_1099 : vector<16xi1>, vector<16xf32>
      %add3A_1101 = arith.constant 1.000000e+00 : f32
      %add3A_1102 = vector.broadcast %add3A_1101 : f32 to vector<16xf32>
      %add3A_1103 = arith.addf %add3A_1102, %select_n3A_1100 : vector<16xf32>
      %div3A_1104 = arith.constant 1.000000e+00 : f32
      %div3A_1105 = vector.broadcast %div3A_1104 : f32 to vector<16xf32>
      %div3A_1106 = arith.divf %div3A_1105, %add3A_1103 : vector<16xf32>
      %eq3A_1107 = arith.constant 15 : i32
      %eq3A_1108 = vector.broadcast %eq3A_1107 : i32 to vector<16xi32>
      %eq3A_1109 = arith.cmpi eq, %iota3A, %eq3A_1108 : vector<16xi32>
      %jit3A_1110 = arith.constant 0.000000e+00 : f32
      %broadcast_in_dim3A_1111 = vector.broadcast %jit3A_1110 : f32 to vector<16xf32>
      %select_n3A_1112 = arith.select %eq3A_1109, %broadcast_in_dim3A_1111, %div3A_1106 : vector<16xi1>, vector<16xf32>
      %mul3A_1113 = arith.constant 16 : i32
      %mul3A_1114 = arith.muli %add3A_592, %mul3A_1113 : i32
      %swap3A_1115 = arith.constant 15 : i32
      %swap3A_1116 = arith.index_cast %swap3A_1115 : i32 to index
      %swap3A_1117 = arith.index_cast %mul3A_1114 : i32 to index
      %swap3A_1118 = tpu.vector_load %arg8[%swap3A_1116, %swap3A_1117] {strides = array<i32>} : memref<16x1024xf32, #tpu.memory_space<vmem>>, vector<1x16xf32>,
      %swap3A_1119 = vector.shape_cast %swap3A_1118 : vector<1x16xf32> to vector<16xf32>
      %swap3A_1120 = vector.shape_cast %select_n3A_1112 : vector<16xf32> to vector<1x16xf32>
      tpu.vector_store %arg8[%swap3A_1116, %swap3A_1117], %swap3A_1120 {strides = array<i32>} : memref<16x1024xf32, #tpu.memory_space<vmem>>, vector<1x16xf32>,
      %mul3A_1121 = arith.constant 16 : i32
      %mul3A_1122 = arith.muli %add3A_55, %mul3A_1121 : i32
      %add3A_1123 = arith.addi %mul3A_32, %mul3A_1122 : i32
      %dma_start3A_1124 = arith.constant 0 : i32
      %dma_start3A_1125 = tpu.memref_slice %arg4[%add3A_1123, %dma_start3A_1124] : memref<16384x1024xf32, #tpu.memory_space<hbm>> -> memref<16x1024xf32, #tpu.memory_space<hbm>>
      %dma_start3A_1126 = arith.constant 0 : i32
      %dma_start3A_1127 = tpu.memref_slice %arg4[%add3A_1123, %dma_start3A_1126] : memref<16384x1024xf32, #tpu.memory_space<hbm>> -> memref<16x1024xf32, #tpu.memory_space<hbm>>
      tpu.enqueue_dma source(%arg8 : memref<16x1024xf32, #tpu.memory_space<vmem>>) target(%dma_start3A_1127 : memref<16x1024xf32, #tpu.memory_space<hbm>>) target_semaphore(%arg10 : memref<!tpu.dma_semaphore, #tpu.memory_space<semaphore_mem>>)
      %scan3A_1128 = arith.constant 0 : i32
      scf.yield %scan3A_1128 : i32
    }
    %scan3A_40 = arith.constant 16 : i32
    %dma_wait3A = arith.constant 0 : i32
    %dma_wait3A_41 = tpu.memref_slice %arg4[%mul3A_32, %dma_wait3A] : memref<16384x1024xf32, #tpu.memory_space<hbm>> -> memref<16x1024xf32, #tpu.memory_space<hbm>>
    %dma_wait3A_42 = arith.constant 0 : i32
    %dma_wait3A_43 = tpu.memref_slice %arg4[%mul3A_32, %dma_wait3A_42] : memref<16384x1024xf32, #tpu.memory_space<hbm>> -> memref<16x1024xf32, #tpu.memory_space<hbm>>
    tpu.wait_dma2 semaphore(%arg9 : memref<!tpu.dma_semaphore, #tpu.memory_space<semaphore_mem>>) src(%arg7 : memref<16x1024xf32, #tpu.memory_space<vmem>>) dst(%dma_wait3A_43 : memref<16x1024xf32, #tpu.memory_space<hbm>>)
    %dma_wait3A_44 = arith.constant 0 : i32
    %dma_wait3A_45 = tpu.memref_slice %arg4[%mul3A_32, %dma_wait3A_44] : memref<16384x1024xf32, #tpu.memory_space<hbm>> -> memref<16x1024xf32, #tpu.memory_space<hbm>>
    %dma_wait3A_46 = arith.constant 0 : i32
    %dma_wait3A_47 = tpu.memref_slice %arg4[%mul3A_32, %dma_wait3A_46] : memref<16384x1024xf32, #tpu.memory_space<hbm>> -> memref<16x1024xf32, #tpu.memory_space<hbm>>
    tpu.wait_dma2 semaphore(%arg10 : memref<!tpu.dma_semaphore, #tpu.memory_space<semaphore_mem>>) src(%arg8 : memref<16x1024xf32, #tpu.memory_space<vmem>>) dst(%dma_wait3A_47 : memref<16x1024xf32, #tpu.memory_space<hbm>>)
    return
  }
}

module attributes {stable_mosaic.version = 14 : i64} {
  func.func @_proj_body(%arg0: i32, %arg1: memref<8x256x1024xf32, #tpu.memory_space<vmem>>, %arg2: memref<2x256xf32, #tpu.memory_space<vmem>>, %arg3: memref<2x1xf32, #tpu.memory_space<vmem>>, %arg4: memref<8x1x1024xf32, #tpu.memory_space<vmem>>, %arg5: memref<8x1x1024xf32, #tpu.memory_space<vmem>>) attributes {dimension_semantics = [#tpu.dimension_semantics<arbitrary>], iteration_bounds = array<i64: 2>, scalar_prefetch = 0 : i64, scratch_operands = 0 : i64, tpu.core_type = #tpu.core_type<tc>, window_params = [{transform_indices = @transform_0, window_bounds = array<i64: 8, 256, 1024>}, {pipeline_mode = #tpu.pipeline_mode<synchronous>, transform_indices = @transform_1, window_bounds = array<i64: 2, 256>}, {pipeline_mode = #tpu.pipeline_mode<synchronous>, transform_indices = @transform_2, window_bounds = array<i64: 2, 1>}, {transform_indices = @transform_3, window_bounds = array<i64: 8, 1, 1024>}, {transform_indices = @transform_4, window_bounds = array<i64: 8, 1, 1024>}]} {
    %get3A = arith.constant 0 : index
    %get3A_0 = arith.constant 0 : index
    %get3A_1 = vector.load %arg2[%get3A, %get3A_0] : memref<2x256xf32, #tpu.memory_space<vmem>>, vector<2x256xf32>
    %get3A_2 = arith.constant 0 : index
    %get3A_3 = arith.constant 0 : index
    %get3A_4 = arith.constant 0 : index
    %get3A_5 = vector.load %arg1[%get3A_2, %get3A_3, %get3A_4] : memref<8x256x1024xf32, #tpu.memory_space<vmem>>, vector<1x256x1024xf32>
    %get3A_6 = vector.shape_cast %get3A_5 : vector<1x256x1024xf32> to vector<256x1024xf32>
    %dot_general3A = arith.constant dense<0.000000e+00> : vector<2x1024xf32>
    %dot_general3A_7 = tpu.matmul %get3A_1, %get3A_6, %dot_general3A {dimension_numbers = #tpu.dot_dimension_numbers<[1], [0], [0], [1], [0, 0, 1, 1], [], []>, transpose_lhs_hint = false} : vector<2x256xf32>, vector<256x1024xf32>, vector<2x1024xf32> -> vector<2x1024xf32>
    %get3A_8 = arith.constant 0 : index
    %get3A_9 = arith.constant 0 : index
    %get3A_10 = vector.load %arg3[%get3A_8, %get3A_9] : memref<2x1xf32, #tpu.memory_space<vmem>>, vector<2x1xf32>
    %add3A = vector.broadcast %get3A_10 : vector<2x1xf32> to vector<2x1024xf32>
    %add3A_11 = arith.addf %dot_general3A_7, %add3A : vector<2x1024xf32>
    %neg3A = arith.constant 0.000000e+00 : f32
    %neg3A_12 = vector.broadcast %neg3A : f32 to vector<2x1024xf32>
    %neg3A_13 = arith.subf %neg3A_12, %add3A_11 : vector<2x1024xf32>
    %exp3A = math.exp %neg3A_13 : vector<2x1024xf32>
    %slice3A = vector.extract_strided_slice %exp3A {offsets = [0, 0], sizes = [1, 1024], strides = [1, 1]} : vector<2x1024xf32> to vector<1x1024xf32>
    %swap3A = arith.constant 0 : index
    %swap3A_14 = arith.constant 0 : index
    %swap3A_15 = arith.constant 0 : index
    %swap3A_16 = vector.load %arg4[%swap3A, %swap3A_14, %swap3A_15] : memref<8x1x1024xf32, #tpu.memory_space<vmem>>, vector<1x1x1024xf32>
    %swap3A_17 = vector.shape_cast %swap3A_16 : vector<1x1x1024xf32> to vector<1x1024xf32>
    %swap3A_18 = vector.shape_cast %slice3A : vector<1x1024xf32> to vector<1x1x1024xf32>
    tpu.vector_store %arg4[%swap3A, %swap3A_14, %swap3A_15], %swap3A_18 {strides = array<i32>} : memref<8x1x1024xf32, #tpu.memory_space<vmem>>, vector<1x1x1024xf32>,
    %slice3A_19 = vector.extract_strided_slice %exp3A {offsets = [1, 0], sizes = [1, 1024], strides = [1, 1]} : vector<2x1024xf32> to vector<1x1024xf32>
    %swap3A_20 = arith.constant 0 : index
    %swap3A_21 = arith.constant 0 : index
    %swap3A_22 = arith.constant 0 : index
    %swap3A_23 = vector.load %arg5[%swap3A_20, %swap3A_21, %swap3A_22] : memref<8x1x1024xf32, #tpu.memory_space<vmem>>, vector<1x1x1024xf32>
    %swap3A_24 = vector.shape_cast %swap3A_23 : vector<1x1x1024xf32> to vector<1x1024xf32>
    %swap3A_25 = vector.shape_cast %slice3A_19 : vector<1x1024xf32> to vector<1x1x1024xf32>
    tpu.vector_store %arg5[%swap3A_20, %swap3A_21, %swap3A_22], %swap3A_25 {strides = array<i32>} : memref<8x1x1024xf32, #tpu.memory_space<vmem>>, vector<1x1x1024xf32>,
    %get3A_26 = arith.constant 0 : index
    %get3A_27 = arith.constant 0 : index
    %get3A_28 = vector.load %arg2[%get3A_26, %get3A_27] : memref<2x256xf32, #tpu.memory_space<vmem>>, vector<2x256xf32>
    %get3A_29 = arith.constant 1 : index
    %get3A_30 = arith.constant 0 : index
    %get3A_31 = arith.constant 0 : index
    %get3A_32 = vector.load %arg1[%get3A_29, %get3A_30, %get3A_31] : memref<8x256x1024xf32, #tpu.memory_space<vmem>>, vector<1x256x1024xf32>
    %get3A_33 = vector.shape_cast %get3A_32 : vector<1x256x1024xf32> to vector<256x1024xf32>
    %dot_general3A_34 = arith.constant dense<0.000000e+00> : vector<2x1024xf32>
    %dot_general3A_35 = tpu.matmul %get3A_28, %get3A_33, %dot_general3A_34 {dimension_numbers = #tpu.dot_dimension_numbers<[1], [0], [0], [1], [0, 0, 1, 1], [], []>, transpose_lhs_hint = false} : vector<2x256xf32>, vector<256x1024xf32>, vector<2x1024xf32> -> vector<2x1024xf32>
    %get3A_36 = arith.constant 0 : index
    %get3A_37 = arith.constant 0 : index
    %get3A_38 = vector.load %arg3[%get3A_36, %get3A_37] : memref<2x1xf32, #tpu.memory_space<vmem>>, vector<2x1xf32>
    %add3A_39 = vector.broadcast %get3A_38 : vector<2x1xf32> to vector<2x1024xf32>
    %add3A_40 = arith.addf %dot_general3A_35, %add3A_39 : vector<2x1024xf32>
    %neg3A_41 = arith.constant 0.000000e+00 : f32
    %neg3A_42 = vector.broadcast %neg3A_41 : f32 to vector<2x1024xf32>
    %neg3A_43 = arith.subf %neg3A_42, %add3A_40 : vector<2x1024xf32>
    %exp3A_44 = math.exp %neg3A_43 : vector<2x1024xf32>
    %slice3A_45 = vector.extract_strided_slice %exp3A_44 {offsets = [0, 0], sizes = [1, 1024], strides = [1, 1]} : vector<2x1024xf32> to vector<1x1024xf32>
    %swap3A_46 = arith.constant 1 : index
    %swap3A_47 = arith.constant 0 : index
    %swap3A_48 = arith.constant 0 : index
    %swap3A_49 = vector.load %arg4[%swap3A_46, %swap3A_47, %swap3A_48] : memref<8x1x1024xf32, #tpu.memory_space<vmem>>, vector<1x1x1024xf32>
    %swap3A_50 = vector.shape_cast %swap3A_49 : vector<1x1x1024xf32> to vector<1x1024xf32>
    %swap3A_51 = vector.shape_cast %slice3A_45 : vector<1x1024xf32> to vector<1x1x1024xf32>
    tpu.vector_store %arg4[%swap3A_46, %swap3A_47, %swap3A_48], %swap3A_51 {strides = array<i32>} : memref<8x1x1024xf32, #tpu.memory_space<vmem>>, vector<1x1x1024xf32>,
    %slice3A_52 = vector.extract_strided_slice %exp3A_44 {offsets = [1, 0], sizes = [1, 1024], strides = [1, 1]} : vector<2x1024xf32> to vector<1x1024xf32>
    %swap3A_53 = arith.constant 1 : index
    %swap3A_54 = arith.constant 0 : index
    %swap3A_55 = arith.constant 0 : index
    %swap3A_56 = vector.load %arg5[%swap3A_53, %swap3A_54, %swap3A_55] : memref<8x1x1024xf32, #tpu.memory_space<vmem>>, vector<1x1x1024xf32>
    %swap3A_57 = vector.shape_cast %swap3A_56 : vector<1x1x1024xf32> to vector<1x1024xf32>
    %swap3A_58 = vector.shape_cast %slice3A_52 : vector<1x1024xf32> to vector<1x1x1024xf32>
    tpu.vector_store %arg5[%swap3A_53, %swap3A_54, %swap3A_55], %swap3A_58 {strides = array<i32>} : memref<8x1x1024xf32, #tpu.memory_space<vmem>>, vector<1x1x1024xf32>,
    %get3A_59 = arith.constant 0 : index
    %get3A_60 = arith.constant 0 : index
    %get3A_61 = vector.load %arg2[%get3A_59, %get3A_60] : memref<2x256xf32, #tpu.memory_space<vmem>>, vector<2x256xf32>
    %get3A_62 = arith.constant 2 : index
    %get3A_63 = arith.constant 0 : index
    %get3A_64 = arith.constant 0 : index
    %get3A_65 = vector.load %arg1[%get3A_62, %get3A_63, %get3A_64] : memref<8x256x1024xf32, #tpu.memory_space<vmem>>, vector<1x256x1024xf32>
    %get3A_66 = vector.shape_cast %get3A_65 : vector<1x256x1024xf32> to vector<256x1024xf32>
    %dot_general3A_67 = arith.constant dense<0.000000e+00> : vector<2x1024xf32>
    %dot_general3A_68 = tpu.matmul %get3A_61, %get3A_66, %dot_general3A_67 {dimension_numbers = #tpu.dot_dimension_numbers<[1], [0], [0], [1], [0, 0, 1, 1], [], []>, transpose_lhs_hint = false} : vector<2x256xf32>, vector<256x1024xf32>, vector<2x1024xf32> -> vector<2x1024xf32>
    %get3A_69 = arith.constant 0 : index
    %get3A_70 = arith.constant 0 : index
    %get3A_71 = vector.load %arg3[%get3A_69, %get3A_70] : memref<2x1xf32, #tpu.memory_space<vmem>>, vector<2x1xf32>
    %add3A_72 = vector.broadcast %get3A_71 : vector<2x1xf32> to vector<2x1024xf32>
    %add3A_73 = arith.addf %dot_general3A_68, %add3A_72 : vector<2x1024xf32>
    %neg3A_74 = arith.constant 0.000000e+00 : f32
    %neg3A_75 = vector.broadcast %neg3A_74 : f32 to vector<2x1024xf32>
    %neg3A_76 = arith.subf %neg3A_75, %add3A_73 : vector<2x1024xf32>
    %exp3A_77 = math.exp %neg3A_76 : vector<2x1024xf32>
    %slice3A_78 = vector.extract_strided_slice %exp3A_77 {offsets = [0, 0], sizes = [1, 1024], strides = [1, 1]} : vector<2x1024xf32> to vector<1x1024xf32>
    %swap3A_79 = arith.constant 2 : index
    %swap3A_80 = arith.constant 0 : index
    %swap3A_81 = arith.constant 0 : index
    %swap3A_82 = vector.load %arg4[%swap3A_79, %swap3A_80, %swap3A_81] : memref<8x1x1024xf32, #tpu.memory_space<vmem>>, vector<1x1x1024xf32>
    %swap3A_83 = vector.shape_cast %swap3A_82 : vector<1x1x1024xf32> to vector<1x1024xf32>
    %swap3A_84 = vector.shape_cast %slice3A_78 : vector<1x1024xf32> to vector<1x1x1024xf32>
    tpu.vector_store %arg4[%swap3A_79, %swap3A_80, %swap3A_81], %swap3A_84 {strides = array<i32>} : memref<8x1x1024xf32, #tpu.memory_space<vmem>>, vector<1x1x1024xf32>,
    %slice3A_85 = vector.extract_strided_slice %exp3A_77 {offsets = [1, 0], sizes = [1, 1024], strides = [1, 1]} : vector<2x1024xf32> to vector<1x1024xf32>
    %swap3A_86 = arith.constant 2 : index
    %swap3A_87 = arith.constant 0 : index
    %swap3A_88 = arith.constant 0 : index
    %swap3A_89 = vector.load %arg5[%swap3A_86, %swap3A_87, %swap3A_88] : memref<8x1x1024xf32, #tpu.memory_space<vmem>>, vector<1x1x1024xf32>
    %swap3A_90 = vector.shape_cast %swap3A_89 : vector<1x1x1024xf32> to vector<1x1024xf32>
    %swap3A_91 = vector.shape_cast %slice3A_85 : vector<1x1024xf32> to vector<1x1x1024xf32>
    tpu.vector_store %arg5[%swap3A_86, %swap3A_87, %swap3A_88], %swap3A_91 {strides = array<i32>} : memref<8x1x1024xf32, #tpu.memory_space<vmem>>, vector<1x1x1024xf32>,
    %get3A_92 = arith.constant 0 : index
    %get3A_93 = arith.constant 0 : index
    %get3A_94 = vector.load %arg2[%get3A_92, %get3A_93] : memref<2x256xf32, #tpu.memory_space<vmem>>, vector<2x256xf32>
    %get3A_95 = arith.constant 3 : index
    %get3A_96 = arith.constant 0 : index
    %get3A_97 = arith.constant 0 : index
    %get3A_98 = vector.load %arg1[%get3A_95, %get3A_96, %get3A_97] : memref<8x256x1024xf32, #tpu.memory_space<vmem>>, vector<1x256x1024xf32>
    %get3A_99 = vector.shape_cast %get3A_98 : vector<1x256x1024xf32> to vector<256x1024xf32>
    %dot_general3A_100 = arith.constant dense<0.000000e+00> : vector<2x1024xf32>
    %dot_general3A_101 = tpu.matmul %get3A_94, %get3A_99, %dot_general3A_100 {dimension_numbers = #tpu.dot_dimension_numbers<[1], [0], [0], [1], [0, 0, 1, 1], [], []>, transpose_lhs_hint = false} : vector<2x256xf32>, vector<256x1024xf32>, vector<2x1024xf32> -> vector<2x1024xf32>
    %get3A_102 = arith.constant 0 : index
    %get3A_103 = arith.constant 0 : index
    %get3A_104 = vector.load %arg3[%get3A_102, %get3A_103] : memref<2x1xf32, #tpu.memory_space<vmem>>, vector<2x1xf32>
    %add3A_105 = vector.broadcast %get3A_104 : vector<2x1xf32> to vector<2x1024xf32>
    %add3A_106 = arith.addf %dot_general3A_101, %add3A_105 : vector<2x1024xf32>
    %neg3A_107 = arith.constant 0.000000e+00 : f32
    %neg3A_108 = vector.broadcast %neg3A_107 : f32 to vector<2x1024xf32>
    %neg3A_109 = arith.subf %neg3A_108, %add3A_106 : vector<2x1024xf32>
    %exp3A_110 = math.exp %neg3A_109 : vector<2x1024xf32>
    %slice3A_111 = vector.extract_strided_slice %exp3A_110 {offsets = [0, 0], sizes = [1, 1024], strides = [1, 1]} : vector<2x1024xf32> to vector<1x1024xf32>
    %swap3A_112 = arith.constant 3 : index
    %swap3A_113 = arith.constant 0 : index
    %swap3A_114 = arith.constant 0 : index
    %swap3A_115 = vector.load %arg4[%swap3A_112, %swap3A_113, %swap3A_114] : memref<8x1x1024xf32, #tpu.memory_space<vmem>>, vector<1x1x1024xf32>
    %swap3A_116 = vector.shape_cast %swap3A_115 : vector<1x1x1024xf32> to vector<1x1024xf32>
    %swap3A_117 = vector.shape_cast %slice3A_111 : vector<1x1024xf32> to vector<1x1x1024xf32>
    tpu.vector_store %arg4[%swap3A_112, %swap3A_113, %swap3A_114], %swap3A_117 {strides = array<i32>} : memref<8x1x1024xf32, #tpu.memory_space<vmem>>, vector<1x1x1024xf32>,
    %slice3A_118 = vector.extract_strided_slice %exp3A_110 {offsets = [1, 0], sizes = [1, 1024], strides = [1, 1]} : vector<2x1024xf32> to vector<1x1024xf32>
    %swap3A_119 = arith.constant 3 : index
    %swap3A_120 = arith.constant 0 : index
    %swap3A_121 = arith.constant 0 : index
    %swap3A_122 = vector.load %arg5[%swap3A_119, %swap3A_120, %swap3A_121] : memref<8x1x1024xf32, #tpu.memory_space<vmem>>, vector<1x1x1024xf32>
    %swap3A_123 = vector.shape_cast %swap3A_122 : vector<1x1x1024xf32> to vector<1x1024xf32>
    %swap3A_124 = vector.shape_cast %slice3A_118 : vector<1x1024xf32> to vector<1x1x1024xf32>
    tpu.vector_store %arg5[%swap3A_119, %swap3A_120, %swap3A_121], %swap3A_124 {strides = array<i32>} : memref<8x1x1024xf32, #tpu.memory_space<vmem>>, vector<1x1x1024xf32>,
    %get3A_125 = arith.constant 0 : index
    %get3A_126 = arith.constant 0 : index
    %get3A_127 = vector.load %arg2[%get3A_125, %get3A_126] : memref<2x256xf32, #tpu.memory_space<vmem>>, vector<2x256xf32>
    %get3A_128 = arith.constant 4 : index
    %get3A_129 = arith.constant 0 : index
    %get3A_130 = arith.constant 0 : index
    %get3A_131 = vector.load %arg1[%get3A_128, %get3A_129, %get3A_130] : memref<8x256x1024xf32, #tpu.memory_space<vmem>>, vector<1x256x1024xf32>
    %get3A_132 = vector.shape_cast %get3A_131 : vector<1x256x1024xf32> to vector<256x1024xf32>
    %dot_general3A_133 = arith.constant dense<0.000000e+00> : vector<2x1024xf32>
    %dot_general3A_134 = tpu.matmul %get3A_127, %get3A_132, %dot_general3A_133 {dimension_numbers = #tpu.dot_dimension_numbers<[1], [0], [0], [1], [0, 0, 1, 1], [], []>, transpose_lhs_hint = false} : vector<2x256xf32>, vector<256x1024xf32>, vector<2x1024xf32> -> vector<2x1024xf32>
    %get3A_135 = arith.constant 0 : index
    %get3A_136 = arith.constant 0 : index
    %get3A_137 = vector.load %arg3[%get3A_135, %get3A_136] : memref<2x1xf32, #tpu.memory_space<vmem>>, vector<2x1xf32>
    %add3A_138 = vector.broadcast %get3A_137 : vector<2x1xf32> to vector<2x1024xf32>
    %add3A_139 = arith.addf %dot_general3A_134, %add3A_138 : vector<2x1024xf32>
    %neg3A_140 = arith.constant 0.000000e+00 : f32
    %neg3A_141 = vector.broadcast %neg3A_140 : f32 to vector<2x1024xf32>
    %neg3A_142 = arith.subf %neg3A_141, %add3A_139 : vector<2x1024xf32>
    %exp3A_143 = math.exp %neg3A_142 : vector<2x1024xf32>
    %slice3A_144 = vector.extract_strided_slice %exp3A_143 {offsets = [0, 0], sizes = [1, 1024], strides = [1, 1]} : vector<2x1024xf32> to vector<1x1024xf32>
    %swap3A_145 = arith.constant 4 : index
    %swap3A_146 = arith.constant 0 : index
    %swap3A_147 = arith.constant 0 : index
    %swap3A_148 = vector.load %arg4[%swap3A_145, %swap3A_146, %swap3A_147] : memref<8x1x1024xf32, #tpu.memory_space<vmem>>, vector<1x1x1024xf32>
    %swap3A_149 = vector.shape_cast %swap3A_148 : vector<1x1x1024xf32> to vector<1x1024xf32>
    %swap3A_150 = vector.shape_cast %slice3A_144 : vector<1x1024xf32> to vector<1x1x1024xf32>
    tpu.vector_store %arg4[%swap3A_145, %swap3A_146, %swap3A_147], %swap3A_150 {strides = array<i32>} : memref<8x1x1024xf32, #tpu.memory_space<vmem>>, vector<1x1x1024xf32>,
    %slice3A_151 = vector.extract_strided_slice %exp3A_143 {offsets = [1, 0], sizes = [1, 1024], strides = [1, 1]} : vector<2x1024xf32> to vector<1x1024xf32>
    %swap3A_152 = arith.constant 4 : index
    %swap3A_153 = arith.constant 0 : index
    %swap3A_154 = arith.constant 0 : index
    %swap3A_155 = vector.load %arg5[%swap3A_152, %swap3A_153, %swap3A_154] : memref<8x1x1024xf32, #tpu.memory_space<vmem>>, vector<1x1x1024xf32>
    %swap3A_156 = vector.shape_cast %swap3A_155 : vector<1x1x1024xf32> to vector<1x1024xf32>
    %swap3A_157 = vector.shape_cast %slice3A_151 : vector<1x1024xf32> to vector<1x1x1024xf32>
    tpu.vector_store %arg5[%swap3A_152, %swap3A_153, %swap3A_154], %swap3A_157 {strides = array<i32>} : memref<8x1x1024xf32, #tpu.memory_space<vmem>>, vector<1x1x1024xf32>,
    %get3A_158 = arith.constant 0 : index
    %get3A_159 = arith.constant 0 : index
    %get3A_160 = vector.load %arg2[%get3A_158, %get3A_159] : memref<2x256xf32, #tpu.memory_space<vmem>>, vector<2x256xf32>
    %get3A_161 = arith.constant 5 : index
    %get3A_162 = arith.constant 0 : index
    %get3A_163 = arith.constant 0 : index
    %get3A_164 = vector.load %arg1[%get3A_161, %get3A_162, %get3A_163] : memref<8x256x1024xf32, #tpu.memory_space<vmem>>, vector<1x256x1024xf32>
    %get3A_165 = vector.shape_cast %get3A_164 : vector<1x256x1024xf32> to vector<256x1024xf32>
    %dot_general3A_166 = arith.constant dense<0.000000e+00> : vector<2x1024xf32>
    %dot_general3A_167 = tpu.matmul %get3A_160, %get3A_165, %dot_general3A_166 {dimension_numbers = #tpu.dot_dimension_numbers<[1], [0], [0], [1], [0, 0, 1, 1], [], []>, transpose_lhs_hint = false} : vector<2x256xf32>, vector<256x1024xf32>, vector<2x1024xf32> -> vector<2x1024xf32>
    %get3A_168 = arith.constant 0 : index
    %get3A_169 = arith.constant 0 : index
    %get3A_170 = vector.load %arg3[%get3A_168, %get3A_169] : memref<2x1xf32, #tpu.memory_space<vmem>>, vector<2x1xf32>
    %add3A_171 = vector.broadcast %get3A_170 : vector<2x1xf32> to vector<2x1024xf32>
    %add3A_172 = arith.addf %dot_general3A_167, %add3A_171 : vector<2x1024xf32>
    %neg3A_173 = arith.constant 0.000000e+00 : f32
    %neg3A_174 = vector.broadcast %neg3A_173 : f32 to vector<2x1024xf32>
    %neg3A_175 = arith.subf %neg3A_174, %add3A_172 : vector<2x1024xf32>
    %exp3A_176 = math.exp %neg3A_175 : vector<2x1024xf32>
    %slice3A_177 = vector.extract_strided_slice %exp3A_176 {offsets = [0, 0], sizes = [1, 1024], strides = [1, 1]} : vector<2x1024xf32> to vector<1x1024xf32>
    %swap3A_178 = arith.constant 5 : index
    %swap3A_179 = arith.constant 0 : index
    %swap3A_180 = arith.constant 0 : index
    %swap3A_181 = vector.load %arg4[%swap3A_178, %swap3A_179, %swap3A_180] : memref<8x1x1024xf32, #tpu.memory_space<vmem>>, vector<1x1x1024xf32>
    %swap3A_182 = vector.shape_cast %swap3A_181 : vector<1x1x1024xf32> to vector<1x1024xf32>
    %swap3A_183 = vector.shape_cast %slice3A_177 : vector<1x1024xf32> to vector<1x1x1024xf32>
    tpu.vector_store %arg4[%swap3A_178, %swap3A_179, %swap3A_180], %swap3A_183 {strides = array<i32>} : memref<8x1x1024xf32, #tpu.memory_space<vmem>>, vector<1x1x1024xf32>,
    %slice3A_184 = vector.extract_strided_slice %exp3A_176 {offsets = [1, 0], sizes = [1, 1024], strides = [1, 1]} : vector<2x1024xf32> to vector<1x1024xf32>
    %swap3A_185 = arith.constant 5 : index
    %swap3A_186 = arith.constant 0 : index
    %swap3A_187 = arith.constant 0 : index
    %swap3A_188 = vector.load %arg5[%swap3A_185, %swap3A_186, %swap3A_187] : memref<8x1x1024xf32, #tpu.memory_space<vmem>>, vector<1x1x1024xf32>
    %swap3A_189 = vector.shape_cast %swap3A_188 : vector<1x1x1024xf32> to vector<1x1024xf32>
    %swap3A_190 = vector.shape_cast %slice3A_184 : vector<1x1024xf32> to vector<1x1x1024xf32>
    tpu.vector_store %arg5[%swap3A_185, %swap3A_186, %swap3A_187], %swap3A_190 {strides = array<i32>} : memref<8x1x1024xf32, #tpu.memory_space<vmem>>, vector<1x1x1024xf32>,
    %get3A_191 = arith.constant 0 : index
    %get3A_192 = arith.constant 0 : index
    %get3A_193 = vector.load %arg2[%get3A_191, %get3A_192] : memref<2x256xf32, #tpu.memory_space<vmem>>, vector<2x256xf32>
    %get3A_194 = arith.constant 6 : index
    %get3A_195 = arith.constant 0 : index
    %get3A_196 = arith.constant 0 : index
    %get3A_197 = vector.load %arg1[%get3A_194, %get3A_195, %get3A_196] : memref<8x256x1024xf32, #tpu.memory_space<vmem>>, vector<1x256x1024xf32>
    %get3A_198 = vector.shape_cast %get3A_197 : vector<1x256x1024xf32> to vector<256x1024xf32>
    %dot_general3A_199 = arith.constant dense<0.000000e+00> : vector<2x1024xf32>
    %dot_general3A_200 = tpu.matmul %get3A_193, %get3A_198, %dot_general3A_199 {dimension_numbers = #tpu.dot_dimension_numbers<[1], [0], [0], [1], [0, 0, 1, 1], [], []>, transpose_lhs_hint = false} : vector<2x256xf32>, vector<256x1024xf32>, vector<2x1024xf32> -> vector<2x1024xf32>
    %get3A_201 = arith.constant 0 : index
    %get3A_202 = arith.constant 0 : index
    %get3A_203 = vector.load %arg3[%get3A_201, %get3A_202] : memref<2x1xf32, #tpu.memory_space<vmem>>, vector<2x1xf32>
    %add3A_204 = vector.broadcast %get3A_203 : vector<2x1xf32> to vector<2x1024xf32>
    %add3A_205 = arith.addf %dot_general3A_200, %add3A_204 : vector<2x1024xf32>
    %neg3A_206 = arith.constant 0.000000e+00 : f32
    %neg3A_207 = vector.broadcast %neg3A_206 : f32 to vector<2x1024xf32>
    %neg3A_208 = arith.subf %neg3A_207, %add3A_205 : vector<2x1024xf32>
    %exp3A_209 = math.exp %neg3A_208 : vector<2x1024xf32>
    %slice3A_210 = vector.extract_strided_slice %exp3A_209 {offsets = [0, 0], sizes = [1, 1024], strides = [1, 1]} : vector<2x1024xf32> to vector<1x1024xf32>
    %swap3A_211 = arith.constant 6 : index
    %swap3A_212 = arith.constant 0 : index
    %swap3A_213 = arith.constant 0 : index
    %swap3A_214 = vector.load %arg4[%swap3A_211, %swap3A_212, %swap3A_213] : memref<8x1x1024xf32, #tpu.memory_space<vmem>>, vector<1x1x1024xf32>
    %swap3A_215 = vector.shape_cast %swap3A_214 : vector<1x1x1024xf32> to vector<1x1024xf32>
    %swap3A_216 = vector.shape_cast %slice3A_210 : vector<1x1024xf32> to vector<1x1x1024xf32>
    tpu.vector_store %arg4[%swap3A_211, %swap3A_212, %swap3A_213], %swap3A_216 {strides = array<i32>} : memref<8x1x1024xf32, #tpu.memory_space<vmem>>, vector<1x1x1024xf32>,
    %slice3A_217 = vector.extract_strided_slice %exp3A_209 {offsets = [1, 0], sizes = [1, 1024], strides = [1, 1]} : vector<2x1024xf32> to vector<1x1024xf32>
    %swap3A_218 = arith.constant 6 : index
    %swap3A_219 = arith.constant 0 : index
    %swap3A_220 = arith.constant 0 : index
    %swap3A_221 = vector.load %arg5[%swap3A_218, %swap3A_219, %swap3A_220] : memref<8x1x1024xf32, #tpu.memory_space<vmem>>, vector<1x1x1024xf32>
    %swap3A_222 = vector.shape_cast %swap3A_221 : vector<1x1x1024xf32> to vector<1x1024xf32>
    %swap3A_223 = vector.shape_cast %slice3A_217 : vector<1x1024xf32> to vector<1x1x1024xf32>
    tpu.vector_store %arg5[%swap3A_218, %swap3A_219, %swap3A_220], %swap3A_223 {strides = array<i32>} : memref<8x1x1024xf32, #tpu.memory_space<vmem>>, vector<1x1x1024xf32>,
    %get3A_224 = arith.constant 0 : index
    %get3A_225 = arith.constant 0 : index
    %get3A_226 = vector.load %arg2[%get3A_224, %get3A_225] : memref<2x256xf32, #tpu.memory_space<vmem>>, vector<2x256xf32>
    %get3A_227 = arith.constant 7 : index
    %get3A_228 = arith.constant 0 : index
    %get3A_229 = arith.constant 0 : index
    %get3A_230 = vector.load %arg1[%get3A_227, %get3A_228, %get3A_229] : memref<8x256x1024xf32, #tpu.memory_space<vmem>>, vector<1x256x1024xf32>
    %get3A_231 = vector.shape_cast %get3A_230 : vector<1x256x1024xf32> to vector<256x1024xf32>
    %dot_general3A_232 = arith.constant dense<0.000000e+00> : vector<2x1024xf32>
    %dot_general3A_233 = tpu.matmul %get3A_226, %get3A_231, %dot_general3A_232 {dimension_numbers = #tpu.dot_dimension_numbers<[1], [0], [0], [1], [0, 0, 1, 1], [], []>, transpose_lhs_hint = false} : vector<2x256xf32>, vector<256x1024xf32>, vector<2x1024xf32> -> vector<2x1024xf32>
    %get3A_234 = arith.constant 0 : index
    %get3A_235 = arith.constant 0 : index
    %get3A_236 = vector.load %arg3[%get3A_234, %get3A_235] : memref<2x1xf32, #tpu.memory_space<vmem>>, vector<2x1xf32>
    %add3A_237 = vector.broadcast %get3A_236 : vector<2x1xf32> to vector<2x1024xf32>
    %add3A_238 = arith.addf %dot_general3A_233, %add3A_237 : vector<2x1024xf32>
    %neg3A_239 = arith.constant 0.000000e+00 : f32
    %neg3A_240 = vector.broadcast %neg3A_239 : f32 to vector<2x1024xf32>
    %neg3A_241 = arith.subf %neg3A_240, %add3A_238 : vector<2x1024xf32>
    %exp3A_242 = math.exp %neg3A_241 : vector<2x1024xf32>
    %slice3A_243 = vector.extract_strided_slice %exp3A_242 {offsets = [0, 0], sizes = [1, 1024], strides = [1, 1]} : vector<2x1024xf32> to vector<1x1024xf32>
    %swap3A_244 = arith.constant 7 : index
    %swap3A_245 = arith.constant 0 : index
    %swap3A_246 = arith.constant 0 : index
    %swap3A_247 = vector.load %arg4[%swap3A_244, %swap3A_245, %swap3A_246] : memref<8x1x1024xf32, #tpu.memory_space<vmem>>, vector<1x1x1024xf32>
    %swap3A_248 = vector.shape_cast %swap3A_247 : vector<1x1x1024xf32> to vector<1x1024xf32>
    %swap3A_249 = vector.shape_cast %slice3A_243 : vector<1x1024xf32> to vector<1x1x1024xf32>
    tpu.vector_store %arg4[%swap3A_244, %swap3A_245, %swap3A_246], %swap3A_249 {strides = array<i32>} : memref<8x1x1024xf32, #tpu.memory_space<vmem>>, vector<1x1x1024xf32>,
    %slice3A_250 = vector.extract_strided_slice %exp3A_242 {offsets = [1, 0], sizes = [1, 1024], strides = [1, 1]} : vector<2x1024xf32> to vector<1x1024xf32>
    %swap3A_251 = arith.constant 7 : index
    %swap3A_252 = arith.constant 0 : index
    %swap3A_253 = arith.constant 0 : index
    %swap3A_254 = vector.load %arg5[%swap3A_251, %swap3A_252, %swap3A_253] : memref<8x1x1024xf32, #tpu.memory_space<vmem>>, vector<1x1x1024xf32>
    %swap3A_255 = vector.shape_cast %swap3A_254 : vector<1x1x1024xf32> to vector<1x1024xf32>
    %swap3A_256 = vector.shape_cast %slice3A_250 : vector<1x1024xf32> to vector<1x1x1024xf32>
    tpu.vector_store %arg5[%swap3A_251, %swap3A_252, %swap3A_253], %swap3A_256 {strides = array<i32>} : memref<8x1x1024xf32, #tpu.memory_space<vmem>>, vector<1x1x1024xf32>,
    return
  }
  func.func @transform_0(%arg0: i32) -> (i32, i32, i32) {
    %c0_i32 = arith.constant 0 : i32
    %c0_i32_0 = arith.constant 0 : i32
    %c0_i32_1 = arith.constant 0 : i32
    return %arg0, %c0_i32, %c0_i32_0 : i32, i32, i32
  }
  func.func @transform_1(%arg0: i32) -> (i32, i32) {
    %c0_i32 = arith.constant 0 : i32
    %c0_i32_0 = arith.constant 0 : i32
    %c0_i32_1 = arith.constant 0 : i32
    return %c0_i32, %c0_i32_0 : i32, i32
  }
  func.func @transform_2(%arg0: i32) -> (i32, i32) {
    %c0_i32 = arith.constant 0 : i32
    %c0_i32_0 = arith.constant 0 : i32
    %c0_i32_1 = arith.constant 0 : i32
    return %c0_i32, %c0_i32_0 : i32, i32
  }
  func.func @transform_3(%arg0: i32) -> (i32, i32, i32) {
    %c0_i32 = arith.constant 0 : i32
    %c0_i32_0 = arith.constant 0 : i32
    %c0_i32_1 = arith.constant 0 : i32
    return %arg0, %c0_i32, %c0_i32_0 : i32, i32, i32
  }
  func.func @transform_4(%arg0: i32) -> (i32, i32, i32) {
    %c0_i32 = arith.constant 0 : i32
    %c0_i32_0 = arith.constant 0 : i32
    %c0_i32_1 = arith.constant 0 : i32
    return %arg0, %c0_i32, %c0_i32_0 : i32, i32, i32
  }
}

</mosaic_0001>

<sc_bundles>
// kernel: kernel.4.cloned.1.call-start
scs
__scs_entry_jumppad:
0x0: {  	(pc) =	sbr.rel $0x88, $3  }
0x1: {  	(tag) =	ssettag $0x0;
	lr =	simm.s32 $0x1  }
0x2: {  	[smem:$0x3F9E] =	sst lr;
	_ =	strace $0xD0000000  }
0x3: {  	_ = 	snop  }
0x4: {  	_ = 	snop  }
0x5: {  	_ = 	snop  }
0x6: {  	_ = 	snop  }
0x7: {  	_ = 	snop  }
__scs_overlays_trampoline_lowered:
0x8: {  	[smem:$0x3FAD] =	sst s0  }
0x9: {  	[smem:$0x3FAE] =	sst s1  }
0xa: {  	[smem:$0x3FAF] =	sst s2  }
0xb: {  	[smem:$0x3FB0] =	sst s3  }
0xc: {  	[smem:$0x3FB1] =	sst s4  }
0xd: {  	[smem:$0x3FB2] =	sst s5  }
0xe: {  	[smem:$0x3FB3] =	sst s6  }
0xf: {  	[smem:$0x3FB4] =	sst s7  }
0x10: {  	[smem:$0x3FB5] =	sst s8  }
0x11: {  	[smem:$0x3FB6] =	sst s9;
	s0 =	simm.s32 @!p0 $0x0  }
0x12: {  	s1 =	sld [smem:$0x3F9C];
	s0 =	simm.s32 @p0 $0x1  }
0x13: {  	[smem:$0x3FB7] =	sst s0;
	s0 =	simm.s32 @!p1 $0x0  }
0x14: {  	s2 =	sld [smem:$0x3F9B];
	s0 =	simm.s32 @p1 $0x1  }
0x15: {  	[smem:$0x3FB8] =	sst s0;
	s0 =	simm.s32 @!p2 $0x0  }
0x16: {  	s3 =	sld [smem:$0x3FDB];
	s0 =	simm.s32 @p2 $0x1  }
0x17: {  	s4 =	simm.s32 $0x1BF5;
	[smem:$0x3FBA] =	sst s0  }
0x18: {  	s0 =	sld [smem:$0x3F9D];
	_ =	swait.ge [sflag:s4], $0x0  }
0x19: {  	s7 =	sld [smem:$0x3F9E]  }
0x1a: {  	s8 =	sadd.s32 $0xFFFFE003, lr  }
0x1b: {  	s9 =	sadd.s32 $0xFFFFFEF7, lr;
	s5 =	simm.s32 $0xFFFFFFFF;
	p2 =	slt.u32 s8, $0xFFFFF086  }
0x1c: {  	p1 =	slt.u32 s9, $0xF7A;
	s5 =	simm.s32 @!p2 $0x0  }
0x1d: {  	s5 =	simm.s32 @p1 $0x1;
	p0 =	seq.s32 s7, s2  }
0x1e: {  	s7 =	smul.u32 @!p0 $0xF7A, s2;
	p2 =	seq.s32 @!p0 s5, $0x0  }
0x1f: {  	s9 =	smul.u32 $0xF7A, s1;
	s8 =	simm.s32 @!p0 $0x1BF5;
	p2 =	por !p2, p0  }
0x20: {  	[sflag:s8] =	ssyncset.s32 @!p0 $0xFFFFF086;
	s6 =	sadd.s32 @!p0 s3, s7;
	s7 =	simm.s32 @!p0 $0x108  }
0x21: {  	s3 =	sadd.s32 s3, s9;
	s6 =	sadd.s32 @!p0 $0x88, s6;
	s7 =	simm.s32 @p2 $0x1082  }
0x22: {  	[simem:s7], [sflag:s8] =	dma.local @!p0 [hbm:s6], $0xF7A  }
0x23: {  	s9 =	sor.u32 $0xD0000000, s2;
	s6 =	simm.s32 $0x108;
	_ =	swait.ge @!p0 [sflag:s8], $0x0  }
0x24: {  	s3 =	sadd.s32 $0x88, s3;
	s6 =	simm.s32 @!p1 $0x1082;
	[sflag:s4] =	ssyncset.s32 $0xFFFFF086  }
0x25: {  	[simem:s6], [sflag:s4] =	dma.local [hbm:s3], $0xF7A  }
0x26: {  	[smem:$0x3F9E] =	sst s1;
	(tag) =	ssettag s2;
	_ =	strace s9  }
0x27: {  	s1 =	sld [smem:$0x3FAE]  }
0x28: {  	s2 =	sld [smem:$0x3FAF]  }
0x29: {  	s4 =	sld [smem:$0x3FB1]  }
0x2a: {  	p0 =	seq.s32 s5, $0x0;
	s5 =	sld [smem:$0x3FB2]  }
0x2b: {  	s6 =	sld [smem:$0x3FB3]  }
0x2c: {  	s7 =	sld [smem:$0x3FB4]  }
0x2d: {  	s3 =	simm.s32 $0x108;
	s8 =	sld [smem:$0x3FB5]  }
0x2e: {  	s3 =	simm.s32 @!p0 $0x1082;
	s9 =	sld [smem:$0x3FB6]  }
0x2f: {  	lr =	sadd.s32 s0, s3;
	s0 =	sld [smem:$0x3FAD]  }
0x30: {  	s3 =	sld [smem:$0x3FB0]  }
0x31: {  	[smem:$0x3FB9] =	sst s10  }
0x32: {  	s10 =	sld [smem:$0x3FB7];
	_ =	sdelay $0x3  }
0x33: {  	p0 =	seq.s32 s10, $0x1;
	s10 =	sld [smem:$0x3FB9];
	_ =	sdelay $0x3  }
0x34: {  	[smem:$0x3FB9] =	sst s10  }
0x35: {  	s10 =	sld [smem:$0x3FB8];
	_ =	sdelay $0x3  }
0x36: {  	p1 =	seq.s32 s10, $0x1;
	s10 =	sld [smem:$0x3FB9];
	_ =	sdelay $0x3  }
0x37: {  	[smem:$0x3FB9] =	sst s10  }
0x38: {  	s10 =	sld [smem:$0x3FBA]  }
0x39: {  	_ = 	snop;
	(pc) =	sbr.ind lr, $3  }
0x3a: {  	_ = 	snop  }
0x3b: {  	_ = 	snop  }
0x3c: {  	p2 =	seq.s32 s10, $0x1;
	s10 =	sld [smem:$0x3FB9]  }
0x3d: {  	_ =	shalt  }
0x3e: {  	_ =	shalt  }
0x3f: {  	_ =	shalt  }
0x40: {  	_ =	shalt  }
0x41: {  	_ =	shalt  }
0x42: {  	_ =	shalt  }
0x43: {  	_ =	shalt  }
0x44: {  	_ =	shalt  }
0x45: {  	_ =	shalt  }
0x46: {  	_ =	shalt  }
0x47: {  	_ =	shalt  }
0x48: {  	_ =	shalt  }
0x49: {  	_ =	shalt  }
0x4a: {  	_ =	shalt  }
0x4b: {  	_ =	shalt  }
0x4c: {  	_ =	shalt  }
0x4d: {  	_ =	shalt  }
0x4e: {  	_ =	shalt  }
0x4f: {  	_ =	shalt  }
0x50: {  	_ =	shalt  }
0x51: {  	_ =	shalt  }
0x52: {  	_ =	shalt  }
0x53: {  	_ =	shalt  }
0x54: {  	_ =	shalt  }
0x55: {  	_ =	shalt  }
0x56: {  	_ =	shalt  }
0x57: {  	_ =	shalt  }
0x58: {  	_ =	shalt  }
0x59: {  	_ =	shalt  }
0x5a: {  	_ =	shalt  }
0x5b: {  	_ =	shalt  }
0x5c: {  	_ =	shalt  }
0x5d: {  	_ =	shalt  }
0x5e: {  	_ =	shalt  }
0x5f: {  	_ =	shalt  }
0x60: {  	_ =	shalt  }
0x61: {  	_ =	shalt  }
0x62: {  	_ =	shalt  }
0x63: {  	_ =	shalt  }
0x64: {  	_ =	shalt  }
0x65: {  	_ =	shalt  }
0x66: {  	_ =	shalt  }
0x67: {  	_ =	shalt  }
0x68: {  	_ =	shalt  }
0x69: {  	_ =	shalt  }
0x6a: {  	_ =	shalt  }
0x6b: {  	_ =	shalt  }
0x6c: {  	_ =	shalt  }
0x6d: {  	_ =	shalt  }
0x6e: {  	_ =	shalt  }
0x6f: {  	_ =	shalt  }
0x70: {  	_ =	shalt  }
0x71: {  	_ =	shalt  }
0x72: {  	_ =	shalt  }
0x73: {  	_ =	shalt  }
0x74: {  	_ =	shalt  }
0x75: {  	_ =	shalt  }
0x76: {  	_ =	shalt  }
0x77: {  	_ =	shalt  }
0x78: {  	_ =	shalt  }
0x79: {  	_ =	shalt  }
0x7a: {  	_ =	shalt  }
0x7b: {  	_ =	shalt  }
0x7c: {  	_ =	shalt  }
0x7d: {  	_ =	shalt  }
0x7e: {  	_ =	shalt  }
0x7f: {  	_ =	shalt  }
0x80: {  	_ =	shalt  }
0x81: {  	_ =	shalt  }
0x82: {  	_ =	shalt  }
0x83: {  	_ =	shalt  }
0x84: {  	_ =	shalt  }
0x85: {  	_ =	shalt  }
0x86: {  	_ =	shalt  }
0x87: {  	_ =	shalt  }
.Lfunc_end0:
.L_simem_size_0:
called_computation_lowered:
.L_overlay_start_0:
0x88: {  	s2 =	sld [smem:$0x3FD9]  }
0x89: {  	s3 =	sld [smem:$0x3FFE];
	_ =	sdelay $0x1  }
0x8a: {  	s1 =	srdreg.scid  }
0x8b: {  	s0 =	sand.u32 $0x1, s1  }
0x8c: {  	s17 =	sshll.u32 s0, $0xA;
	s2 =	sadd.s32 s3, s2  }
0x8d: {  	s2 =	sadd.s32 s2, s17  }
0x8e: {  	[smem:$0x3FC5] =	sst s2  }
0x8f: {  	_ = 	snop  }
0x90: {  	s2 =	sld [smem:$0x3FD0];
	(tm) =	ssettm $0x1  }
0x91: {  	s18 =	sld [smem:$0x3FFB];
	_ =	sdelay $0x3  }
0x92: {  	_ =	strace s18  }
0x93: {  	s3 =	sld [smem:$0x3FFC];
	_ =	sdelay $0x3  }
0x94: {  	_ =	strace s3  }
0x95: {  	s3 =	sld [smem:$0x3FFD];
	_ =	sdelay $0x3  }
0x96: {  	_ =	strace s3  }
0x97: {  	_ =	strace $0x8FFFFFFF  }
0x98: {  	s19 =	sld [smem:$0x3FDB];
	_ =	sdelay $0x1  }
0x99: {  	s4 =	simm.s32 $_scs_section_size  }
0x9a: {  	s5 =	simm.s32 $_size__tile_overlayer_lowered;
	s6 =	simm.s32 $_tile_overlayer_lowered  }
0x9b: {  	s22 =	simm.s32 $0x1BFF;
	s21 =	sshll.u32 s6, $0x1;
	s3 =	sadd.s32 s4, s19  }
0x9c: {  	s7 =	simm.s32 $0x0;
	s20 =	sshll.u32 s5, $0x1;
	s5 =	sadd.s32 s21, s3  }
0x9d: {  	[timem:s7], [sflag:s22] =	dma.local [hbm:s5], s20  }
0x9e: {  	_ =	swait.ge [sflag:s22], s20  }
0x9f: {  	s4 =	ssub.s32 $0x0, s20;
	[sflag:s22] =	ssyncset.done $0x0  }
0xa0: {  	[sflag:s22] =	ssyncadd.s32 s4;
	_ =	sdelay $0x1  }
0xa1: {  	s23 =	simm.s32 $0x1B8B  }
0xa2: {  	_ =	swait.ge [sflag:s23], $0x1  }
0xa3: {  	[sflag:s23] =	ssyncset.done $0x0  }
0xa4: {  	s25 =	simm.s32 $0x1B8E;
	s24 =	sld [smem:$0x3FFE];
	[sflag:s23] =	ssyncadd.s32 $0xFFFFFFFF  }
0xa5: {  	s26 =	simm.s32 $execute0_lowered;
	[smem:$0x3FD2] =	sst s25  }
0xa6: {  	s5 =	sshll.u32 s26, $0x1;
	_ =	strace $0x80000046;
	[dreg:$0x1] =	wrdreg $0xFFFFFFFF  }
0xa7: {  	s28 =	simm.s32 $_size_execute0_lowered;
	s3 =	sadd.s32 s3, s5;
	[dreg:$0x0] =	wrdreg $0x0  }
0xa8: {  	s5 =	sshll.u32 s28, $0x1;
	[dreg:$0x2] =	wrdreg s3  }
0xa9: {  	[dreg:$0x3] =	wrdreg s5  }
0xaa: {  	[dreg:$0x4] =	wrdreg $0xC0  }
0xab: {  	_ =	task [dreg:s7], $0x5FFFF  }
0xac: {  	[dreg:$0x1] =	wrdreg $0xFFFFFFFF  }
0xad: {  	[dreg:$0x0] =	wrdreg $0x60  }
0xae: {  	[dreg:$0x2] =	wrdreg s24  }
0xaf: {  	[dreg:$0x3] =	wrdreg s2  }
0xb0: {  	[dreg:$0x4] =	wrdreg $0x9  }
0xb1: {  	_ =	task.clear_ibuf [dreg:s7], $0x5FFFF;
	_ =	strace $0x90000046  }
0xb2: {  	s29 =	simm.s32 $0x9;
	_ =	strace $0x80000048  }
0xb3: {  	_ =	swait.ge [sflag:s29], $0x1  }
0xb4: {  	[sflag:s29] =	ssyncadd.s32 $0xFFFFFFFF  }
0xb5: {  	_ =	strace $0x90000048  }
0xb6: {  	_ =	sfence  }
0xb7: {  	s30 =	sld [smem:$0x0];
	_ =	sdelay $0x2  }
0xb8: {  	s31 =	sshll.u32 s1, $0xD;
	s1 =	sshrl.u32 s1, $0x2  }
0xb9: {  	s3 =	sand.u32 $0x4000, s31;
	s1 =	sadd.s32 s1, s30  }
0xba: {  	s0 =	sor.u32 s3, s0;
	s1 =	sshll.u32 s1, $0x11  }
0xbb: {  	s0 =	sor.u32 s1, s0  }
0xbc: {  	s0 =	sadd.s32 $0x8F2B, s0  }
0xbd: {  	[sflag:s0] =	ssyncadd.remote.s32 $0x1  }
0xbe: {  	_ =	sfence.sel $0xFFFF  }
0xbf: {  	[dreg:$0x0] =	wrdreg $0xFFFFFFFF;
	(pc) =	sbr.abs _section_cstart, $3  }
0xc0: {  	[dreg:$0x1] =	wrdreg $0xFFFFFFFF  }
0xc1: {  	_ =	task.clear_ibuf [dreg:s7], $0x2FFFF;
	_ =	strace $0x9FFFFFFF  }
0xc2: {  	(tm) =	ssettm $0x7FFFFFFF  }
0xc3: {  	_ =	shalt  }
tec
execute0_lowered:
.L_overlay_start_1:
0x0: {  	(tag) =	ssettag $0x1  }
0x1: {  	s0 =	srdreg.scid  }
0x2: {  	s5 =	stileid.u32;
	s3 =	rddreg [dreg:$0x0]  }
0x3: {  	s2 =	simm.s32 $0x1;
	s4 =	rddreg [dreg:$0x1];
	s6 =	simm.s32 $0x0  }
0x4: {  	s0 =	sand.u32 $0x1, s0;
	s1 =	sshll.u32 s5, $0x1;
	[smem:$0x7FF] =	sst s6  }
0x5: {  	s1 =	sor.u32 s0, s1;
	p1 =	seq.s32 s0, $0x1;
	s20 =	ssub.s32 $0x2, s0  }
0x6: {  	_ =	strace $0x80000047;
	s23 =	sshll.u32 s0, $0x5;
	s28 =	sshll.u32 s0, $0xC  }
0x7: {  	s0 =	sshll.u32 s0, $0x9;
	p0 =	seq.s32 s1, $0x0;
	s21 =	sshrl.u32 s20, $0x1  }
0x8: {  	s1 =	sshll.u32 s1, $0x10;
	[dreg:$0x3] =	wrdreg s23;
	s26 =	sadd.s32 $0xFFFFFFFF, s23  }
0x9: {  	s29 =	sor.u32 $0x80, s28;
	s30 =	sor.u32 $0x10, s0;
	p0 =	por !p0, !p1  }
0xa: {  	s31 =	sor.u32 $0x420, s0;
	[dreg:$0x8] =	wrdreg s26;
	p0 =	por !p0, !p0  }
0xb: {  	s0 =	sor.u32 $0x20, s0;
	[dreg:$0x9] =	wrdreg s29;
	s2 =	simm.s32 @!p0 $0x0  }
0xc: {  	s1 =	sadd.s32 s4, s1;
	[dreg:$0xa] =	wrdreg s30;
	s2 =	ssub.s32 s5, s2  }
0xd: {  	[dreg:$0xb] =	wrdreg s31;
	s5 =	sshll.u32 s2, $0xA;
	s2 =	sshll.u32 s2, $0x7  }
0xe: {  	[dreg:$0xd] =	wrdreg s0;
	s5 =	sand.u32 $0xFFFFE000, s5;
	s2 =	sand.u32 $0x380, s2  }
0xf: {  	vm0 =	vmmov $0x1;
	v0 =	vimm.s32 $0x0;
	vm1 =	vmmov $0x3;
	s22 =	ssub.s32 s20, s21;
	[dreg:$0x6] =	wrdreg s1;
	s2 =	sor.u32 s2, s5  }
.Ltmp0:
0x10: {  	vm2 =	vmmov $0x7;
	vm3 =	vmmov $0xf;
	vm4 =	vmmov $0x1f;
	s25 =	smax.u32 s22, $0x1;
	s2 =	sshrl.u32 s2, $0x3;
	(pc) =	sbr.rel .LBB2_1-.Ltmp0, $4  }
0x11: {  	vm5 =	vmmov $0x3f;
	vm6 =	vmmov $0x7f;
	vm7 =	vmmov $0xff;
	s1 =	sor.u32 $0x100, s28;
	[dreg:$0x7] =	wrdreg s25;
	s2 =	sadd.s32 s2, s3  }
0x12: {  	vm8 =	vmmov $0x1ff;
	vm9 =	vmmov $0x3ff;
	vm10 =	vmmov $0x7ff;
	[dreg:$0xc] =	wrdreg s1;
	s24 =	sadd.s32 $0xE00, s2  }
0x13: {  	vm11 =	vmmov $0xfff;
	vm12 =	vmmov $0x1fff;
	v0 =	vsel vm0, $0xFFFFFFFF, v0;
	s2 =	sadd.s32 $0x600, s2;
	[dreg:$0x4] =	wrdreg s24  }
0x14: {  	vm13 =	vmmov $0x3fff;
	vm14 =	vmmov $0x7fff;
	[tilespmem:$0x1FFF0] =	vst v0;
	v0 =	vlaneseq.u32;
	[dreg:$0x5] =	wrdreg s2;
	s2 =	simm.s32 $0x0  }
.LBB2_22:
0x15: {  	s0 =	simm.s32 $0x1  }
0x16: {  	_ =	swait.ge [sflag:s0], $0x4000  }
0x17: {  	[sflag:s0] =	ssyncset.done $0x0  }
0x18: {  	s1 =	simm.s32 $0x2;
	[sflag:s0] =	ssyncadd.s32 $0xFFFFC000  }
0x19: {  	_ =	swait.ge [sflag:s1], $0x4000  }
0x1a: {  	s2 =	rddreg [dreg:$0xe]  }
0x1b: {  	s31 =	rddreg [dreg:$0x7];
	s2 =	sadd.s32 $0x1, s2  }
0x1c: {  	p0 =	sne.s32 s2, s31  }
.Ltmp1:
0x1d: {  	_ = 	snop;
	(pc) =	sbr.rel @!p0 .LBB2_23-.Ltmp1, $3  }
0x1e: {  	_ =	sdelay $0x1  }
0x1f: {  	[sflag:s1] =	ssyncset.done $0x0  }
0x20: {  	[sflag:s1] =	ssyncadd.s32 $0xFFFFC000  }
.LBB2_1:
0x21: {  	[dreg:$0xe] =	wrdreg s2  }
0x22: {  	s0 =	simm.s32 $0x0;
	s1 =	rddreg [dreg:$0x4]  }
0x23: {  	s22 =	simm.s32 $0x80;
	s3 =	simm.s32 $0x400;
	s23 =	simm.s32 $0x3  }
0x24: {  	[tilespmem:s0], [sflag:$0x3] =	stream.strided.gather [hbm4b:s1+s22], $0x400, s3, s22, $0x38;
	[tilespmem:$0x8800] =	vst v63  }
0x25: {  	_ =	swait.ge [sflag:s23], $0x400  }
0x26: {  	[sflag:s23] =	ssyncset.done $0x0  }
0x27: {  	s28 =	simm.s32 $0x2;
	s24 =	rddreg [dreg:$0x5];
	[sflag:s23] =	ssyncadd.s32 $0xFFFFFC00  }
0x28: {  	[tilespmem:s3], [sflag:$0x3] =	stream.strided.gather [hbm4b:s24+s22], $0x400, s3, s22, $0x38;
	[tilespmem:$0x8800] =	vst v63  }
0x29: {  	_ =	swait.ge [sflag:s23], $0x400;
	[dreg:$0x13] =	wrdreg s28  }
0x2a: {  	s30 =	rddreg [dreg:$0xd]  }
0x2b: {  	s25 =	rddreg [dreg:$0xc]  }
0x2c: {  	s26 =	rddreg [dreg:$0x3]  }
0x2d: {  	s11 =	rddreg [dreg:$0xa]  }
0x2e: {  	s31 =	rddreg [dreg:$0x9]  }
.Ltmp2:
0x2f: {  	s29 =	rddreg [dreg:$0x8];
	(pc) =	sbr.rel .LBB2_2-.Ltmp2, $4  }
0x30: {  	[dreg:$0x11] =	wrdreg s25  }
0x31: {  	s18 =	simm.s32 $0x1;
	[dreg:$0x12] =	wrdreg s26  }
0x32: {  	s0 =	simm.s32 $0x0;
	[sflag:s23] =	ssyncset.done $0x0;
	s26 =	rddreg [dreg:$0xb]  }
0x33: {  	s24 =	simm.s32 $0x1;
	[sflag:s23] =	ssyncadd.s32 $0xFFFFFC00;
	[dreg:$0x15] =	wrdreg s29  }
.LBB2_20:
0x34: {  	v38 =	vadd.f32 $1.000000000e+00, v38;
	v41 =	vmul.f32 v35, v25;
	s3 =	sadd.s32 $0x6A00, s20;
	[tilespmem:s4+$0x0] =	vst v40;
	s8 =	sor.u32 s1, s7;
	(erf) = vrcp.f32 v36;
	v50 =	vpop (erf)  }
0x35: {  	v39 =	vadd.f32 $1.000000000e+00, v39;
	v51 =	vmul.f32 v35, v24;
	s28 =	sadd.s32 $0x6A80, s20;
	[tilespmem:s8+$0x0] =	vst v50;
	s9 =	sor.u32 s1, s3;
	(erf) = vrcp.f32 v37;
	v52 =	vpop (erf)  }
0x36: {  	v54 =	vmul.f32 v35, v23;
	s13 =	sadd.s32 $0x6B00, s20;
	s15 =	sor.u32 s1, s28;
	v53 =	vadd.f32 $1.000000000e+00, v41;
	[tilespmem:s9+$0x0] =	vst v52;
	(erf) = vrcp.f32 v38;
	v55 =	vpop (erf)  }
0x37: {  	v57 =	vmul.f32 v35, v22;
	s12 =	sadd.s32 $0x6B80, s20;
	s17 =	sor.u32 s1, s13;
	v56 =	vadd.f32 $1.000000000e+00, v51;
	[tilespmem:s15+$0x0] =	vst v55;
	(erf) = vrcp.f32 v39;
	v58 =	vpop (erf)  }
0x38: {  	v60 =	vmul.f32 v35, v20;
	s20 =	sor.u32 s1, s12;
	v59 =	vadd.f32 $1.000000000e+00, v54;
	[tilespmem:s17+$0x0] =	vst v58;
	(erf) = vrcp.f32 v53;
	v61 =	vpop (erf)  }
0x39: {  	v63 =	vmul.f32 v35, v21;
	v62 =	vadd.f32 $1.000000000e+00, v57;
	[tilespmem:s20+$0x0] =	vst v61;
	v44 =	vpop (erf);
	(erf) = vrcp.f32 v56  }
0x3a: {  	v46 =	vmul.f32 v35, v19;
	v45 =	vadd.f32 $1.000000000e+00, v60;
	[tilespmem:s10+$0x0] =	vst v44;
	v47 =	vpop (erf);
	(erf) = vrcp.f32 v59  }
0x3b: {  	v34 =	vmul.f32 v35, v34;
	v48 =	vadd.f32 $1.000000000e+00, v63;
	[tilespmem:s10+$0x80] =	vst v47;
	v49 =	vpop (erf);
	(erf) = vrcp.f32 v62  }
0x3c: {  	v50 =	vadd.f32 $1.000000000e+00, v46;
	[tilespmem:s10+$0x100] =	vst v49;
	v51 =	vpop (erf);
	(erf) = vrcp.f32 v45  }
0x3d: {  	v34 =	vadd.f32 $1.000000000e+00, v34;
	[tilespmem:s10+$0x180] =	vst v51;
	v52 =	vpop (erf);
	(erf) = vrcp.f32 v48  }
0x3e: {  	[tilespmem:s10+$0x200] =	vst v52;
	v53 =	vpop (erf);
	(erf) = vrcp.f32 v50  }
0x3f: {  	[tilespmem:s10+$0x280] =	vst v53;
	v54 =	vpop (erf);
	(erf) = vrcp.f32 v34  }
0x40: {  	[tilespmem:s10+$0x300] =	vst v54;
	v55 =	vpop (erf)  }
0x41: {  	[tilespmem:s14+$0x4800] =	vst v55;
	v56 =	vpop (erf)  }
0x42: {  	[tilespmem:s18+$0x0] =	vst v56;
	v57 =	vpop (erf)  }
0x43: {  	s21 =	sor.u32 s6, s2;
	[tilespmem:s19+$0x0] =	vst v57;
	v58 =	vpop (erf)  }
0x44: {  	s22 =	sor.u32 s6, s7;
	[tilespmem:s21+$0x0] =	vst v58;
	v59 =	vpop (erf)  }
0x45: {  	s23 =	sor.u32 s6, s3;
	[tilespmem:s22+$0x0] =	vst v59;
	v60 =	vpop (erf)  }
0x46: {  	s24 =	sor.u32 s6, s28;
	[tilespmem:s23+$0x0] =	vst v60;
	v61 =	vpop (erf)  }
0x47: {  	s25 =	sor.u32 s6, s13;
	[tilespmem:s24+$0x0] =	vst v61;
	v62 =	vpop (erf)  }
0x48: {  	s28 =	sor.u32 s6, s12;
	[tilespmem:s25+$0x0] =	vst v62;
	v63 =	vpop (erf)  }
0x49: {  	[tilespmem:s28+$0x0] =	vst v63  }
0x4a: {  	s24 =	smov.u32 s29;
	s18 =	rddreg [dreg:$0x14]  }
.LBB2_21:
0x4b: {  	v32 =	vmul.f32 v1, v32  }
0x4c: {  	v18 =	vmul.f32 v18, v2;
	v33 =	vmul.f32 v1, v33  }
0x4d: {  	v17 =	vmul.f32 v17, v2;
	v31 =	vmul.f32 v1, v31  }
0x4e: {  	v16 =	vmul.f32 v16, v2;
	v30 =	vmul.f32 v1, v30  }
0x4f: {  	v15 =	vmul.f32 v15, v2;
	v48 =	vmul.f32 v1, v29  }
0x50: {  	v14 =	vmul.f32 v14, v2;
	v49 =	vmul.f32 v1, v28  }
0x51: {  	v13 =	vmul.f32 v13, v2;
	v50 =	vmul.f32 v1, v26  }
0x52: {  	v12 =	vmul.f32 v12, v2;
	v51 =	vmul.f32 v1, v27  }
0x53: {  	v11 =	vmul.f32 v11, v2;
	v52 =	vmul.f32 v1, v25  }
0x54: {  	v34 =	vld [tilespmem:$0x1FFF0];
	v10 =	vmul.f32 v10, v2;
	v53 =	vmul.f32 v1, v24  }
0x55: {  	v9 =	vmul.f32 v9, v2;
	v54 =	vmul.f32 v1, v23  }
0x56: {  	v8 =	vmul.f32 v8, v2;
	v57 =	vmul.f32 v1, v22  }
0x57: {  	v7 =	vmul.f32 v7, v2;
	v58 =	vmul.f32 v1, v20  }
0x58: {  	vm15 =	veq.s32 v0, $0x1;
	v6 =	vmul.f32 v6, v2;
	v59 =	vmul.f32 v1, v21  }
0x59: {  	v5 =	vmul.f32 v5, v2;
	v1 =	vmul.f32 v1, v19;
	vm0 =	vnez.u8 v34  }
0x5a: {  	v4 =	vmul.f32 v4, v2;
	v2 =	vmul.f32 v3, v2;
	v18 =	vsel vm0, v18, v32  }
0x5b: {  	v17 =	vsel vm1, v17, v33;
	v16 =	vsel vm2, v16, v31;
	v18 =	vadd.f32 $1.000000000e+00, v18  }
0x5c: {  	v15 =	vsel vm3, v15, v30;
	v14 =	vsel vm4, v14, v48;
	v17 =	vadd.f32 $1.000000000e+00, v17  }
0x5d: {  	v13 =	vsel vm5, v13, v49;
	v16 =	vadd.f32 $1.000000000e+00, v16;
	(erf) = vrcp.f32 v18  }
0x5e: {  	v12 =	vsel vm6, v12, v50;
	v15 =	vadd.f32 $1.000000000e+00, v15;
	(erf) = vrcp.f32 v17  }
0x5f: {  	v11 =	vsel vm7, v11, v51;
	v14 =	vadd.f32 $1.000000000e+00, v14;
	(erf) = vrcp.f32 v16  }
0x60: {  	v10 =	vsel vm8, v10, v52;
	v9 =	vsel vm9, v9, v53;
	(erf) = vrcp.f32 v15  }
0x61: {  	v8 =	vsel vm10, v8, v54;
	v7 =	vsel vm11, v7, v57;
	(erf) = vrcp.f32 v14  }
0x62: {  	v6 =	vsel vm12, v6, v58;
	v5 =	vsel vm13, v5, v59;
	v13 =	vadd.f32 $1.000000000e+00, v13  }
0x63: {  	v1 =	vsel vm14, v4, v1;
	v2 =	vadd.f32 $1.000000000e+00, v2;
	v12 =	vadd.f32 $1.000000000e+00, v12  }
0x64: {  	v11 =	vadd.f32 $1.000000000e+00, v11;
	v10 =	vadd.f32 $1.000000000e+00, v10;
	(erf) = vrcp.f32 v13  }
0x65: {  	v9 =	vadd.f32 $1.000000000e+00, v9;
	v8 =	vadd.f32 $1.000000000e+00, v8;
	(erf) = vrcp.f32 v12  }
0x66: {  	v7 =	vadd.f32 $1.000000000e+00, v7;
	v6 =	vadd.f32 $1.000000000e+00, v6;
	(erf) = vrcp.f32 v11;
	v55 =	vpop (erf)  }
0x67: {  	s2 =	sshll.u32 s5, $0x7;
	v5 =	vadd.f32 $1.000000000e+00, v5;
	vm0 =	veq.s32 v0, $0x0;
	(erf) = vrcp.f32 v10;
	v56 =	vpop (erf)  }
0x68: {  	s3 =	sand.u32 $0x70, s16;
	s1 =	sand.u32 $0x1C00, s2;
	(erf) = vrcp.f32 v9;
	v10 =	vsel vm0, $0x0, v55;
	vm0 =	veq.s32 v0, $0x2;
	v60 =	vpop (erf)  }
0x69: {  	s1 =	sor.u32 s3, s1;
	(erf) = vrcp.f32 v8;
	v3 =	vsel vm0, $0x0, v60;
	v61 =	vpop (erf);
	vm0 =	veq.s32 v0, $0x3  }
0x6a: {  	(erf) = vrcp.f32 v7;
	[tilespmem:s1+$0x4900] =	vst v3;
	v3 =	vsel vm0, $0x0, v61;
	v62 =	vpop (erf);
	vm0 =	veq.s32 v0, $0x4  }
0x6b: {  	v1 =	vadd.f32 $1.000000000e+00, v1;
	(erf) = vrcp.f32 v6;
	[tilespmem:s1+$0x4980] =	vst v3;
	v3 =	vsel vm0, $0x0, v62  }
0x6c: {  	v9 =	vsel vm15, $0x0, v56;
	[tilespmem:s1+$0x4800] =	vst v10;
	(erf) = vrcp.f32 v5  }
0x6d: {  	[tilespmem:s1+$0x4880] =	vst v9;
	v63 =	vpop (erf);
	vm0 =	veq.s32 v0, $0x5;
	(erf) = vrcp.f32 v1  }
0x6e: {  	[tilespmem:s1+$0x4A00] =	vst v3;
	v1 =	vsel vm0, $0x0, v63;
	vm0 =	veq.s32 v0, $0x6;
	v3 =	vpop (erf);
	(erf) = vrcp.f32 v2  }
0x6f: {  	s2 =	sor.u32 s3, s2;
	[tilespmem:s1+$0x4A80] =	vst v1;
	v2 =	vpop (erf);
	v1 =	vsel vm0, $0x0, v3;
	vm0 =	veq.s32 v0, $0x7  }
0x70: {  	s2 =	sor.u32 $0x380, s2;
	v3 =	vpop (erf);
	[tilespmem:s1+$0x4B00] =	vst v1;
	v1 =	vsel vm0, $0x0, v2;
	vm0 =	veq.s32 v0, $0x8  }
0x71: {  	v2 =	vpop (erf);
	[tilespmem:s2+$0x4800] =	vst v1;
	v1 =	vsel vm0, $0x0, v3;
	vm0 =	veq.s32 v0, $0x9  }
0x72: {  	v3 =	vpop (erf);
	[tilespmem:s1+$0x6800] =	vst v1;
	v1 =	vsel vm0, $0x0, v2;
	vm0 =	veq.s32 v0, $0xA  }
0x73: {  	v2 =	vpop (erf);
	[tilespmem:s1+$0x6880] =	vst v1;
	v1 =	vsel vm0, $0x0, v3;
	vm0 =	veq.s32 v0, $0xB  }
0x74: {  	v3 =	vpop (erf);
	[tilespmem:s1+$0x6900] =	vst v1;
	v1 =	vsel vm0, $0x0, v2;
	vm0 =	veq.s32 v0, $0xC  }
0x75: {  	s19 =	rddreg [dreg:$0x16];
	v2 =	vpop (erf);
	[tilespmem:s1+$0x6980] =	vst v1;
	v1 =	vsel vm0, $0x0, v3;
	vm0 =	veq.s32 v0, $0xD  }
0x76: {  	s20 =	rddreg [dreg:$0x6];
	s21 =	simm.s32 $0x0;
	v3 =	vpop (erf);
	[tilespmem:s1+$0x6A00] =	vst v1;
	v1 =	vsel vm0, $0x0, v2;
	vm0 =	veq.s32 v0, $0xE  }
0x77: {  	s22 =	simm.s32 $0x4800;
	s0 =	sadd.s32 $0x1, s0;
	s23 =	rddreg [dreg:$0x15];
	[tilespmem:s1+$0x6A80] =	vst v1;
	v1 =	vsel vm0, $0x0, v3;
	v2 =	vpop (erf);
	vm0 =	veq.s32 v0, $0xF  }
0x78: {  	s31 =	sadd.s32 $0x100, s31;
	s25 =	rddreg [dreg:$0x13];
	s2 =	sshll.u32 s19, $0xB;
	[tilespmem:s1+$0x6B00] =	vst v1;
	v1 =	vsel vm0, $0x0, v2  }
0x79: {  	s28 =	rddreg [dreg:$0x12];
	p0 =	sne.s32 s0, $0x10;
	[tilespmem:s1+$0x6B80] =	vst v1;
	s1 =	sadd.s32 s2, s20  }
0x7a: {  	[hbm4b:s1+s21] =	stream.linear.scatter [tilespmem:s22], [sflag:$0x2], $0x4000, $0x38;
	[tilespmem:$0x8800] =	vst v63  }
.Ltmp3:
0x7b: {  	s29 =	rddreg [dreg:$0x11];
	s1 =	sadd.s32 $0x2, s23;
	(pc) =	sbr.rel @!p0 .LBB2_22-.Ltmp3, $4  }
0x7c: {  	s18 =	sadd.s32 $0x2, s18;
	[dreg:$0x15] =	wrdreg s1;
	s1 =	sadd.s32 $0x2, s25  }
0x7d: {  	s11 =	sadd.s32 $0x20, s11;
	[dreg:$0x13] =	wrdreg s1;
	s1 =	sadd.s32 $0x2, s28  }
0x7e: {  	s26 =	sadd.s32 $0x20, s26;
	[dreg:$0x12] =	wrdreg s1;
	s1 =	sadd.s32 $0x100, s29  }
0x7f: {  	s24 =	sadd.s32 $0x1, s24;
	s30 =	sadd.s32 $0x20, s30;
	[dreg:$0x11] =	wrdreg s1  }
.LBB2_2:
0x80: {  	p0 =	seq.s32 s0, $0x0  }
0x81: {  	s1 =	simm.s32 @!p0 $0x1  }
0x82: {  	_ =	swait.ge @!p0 [sflag:s1], $0x4000  }
0x83: {  	s2 =	sshll.u32 s0, $0x1;
	s3 =	rddreg [dreg:$0x3]  }
0x84: {  	[sflag:s1] =	ssyncset.done @!p0 $0x0;
	s16 =	sor.u32 s3, s2  }
0x85: {  	[sflag:s1] =	ssyncadd.s32 @!p0 $0xFFFFC000;
	s15 =	sshll.u32 s16, $0x4  }
0x86: {  	v1 =	vld [tilespmem:s15+$0x0];
	_ =	sdelay $0x4  }
0x87: {  	v29 =	vbroadcast v1, $0x0;
	v27 =	vbroadcast v1, $0x1  }
0x88: {  	v26 =	vbroadcast v1, $0x2;
	v24 =	vbroadcast v1, $0x3  }
0x89: {  	v22 =	vbroadcast v1, $0x4;
	v19 =	vbroadcast v1, $0x5  }
0x8a: {  	v2 =	vld [tilespmem:s15+$0x400];
	v18 =	vbroadcast v1, $0x6;
	v16 =	vbroadcast v1, $0x7  }
0x8b: {  	v15 =	vbroadcast v1, $0x8;
	v13 =	vbroadcast v1, $0x9  }
0x8c: {  	v12 =	vbroadcast v1, $0xA;
	v7 =	vbroadcast v1, $0xB  }
0x8d: {  	v6 =	vbroadcast v1, $0xC;
	v4 =	vbroadcast v1, $0xD  }
0x8e: {  	v3 =	vbroadcast v1, $0xE;
	v34 =	vbroadcast v1, $0xF  }
0x8f: {  	v33 =	vbroadcast v2, $0x0;
	v32 =	vbroadcast v2, $0x1  }
0x90: {  	v31 =	vbroadcast v2, $0x2;
	v30 =	vbroadcast v2, $0x3  }
0x91: {  	p1 =	seq.s32 s16, $0x0;
	v28 =	vbroadcast v2, $0x4;
	v25 =	vbroadcast v2, $0x5  }
.Ltmp4:
0x92: {  	v23 =	vbroadcast v2, $0x6;
	v21 =	vbroadcast v2, $0x7;
	(pc) =	sbr.rel @p1 .LBB2_6-.Ltmp4, $4  }
0x93: {  	v20 =	vbroadcast v2, $0x8;
	v17 =	vbroadcast v2, $0x9  }
0x94: {  	v14 =	vbroadcast v2, $0xA;
	v11 =	vbroadcast v2, $0xB  }
0x95: {  	[dreg:$0x14] =	wrdreg s18;
	v10 =	vbroadcast v2, $0xC;
	v9 =	vbroadcast v2, $0xD  }
0x96: {  	[dreg:$0x10] =	wrdreg s30;
	v8 =	vbroadcast v2, $0xE;
	v5 =	vbroadcast v2, $0xF  }
0x97: {  	s6 =	simm.s32 $0x0  }
0x98: {  	s5 =	sand.u32 $0x60, s6  }
0x99: {  	s2 =	sand.u32 $0xFFFFFF80, s6;
	s1 =	sor.u32 $0x10, s5  }
0x9a: {  	s2 =	sor.u32 s1, s2  }
0x9b: {  	v36 =	vld [tilespmem:s2+$0x0];
	_ =	sdelay $0x4  }
0x9c: {  	v35 =	vmul.f32 v36, v33  }
0x9d: {  	v37 =	vmul.f32 v36, v32  }
0x9e: {  	v38 =	vmul.f32 v36, v31;
	v35 =	vadd.f32 $1.000000000e+00, v35  }
0x9f: {  	v39 =	vmul.f32 v36, v30;
	v40 =	vmul.f32 v36, v28;
	v37 =	vadd.f32 $1.000000000e+00, v37  }
0xa0: {  	v48 =	vmul.f32 v36, v25;
	v38 =	vadd.f32 $1.000000000e+00, v38;
	(erf) = vrcp.f32 v35  }
0xa1: {  	v50 =	vmul.f32 v36, v23;
	v47 =	vadd.f32 $1.000000000e+00, v39;
	(erf) = vrcp.f32 v37  }
0xa2: {  	v52 =	vmul.f32 v36, v21;
	v49 =	vadd.f32 $1.000000000e+00, v40;
	(erf) = vrcp.f32 v38  }
0xa3: {  	v54 =	vmul.f32 v36, v20;
	v51 =	vadd.f32 $1.000000000e+00, v48;
	(erf) = vrcp.f32 v47  }
0xa4: {  	v56 =	vmul.f32 v36, v17;
	v53 =	vadd.f32 $1.000000000e+00, v50;
	(erf) = vrcp.f32 v49  }
0xa5: {  	v58 =	vmul.f32 v36, v14;
	v55 =	vadd.f32 $1.000000000e+00, v52;
	(erf) = vrcp.f32 v51  }
0xa6: {  	v41 =	vmul.f32 v36, v11;
	v57 =	vadd.f32 $1.000000000e+00, v54;
	v35 =	vld [tilespmem:s6+$0x0];
	(erf) = vrcp.f32 v53  }
0xa7: {  	s17 =	sand.u32 $0xFFFFFC00, s6;
	v60 =	vmul.f32 v36, v10;
	v39 =	vadd.f32 $1.000000000e+00, v56;
	(erf) = vrcp.f32 v55  }
0xa8: {  	s22 =	sadd.s32 $0x800, s17;
	v62 =	vmul.f32 v36, v9;
	v59 =	vadd.f32 $1.000000000e+00, v58;
	(erf) = vrcp.f32 v57  }
0xa9: {  	s3 =	sor.u32 s1, s22;
	v45 =	vmul.f32 v36, v8;
	v61 =	vadd.f32 $1.000000000e+00, v41;
	v42 =	vpop (erf);
	(erf) = vrcp.f32 v39  }
0xaa: {  	v36 =	vmul.f32 v36, v5;
	v63 =	vadd.f32 $1.000000000e+00, v60;
	[tilespmem:s3+$0x0] =	vst v42;
	v46 =	vpop (erf);
	(erf) = vrcp.f32 v59  }
0xab: {  	s4 =	sand.u32 $0x3, s6;
	v47 =	vadd.f32 $1.000000000e+00, v62;
	v49 =	vmul.f32 v35, v33;
	[tilespmem:s3+$0x80] =	vst v46;
	v48 =	vpop (erf);
	(erf) = vrcp.f32 v61  }
0xac: {  	s10 =	simm.s32 $0x2;
	s4 =	sshll.u32 s4, $0x5;
	v40 =	vadd.f32 $1.000000000e+00, v45;
	v51 =	vmul.f32 v35, v32;
	[tilespmem:s3+$0x100] =	vst v48;
	v50 =	vpop (erf);
	(erf) = vrcp.f32 v63  }
0xad: {  	p1 =	sgt.u32 s16, $0x2;
	s14 =	simm.s32 $0x20;
	s4 =	sadd.s32 $0x0, s4;
	v36 =	vadd.f32 $1.000000000e+00, v36;
	v56 =	vmul.f32 v35, v30;
	[tilespmem:s3+$0x180] =	vst v50;
	v52 =	vpop (erf);
	(erf) = vrcp.f32 v47  }
0xae: {  	s20 =	simm.s32 $0x0;
	s28 =	sadd.s32 $0x2800, s17;
	s23 =	sadd.s32 $0x10, s4;
	v54 =	vmul.f32 v35, v31;
	v53 =	vadd.f32 $1.000000000e+00, v49;
	[tilespmem:s3+$0x200] =	vst v52;
	v55 =	vpop (erf);
	(erf) = vrcp.f32 v40  }
.Ltmp5:
0xaf: {  	s29 =	sadd.s32 $0x2880, s17;
	s25 =	sor.u32 $0x300, s23;
	v39 =	vadd.f32 $1.000000000e+00, v51;
	v40 =	vadd.f32 $1.000000000e+00, v56;
	[tilespmem:s3+$0x280] =	vst v55;
	v57 =	vpop (erf);
	(erf) = vrcp.f32 v36;
	(pc) =	sbr.rel @!p1 .LBB2_5-.Ltmp5, $4  }
0xb0: {  	s19 =	sadd.s32 $0x2900, s17;
	s8 =	sor.u32 s5, s22;
	s2 =	sor.u32 $0x380, s23;
	v58 =	vadd.f32 $1.000000000e+00, v54;
	v59 =	vmul.f32 v35, v28;
	[tilespmem:s25+$0x800] =	vst v57;
	(erf) = vrcp.f32 v53;
	v60 =	vpop (erf)  }
0xb1: {  	s21 =	sor.u32 s5, s28;
	s30 =	sor.u32 s1, s28;
	s18 =	sor.u32 s5, s29;
	v61 =	vmul.f32 v35, v25;
	[tilespmem:s2+$0x800] =	vst v60;
	(erf) = vrcp.f32 v39;
	v62 =	vpop (erf)  }
0xb2: {  	s13 =	sor.u32 $0x300, s4;
	s12 =	sor.u32 $0x380, s4;
	v38 =	vmul.f32 v35, v23;
	v36 =	vadd.f32 $1.000000000e+00, v59;
	s3 =	sor.u32 s1, s29;
	[tilespmem:s30+$0x0] =	vst v62;
	(erf) = vrcp.f32 v58;
	v63 =	vpop (erf)  }
0xb3: {  	s4 =	sor.u32 s1, s19;
	v37 =	vadd.f32 $1.000000000e+00, v61;
	s2 =	sadd.s32 $0x2980, s17;
	v39 =	vmul.f32 v35, v21;
	[tilespmem:s3+$0x0] =	vst v63;
	(erf) = vrcp.f32 v40;
	v40 =	vpop (erf);
	s3 =	simm.s32 $0x0  }
.LBB2_4:
0xb4: {  	s7 =	sand.u32 $0xFFFFFF80, s14;
	v38 =	vadd.f32 $1.000000000e+00, v38;
	v41 =	vmul.f32 v35, v20;
	s25 =	sadd.s32 $0x2A00, s17;
	[tilespmem:s4+$0x0] =	vst v40;
	s4 =	sor.u32 s1, s2;
	(erf) = vrcp.f32 v36;
	v36 =	vpop (erf)  }
0xb5: {  	s9 =	sand.u32 $0x60, s14;
	v40 =	vmul.f32 v35, v17;
	s22 =	sadd.s32 $0x2A80, s17;
	v42 =	vadd.f32 $1.000000000e+00, v39;
	[tilespmem:s4+$0x0] =	vst v36;
	s4 =	sor.u32 s1, s25;
	(erf) = vrcp.f32 v37;
	v36 =	vpop (erf)  }
0xb6: {  	s30 =	sadd.s32 $0x2B00, s17;
	s29 =	sor.u32 $0x10, s9;
	v43 =	vadd.f32 $1.000000000e+00, v41;
	v41 =	vmul.f32 v35, v14;
	[tilespmem:s4+$0x0] =	vst v36;
	s4 =	sor.u32 s1, s22;
	(erf) = vrcp.f32 v38;
	v36 =	vpop (erf)  }
0xb7: {  	s23 =	sadd.s32 $0x2B80, s17;
	s7 =	sor.u32 s29, s7;
	v38 =	vadd.f32 $1.000000000e+00, v40;
	v40 =	vmul.f32 v35, v11;
	[tilespmem:s4+$0x0] =	vst v36;
	s4 =	sor.u32 s1, s30;
	(erf) = vrcp.f32 v42;
	v39 =	vpop (erf)  }
0xb8: {  	s28 =	sor.u32 s5, s19;
	s19 =	sor.u32 s5, s2;
	v44 =	vmul.f32 v35, v10;
	s1 =	sor.u32 s1, s23;
	v36 =	vld [tilespmem:s7+$0x0];
	v45 =	vadd.f32 $1.000000000e+00, v41;
	[tilespmem:s4+$0x0] =	vst v39;
	(erf) = vrcp.f32 v43;
	v37 =	vpop (erf)  }
0xb9: {  	s17 =	sor.u32 s5, s22;
	s2 =	sor.u32 s5, s30;
	v43 =	vadd.f32 $1.000000000e+00, v40;
	s4 =	sor.u32 s5, s25;
	v40 =	vmul.f32 v35, v9;
	[tilespmem:s1+$0x0] =	vst v37;
	v37 =	vpop (erf);
	(erf) = vrcp.f32 v38  }
0xba: {  	s7 =	sor.u32 s5, s23;
	s5 =	smov.u32 s9;
	v38 =	vmul.f32 v35, v8;
	s1 =	smov.u32 s29;
	[tilespmem:s8+$0x0] =	vst v37;
	v37 =	vadd.f32 $1.000000000e+00, v44;
	v42 =	vpop (erf);
	(erf) = vrcp.f32 v45  }
0xbb: {  	v35 =	vmul.f32 v35, v5;
	v40 =	vadd.f32 $1.000000000e+00, v40;
	[tilespmem:s8+$0x80] =	vst v42;
	v41 =	vpop (erf);
	(erf) = vrcp.f32 v43  }
0xbc: {  	v38 =	vadd.f32 $1.000000000e+00, v38;
	[tilespmem:s8+$0x100] =	vst v41;
	v39 =	vpop (erf);
	(erf) = vrcp.f32 v37  }
0xbd: {  	v35 =	vadd.f32 $1.000000000e+00, v35;
	v37 =	vmul.f32 v36, v33;
	[tilespmem:s8+$0x180] =	vst v39;
	v39 =	vpop (erf);
	(erf) = vrcp.f32 v40  }
0xbe: {  	v40 =	vmul.f32 v36, v32;
	[tilespmem:s8+$0x200] =	vst v39;
	v39 =	vpop (erf);
	(erf) = vrcp.f32 v38  }
0xbf: {  	v38 =	vmul.f32 v36, v31;
	v42 =	vadd.f32 $1.000000000e+00, v37;
	[tilespmem:s8+$0x280] =	vst v39;
	v39 =	vpop (erf);
	(erf) = vrcp.f32 v35  }
0xc0: {  	v43 =	vadd.f32 $1.000000000e+00, v40;
	v40 =	vmul.f32 v36, v30;
	[tilespmem:s13+$0x800] =	vst v39;
	v39 =	vpop (erf)  }
0xc1: {  	v41 =	vmul.f32 v36, v28;
	v38 =	vadd.f32 $1.000000000e+00, v38;
	(erf) = vrcp.f32 v42;
	[tilespmem:s12+$0x800] =	vst v39;
	v37 =	vpop (erf)  }
0xc2: {  	v39 =	vadd.f32 $1.000000000e+00, v40;
	v40 =	vmul.f32 v36, v25;
	(erf) = vrcp.f32 v43;
	[tilespmem:s21+$0x0] =	vst v37;
	v35 =	vpop (erf)  }
0xc3: {  	v37 =	vadd.f32 $1.000000000e+00, v41;
	v41 =	vmul.f32 v36, v23;
	(erf) = vrcp.f32 v38;
	[tilespmem:s18+$0x0] =	vst v35;
	v35 =	vpop (erf)  }
0xc4: {  	s10 =	sadd.s32 $0x2, s10;
	v38 =	vadd.f32 $1.000000000e+00, v40;
	v40 =	vmul.f32 v36, v21;
	(erf) = vrcp.f32 v39;
	[tilespmem:s28+$0x0] =	vst v35;
	v35 =	vpop (erf)  }
0xc5: {  	p1 =	slt.u32 s10, s16;
	v42 =	vadd.f32 $1.000000000e+00, v41;
	v41 =	vmul.f32 v36, v20;
	(erf) = vrcp.f32 v37;
	[tilespmem:s19+$0x0] =	vst v35;
	v35 =	vpop (erf)  }
0xc6: {  	v43 =	vadd.f32 $1.000000000e+00, v40;
	v40 =	vmul.f32 v36, v17;
	(erf) = vrcp.f32 v38;
	[tilespmem:s4+$0x0] =	vst v35;
	v35 =	vpop (erf)  }
0xc7: {  	s6 =	sadd.s32 $0x100, s6;
	s3 =	sadd.s32 $0x20, s3;
	v38 =	vadd.f32 $1.000000000e+00, v41;
	v41 =	vmul.f32 v36, v14;
	(erf) = vrcp.f32 v42;
	[tilespmem:s17+$0x0] =	vst v35;
	v39 =	vpop (erf)  }
0xc8: {  	v44 =	vmul.f32 v36, v11;
	s17 =	sand.u32 $0xFFFFFC00, s6;
	v40 =	vadd.f32 $1.000000000e+00, v40;
	v35 =	vld [tilespmem:s3+$0x0];
	(erf) = vrcp.f32 v43;
	[tilespmem:s2+$0x0] =	vst v39;
	v37 =	vpop (erf)  }
0xc9: {  	s2 =	sadd.s32 $0x800, s17;
	v43 =	vadd.f32 $1.000000000e+00, v41;
	v41 =	vmul.f32 v36, v10;
	(erf) = vrcp.f32 v38;
	[tilespmem:s7+$0x0] =	vst v37  }
0xca: {  	s8 =	sor.u32 s5, s2;
	s2 =	sor.u32 s1, s2;
	v37 =	vadd.f32 $1.000000000e+00, v44;
	v38 =	vmul.f32 v36, v9;
	v42 =	vpop (erf);
	(erf) = vrcp.f32 v40  }
0xcb: {  	s20 =	sadd.s32 $0x1, s20;
	v44 =	vmul.f32 v36, v8;
	v40 =	vadd.f32 $1.000000000e+00, v41;
	[tilespmem:s2+$0x0] =	vst v42;
	v42 =	vpop (erf);
	(erf) = vrcp.f32 v43  }
0xcc: {  	s4 =	sand.u32 $0x3, s20;
	v36 =	vmul.f32 v36, v5;
	v38 =	vadd.f32 $1.000000000e+00, v38;
	[tilespmem:s2+$0x80] =	vst v42;
	v39 =	vpop (erf);
	(erf) = vrcp.f32 v37  }
0xcd: {  	s4 =	sshll.u32 s4, $0x5;
	v37 =	vmul.f32 v35, v33;
	[tilespmem:s2+$0x100] =	vst v39;
	v39 =	vadd.f32 $1.000000000e+00, v44;
	v41 =	vpop (erf);
	(erf) = vrcp.f32 v40  }
0xce: {  	s4 =	sadd.s32 s4, s6;
	v36 =	vadd.f32 $1.000000000e+00, v36;
	v40 =	vmul.f32 v35, v32;
	[tilespmem:s2+$0x180] =	vst v41;
	v41 =	vpop (erf);
	(erf) = vrcp.f32 v38  }
0xcf: {  	s13 =	sor.u32 $0x300, s4;
	s12 =	sor.u32 $0x380, s4;
	s4 =	sadd.s32 $0x10, s4;
	v38 =	vmul.f32 v35, v31;
	v43 =	vadd.f32 $1.000000000e+00, v37;
	[tilespmem:s2+$0x200] =	vst v41;
	v41 =	vpop (erf);
	(erf) = vrcp.f32 v39  }
.Ltmp6:
0xd0: {  	v39 =	vadd.f32 $1.000000000e+00, v40;
	v40 =	vmul.f32 v35, v30;
	[tilespmem:s2+$0x280] =	vst v41;
	s2 =	sor.u32 $0x300, s4;
	v41 =	vpop (erf);
	(erf) = vrcp.f32 v36;
	(pc) =	sbr.rel @p1 .LBB2_4-.Ltmp6, $4  }
0xd1: {  	s7 =	sadd.s32 $0x2800, s17;
	v44 =	vadd.f32 $1.000000000e+00, v38;
	v36 =	vmul.f32 v35, v28;
	[tilespmem:s2+$0x800] =	vst v41;
	s2 =	sor.u32 $0x380, s4;
	(erf) = vrcp.f32 v43;
	v37 =	vpop (erf)  }
0xd2: {  	s21 =	sor.u32 s5, s7;
	v43 =	vadd.f32 $1.000000000e+00, v40;
	v41 =	vmul.f32 v35, v25;
	s4 =	sadd.s32 $0x2880, s17;
	[tilespmem:s2+$0x800] =	vst v37;
	s2 =	sor.u32 s1, s7;
	(erf) = vrcp.f32 v39;
	v37 =	vpop (erf)  }
0xd3: {  	s19 =	sadd.s32 $0x2900, s17;
	v38 =	vmul.f32 v35, v23;
	v36 =	vadd.f32 $1.000000000e+00, v36;
	s18 =	sor.u32 s5, s4;
	s4 =	sor.u32 s1, s4;
	[tilespmem:s2+$0x0] =	vst v37;
	(erf) = vrcp.f32 v44;
	v42 =	vpop (erf)  }
0xd4: {  	s14 =	sadd.s32 $0x20, s14;
	v39 =	vmul.f32 v35, v21;
	v37 =	vadd.f32 $1.000000000e+00, v41;
	s2 =	sadd.s32 $0x2980, s17;
	[tilespmem:s4+$0x0] =	vst v42;
	s4 =	sor.u32 s1, s19;
	(erf) = vrcp.f32 v43;
	v40 =	vpop (erf)  }
.LBB2_5:
0xd5: {  	v38 =	vadd.f32 $1.000000000e+00, v38;
	v41 =	vmul.f32 v35, v20;
	s3 =	sadd.s32 $0x2A00, s17;
	[tilespmem:s4+$0x0] =	vst v40;
	s6 =	sor.u32 s1, s2;
	(erf) = vrcp.f32 v36;
	v50 =	vpop (erf)  }
0xd6: {  	v51 =	vmul.f32 v35, v17;
	s28 =	sadd.s32 $0x2A80, s17;
	v39 =	vadd.f32 $1.000000000e+00, v39;
	[tilespmem:s6+$0x0] =	vst v50;
	s7 =	sor.u32 s1, s3;
	(erf) = vrcp.f32 v37;
	v52 =	vpop (erf)  }
0xd7: {  	v54 =	vmul.f32 v35, v14;
	s29 =	sadd.s32 $0x2B00, s17;
	s10 =	sor.u32 s1, s28;
	v53 =	vadd.f32 $1.000000000e+00, v41;
	[tilespmem:s7+$0x0] =	vst v52;
	(erf) = vrcp.f32 v38;
	v55 =	vpop (erf)  }
0xd8: {  	v57 =	vmul.f32 v35, v11;
	s9 =	sadd.s32 $0x2B80, s17;
	s14 =	sor.u32 s1, s29;
	v56 =	vadd.f32 $1.000000000e+00, v51;
	[tilespmem:s10+$0x0] =	vst v55;
	(erf) = vrcp.f32 v39;
	v58 =	vpop (erf)  }
0xd9: {  	v60 =	vmul.f32 v35, v10;
	s17 =	sor.u32 s1, s9;
	v59 =	vadd.f32 $1.000000000e+00, v54;
	[tilespmem:s14+$0x0] =	vst v58;
	(erf) = vrcp.f32 v53;
	v61 =	vpop (erf)  }
0xda: {  	v63 =	vmul.f32 v35, v9;
	v62 =	vadd.f32 $1.000000000e+00, v57;
	[tilespmem:s17+$0x0] =	vst v61;
	v43 =	vpop (erf);
	(erf) = vrcp.f32 v56  }
0xdb: {  	v45 =	vmul.f32 v35, v8;
	v44 =	vadd.f32 $1.000000000e+00, v60;
	[tilespmem:s8+$0x0] =	vst v43;
	v46 =	vpop (erf);
	(erf) = vrcp.f32 v59  }
0xdc: {  	v48 =	vmul.f32 v35, v5;
	v47 =	vadd.f32 $1.000000000e+00, v63;
	[tilespmem:s8+$0x80] =	vst v46;
	v49 =	vpop (erf);
	(erf) = vrcp.f32 v62  }
0xdd: {  	v50 =	vadd.f32 $1.000000000e+00, v45;
	[tilespmem:s8+$0x100] =	vst v49;
	v51 =	vpop (erf);
	(erf) = vrcp.f32 v44  }
0xde: {  	v35 =	vadd.f32 $1.000000000e+00, v48;
	[tilespmem:s8+$0x180] =	vst v51;
	v52 =	vpop (erf);
	(erf) = vrcp.f32 v47  }
0xdf: {  	[tilespmem:s8+$0x200] =	vst v52;
	v53 =	vpop (erf);
	(erf) = vrcp.f32 v50  }
0xe0: {  	[tilespmem:s8+$0x280] =	vst v53;
	v54 =	vpop (erf);
	(erf) = vrcp.f32 v35  }
0xe1: {  	[tilespmem:s13+$0x800] =	vst v54;
	v55 =	vpop (erf)  }
0xe2: {  	[tilespmem:s12+$0x800] =	vst v55;
	v56 =	vpop (erf)  }
0xe3: {  	[tilespmem:s21+$0x0] =	vst v56;
	v57 =	vpop (erf)  }
0xe4: {  	s20 =	sor.u32 s5, s19;
	[tilespmem:s18+$0x0] =	vst v57;
	v58 =	vpop (erf)  }
0xe5: {  	s21 =	sor.u32 s5, s2;
	[tilespmem:s20+$0x0] =	vst v58;
	v59 =	vpop (erf)  }
0xe6: {  	s22 =	sor.u32 s5, s3;
	s25 =	sor.u32 s5, s29;
	s29 =	sor.u32 $0x1, s16;
	[tilespmem:s21+$0x0] =	vst v59;
	v60 =	vpop (erf)  }
0xe7: {  	s23 =	sor.u32 s5, s28;
	p1 =	slt.u32 s29, $0x3F;
	[tilespmem:s22+$0x0] =	vst v60;
	v61 =	vpop (erf)  }
.Ltmp7:
0xe8: {  	[tilespmem:s23+$0x0] =	vst v61;
	v62 =	vpop (erf);
	(pc) =	sbr.rel @!p1 .LBB2_13-.Ltmp7, $4  }
0xe9: {  	s28 =	sor.u32 s5, s9;
	[tilespmem:s25+$0x0] =	vst v62;
	v63 =	vpop (erf)  }
0xea: {  	[tilespmem:s28+$0x0] =	vst v63  }
0xeb: {  	s30 =	rddreg [dreg:$0x10]  }
0xec: {  	s18 =	rddreg [dreg:$0x14]  }
.LBB2_6:
0xed: {  	v38 =	vld [tilespmem:s26+$0x0]  }
0xee: {  	v35 =	vld [tilespmem:s26+$0xFFFFFFF0];
	_ =	sdelay $0x4  }
0xef: {  	v36 =	vmul.f32 v38, v29;
	v37 =	vmul.f32 v35, v29  }
0xf0: {  	v39 =	vmul.f32 v35, v27;
	v58 =	vmul.f32 v35, v24  }
0xf1: {  	v59 =	vmul.f32 v35, v26;
	v41 =	vmul.f32 v35, v18  }
0xf2: {  	v46 =	vmul.f32 v35, v22;
	v60 =	vmul.f32 v35, v16  }
0xf3: {  	v61 =	vmul.f32 v35, v15;
	v62 =	vmul.f32 v35, v34  }
0xf4: {  	v63 =	vmul.f32 v35, v12;
	v42 =	vmul.f32 v38, v27  }
0xf5: {  	v49 =	vmul.f32 v35, v3;
	v50 =	vmul.f32 v35, v13;
	v40 =	vadd.f32 $1.000000000e+00, v36  }
0xf6: {  	s1 =	rddreg [dreg:$0x15];
	v51 =	vmul.f32 v35, v6;
	v47 =	vadd.f32 $1.000000000e+00, v37;
	v48 =	vadd.f32 $1.000000000e+00, v39  }
0xf7: {  	s8 =	sadd.s32 $0x2, s1;
	v53 =	vmul.f32 v35, v19;
	v39 =	vadd.f32 $1.000000000e+00, v58;
	v44 =	vadd.f32 $1.000000000e+00, v59  }
0xf8: {  	p2 =	slt.u32 s8, $0x3D;
	v54 =	vmul.f32 v35, v4;
	v43 =	vadd.f32 $1.000000000e+00, v41;
	v36 =	vadd.f32 $1.000000000e+00, v60  }
.Ltmp8:
0xf9: {  	s12 =	sand.u32 $0x7FFFFC00, s31;
	s28 =	sadd.s32 $0x20, s11;
	v56 =	vmul.f32 v35, v7;
	v45 =	vadd.f32 $1.000000000e+00, v62;
	v55 =	vadd.f32 $1.000000000e+00, v46;
	(pc) =	sbr.rel @!p2 .LBB2_7-.Ltmp8, $4  }
0xfa: {  	s3 =	sadd.s32 $0x20, s26;
	s2 =	rddreg [dreg:$0x13];
	s5 =	sadd.s32 $0x2, s18;
	v41 =	vmul.f32 v38, v22;
	v52 =	vadd.f32 $1.000000000e+00, v63;
	v37 =	vadd.f32 $1.000000000e+00, v49  }
0xfb: {  	s29 =	sadd.s32 $0x10, s11;
	s4 =	sadd.s32 $0x80, s31;
	s25 =	sand.u32 $0x7, s2;
	v46 =	vmul.f32 v38, v24;
	v49 =	vadd.f32 $1.000000000e+00, v50;
	(erf) = vrcp.f32 v40  }
0xfc: {  	p1 =	por $0x0, $0x0;
	s17 =	sadd.s32 $0x2, s2;
	s1 =	sshll.u32 s25, $0x4;
	v50 =	vadd.f32 $1.000000000e+00, v51;
	v58 =	vadd.f32 $1.000000000e+00, v53;
	(erf) = vrcp.f32 v47  }
0xfd: {  	s2 =	sand.u32 $0x70, s29;
	s7 =	sand.u32 $0x7FFFFC00, s4;
	s6 =	sadd.s32 s1, s4;
	v51 =	vadd.f32 $1.000000000e+00, v54;
	v40 =	vadd.f32 $1.000000000e+00, v61;
	(erf) = vrcp.f32 v48  }
0xfe: {  	(erf) = vrcp.f32 v55  }
0xff: {  	(erf) = vrcp.f32 v44  }
0x100: {  	(erf) = vrcp.f32 v58  }
0x101: {  	(erf) = vrcp.f32 v43  }
0x102: {  	(erf) = vrcp.f32 v39  }
0x103: {  	v62 =	vmul.f32 v38, v19;
	(erf) = vrcp.f32 v52  }
0x104: {  	v57 =	vmul.f32 v38, v16;
	v35 =	vpop (erf);
	(erf) = vrcp.f32 v45  }
0x105: {  	v42 =	vadd.f32 $1.000000000e+00, v42;
	v59 =	vmul.f32 v38, v4;
	v61 =	vpop (erf);
	(erf) = vrcp.f32 v40  }
0x106: {  	v43 =	vadd.f32 $1.000000000e+00, v56;
	v56 =	vmul.f32 v38, v18;
	v63 =	vpop (erf);
	(erf) = vrcp.f32 v49  }
0x107: {  	v46 =	vadd.f32 $1.000000000e+00, v46;
	v60 =	vmul.f32 v38, v6;
	v47 =	vpop (erf);
	(erf) = vrcp.f32 v36  }
0x108: {  	s1 =	sor.u32 s2, s7;
	s22 =	sand.u32 $0x70, s11;
	v58 =	vmul.f32 v38, v3;
	v45 =	vadd.f32 $1.000000000e+00, v56;
	v56 =	vld [tilespmem:s3+$0xFFFFFFF0];
	v48 =	vpop (erf);
	(erf) = vrcp.f32 v50  }
0x109: {  	s2 =	sor.u32 s22, s12;
	v39 =	vadd.f32 $1.000000000e+00, v41;
	[tilespmem:s1+$0x800] =	vst v35;
	v35 =	vld [tilespmem:s3+$0x0];
	v40 =	vmul.f32 v38, v12;
	v50 =	vpop (erf);
	(erf) = vrcp.f32 v51  }
0x10a: {  	[tilespmem:s2+$0x800] =	vst v61;
	v61 =	vmul.f32 v38, v7;
	v36 =	vadd.f32 $1.000000000e+00, v62;
	v52 =	vpop (erf);
	(erf) = vrcp.f32 v37  }
0x10b: {  	[tilespmem:s2+$0x880] =	vst v63;
	v62 =	vadd.f32 $1.000000000e+00, v59;
	v63 =	vmul.f32 v38, v34;
	v41 =	vpop (erf);
	(erf) = vrcp.f32 v46  }
0x10c: {  	v37 =	vadd.f32 $1.000000000e+00, v57;
	v57 =	vmul.f32 v38, v26;
	v44 =	vpop (erf);
	(erf) = vrcp.f32 v42  }
0x10d: {  	[tilespmem:s2+$0xA80] =	vst v50;
	v50 =	vmul.f32 v56, v15;
	v46 =	vadd.f32 $1.000000000e+00, v58;
	v55 =	vpop (erf);
	(erf) = vrcp.f32 v36  }
0x10e: {  	s4 =	sand.u32 $0x7, s18;
	[tilespmem:s2+$0xA00] =	vst v47;
	v58 =	vmul.f32 v35, v29;
	v36 =	vadd.f32 $1.000000000e+00, v60;
	v47 =	vpop (erf);
	(erf) = vrcp.f32 v43  }
0x10f: {  	s4 =	sshll.u32 s4, $0x4;
	[tilespmem:s2+$0x900] =	vst v48;
	v60 =	vadd.f32 $1.000000000e+00, v61;
	v61 =	vmul.f32 v38, v15;
	v49 =	vpop (erf);
	(erf) = vrcp.f32 v62  }
0x110: {  	s4 =	sadd.s32 s4, s31;
	[tilespmem:s2+$0xB00] =	vst v52;
	v62 =	vadd.f32 $1.000000000e+00, v63;
	v63 =	vmul.f32 v38, v13;
	v54 =	vpop (erf);
	(erf) = vrcp.f32 v36  }
0x111: {  	s4 =	sor.u32 $0x380, s4;
	v52 =	vmul.f32 v56, v24;
	[tilespmem:s2+$0x980] =	vst v41;
	v36 =	vadd.f32 $1.000000000e+00, v40;
	v40 =	vpop (erf);
	(erf) = vrcp.f32 v60  }
0x112: {  	v51 =	vadd.f32 $1.000000000e+00, v58;
	v58 =	vmul.f32 v56, v34;
	[tilespmem:s4+$0x800] =	vst v54;
	v59 =	vpop (erf);
	(erf) = vrcp.f32 v46  }
0x113: {  	v41 =	vadd.f32 $1.000000000e+00, v61;
	v38 =	vadd.f32 $1.000000000e+00, v57;
	[tilespmem:s2+$0x2800] =	vst v47;
	v61 =	vpop (erf);
	(erf) = vrcp.f32 v62  }
0x114: {  	v60 =	vmul.f32 v56, v29;
	v42 =	vadd.f32 $1.000000000e+00, v63;
	[tilespmem:s2+$0x2880] =	vst v49;
	v63 =	vpop (erf);
	(erf) = vrcp.f32 v39  }
0x115: {  	v46 =	vmul.f32 v56, v22;
	[tilespmem:s2+$0x2900] =	vst v44;
	v53 =	vpop (erf);
	(erf) = vrcp.f32 v38  }
0x116: {  	[tilespmem:s2+$0x2A00] =	vst v40;
	v62 =	vmul.f32 v56, v27;
	v54 =	vpop (erf);
	(erf) = vrcp.f32 v45  }
0x117: {  	[tilespmem:s2+$0x2B00] =	vst v61;
	v38 =	vadd.f32 $1.000000000e+00, v60;
	v60 =	vmul.f32 v56, v26;
	v61 =	vpop (erf);
	(erf) = vrcp.f32 v37  }
0x118: {  	[tilespmem:s2+$0x2A80] =	vst v59;
	v59 =	vmul.f32 v56, v12;
	(erf) = vrcp.f32 v36;
	v48 =	vpop (erf)  }
0x119: {  	[tilespmem:s1+$0x980] =	vst v63;
	v57 =	vadd.f32 $1.000000000e+00, v62;
	v62 =	vmul.f32 v56, v18;
	(erf) = vrcp.f32 v41;
	v47 =	vpop (erf)  }
0x11a: {  	v40 =	vadd.f32 $1.000000000e+00, v50;
	v63 =	vmul.f32 v56, v16;
	[tilespmem:s1+$0x880] =	vst v53;
	(erf) = vrcp.f32 v42;
	v53 =	vpop (erf)  }
0x11b: {  	[tilespmem:s2+$0x2B80] =	vst v55;
	v39 =	vadd.f32 $1.000000000e+00, v52;
	v44 =	vadd.f32 $1.000000000e+00, v60;
	(erf) = vrcp.f32 v51;
	v60 =	vpop (erf)  }
0x11c: {  	s8 =	sadd.s32 $0x2, s8;
	v55 =	vadd.f32 $1.000000000e+00, v46;
	v46 =	vmul.f32 v35, v24;
	v52 =	vadd.f32 $1.000000000e+00, v59;
	[tilespmem:s1+$0xA80] =	vst v54;
	v54 =	vpop (erf)  }
0x11d: {  	s10 =	sadd.s32 $0x100, s31;
	s23 =	sor.u32 $0x380, s6;
	p2 =	slt.u32 s8, $0x3D;
	v45 =	vadd.f32 $1.000000000e+00, v58;
	v43 =	vadd.f32 $1.000000000e+00, v62;
	[tilespmem:s2+$0x2980] =	vst v61;
	v61 =	vmul.f32 v56, v3;
	v62 =	vpop (erf)  }
.Ltmp9:
0x11e: {  	s13 =	sadd.s32 $0x20, s28;
	s14 =	sadd.s32 $0x20, s3;
	v58 =	vmul.f32 v56, v6;
	v36 =	vadd.f32 $1.000000000e+00, v63;
	v41 =	vmul.f32 v35, v22;
	[tilespmem:s1+$0xA00] =	vst v62;
	v63 =	vpop (erf);
	(pc) =	sbr.rel @!p2 .LBB2_9-.Ltmp9, $4  }
0x11f: {  	s25 =	sand.u32 $0x7, s17;
	s20 =	sadd.s32 $0x2, s17;
	s29 =	sadd.s32 $0x10, s28;
	v37 =	vadd.f32 $1.000000000e+00, v61;
	v61 =	vmul.f32 v56, v19;
	v51 =	vmul.f32 v56, v13;
	[tilespmem:s1+$0x900] =	vst v63;
	v59 =	vpop (erf)  }
0x120: {  	p1 =	por $0x1, $0x1;
	s12 =	sand.u32 $0x7FFFFC00, s10;
	s9 =	sadd.s32 $0x80, s10;
	v50 =	vadd.f32 $1.000000000e+00, v58;
	v42 =	vmul.f32 v35, v27;
	v63 =	vmul.f32 v56, v4;
	[tilespmem:s1+$0xB00] =	vst v59;
	v59 =	vpop (erf)  }
0x121: {  	s17 =	smov.u32 s10;
	s7 =	sand.u32 $0x7FFFFC00, s9;
	s4 =	sshll.u32 s25, $0x4;
	v58 =	vadd.f32 $1.000000000e+00, v61;
	v49 =	vadd.f32 $1.000000000e+00, v51;
	(erf) = vrcp.f32 v38;
	[tilespmem:s23+$0x800] =	vst v59;
	v59 =	vpop (erf)  }
0x122: {  	s3 =	sadd.s32 $0x2, s5;
	s6 =	sadd.s32 s4, s9;
	s2 =	sand.u32 $0x70, s29;
	v56 =	vmul.f32 v56, v7;
	v51 =	vadd.f32 $1.000000000e+00, v63;
	(erf) = vrcp.f32 v57;
	[tilespmem:s1+$0x2B00] =	vst v60;
	v57 =	vpop (erf)  }
.LBB2_10:
0x123: {  	s8 =	sadd.s32 $0x2, s8;
	s2 =	sor.u32 s2, s7;
	v38 =	vadd.f32 $1.000000000e+00, v41;
	v41 =	vmul.f32 v35, v19;
	s17 =	sadd.s32 $0x100, s17;
	(erf) = vrcp.f32 v55;
	[tilespmem:s1+$0x2900] =	vst v59;
	v55 =	vpop (erf)  }
0x124: {  	v56 =	vadd.f32 $1.000000000e+00, v56;
	v59 =	vmul.f32 v35, v18;
	s4 =	sand.u32 $0x7FFFFC00, s17;
	p2 =	slt.u32 s8, $0x3D;
	(erf) = vrcp.f32 v44;
	v44 =	vpop (erf);
	[tilespmem:s1+$0x2A80] =	vst v48  }
0x125: {  	v42 =	vadd.f32 $1.000000000e+00, v42;
	v41 =	vadd.f32 $1.000000000e+00, v41;
	(erf) = vrcp.f32 v58;
	[tilespmem:s1+$0x2980] =	vst v53  }
0x126: {  	v48 =	vadd.f32 $1.000000000e+00, v59;
	v53 =	vmul.f32 v35, v16;
	(erf) = vrcp.f32 v43;
	[tilespmem:s1+$0x2A00] =	vst v47  }
0x127: {  	v43 =	vadd.f32 $1.000000000e+00, v46;
	v46 =	vmul.f32 v35, v3;
	(erf) = vrcp.f32 v39;
	[tilespmem:s1+$0x2B80] =	vst v54  }
0x128: {  	v39 =	vadd.f32 $1.000000000e+00, v53;
	v53 =	vmul.f32 v35, v4;
	(erf) = vrcp.f32 v52;
	[tilespmem:s1+$0x2800] =	vst v57  }
0x129: {  	s7 =	sand.u32 $0x70, s28;
	s28 =	smov.u32 s13;
	v54 =	vmul.f32 v35, v6;
	v46 =	vadd.f32 $1.000000000e+00, v46;
	(erf) = vrcp.f32 v45;
	[tilespmem:s1+$0x2880] =	vst v55;
	s1 =	smov.u32 s2  }
0x12a: {  	s2 =	sor.u32 s7, s12;
	v45 =	vadd.f32 $1.000000000e+00, v53;
	s12 =	smov.u32 s4;
	[tilespmem:s1+$0x800] =	vst v44;
	v44 =	vmul.f32 v35, v7;
	v47 =	vpop (erf);
	(erf) = vrcp.f32 v40  }
0x12b: {  	v40 =	vadd.f32 $1.000000000e+00, v54;
	[tilespmem:s2+$0x800] =	vst v47;
	v47 =	vmul.f32 v35, v34;
	v52 =	vpop (erf);
	(erf) = vrcp.f32 v49  }
0x12c: {  	v49 =	vmul.f32 v35, v12;
	v44 =	vadd.f32 $1.000000000e+00, v44;
	v53 =	vpop (erf);
	(erf) = vrcp.f32 v36  }
0x12d: {  	v36 =	vmul.f32 v35, v15;
	[tilespmem:s2+$0x880] =	vst v52;
	v47 =	vadd.f32 $1.000000000e+00, v47;
	v52 =	vpop (erf);
	(erf) = vrcp.f32 v50  }
0x12e: {  	v54 =	vmul.f32 v35, v13;
	v49 =	vadd.f32 $1.000000000e+00, v49;
	[tilespmem:s2+$0xA00] =	vst v53;
	v53 =	vpop (erf);
	(erf) = vrcp.f32 v51  }
0x12f: {  	v36 =	vadd.f32 $1.000000000e+00, v36;
	[tilespmem:s2+$0x900] =	vst v52;
	v51 =	vpop (erf);
	(erf) = vrcp.f32 v37  }
0x130: {  	v37 =	vadd.f32 $1.000000000e+00, v54;
	[tilespmem:s2+$0xA80] =	vst v53;
	v50 =	vpop (erf);
	(erf) = vrcp.f32 v43  }
0x131: {  	[tilespmem:s2+$0xB00] =	vst v51;
	v43 =	vpop (erf);
	(erf) = vrcp.f32 v42  }
0x132: {  	s4 =	sand.u32 $0x7, s5;
	s5 =	smov.u32 s3;
	v42 =	vld [tilespmem:s14+$0x0];
	[tilespmem:s2+$0x980] =	vst v50;
	v50 =	vpop (erf);
	(erf) = vrcp.f32 v41  }
0x133: {  	s4 =	sshll.u32 s4, $0x4;
	v51 =	vld [tilespmem:s14+$0xFFFFFFF0];
	v41 =	vpop (erf);
	(erf) = vrcp.f32 v56  }
0x134: {  	s4 =	sadd.s32 s4, s10;
	s10 =	smov.u32 s17;
	v52 =	vpop (erf);
	(erf) = vrcp.f32 v45  }
0x135: {  	s4 =	sor.u32 $0x380, s4;
	v45 =	vpop (erf);
	(erf) = vrcp.f32 v40  }
0x136: {  	v40 =	vmul.f32 v35, v26;
	[tilespmem:s4+$0x800] =	vst v45;
	v45 =	vpop (erf);
	(erf) = vrcp.f32 v44  }
0x137: {  	v44 =	vmul.f32 v42, v29;
	[tilespmem:s2+$0x2800] =	vst v41;
	v41 =	vpop (erf);
	(erf) = vrcp.f32 v46;
	v35 =	vmov v42  }
0x138: {  	v53 =	vadd.f32 $1.000000000e+00, v40;
	v42 =	vmul.f32 v51, v29;
	[tilespmem:s2+$0x2A80] =	vst v41;
	v41 =	vpop (erf);
	(erf) = vrcp.f32 v47  }
0x139: {  	v46 =	vmul.f32 v51, v27;
	v54 =	vadd.f32 $1.000000000e+00, v44;
	[tilespmem:s2+$0x2B00] =	vst v41;
	v41 =	vpop (erf);
	(erf) = vrcp.f32 v38  }
0x13a: {  	v38 =	vadd.f32 $1.000000000e+00, v42;
	v42 =	vmul.f32 v51, v24;
	[tilespmem:s1+$0x980] =	vst v41;
	v41 =	vpop (erf);
	(erf) = vrcp.f32 v53  }
0x13b: {  	v57 =	vadd.f32 $1.000000000e+00, v46;
	v46 =	vmul.f32 v51, v22;
	[tilespmem:s2+$0x2880] =	vst v52;
	v40 =	vpop (erf);
	(erf) = vrcp.f32 v48  }
0x13c: {  	v44 =	vmul.f32 v51, v26;
	[tilespmem:s2+$0x2900] =	vst v43;
	v52 =	vpop (erf);
	(erf) = vrcp.f32 v39  }
0x13d: {  	v39 =	vadd.f32 $1.000000000e+00, v42;
	v42 =	vmul.f32 v51, v18;
	[tilespmem:s1+$0x880] =	vst v41;
	(erf) = vrcp.f32 v49;
	v48 =	vpop (erf)  }
0x13e: {  	v44 =	vadd.f32 $1.000000000e+00, v44;
	v41 =	vmul.f32 v51, v16;
	[tilespmem:s1+$0xA80] =	vst v40;
	(erf) = vrcp.f32 v36;
	v47 =	vpop (erf)  }
0x13f: {  	v43 =	vadd.f32 $1.000000000e+00, v42;
	v40 =	vmul.f32 v51, v15;
	[tilespmem:s2+$0x2980] =	vst v52;
	(erf) = vrcp.f32 v37;
	v53 =	vpop (erf)  }
0x140: {  	v36 =	vadd.f32 $1.000000000e+00, v41;
	v52 =	vmul.f32 v51, v34;
	(erf) = vrcp.f32 v54;
	[tilespmem:s2+$0x2A00] =	vst v45;
	v60 =	vpop (erf)  }
0x141: {  	v58 =	vmul.f32 v51, v12;
	v42 =	vmul.f32 v35, v27;
	v40 =	vadd.f32 $1.000000000e+00, v40;
	[tilespmem:s2+$0x2B80] =	vst v50;
	v54 =	vpop (erf)  }
0x142: {  	v63 =	vmul.f32 v51, v3;
	v41 =	vmul.f32 v35, v22;
	v45 =	vadd.f32 $1.000000000e+00, v52;
	s2 =	sor.u32 $0x380, s6;
	v37 =	vpop (erf)  }
.Ltmp10:
0x143: {  	v56 =	vmul.f32 v51, v13;
	v55 =	vadd.f32 $1.000000000e+00, v46;
	v52 =	vadd.f32 $1.000000000e+00, v58;
	[tilespmem:s1+$0xA00] =	vst v37;
	v49 =	vpop (erf);
	(pc) =	sbr.rel @p2 .LBB2_10-.Ltmp10, $4  }
0x144: {  	s13 =	sadd.s32 $0x20, s13;
	s14 =	sadd.s32 $0x20, s14;
	v46 =	vmul.f32 v35, v24;
	v58 =	vmul.f32 v51, v6;
	v37 =	vadd.f32 $1.000000000e+00, v63;
	[tilespmem:s1+$0x900] =	vst v49;
	v50 =	vpop (erf)  }
0x145: {  	s3 =	sadd.s32 $0x2, s3;
	s4 =	sand.u32 $0x7, s20;
	s20 =	sadd.s32 $0x2, s20;
	v61 =	vmul.f32 v51, v19;
	v62 =	vmul.f32 v51, v4;
	v49 =	vadd.f32 $1.000000000e+00, v56;
	[tilespmem:s1+$0xB00] =	vst v50;
	v59 =	vpop (erf)  }
0x146: {  	s9 =	sadd.s32 $0x80, s17;
	s4 =	sshll.u32 s4, $0x4;
	s6 =	sadd.s32 $0x10, s28;
	v56 =	vmul.f32 v51, v7;
	v50 =	vadd.f32 $1.000000000e+00, v58;
	(erf) = vrcp.f32 v38;
	[tilespmem:s2+$0x800] =	vst v59;
	v59 =	vpop (erf)  }
0x147: {  	s7 =	sand.u32 $0x7FFFFC00, s9;
	v51 =	vadd.f32 $1.000000000e+00, v62;
	v58 =	vadd.f32 $1.000000000e+00, v61;
	s2 =	sand.u32 $0x70, s6;
	s6 =	sadd.s32 s4, s9;
	(erf) = vrcp.f32 v57;
	[tilespmem:s1+$0x2B00] =	vst v60;
	v57 =	vpop (erf)  }
0x148: {  	v38 =	vmov v35  }
.LBB2_12:
0x149: {  	(erf) = vrcp.f32 v55  }
0x14a: {  	(erf) = vrcp.f32 v44  }
0x14b: {  	(erf) = vrcp.f32 v58  }
0x14c: {  	(erf) = vrcp.f32 v43  }
0x14d: {  	(erf) = vrcp.f32 v39  }
0x14e: {  	[tilespmem:s1+$0x2900] =	vst @p1 v59;
	v35 =	vpop @p1 (erf);
	(erf) = vrcp.f32 v52  }
0x14f: {  	[tilespmem:s1+$0x2A80] =	vst @p1 v48;
	v63 =	vpop (erf);
	(erf) = vrcp.f32 v45  }
0x150: {  	[tilespmem:s1+$0x2980] =	vst @p1 v53;
	v48 =	vpop (erf);
	(erf) = vrcp.f32 v40  }
0x151: {  	[tilespmem:s1+$0x2A00] =	vst @p1 v47;
	v52 =	vpop (erf);
	(erf) = vrcp.f32 v49  }
0x152: {  	[tilespmem:s1+$0x2B80] =	vst @p1 v54;
	v53 =	vpop (erf);
	(erf) = vrcp.f32 v36  }
0x153: {  	[tilespmem:s1+$0x2800] =	vst @p1 v57;
	v54 =	vpop (erf);
	(erf) = vrcp.f32 v50  }
0x154: {  	s2 =	sor.u32 s2, s7;
	v55 =	vmul.f32 v38, v19;
	v46 =	vadd.f32 $1.000000000e+00, v46;
	s3 =	sand.u32 $0x70, s28;
	[tilespmem:s1+$0x2880] =	vst @p1 v35;
	v57 =	vpop (erf);
	(erf) = vrcp.f32 v51  }
0x155: {  	v42 =	vadd.f32 $1.000000000e+00, v42;
	s25 =	sor.u32 s3, s12;
	[tilespmem:s2+$0x800] =	vst v63;
	v58 =	vpop (erf);
	(erf) = vrcp.f32 v37  }
0x156: {  	v60 =	vmul.f32 v38, v4;
	v59 =	vadd.f32 $1.000000000e+00, v55;
	[tilespmem:s25+$0x800] =	vst v48;
	v61 =	vpop (erf);
	(erf) = vrcp.f32 v46  }
0x157: {  	v62 =	vadd.f32 $1.000000000e+00, v56;
	v63 =	vmul.f32 v38, v6;
	[tilespmem:s25+$0x880] =	vst v52;
	v40 =	vpop (erf);
	(erf) = vrcp.f32 v42  }
0x158: {  	v45 =	vadd.f32 $1.000000000e+00, v60;
	v48 =	vmul.f32 v38, v7;
	[tilespmem:s25+$0xA00] =	vst v53;
	v44 =	vpop (erf);
	(erf) = vrcp.f32 v59  }
0x159: {  	s28 =	sand.u32 $0x7, s5;
	v47 =	vadd.f32 $1.000000000e+00, v63;
	v49 =	vmul.f32 v38, v3;
	[tilespmem:s25+$0x900] =	vst v54;
	v50 =	vpop (erf);
	(erf) = vrcp.f32 v62  }
0x15a: {  	s3 =	sshll.u32 s28, $0x4;
	v51 =	vmul.f32 v38, v34;
	[tilespmem:s25+$0xA80] =	vst v57;
	v42 =	vadd.f32 $1.000000000e+00, v48;
	v52 =	vpop (erf);
	(erf) = vrcp.f32 v45  }
0x15b: {  	s3 =	sadd.s32 s3, s10;
	v37 =	vadd.f32 $1.000000000e+00, v49;
	[tilespmem:s25+$0xB00] =	vst v58;
	v53 =	vpop (erf);
	(erf) = vrcp.f32 v47  }
0x15c: {  	v55 =	vmul.f32 v38, v26;
	s3 =	sor.u32 $0x380, s3;
	v54 =	vadd.f32 $1.000000000e+00, v51;
	[tilespmem:s25+$0x980] =	vst v61;
	v56 =	vpop (erf);
	(erf) = vrcp.f32 v42  }
0x15d: {  	v41 =	vadd.f32 $1.000000000e+00, v41;
	v57 =	vmul.f32 v38, v18;
	[tilespmem:s3+$0x800] =	vst v53;
	v58 =	vpop (erf);
	(erf) = vrcp.f32 v37  }
0x15e: {  	v60 =	vadd.f32 $1.000000000e+00, v55;
	v59 =	vmul.f32 v38, v16;
	[tilespmem:s25+$0x2800] =	vst v50;
	v61 =	vpop (erf);
	(erf) = vrcp.f32 v54  }
0x15f: {  	v42 =	vadd.f32 $1.000000000e+00, v57;
	[tilespmem:s25+$0x2880] =	vst v52;
	v62 =	vpop (erf);
	(erf) = vrcp.f32 v41  }
0x160: {  	v63 =	vmul.f32 v38, v12;
	v37 =	vadd.f32 $1.000000000e+00, v59;
	[tilespmem:s25+$0x2900] =	vst v40;
	v45 =	vpop (erf);
	(erf) = vrcp.f32 v60  }
0x161: {  	[tilespmem:s25+$0x2A00] =	vst v56;
	v47 =	vpop (erf);
	(erf) = vrcp.f32 v42  }
0x162: {  	v48 =	vadd.f32 $1.000000000e+00, v63;
	[tilespmem:s25+$0x2B80] =	vst v44;
	v49 =	vpop (erf);
	(erf) = vrcp.f32 v37  }
0x163: {  	[tilespmem:s25+$0x2A80] =	vst v58;
	v50 =	vpop (erf)  }
0x164: {  	[tilespmem:s25+$0x2B00] =	vst v61;
	(erf) = vrcp.f32 v48;
	v51 =	vpop (erf)  }
0x165: {  	v52 =	vmul.f32 v38, v15;
	[tilespmem:s2+$0x980] =	vst v62;
	v53 =	vpop (erf)  }
0x166: {  	v54 =	vmul.f32 v38, v13;
	[tilespmem:s2+$0x880] =	vst v45;
	v55 =	vpop (erf)  }
0x167: {  	v40 =	vadd.f32 $1.000000000e+00, v52;
	[tilespmem:s2+$0xA80] =	vst v47;
	v56 =	vpop (erf)  }
0x168: {  	v38 =	vadd.f32 $1.000000000e+00, v54;
	[tilespmem:s25+$0x2980] =	vst v49;
	v57 =	vpop (erf)  }
0x169: {  	(erf) = vrcp.f32 v40;
	[tilespmem:s2+$0xA00] =	vst v57;
	v58 =	vpop (erf)  }
0x16a: {  	(erf) = vrcp.f32 v38;
	[tilespmem:s2+$0x900] =	vst v58;
	v59 =	vpop (erf)  }
0x16b: {  	s29 =	sor.u32 $0x380, s6;
	[tilespmem:s2+$0xB00] =	vst v59;
	v60 =	vpop (erf)  }
0x16c: {  	[tilespmem:s29+$0x800] =	vst v60  }
0x16d: {  	v61 =	vpop (erf);
	[tilespmem:s2+$0x2B00] =	vst v55  }
0x16e: {  	[tilespmem:s2+$0x2900] =	vst v61  }
0x16f: {  	[tilespmem:s2+$0x2A80] =	vst v50  }
0x170: {  	[tilespmem:s2+$0x2980] =	vst v53  }
0x171: {  	[tilespmem:s2+$0x2A00] =	vst v51  }
0x172: {  	v62 =	vpop (erf);
	[tilespmem:s2+$0x2B80] =	vst v56  }
0x173: {  	[tilespmem:s2+$0x2800] =	vst v62;
	v63 =	vpop (erf)  }
0x174: {  	[tilespmem:s2+$0x2880] =	vst v63  }
.LBB2_13:
0x175: {  	v33 =	vmul.f32 v33, v1  }
0x176: {  	v32 =	vmul.f32 v32, v1;
	v31 =	vmul.f32 v31, v1  }
0x177: {  	v35 =	vld [tilespmem:$0x7F0];
	v30 =	vmul.f32 v30, v1;
	v28 =	vmul.f32 v28, v1  }
0x178: {  	v25 =	vmul.f32 v25, v1;
	v21 =	vmul.f32 v21, v1  }
0x179: {  	v20 =	vmul.f32 v20, v1;
	v17 =	vmul.f32 v17, v1  }
0x17a: {  	v14 =	vmul.f32 v14, v1;
	v11 =	vmul.f32 v11, v1  }
0x17b: {  	v10 =	vmul.f32 v10, v1;
	v9 =	vmul.f32 v9, v1  }
0x17c: {  	v36 =	vmul.f32 v35, v29;
	v37 =	vmul.f32 v35, v27  }
0x17d: {  	v38 =	vmul.f32 v35, v26;
	v39 =	vmul.f32 v35, v24  }
0x17e: {  	v47 =	vmul.f32 v35, v22;
	v49 =	vmul.f32 v35, v19  }
0x17f: {  	v51 =	vmul.f32 v35, v18;
	v53 =	vmul.f32 v35, v16  }
0x180: {  	v55 =	vmul.f32 v35, v15;
	v57 =	vmul.f32 v35, v13  }
0x181: {  	v59 =	vmul.f32 v35, v12;
	v61 =	vmul.f32 v35, v7  }
0x182: {  	v63 =	vmul.f32 v35, v6;
	v43 =	vmul.f32 v35, v4  }
0x183: {  	v45 =	vmul.f32 v35, v3;
	v34 =	vmul.f32 v35, v34  }
0x184: {  	v19 =	vmul.f32 v2, v19;
	v18 =	vmul.f32 v2, v18;
	v36 =	vadd.f32 $1.000000000e+00, v36  }
0x185: {  	v16 =	vmul.f32 v2, v16;
	v15 =	vmul.f32 v2, v15;
	v37 =	vadd.f32 $1.000000000e+00, v37  }
0x186: {  	v13 =	vmul.f32 v2, v13;
	v46 =	vadd.f32 $1.000000000e+00, v38;
	(erf) = vrcp.f32 v36  }
0x187: {  	v12 =	vmul.f32 v2, v12;
	v48 =	vadd.f32 $1.000000000e+00, v39;
	(erf) = vrcp.f32 v37  }
0x188: {  	v7 =	vmul.f32 v2, v7;
	v50 =	vadd.f32 $1.000000000e+00, v47;
	(erf) = vrcp.f32 v46  }
0x189: {  	v6 =	vmul.f32 v2, v6;
	v52 =	vadd.f32 $1.000000000e+00, v49;
	(erf) = vrcp.f32 v48  }
0x18a: {  	v54 =	vadd.f32 $1.000000000e+00, v51;
	v56 =	vadd.f32 $1.000000000e+00, v53;
	(erf) = vrcp.f32 v50  }
0x18b: {  	v58 =	vadd.f32 $1.000000000e+00, v55;
	v60 =	vadd.f32 $1.000000000e+00, v57;
	(erf) = vrcp.f32 v52  }
0x18c: {  	v62 =	vadd.f32 $1.000000000e+00, v59;
	v42 =	vadd.f32 $1.000000000e+00, v61;
	(erf) = vrcp.f32 v54  }
0x18d: {  	v44 =	vadd.f32 $1.000000000e+00, v63;
	v49 =	vmul.f32 v2, v29;
	v51 =	vld [tilespmem:$0x1FFF0];
	(erf) = vrcp.f32 v56  }
0x18e: {  	v39 =	vadd.f32 $1.000000000e+00, v43;
	v53 =	vmul.f32 v2, v26;
	(erf) = vrcp.f32 v58  }
0x18f: {  	v38 =	vadd.f32 $1.000000000e+00, v45;
	v55 =	vmul.f32 v2, v24;
	(erf) = vrcp.f32 v60  }
0x190: {  	v34 =	vadd.f32 $1.000000000e+00, v34;
	v57 =	vmul.f32 v2, v22;
	v46 =	vpop (erf);
	(erf) = vrcp.f32 v62  }
0x191: {  	v19 =	vsel vm5, v25, v19;
	v61 =	vmul.f32 v23, v1;
	v47 =	vpop (erf);
	(erf) = vrcp.f32 v42  }
0x192: {  	vm0 =	vnez.u8 v51;
	v50 =	vmul.f32 v2, v27;
	v48 =	vpop (erf);
	(erf) = vrcp.f32 v44  }
0x193: {  	v19 =	vadd.f32 $1.000000000e+00, v19;
	v29 =	vsel vm0, v33, v49;
	v52 =	vpop (erf);
	(erf) = vrcp.f32 v39  }
0x194: {  	v29 =	vadd.f32 $1.000000000e+00, v29;
	v27 =	vsel vm1, v32, v50;
	v54 =	vpop (erf);
	(erf) = vrcp.f32 v38  }
0x195: {  	v26 =	vsel vm2, v31, v53;
	v27 =	vadd.f32 $1.000000000e+00, v27;
	[tilespmem:$0x2470] =	vst v46;
	v56 =	vpop (erf);
	(erf) = vrcp.f32 v34  }
0x196: {  	v24 =	vsel vm3, v30, v55;
	v26 =	vadd.f32 $1.000000000e+00, v26;
	[tilespmem:$0x24F0] =	vst v47;
	v58 =	vpop (erf);
	(erf) = vrcp.f32 v29  }
0x197: {  	v22 =	vsel vm4, v28, v57;
	v24 =	vadd.f32 $1.000000000e+00, v24;
	[tilespmem:$0x2570] =	vst v48;
	v59 =	vpop (erf);
	(erf) = vrcp.f32 v27  }
0x198: {  	v18 =	vsel vm6, v61, v18;
	v22 =	vadd.f32 $1.000000000e+00, v22;
	[tilespmem:$0x25F0] =	vst v52;
	v60 =	vpop (erf);
	(erf) = vrcp.f32 v26  }
0x199: {  	v4 =	vmul.f32 v2, v4;
	v18 =	vadd.f32 $1.000000000e+00, v18;
	[tilespmem:$0x2670] =	vst v54;
	v62 =	vpop (erf);
	(erf) = vrcp.f32 v24  }
0x19a: {  	v16 =	vsel vm7, v21, v16;
	v15 =	vsel vm8, v20, v15;
	[tilespmem:$0x26F0] =	vst v56;
	v63 =	vpop (erf);
	(erf) = vrcp.f32 v22  }
0x19b: {  	v13 =	vsel vm9, v17, v13;
	v16 =	vadd.f32 $1.000000000e+00, v16;
	[tilespmem:$0x2770] =	vst v58;
	(erf) = vrcp.f32 v19;
	v19 =	vpop (erf)  }
0x19c: {  	v12 =	vsel vm10, v14, v12;
	v7 =	vsel vm11, v11, v7;
	v6 =	vsel vm12, v10, v6;
	[tilespmem:$0x27F0] =	vst v59;
	v20 =	vpop (erf)  }
0x19d: {  	v15 =	vadd.f32 $1.000000000e+00, v15;
	v13 =	vadd.f32 $1.000000000e+00, v13;
	[tilespmem:$0x4470] =	vst v60;
	(erf) = vrcp.f32 v18;
	v18 =	vpop (erf)  }
0x19e: {  	v4 =	vsel vm13, v9, v4;
	v7 =	vadd.f32 $1.000000000e+00, v7;
	[tilespmem:$0x44F0] =	vst v62;
	(erf) = vrcp.f32 v16;
	v17 =	vpop (erf)  }
0x19f: {  	v12 =	vadd.f32 $1.000000000e+00, v12;
	v2 =	vmul.f32 v2, v3;
	[tilespmem:$0x4570] =	vst v63;
	(erf) = vrcp.f32 v15;
	v16 =	vpop (erf)  }
0x1a0: {  	v4 =	vadd.f32 $1.000000000e+00, v4;
	v3 =	vmul.f32 v8, v1;
	[tilespmem:$0x45F0] =	vst v19;
	(erf) = vrcp.f32 v13;
	v14 =	vpop (erf)  }
0x1a1: {  	s2 =	sshll.u32 s16, $0x7;
	vm0 =	veq.s32 v0, $0x1;
	v1 =	vmul.f32 v5, v1;
	[tilespmem:$0x4670] =	vst v20;
	(erf) = vrcp.f32 v12;
	v13 =	vpop (erf)  }
0x1a2: {  	s3 =	sand.u32 $0x60, s15;
	s1 =	sand.u32 $0x1C00, s2;
	[tilespmem:$0x46F0] =	vst v18;
	(erf) = vrcp.f32 v7;
	v13 =	vsel vm0, $0x0, v13;
	v7 =	vpop (erf);
	vm0 =	veq.s32 v0, $0x2  }
0x1a3: {  	s1 =	sor.u32 s3, s1;
	v2 =	vsel vm14, v3, v2;
	[tilespmem:$0x4770] =	vst v17;
	v3 =	vsel vm0, $0x0, v7;
	v5 =	vpop (erf);
	vm0 =	veq.s32 v0, $0x3  }
0x1a4: {  	v6 =	vadd.f32 $1.000000000e+00, v6;
	[tilespmem:s1+$0x900] =	vst v3;
	v3 =	vsel vm0, $0x0, v5;
	v5 =	vpop (erf);
	vm0 =	veq.s32 v0, $0x4  }
0x1a5: {  	vm15 =	veq.s32 v0, $0x0;
	v1 =	vadd.f32 $1.000000000e+00, v1;
	[tilespmem:s1+$0x980] =	vst v3;
	v3 =	vsel vm0, $0x0, v5  }
0x1a6: {  	v2 =	vadd.f32 $1.000000000e+00, v2;
	[tilespmem:$0x47F0] =	vst v16;
	v14 =	vsel vm15, $0x0, v14;
	(erf) = vrcp.f32 v6  }
0x1a7: {  	[tilespmem:s1+$0x800] =	vst v14;
	(erf) = vrcp.f32 v4;
	v4 =	vpop (erf);
	vm0 =	veq.s32 v0, $0x5  }
0x1a8: {  	(erf) = vrcp.f32 v2;
	[tilespmem:s1+$0xA00] =	vst v3;
	v2 =	vsel vm0, $0x0, v4;
	vm0 =	veq.s32 v0, $0x6;
	v3 =	vpop (erf)  }
0x1a9: {  	s2 =	sor.u32 s2, s3;
	(erf) = vrcp.f32 v1;
	[tilespmem:s1+$0xA80] =	vst v2;
	v2 =	vsel vm0, $0x0, v3  }
0x1aa: {  	s3 =	sor.u32 $0x300, s2;
	[tilespmem:s1+$0x880] =	vst v13;
	v1 =	vpop (erf);
	vm0 =	veq.s32 v0, $0x7  }
0x1ab: {  	s2 =	sor.u32 $0x380, s2;
	v3 =	vpop (erf);
	[tilespmem:s3+$0x800] =	vst v2;
	v1 =	vsel vm0, $0x0, v1;
	vm0 =	veq.s32 v0, $0x8  }
0x1ac: {  	[tilespmem:s2+$0x800] =	vst v1;
	v1 =	vsel vm0, $0x0, v3;
	vm0 =	veq.s32 v0, $0x9;
	v2 =	vpop (erf)  }
0x1ad: {  	[tilespmem:s1+$0x2800] =	vst v1;
	v3 =	vpop (erf);
	v1 =	vsel vm0, $0x0, v2;
	vm0 =	veq.s32 v0, $0xA  }
0x1ae: {  	v2 =	vpop (erf);
	[tilespmem:s1+$0x2880] =	vst v1;
	v1 =	vsel vm0, $0x0, v3;
	vm0 =	veq.s32 v0, $0xB  }
0x1af: {  	v3 =	vpop (erf);
	[tilespmem:s1+$0x2900] =	vst v1;
	v1 =	vsel vm0, $0x0, v2;
	vm0 =	veq.s32 v0, $0xC  }
0x1b0: {  	v2 =	vpop (erf);
	[tilespmem:s1+$0x2980] =	vst v1;
	v1 =	vsel vm0, $0x0, v3;
	vm0 =	veq.s32 v0, $0xD  }
0x1b1: {  	v3 =	vpop (erf);
	[tilespmem:s1+$0x2A00] =	vst v1;
	v1 =	vsel vm0, $0x0, v2;
	vm0 =	veq.s32 v0, $0xE  }
0x1b2: {  	[tilespmem:s1+$0x2A80] =	vst v1;
	v1 =	vsel vm0, $0x0, v3;
	v2 =	vpop (erf);
	vm0 =	veq.s32 v0, $0xF  }
0x1b3: {  	s21 =	sshll.u32 s0, $0xC;
	s22 =	rddreg [dreg:$0x6];
	[tilespmem:s1+$0x2B00] =	vst v1;
	v1 =	vsel vm0, $0x0, v2  }
0x1b4: {  	s23 =	simm.s32 $0x0;
	s25 =	simm.s32 $0x800;
	[tilespmem:s1+$0x2B80] =	vst v1;
	s1 =	sadd.s32 s21, s22  }
0x1b5: {  	[hbm4b:s1+s23] =	stream.linear.scatter [tilespmem:s25], [sflag:$0x1], $0x4000, $0x38;
	[tilespmem:$0x8800] =	vst v63  }
0x1b6: {  	s1 =	simm.s32 @!p0 $0x2  }
0x1b7: {  	_ =	swait.ge @!p0 [sflag:s1], $0x4000  }
0x1b8: {  	s28 =	sshllo.u32 s0, $0x1;
	s29 =	rddreg [dreg:$0x3]  }
0x1b9: {  	[sflag:s1] =	ssyncset.done @!p0 $0x0;
	s5 =	sor.u32 s29, s28  }
0x1ba: {  	[sflag:s1] =	ssyncadd.s32 @!p0 $0xFFFFC000;
	s16 =	sshll.u32 s5, $0x4  }
0x1bb: {  	v1 =	vld [tilespmem:s16+$0x400];
	_ =	sdelay $0x4  }
0x1bc: {  	v18 =	vbroadcast v1, $0x0;
	v17 =	vbroadcast v1, $0x1  }
0x1bd: {  	s6 =	sadd.s32 $0xFFFFFFFF, s5;
	v16 =	vbroadcast v1, $0x2;
	v15 =	vbroadcast v1, $0x3  }
0x1be: {  	p0 =	seq.s32 s6, $0x0;
	v14 =	vbroadcast v1, $0x4;
	v13 =	vbroadcast v1, $0x5  }
.Ltmp11:
0x1bf: {  	v12 =	vbroadcast v1, $0x6;
	v11 =	vbroadcast v1, $0x7;
	(pc) =	sbr.rel @p0 .LBB2_17-.Ltmp11, $4  }
0x1c0: {  	v10 =	vbroadcast v1, $0x8;
	v9 =	vbroadcast v1, $0x9  }
0x1c1: {  	v8 =	vbroadcast v1, $0xA;
	v7 =	vbroadcast v1, $0xB  }
0x1c2: {  	v6 =	vbroadcast v1, $0xC;
	v5 =	vbroadcast v1, $0xD  }
0x1c3: {  	[dreg:$0x16] =	wrdreg s28;
	v2 =	vld [tilespmem:s16+$0x0];
	v4 =	vbroadcast v1, $0xE;
	v3 =	vbroadcast v1, $0xF  }
0x1c4: {  	s10 =	simm.s32 $0x0  }
0x1c5: {  	s28 =	sand.u32 $0x60, s10  }
0x1c6: {  	s2 =	sand.u32 $0xFFFFFF80, s10;
	s1 =	sor.u32 $0x10, s28  }
0x1c7: {  	[dreg:$0xf] =	wrdreg s24;
	s2 =	sor.u32 s1, s2  }
0x1c8: {  	v20 =	vld [tilespmem:s2+$0x0];
	_ =	sdelay $0x4  }
0x1c9: {  	v19 =	vmul.f32 v20, v18  }
0x1ca: {  	v21 =	vmul.f32 v20, v17;
	v22 =	vmul.f32 v20, v16  }
0x1cb: {  	v23 =	vmul.f32 v20, v15;
	v19 =	vadd.f32 $1.000000000e+00, v19  }
0x1cc: {  	v24 =	vmul.f32 v20, v14;
	v21 =	vadd.f32 $1.000000000e+00, v21;
	v22 =	vadd.f32 $1.000000000e+00, v22  }
0x1cd: {  	(erf) = vrcp.f32 v19;
	v19 =	vadd.f32 $1.000000000e+00, v23;
	v23 =	vmul.f32 v20, v13  }
0x1ce: {  	(erf) = vrcp.f32 v21;
	v21 =	vadd.f32 $1.000000000e+00, v24;
	v24 =	vmul.f32 v20, v12  }
0x1cf: {  	(erf) = vrcp.f32 v22;
	v22 =	vadd.f32 $1.000000000e+00, v23;
	v23 =	vmul.f32 v20, v11  }
0x1d0: {  	(erf) = vrcp.f32 v19;
	v19 =	vadd.f32 $1.000000000e+00, v24;
	v24 =	vmul.f32 v20, v10  }
0x1d1: {  	(erf) = vrcp.f32 v21;
	v21 =	vadd.f32 $1.000000000e+00, v23;
	v23 =	vmul.f32 v20, v9  }
0x1d2: {  	(erf) = vrcp.f32 v22;
	v22 =	vadd.f32 $1.000000000e+00, v24;
	v24 =	vmul.f32 v20, v8  }
0x1d3: {  	v25 =	vmul.f32 v20, v7;
	(erf) = vrcp.f32 v19;
	v19 =	vld [tilespmem:s10+$0x0];
	v23 =	vadd.f32 $1.000000000e+00, v23  }
0x1d4: {  	(erf) = vrcp.f32 v21;
	v21 =	vadd.f32 $1.000000000e+00, v24;
	v24 =	vmul.f32 v20, v6  }
0x1d5: {  	s21 =	sand.u32 $0xFFFFFC00, s10;
	(erf) = vrcp.f32 v22;
	v22 =	vadd.f32 $1.000000000e+00, v25;
	v25 =	vmul.f32 v20, v5  }
0x1d6: {  	s23 =	sadd.s32 $0x4800, s21;
	(erf) = vrcp.f32 v23;
	v23 =	vadd.f32 $1.000000000e+00, v24;
	v24 =	vmul.f32 v20, v4  }
0x1d7: {  	s3 =	sor.u32 s1, s23;
	v26 =	vpop (erf);
	v20 =	vmul.f32 v20, v3;
	(erf) = vrcp.f32 v21  }
0x1d8: {  	[tilespmem:s3+$0x0] =	vst v26;
	v26 =	vpop (erf);
	v21 =	vadd.f32 $1.000000000e+00, v25;
	(erf) = vrcp.f32 v22;
	v22 =	vmul.f32 v19, v18  }
0x1d9: {  	s4 =	sand.u32 $0x3, s10;
	[tilespmem:s3+$0x80] =	vst v26;
	v24 =	vadd.f32 $1.000000000e+00, v24;
	v25 =	vpop (erf);
	(erf) = vrcp.f32 v23;
	v23 =	vmul.f32 v19, v17  }
0x1da: {  	s8 =	simm.s32 $0x2;
	s4 =	sshll.u32 s4, $0x5;
	[tilespmem:s3+$0x100] =	vst v25;
	v25 =	vpop (erf);
	(erf) = vrcp.f32 v21;
	v21 =	vadd.f32 $1.000000000e+00, v22;
	v22 =	vmul.f32 v19, v16  }
0x1db: {  	p0 =	sgt.u32 s6, $0x2;
	s20 =	simm.s32 $0x0;
	s4 =	sadd.s32 $0x0, s4;
	v20 =	vadd.f32 $1.000000000e+00, v20;
	[tilespmem:s3+$0x180] =	vst v25;
	v25 =	vpop (erf);
	(erf) = vrcp.f32 v24;
	v24 =	vmul.f32 v19, v15  }
0x1dc: {  	s17 =	simm.s32 $0x0;
	s29 =	sadd.s32 $0x6800, s21;
	s24 =	sadd.s32 $0x10, s4;
	[tilespmem:s3+$0x200] =	vst v25;
	v25 =	vpop (erf);
	v26 =	vadd.f32 $1.000000000e+00, v22  }
.Ltmp12:
0x1dd: {  	s30 =	sadd.s32 $0x6880, s21;
	s25 =	sor.u32 $0x300, s24;
	v23 =	vadd.f32 $1.000000000e+00, v23;
	[tilespmem:s3+$0x280] =	vst v25;
	v25 =	vpop (erf);
	(erf) = vrcp.f32 v20;
	v24 =	vadd.f32 $1.000000000e+00, v24;
	(pc) =	sbr.rel @!p0 .LBB2_16-.Ltmp12, $4  }
0x1de: {  	s7 =	sadd.s32 $0x6980, s21;
	s12 =	sor.u32 s28, s23;
	s2 =	sor.u32 $0x380, s24;
	v20 =	vmul.f32 v19, v14;
	[tilespmem:s25+$0x4800] =	vst v25;
	(erf) = vrcp.f32 v21;
	v21 =	vpop (erf)  }
0x1df: {  	s14 =	sor.u32 $0x300, s4;
	s13 =	sor.u32 $0x380, s4;
	s4 =	sor.u32 s1, s29;
	v25 =	vmul.f32 v19, v13;
	[tilespmem:s2+$0x4800] =	vst v21;
	(erf) = vrcp.f32 v23;
	v21 =	vpop (erf)  }
0x1e0: {  	s18 =	sor.u32 s28, s29;
	v22 =	vmul.f32 v19, v12;
	s3 =	sor.u32 s1, s30;
	s2 =	sadd.s32 $0x6900, s21;
	v20 =	vadd.f32 $1.000000000e+00, v20;
	[tilespmem:s4+$0x0] =	vst v21;
	(erf) = vrcp.f32 v26;
	v26 =	vpop (erf)  }
0x1e1: {  	s19 =	sor.u32 s28, s30;
	v23 =	vmul.f32 v19, v11;
	s4 =	sor.u32 s1, s2;
	v21 =	vadd.f32 $1.000000000e+00, v25;
	[tilespmem:s3+$0x0] =	vst v26;
	s3 =	simm.s32 $0x20;
	(erf) = vrcp.f32 v24;
	v24 =	vpop (erf)  }
.LBB2_15:
0x1e2: {  	s9 =	sand.u32 $0xFFFFFF80, s3;
	v22 =	vadd.f32 $1.000000000e+00, v22;
	v25 =	vmul.f32 v19, v10;
	s15 =	sadd.s32 $0x6A00, s21;
	[tilespmem:s4+$0x0] =	vst v24;
	s4 =	sor.u32 s1, s7;
	(erf) = vrcp.f32 v20;
	v20 =	vpop (erf)  }
0x1e3: {  	s22 =	sand.u32 $0x60, s3;
	v24 =	vmul.f32 v19, v9;
	s23 =	sadd.s32 $0x6A80, s21;
	v26 =	vadd.f32 $1.000000000e+00, v23;
	[tilespmem:s4+$0x0] =	vst v20;
	s4 =	sor.u32 s1, s15;
	(erf) = vrcp.f32 v21;
	v20 =	vpop (erf)  }
0x1e4: {  	s30 =	sadd.s32 $0x6B00, s21;
	s29 =	sor.u32 $0x10, s22;
	v27 =	vadd.f32 $1.000000000e+00, v25;
	v25 =	vmul.f32 v19, v8;
	[tilespmem:s4+$0x0] =	vst v20;
	s4 =	sor.u32 s1, s23;
	(erf) = vrcp.f32 v22;
	v20 =	vpop (erf)  }
0x1e5: {  	s24 =	sadd.s32 $0x6B80, s21;
	s21 =	sor.u32 s1, s30;
	s9 =	sor.u32 s29, s9;
	v22 =	vadd.f32 $1.000000000e+00, v24;
	v24 =	vmul.f32 v19, v7;
	[tilespmem:s4+$0x0] =	vst v20;
	(erf) = vrcp.f32 v26;
	v23 =	vpop (erf)  }
0x1e6: {  	s25 =	sor.u32 s28, s2;
	v28 =	vmul.f32 v19, v6;
	s1 =	sor.u32 s1, s24;
	s4 =	sor.u32 s28, s7;
	v20 =	vld [tilespmem:s9+$0x0];
	v29 =	vadd.f32 $1.000000000e+00, v25;
	[tilespmem:s21+$0x0] =	vst v23;
	(erf) = vrcp.f32 v27;
	v21 =	vpop (erf)  }
0x1e7: {  	s15 =	sor.u32 s28, s15;
	s2 =	sor.u32 s28, s30;
	v27 =	vadd.f32 $1.000000000e+00, v24;
	v24 =	vmul.f32 v19, v5;
	s21 =	sor.u32 s28, s23;
	[tilespmem:s1+$0x0] =	vst v21;
	v21 =	vpop (erf);
	(erf) = vrcp.f32 v22  }
0x1e8: {  	s7 =	sor.u32 s28, s24;
	s28 =	smov.u32 s22;
	v22 =	vmul.f32 v19, v4;
	s1 =	smov.u32 s29;
	[tilespmem:s12+$0x0] =	vst v21;
	v21 =	vadd.f32 $1.000000000e+00, v28;
	v26 =	vpop (erf);
	(erf) = vrcp.f32 v29  }
0x1e9: {  	v19 =	vmul.f32 v19, v3;
	v24 =	vadd.f32 $1.000000000e+00, v24;
	[tilespmem:s12+$0x80] =	vst v26;
	v25 =	vpop (erf);
	(erf) = vrcp.f32 v27  }
0x1ea: {  	v22 =	vadd.f32 $1.000000000e+00, v22;
	[tilespmem:s12+$0x100] =	vst v25;
	v23 =	vpop (erf);
	(erf) = vrcp.f32 v21  }
0x1eb: {  	v19 =	vadd.f32 $1.000000000e+00, v19;
	v21 =	vmul.f32 v20, v18;
	[tilespmem:s12+$0x180] =	vst v23;
	v23 =	vpop (erf);
	(erf) = vrcp.f32 v24  }
0x1ec: {  	v24 =	vmul.f32 v20, v17;
	[tilespmem:s12+$0x200] =	vst v23;
	v23 =	vpop (erf);
	(erf) = vrcp.f32 v22  }
0x1ed: {  	v22 =	vmul.f32 v20, v16;
	v26 =	vadd.f32 $1.000000000e+00, v21;
	[tilespmem:s12+$0x280] =	vst v23;
	v23 =	vpop (erf);
	(erf) = vrcp.f32 v19  }
0x1ee: {  	v27 =	vadd.f32 $1.000000000e+00, v24;
	v24 =	vmul.f32 v20, v15;
	[tilespmem:s14+$0x4800] =	vst v23;
	v23 =	vpop (erf)  }
0x1ef: {  	v25 =	vmul.f32 v20, v14;
	v22 =	vadd.f32 $1.000000000e+00, v22;
	(erf) = vrcp.f32 v26;
	[tilespmem:s13+$0x4800] =	vst v23;
	v21 =	vpop (erf)  }
0x1f0: {  	v23 =	vadd.f32 $1.000000000e+00, v24;
	v24 =	vmul.f32 v20, v13;
	(erf) = vrcp.f32 v27;
	[tilespmem:s18+$0x0] =	vst v21;
	v19 =	vpop (erf)  }
0x1f1: {  	v21 =	vadd.f32 $1.000000000e+00, v25;
	v25 =	vmul.f32 v20, v12;
	(erf) = vrcp.f32 v22;
	[tilespmem:s19+$0x0] =	vst v19;
	v19 =	vpop (erf)  }
0x1f2: {  	s8 =	sadd.s32 $0x2, s8;
	v22 =	vadd.f32 $1.000000000e+00, v24;
	v24 =	vmul.f32 v20, v11;
	(erf) = vrcp.f32 v23;
	[tilespmem:s25+$0x0] =	vst v19;
	v19 =	vpop (erf)  }
0x1f3: {  	p0 =	slt.u32 s8, s6;
	v26 =	vadd.f32 $1.000000000e+00, v25;
	v25 =	vmul.f32 v20, v10;
	(erf) = vrcp.f32 v21;
	[tilespmem:s4+$0x0] =	vst v19;
	v19 =	vpop (erf)  }
0x1f4: {  	v27 =	vadd.f32 $1.000000000e+00, v24;
	v24 =	vmul.f32 v20, v9;
	(erf) = vrcp.f32 v22;
	[tilespmem:s15+$0x0] =	vst v19;
	v19 =	vpop (erf)  }
0x1f5: {  	s10 =	sadd.s32 $0x100, s10;
	s20 =	sadd.s32 $0x20, s20;
	v22 =	vadd.f32 $1.000000000e+00, v25;
	v25 =	vmul.f32 v20, v8;
	(erf) = vrcp.f32 v26;
	[tilespmem:s21+$0x0] =	vst v19;
	v23 =	vpop (erf)  }
0x1f6: {  	v28 =	vmul.f32 v20, v7;
	s21 =	sand.u32 $0xFFFFFC00, s10;
	v24 =	vadd.f32 $1.000000000e+00, v24;
	v19 =	vld [tilespmem:s20+$0x0];
	(erf) = vrcp.f32 v27;
	[tilespmem:s2+$0x0] =	vst v23;
	v21 =	vpop (erf)  }
0x1f7: {  	s2 =	sadd.s32 $0x4800, s21;
	v27 =	vadd.f32 $1.000000000e+00, v25;
	v25 =	vmul.f32 v20, v6;
	(erf) = vrcp.f32 v22;
	[tilespmem:s7+$0x0] =	vst v21  }
0x1f8: {  	s12 =	sor.u32 s28, s2;
	s2 =	sor.u32 s1, s2;
	v21 =	vadd.f32 $1.000000000e+00, v28;
	v22 =	vmul.f32 v20, v5;
	v26 =	vpop (erf);
	(erf) = vrcp.f32 v24  }
0x1f9: {  	s17 =	sadd.s32 $0x1, s17;
	v28 =	vmul.f32 v20, v4;
	v24 =	vadd.f32 $1.000000000e+00, v25;
	[tilespmem:s2+$0x0] =	vst v26;
	v26 =	vpop (erf);
	(erf) = vrcp.f32 v27  }
0x1fa: {  	s4 =	sand.u32 $0x3, s17;
	v20 =	vmul.f32 v20, v3;
	v22 =	vadd.f32 $1.000000000e+00, v22;
	[tilespmem:s2+$0x80] =	vst v26;
	v23 =	vpop (erf);
	(erf) = vrcp.f32 v21  }
0x1fb: {  	s4 =	sshll.u32 s4, $0x5;
	v21 =	vmul.f32 v19, v18;
	[tilespmem:s2+$0x100] =	vst v23;
	v23 =	vadd.f32 $1.000000000e+00, v28;
	v25 =	vpop (erf);
	(erf) = vrcp.f32 v24  }
0x1fc: {  	s4 =	sadd.s32 s4, s10;
	v20 =	vadd.f32 $1.000000000e+00, v20;
	v24 =	vmul.f32 v19, v17;
	[tilespmem:s2+$0x180] =	vst v25;
	v25 =	vpop (erf);
	(erf) = vrcp.f32 v22  }
0x1fd: {  	s14 =	sor.u32 $0x300, s4;
	s13 =	sor.u32 $0x380, s4;
	s4 =	sadd.s32 $0x10, s4;
	v22 =	vmul.f32 v19, v16;
	v27 =	vadd.f32 $1.000000000e+00, v21;
	[tilespmem:s2+$0x200] =	vst v25;
	v25 =	vpop (erf);
	(erf) = vrcp.f32 v23  }
.Ltmp13:
0x1fe: {  	v23 =	vadd.f32 $1.000000000e+00, v24;
	v24 =	vmul.f32 v19, v15;
	[tilespmem:s2+$0x280] =	vst v25;
	s2 =	sor.u32 $0x300, s4;
	v25 =	vpop (erf);
	(erf) = vrcp.f32 v20;
	(pc) =	sbr.rel @p0 .LBB2_15-.Ltmp13, $4  }
0x1ff: {  	s7 =	sadd.s32 $0x6800, s21;
	v28 =	vadd.f32 $1.000000000e+00, v22;
	v20 =	vmul.f32 v19, v14;
	[tilespmem:s2+$0x4800] =	vst v25;
	s2 =	sor.u32 $0x380, s4;
	(erf) = vrcp.f32 v27;
	v21 =	vpop (erf)  }
0x200: {  	s18 =	sor.u32 s28, s7;
	s7 =	sor.u32 s1, s7;
	v27 =	vadd.f32 $1.000000000e+00, v24;
	v25 =	vmul.f32 v19, v13;
	s4 =	sadd.s32 $0x6880, s21;
	[tilespmem:s2+$0x4800] =	vst v21;
	(erf) = vrcp.f32 v23;
	v21 =	vpop (erf)  }
0x201: {  	v22 =	vmul.f32 v19, v12;
	v20 =	vadd.f32 $1.000000000e+00, v20;
	s19 =	sor.u32 s28, s4;
	s2 =	sadd.s32 $0x6900, s21;
	s4 =	sor.u32 s1, s4;
	[tilespmem:s7+$0x0] =	vst v21;
	(erf) = vrcp.f32 v28;
	v26 =	vpop (erf)  }
0x202: {  	s3 =	sadd.s32 $0x20, s3;
	v23 =	vmul.f32 v19, v11;
	v21 =	vadd.f32 $1.000000000e+00, v25;
	s7 =	sadd.s32 $0x6980, s21;
	[tilespmem:s4+$0x0] =	vst v26;
	s4 =	sor.u32 s1, s2;
	(erf) = vrcp.f32 v27;
	v24 =	vpop (erf)  }
.LBB2_16:
0x203: {  	v25 =	vmul.f32 v19, v10;
	s3 =	sadd.s32 $0x6A00, s21;
	[tilespmem:s4+$0x0] =	vst v24;
	s8 =	sor.u32 s1, s7;
	(erf) = vrcp.f32 v20;
	v20 =	vpop (erf)  }
0x204: {  	v22 =	vadd.f32 $1.000000000e+00, v22;
	v49 =	vmul.f32 v19, v9;
	s25 =	sadd.s32 $0x6A80, s21;
	v51 =	vmul.f32 v19, v8;
	[tilespmem:s8+$0x0] =	vst v20;
	s9 =	sor.u32 s1, s3;
	v20 =	vpop (erf)  }
0x205: {  	s29 =	sadd.s32 $0x6B00, s21;
	v53 =	vmul.f32 v19, v7;
	v23 =	vadd.f32 $1.000000000e+00, v23;
	(erf) = vrcp.f32 v21;
	s15 =	sor.u32 s1, s25;
	[tilespmem:s9+$0x0] =	vst v20;
	v20 =	vpop (erf)  }
0x206: {  	s10 =	sadd.s32 $0x6B80, s21;
	v55 =	vmul.f32 v19, v6;
	s17 =	sor.u32 s1, s29;
	v50 =	vadd.f32 $1.000000000e+00, v25;
	(erf) = vrcp.f32 v22;
	[tilespmem:s15+$0x0] =	vst v20;
	v20 =	vpop (erf)  }
0x207: {  	v57 =	vmul.f32 v19, v5;
	s20 =	sor.u32 s1, s10;
	v52 =	vadd.f32 $1.000000000e+00, v49;
	(erf) = vrcp.f32 v23;
	[tilespmem:s17+$0x0] =	vst v20;
	v20 =	vpop (erf)  }
0x208: {  	v58 =	vmul.f32 v19, v4;
	v54 =	vadd.f32 $1.000000000e+00, v51;
	(erf) = vrcp.f32 v50;
	[tilespmem:s20+$0x0] =	vst v20;
	v20 =	vpop (erf)  }
0x209: {  	v56 =	vadd.f32 $1.000000000e+00, v53;
	(erf) = vrcp.f32 v52;
	[tilespmem:s12+$0x0] =	vst v20;
	v20 =	vadd.f32 $1.000000000e+00, v55  }
0x20a: {  	v19 =	vmul.f32 v19, v3;
	v59 =	vpop (erf);
	(erf) = vrcp.f32 v54  }
0x20b: {  	v60 =	vadd.f32 $1.000000000e+00, v57;
	[tilespmem:s12+$0x80] =	vst v59;
	v61 =	vpop (erf);
	(erf) = vrcp.f32 v56  }
0x20c: {  	v62 =	vadd.f32 $1.000000000e+00, v58;
	v19 =	vadd.f32 $1.000000000e+00, v19;
	[tilespmem:s12+$0x100] =	vst v61;
	v63 =	vpop (erf);
	(erf) = vrcp.f32 v20  }
0x20d: {  	[tilespmem:s12+$0x180] =	vst v63;
	(erf) = vrcp.f32 v60;
	v20 =	vpop (erf)  }
0x20e: {  	[tilespmem:s12+$0x200] =	vst v20;
	v20 =	vpop (erf);
	(erf) = vrcp.f32 v62  }
0x20f: {  	[tilespmem:s12+$0x280] =	vst v20;
	v20 =	vpop (erf);
	(erf) = vrcp.f32 v19  }
0x210: {  	[tilespmem:s14+$0x4800] =	vst v20;
	v19 =	vpop (erf)  }
0x211: {  	[tilespmem:s13+$0x4800] =	vst v19;
	v19 =	vpop (erf)  }
0x212: {  	[tilespmem:s18+$0x0] =	vst v19;
	v19 =	vpop (erf)  }
0x213: {  	s21 =	sor.u32 s28, s2;
	[tilespmem:s19+$0x0] =	vst v19;
	v19 =	vpop (erf)  }
0x214: {  	s22 =	sor.u32 s28, s7;
	[tilespmem:s21+$0x0] =	vst v19;
	v19 =	vpop (erf)  }
0x215: {  	s23 =	sor.u32 s28, s3;
	[tilespmem:s22+$0x0] =	vst v19;
	v19 =	vpop (erf)  }
0x216: {  	s24 =	sor.u32 s28, s25;
	[tilespmem:s23+$0x0] =	vst v19;
	v19 =	vpop (erf)  }
0x217: {  	s25 =	sor.u32 s28, s29;
	[tilespmem:s24+$0x0] =	vst v19;
	v19 =	vpop (erf)  }
0x218: {  	s29 =	sor.u32 s28, s10;
	[tilespmem:s25+$0x0] =	vst v19;
	v19 =	vpop (erf)  }
0x219: {  	[tilespmem:s29+$0x0] =	vst v19  }
0x21a: {  	s24 =	rddreg [dreg:$0xf]  }
0x21b: {  	s30 =	rddreg [dreg:$0x10]  }
0x21c: {  	s18 =	rddreg [dreg:$0x14]  }
.LBB2_17:
0x21d: {  	s1 =	sshll.u32 s6, $0x4  }
0x21e: {  	v19 =	vld [tilespmem:s1+$0x0];
	_ =	sdelay $0x4  }
0x21f: {  	v20 =	vmul.f32 v19, v18  }
0x220: {  	v21 =	vmul.f32 v19, v17  }
0x221: {  	v22 =	vmul.f32 v19, v16;
	v20 =	vadd.f32 $1.000000000e+00, v20  }
0x222: {  	v23 =	vmul.f32 v19, v15;
	v21 =	vadd.f32 $1.000000000e+00, v21  }
0x223: {  	(erf) = vrcp.f32 v20;
	v20 =	vadd.f32 $1.000000000e+00, v22;
	v22 =	vmul.f32 v19, v14  }
0x224: {  	(erf) = vrcp.f32 v21;
	v21 =	vadd.f32 $1.000000000e+00, v23;
	v23 =	vmul.f32 v19, v13  }
0x225: {  	(erf) = vrcp.f32 v20;
	v20 =	vadd.f32 $1.000000000e+00, v22;
	v22 =	vmul.f32 v19, v12  }
0x226: {  	(erf) = vrcp.f32 v21;
	v21 =	vadd.f32 $1.000000000e+00, v23;
	v23 =	vmul.f32 v19, v11  }
0x227: {  	(erf) = vrcp.f32 v20;
	v20 =	vadd.f32 $1.000000000e+00, v22;
	v22 =	vmul.f32 v19, v10  }
0x228: {  	(erf) = vrcp.f32 v21;
	v21 =	vadd.f32 $1.000000000e+00, v23;
	v23 =	vmul.f32 v19, v9  }
0x229: {  	(erf) = vrcp.f32 v20;
	v20 =	vadd.f32 $1.000000000e+00, v22;
	v22 =	vmul.f32 v19, v8  }
0x22a: {  	(erf) = vrcp.f32 v21;
	v21 =	vadd.f32 $1.000000000e+00, v23;
	v23 =	vmul.f32 v19, v7  }
0x22b: {  	s2 =	sshll.u32 s6, $0x7;
	(erf) = vrcp.f32 v20;
	v20 =	vadd.f32 $1.000000000e+00, v22;
	v22 =	vmul.f32 v19, v6  }
0x22c: {  	s3 =	sand.u32 $0x60, s1;
	s29 =	sand.u32 $0xFFFFFC00, s2;
	v24 =	vpop (erf);
	(erf) = vrcp.f32 v21;
	v21 =	vadd.f32 $1.000000000e+00, v23;
	v23 =	vmul.f32 v19, v5  }
0x22d: {  	s1 =	sor.u32 s3, s29  }
0x22e: {  	[tilespmem:s1+$0x4800] =	vst v24;
	v24 =	vpop (erf);
	(erf) = vrcp.f32 v20;
	v20 =	vadd.f32 $1.000000000e+00, v22;
	v22 =	vmul.f32 v19, v4  }
0x22f: {  	v19 =	vmul.f32 v19, v3;
	[tilespmem:s1+$0x4880] =	vst v24;
	v24 =	vpop (erf);
	(erf) = vrcp.f32 v21;
	v21 =	vadd.f32 $1.000000000e+00, v23  }
0x230: {  	v23 =	vpop (erf);
	(erf) = vrcp.f32 v20;
	v20 =	vadd.f32 $1.000000000e+00, v22  }
0x231: {  	[tilespmem:s1+$0x4900] =	vst v24;
	v19 =	vadd.f32 $1.000000000e+00, v19  }
0x232: {  	[tilespmem:s1+$0x4980] =	vst v23;
	v22 =	vpop (erf);
	(erf) = vrcp.f32 v21  }
0x233: {  	[tilespmem:s1+$0x4A00] =	vst v22;
	v21 =	vpop (erf);
	(erf) = vrcp.f32 v20  }
0x234: {  	s2 =	sor.u32 s3, s2;
	[tilespmem:s1+$0x4A80] =	vst v21;
	v20 =	vpop (erf);
	(erf) = vrcp.f32 v19  }
0x235: {  	s2 =	sor.u32 $0x380, s2;
	v19 =	vpop (erf);
	[tilespmem:s1+$0x4B00] =	vst v20  }
0x236: {  	v20 =	vpop (erf);
	[tilespmem:s2+$0x4800] =	vst v19  }
0x237: {  	v32 =	vbroadcast v2, $0x0;
	v19 =	vpop (erf);
	[tilespmem:s1+$0x6800] =	vst v20  }
0x238: {  	v33 =	vbroadcast v2, $0x1;
	v31 =	vbroadcast v2, $0x2;
	v20 =	vpop (erf);
	[tilespmem:s1+$0x6880] =	vst v19  }
0x239: {  	p0 =	sgt.u32 s5, $0x3E;
	v30 =	vbroadcast v2, $0x3;
	v29 =	vbroadcast v2, $0x4;
	v19 =	vpop (erf);
	[tilespmem:s1+$0x6900] =	vst v20  }
.Ltmp14:
0x23a: {  	v28 =	vbroadcast v2, $0x5;
	v26 =	vbroadcast v2, $0x6;
	v20 =	vpop (erf);
	[tilespmem:s1+$0x6980] =	vst v19;
	(pc) =	sbr.rel @p0 .LBB2_21-.Ltmp14, $4  }
0x23b: {  	v27 =	vbroadcast v2, $0x7;
	v25 =	vbroadcast v2, $0x8;
	v19 =	vpop (erf);
	[tilespmem:s1+$0x6A00] =	vst v20  }
0x23c: {  	v24 =	vbroadcast v2, $0x9;
	v23 =	vbroadcast v2, $0xA;
	v21 =	vpop (erf);
	[tilespmem:s1+$0x6A80] =	vst v19  }
0x23d: {  	v22 =	vbroadcast v2, $0xB;
	v20 =	vbroadcast v2, $0xC;
	[tilespmem:s1+$0x6B00] =	vst v21;
	v34 =	vpop (erf)  }
0x23e: {  	v19 =	vbroadcast v2, $0xE;
	v21 =	vbroadcast v2, $0xD;
	[tilespmem:s1+$0x6B80] =	vst v34  }
0x23f: {  	s6 =	sand.u32 $0x60, s30  }
0x240: {  	s2 =	sand.u32 $0x380, s30;
	s1 =	sor.u32 $0x10, s6  }
0x241: {  	s2 =	sor.u32 s1, s2  }
0x242: {  	v36 =	vld [tilespmem:s2+$0x400];
	_ =	sdelay $0x4  }
0x243: {  	v34 =	vmul.f32 v36, v32  }
0x244: {  	v35 =	vmul.f32 v36, v33  }
0x245: {  	v38 =	vmul.f32 v36, v31;
	v37 =	vadd.f32 $1.000000000e+00, v34  }
0x246: {  	v39 =	vmul.f32 v36, v30;
	v35 =	vadd.f32 $1.000000000e+00, v35  }
0x247: {  	v38 =	vadd.f32 $1.000000000e+00, v38;
	(erf) = vrcp.f32 v37  }
0x248: {  	v49 =	vadd.f32 $1.000000000e+00, v39;
	(erf) = vrcp.f32 v35  }
0x249: {  	v40 =	vmul.f32 v36, v29;
	(erf) = vrcp.f32 v38  }
0x24a: {  	v50 =	vmul.f32 v36, v28;
	(erf) = vrcp.f32 v49  }
0x24b: {  	v52 =	vmul.f32 v36, v26;
	v54 =	vmul.f32 v36, v27;
	v51 =	vadd.f32 $1.000000000e+00, v40  }
0x24c: {  	v56 =	vmul.f32 v36, v25;
	v41 =	vmul.f32 v36, v24;
	v53 =	vadd.f32 $1.000000000e+00, v50  }
0x24d: {  	s12 =	rddreg [dreg:$0x11];
	v58 =	vmul.f32 v36, v23;
	v55 =	vadd.f32 $1.000000000e+00, v52;
	(erf) = vrcp.f32 v51  }
0x24e: {  	s20 =	sand.u32 $0x1C00, s12;
	v60 =	vmul.f32 v36, v22;
	v39 =	vadd.f32 $1.000000000e+00, v54;
	(erf) = vrcp.f32 v53  }
0x24f: {  	s22 =	sadd.s32 $0x4800, s20;
	v62 =	vmul.f32 v36, v20;
	v57 =	vadd.f32 $1.000000000e+00, v56;
	v35 =	vld [tilespmem:s26+$0x0];
	(erf) = vrcp.f32 v55  }
0x250: {  	s3 =	sor.u32 s1, s22;
	v45 =	vmul.f32 v36, v21;
	v59 =	vadd.f32 $1.000000000e+00, v41;
	(erf) = vrcp.f32 v39;
	v42 =	vpop (erf)  }
0x251: {  	v34 =	vbroadcast v2, $0xF;
	v61 =	vadd.f32 $1.000000000e+00, v58;
	(erf) = vrcp.f32 v57;
	[tilespmem:s3+$0x0] =	vst v42;
	v48 =	vpop (erf)  }
0x252: {  	v47 =	vmul.f32 v36, v19;
	v63 =	vadd.f32 $1.000000000e+00, v60;
	(erf) = vrcp.f32 v59;
	[tilespmem:s3+$0x80] =	vst v48;
	v50 =	vpop (erf)  }
0x253: {  	v46 =	vadd.f32 $1.000000000e+00, v62;
	v36 =	vmul.f32 v36, v34;
	(erf) = vrcp.f32 v61;
	[tilespmem:s3+$0x100] =	vst v50;
	v52 =	vpop (erf)  }
0x254: {  	v49 =	vadd.f32 $1.000000000e+00, v45;
	v51 =	vmul.f32 v35, v32;
	(erf) = vrcp.f32 v63;
	[tilespmem:s3+$0x180] =	vst v52  }
0x255: {  	s4 =	sand.u32 $0x3, s24;
	s13 =	smov.u32 s26;
	v40 =	vadd.f32 $1.000000000e+00, v47;
	v53 =	vmul.f32 v35, v33;
	(erf) = vrcp.f32 v46;
	s7 =	rddreg [dreg:$0x12]  }
0x256: {  	s29 =	smov.u32 s24;
	s4 =	sshll.u32 s4, $0x5;
	v36 =	vadd.f32 $1.000000000e+00, v36;
	v57 =	vmul.f32 v35, v30;
	v54 =	vpop (erf);
	(erf) = vrcp.f32 v49;
	s8 =	sadd.s32 $0x2, s7  }
0x257: {  	s17 =	smov.u32 s24;
	s4 =	sadd.s32 s4, s12;
	v55 =	vmul.f32 v35, v31;
	v38 =	vadd.f32 $1.000000000e+00, v51;
	[tilespmem:s3+$0x200] =	vst v54;
	v56 =	vpop (erf);
	(erf) = vrcp.f32 v40;
	p0 =	slt.u32 s8, $0x3E  }
.Ltmp15:
0x258: {  	s25 =	sadd.s32 $0x6800, s20;
	s23 =	sadd.s32 $0x10, s4;
	v37 =	vadd.f32 $1.000000000e+00, v53;
	v40 =	vadd.f32 $1.000000000e+00, v57;
	[tilespmem:s3+$0x280] =	vst v56;
	v58 =	vpop (erf);
	(erf) = vrcp.f32 v36;
	(pc) =	sbr.rel @!p0 .LBB2_20-.Ltmp15, $4  }
0x259: {  	s28 =	sadd.s32 $0x6880, s20;
	s10 =	sor.u32 s6, s22;
	s2 =	sor.u32 $0x380, s23;
	v39 =	vadd.f32 $1.000000000e+00, v55;
	v59 =	vmul.f32 v35, v29;
	[tilespmem:s3+$0x300] =	vst v58;
	(erf) = vrcp.f32 v38;
	v60 =	vpop (erf)  }
0x25a: {  	s14 =	sor.u32 $0x380, s4;
	s18 =	sor.u32 s6, s25;
	s4 =	sor.u32 s1, s25;
	v61 =	vmul.f32 v35, v28;
	[tilespmem:s2+$0x4800] =	vst v60;
	(erf) = vrcp.f32 v37;
	v62 =	vpop (erf)  }
0x25b: {  	s19 =	sor.u32 s6, s28;
	v36 =	vadd.f32 $1.000000000e+00, v59;
	v38 =	vmul.f32 v35, v26;
	s3 =	sor.u32 s1, s28;
	s2 =	sadd.s32 $0x6900, s20;
	[tilespmem:s4+$0x0] =	vst v62;
	(erf) = vrcp.f32 v39;
	v63 =	vpop (erf)  }
0x25c: {  	s7 =	sadd.s32 $0x6980, s20;
	v37 =	vadd.f32 $1.000000000e+00, v61;
	v39 =	vmul.f32 v35, v27;
	s4 =	sor.u32 s1, s2;
	[tilespmem:s3+$0x0] =	vst v63;
	s3 =	sadd.s32 $0x20, s30;
	(erf) = vrcp.f32 v40;
	v40 =	vpop (erf)  }
.LBB2_19:
0x25d: {  	s9 =	sand.u32 $0x380, s3;
	v38 =	vadd.f32 $1.000000000e+00, v38;
	v41 =	vmul.f32 v35, v25;
	s15 =	sadd.s32 $0x6A00, s20;
	[tilespmem:s4+$0x0] =	vst v40;
	s4 =	sor.u32 s1, s7;
	(erf) = vrcp.f32 v36;
	v36 =	vpop (erf)  }
0x25e: {  	s22 =	sand.u32 $0x60, s3;
	v42 =	vadd.f32 $1.000000000e+00, v39;
	v40 =	vmul.f32 v35, v24;
	s23 =	sadd.s32 $0x6A80, s20;
	[tilespmem:s4+$0x0] =	vst v36;
	s4 =	sor.u32 s1, s15;
	(erf) = vrcp.f32 v37;
	v36 =	vpop (erf)  }
0x25f: {  	s25 =	sadd.s32 $0x6B00, s20;
	s24 =	sor.u32 $0x10, s22;
	v43 =	vadd.f32 $1.000000000e+00, v41;
	v41 =	vmul.f32 v35, v23;
	[tilespmem:s4+$0x0] =	vst v36;
	s4 =	sor.u32 s1, s23;
	(erf) = vrcp.f32 v38;
	v36 =	vpop (erf)  }
0x260: {  	s28 =	sadd.s32 $0x6B80, s20;
	s20 =	sor.u32 s1, s25;
	s9 =	sor.u32 s24, s9;
	v38 =	vadd.f32 $1.000000000e+00, v40;
	v40 =	vmul.f32 v35, v22;
	[tilespmem:s4+$0x0] =	vst v36;
	(erf) = vrcp.f32 v42;
	v39 =	vpop (erf)  }
0x261: {  	s21 =	sor.u32 s6, s2;
	v44 =	vmul.f32 v35, v20;
	s1 =	sor.u32 s1, s28;
	s4 =	sor.u32 s6, s7;
	v36 =	vld [tilespmem:s9+$0x400];
	v45 =	vadd.f32 $1.000000000e+00, v41;
	[tilespmem:s20+$0x0] =	vst v39;
	(erf) = vrcp.f32 v43;
	v37 =	vpop (erf)  }
0x262: {  	s15 =	sor.u32 s6, s15;
	s2 =	sor.u32 s6, s25;
	v43 =	vadd.f32 $1.000000000e+00, v40;
	v40 =	vmul.f32 v35, v21;
	s20 =	sor.u32 s6, s23;
	[tilespmem:s1+$0x0] =	vst v37;
	v37 =	vpop (erf);
	(erf) = vrcp.f32 v38  }
0x263: {  	s7 =	sor.u32 s6, s28;
	s6 =	smov.u32 s22;
	v38 =	vmul.f32 v35, v19;
	s1 =	smov.u32 s24;
	[tilespmem:s10+$0x0] =	vst v37;
	v37 =	vadd.f32 $1.000000000e+00, v44;
	v42 =	vpop (erf);
	(erf) = vrcp.f32 v45  }
0x264: {  	v35 =	vmul.f32 v35, v34;
	v40 =	vadd.f32 $1.000000000e+00, v40;
	[tilespmem:s10+$0x80] =	vst v42;
	v41 =	vpop (erf);
	(erf) = vrcp.f32 v43  }
0x265: {  	v38 =	vadd.f32 $1.000000000e+00, v38;
	[tilespmem:s10+$0x100] =	vst v41;
	v39 =	vpop (erf);
	(erf) = vrcp.f32 v37  }
0x266: {  	v35 =	vadd.f32 $1.000000000e+00, v35;
	v37 =	vmul.f32 v36, v32;
	[tilespmem:s10+$0x180] =	vst v39;
	v39 =	vpop (erf);
	(erf) = vrcp.f32 v40  }
0x267: {  	v40 =	vmul.f32 v36, v33;
	[tilespmem:s10+$0x200] =	vst v39;
	v39 =	vpop (erf);
	(erf) = vrcp.f32 v38  }
0x268: {  	v38 =	vmul.f32 v36, v31;
	v42 =	vadd.f32 $1.000000000e+00, v37;
	[tilespmem:s10+$0x280] =	vst v39;
	v39 =	vpop (erf);
	(erf) = vrcp.f32 v35  }
0x269: {  	v43 =	vadd.f32 $1.000000000e+00, v40;
	v40 =	vmul.f32 v36, v30;
	[tilespmem:s10+$0x300] =	vst v39;
	v39 =	vpop (erf)  }
0x26a: {  	v41 =	vmul.f32 v36, v29;
	v38 =	vadd.f32 $1.000000000e+00, v38;
	(erf) = vrcp.f32 v42;
	[tilespmem:s14+$0x4800] =	vst v39;
	v37 =	vpop (erf)  }
0x26b: {  	v39 =	vadd.f32 $1.000000000e+00, v40;
	v40 =	vmul.f32 v36, v28;
	(erf) = vrcp.f32 v43;
	[tilespmem:s18+$0x0] =	vst v37;
	v35 =	vpop (erf)  }
0x26c: {  	v37 =	vadd.f32 $1.000000000e+00, v41;
	v41 =	vmul.f32 v36, v26;
	(erf) = vrcp.f32 v38;
	[tilespmem:s19+$0x0] =	vst v35;
	v35 =	vpop (erf)  }
0x26d: {  	s8 =	sadd.s32 $0x2, s8;
	v38 =	vadd.f32 $1.000000000e+00, v40;
	v40 =	vmul.f32 v36, v27;
	(erf) = vrcp.f32 v39;
	[tilespmem:s21+$0x0] =	vst v35;
	v35 =	vpop (erf)  }
0x26e: {  	p0 =	slt.u32 s8, $0x3E;
	v42 =	vadd.f32 $1.000000000e+00, v41;
	v41 =	vmul.f32 v36, v25;
	(erf) = vrcp.f32 v37;
	[tilespmem:s4+$0x0] =	vst v35;
	v35 =	vpop (erf)  }
0x26f: {  	v43 =	vadd.f32 $1.000000000e+00, v40;
	v40 =	vmul.f32 v36, v24;
	(erf) = vrcp.f32 v38;
	[tilespmem:s15+$0x0] =	vst v35;
	v35 =	vpop (erf)  }
0x270: {  	s12 =	sadd.s32 $0x100, s12;
	s13 =	sadd.s32 $0x20, s13;
	v38 =	vadd.f32 $1.000000000e+00, v41;
	v41 =	vmul.f32 v36, v23;
	(erf) = vrcp.f32 v42;
	[tilespmem:s20+$0x0] =	vst v35;
	v39 =	vpop (erf)  }
0x271: {  	v44 =	vmul.f32 v36, v22;
	s20 =	sand.u32 $0x1C00, s12;
	v40 =	vadd.f32 $1.000000000e+00, v40;
	v35 =	vld [tilespmem:s13+$0x0];
	(erf) = vrcp.f32 v43;
	[tilespmem:s2+$0x0] =	vst v39;
	v37 =	vpop (erf)  }
0x272: {  	s2 =	sadd.s32 $0x4800, s20;
	v43 =	vadd.f32 $1.000000000e+00, v41;
	v41 =	vmul.f32 v36, v20;
	(erf) = vrcp.f32 v38;
	[tilespmem:s7+$0x0] =	vst v37  }
0x273: {  	s10 =	sor.u32 s6, s2;
	s2 =	sor.u32 s1, s2;
	v37 =	vadd.f32 $1.000000000e+00, v44;
	v38 =	vmul.f32 v36, v21;
	v42 =	vpop (erf);
	(erf) = vrcp.f32 v40  }
0x274: {  	v44 =	vmul.f32 v36, v19;
	v40 =	vadd.f32 $1.000000000e+00, v41;
	[tilespmem:s2+$0x0] =	vst v42;
	v42 =	vpop (erf);
	(erf) = vrcp.f32 v43  }
0x275: {  	s17 =	sadd.s32 $0x1, s17;
	v36 =	vmul.f32 v36, v34;
	v38 =	vadd.f32 $1.000000000e+00, v38;
	[tilespmem:s2+$0x80] =	vst v42;
	v39 =	vpop (erf);
	(erf) = vrcp.f32 v37  }
0x276: {  	s4 =	sand.u32 $0x3, s17;
	v37 =	vmul.f32 v35, v32;
	[tilespmem:s2+$0x100] =	vst v39;
	v39 =	vadd.f32 $1.000000000e+00, v44;
	v41 =	vpop (erf);
	(erf) = vrcp.f32 v40  }
0x277: {  	s4 =	sshll.u32 s4, $0x5;
	v36 =	vadd.f32 $1.000000000e+00, v36;
	v40 =	vmul.f32 v35, v33;
	[tilespmem:s2+$0x180] =	vst v41;
	v41 =	vpop (erf);
	(erf) = vrcp.f32 v38  }
0x278: {  	s4 =	sadd.s32 s4, s12;
	v38 =	vmul.f32 v35, v31;
	v43 =	vadd.f32 $1.000000000e+00, v37;
	[tilespmem:s2+$0x200] =	vst v41;
	v41 =	vpop (erf);
	(erf) = vrcp.f32 v39  }
.Ltmp16:
0x279: {  	s14 =	sor.u32 $0x380, s4;
	s4 =	sadd.s32 $0x10, s4;
	v39 =	vadd.f32 $1.000000000e+00, v40;
	v40 =	vmul.f32 v35, v30;
	[tilespmem:s2+$0x280] =	vst v41;
	v41 =	vpop (erf);
	(erf) = vrcp.f32 v36;
	(pc) =	sbr.rel @p0 .LBB2_19-.Ltmp16, $4  }
0x27a: {  	s7 =	sadd.s32 $0x6800, s20;
	v44 =	vadd.f32 $1.000000000e+00, v38;
	v36 =	vmul.f32 v35, v29;
	[tilespmem:s2+$0x300] =	vst v41;
	s2 =	sor.u32 $0x380, s4;
	(erf) = vrcp.f32 v43;
	v37 =	vpop (erf)  }
0x27b: {  	s18 =	sor.u32 s6, s7;
	s7 =	sor.u32 s1, s7;
	v43 =	vadd.f32 $1.000000000e+00, v40;
	v41 =	vmul.f32 v35, v28;
	s4 =	sadd.s32 $0x6880, s20;
	[tilespmem:s2+$0x4800] =	vst v37;
	(erf) = vrcp.f32 v39;
	v37 =	vpop (erf)  }
0x27c: {  	v38 =	vmul.f32 v35, v26;
	v36 =	vadd.f32 $1.000000000e+00, v36;
	s19 =	sor.u32 s6, s4;
	s2 =	sadd.s32 $0x6900, s20;
	s4 =	sor.u32 s1, s4;
	[tilespmem:s7+$0x0] =	vst v37;
	(erf) = vrcp.f32 v44;
	v42 =	vpop (erf)  }
0x27d: {  	s3 =	sadd.s32 $0x20, s3;
	v39 =	vmul.f32 v35, v27;
	v37 =	vadd.f32 $1.000000000e+00, v41;
	s7 =	sadd.s32 $0x6980, s20;
	[tilespmem:s4+$0x0] =	vst v42;
	s4 =	sor.u32 s1, s2;
	(erf) = vrcp.f32 v43;
	v40 =	vpop (erf)  }
.Ltmp17:
0x27e: {  	_ = 	snop;
	(pc) =	sbr.rel .LBB2_20-.Ltmp17, $1  }
0x27f: {  	_ =	sdelay $0x3  }
.LBB2_7:
.Ltmp18:
0x280: {  	(pc) =	sbr.rel .LBB2_12-.Ltmp18, $2  }
0x281: {  	_ =	sdelay $0x2  }
0x282: {  	s28 =	smov.u32 s11;
	s5 =	smov.u32 s18;
	s10 =	smov.u32 s31  }
.LBB2_9:
.Ltmp19:
0x283: {  	(pc) =	sbr.rel .LBB2_12-.Ltmp19, $2  }
0x284: {  	_ =	sdelay $0x2  }
0x285: {  	v38 =	vmov v35  }
.LBB2_23:
0x286: {  	_ =	sfence.sel $0x180000  }
0x287: {  	[bflag:$0x0] =	sbarrier.arrive $0xFFFF  }
0x288: {  	_ =	strace $0x90000047  }
0x289: {  	s0 =	stileid.u32;
	[bflag:$0x2] =	sbarrier.arrive $0xFFFF  }
0x28a: {  	p0 =	sne.s32 s0, $0x0;
	s0 =	rddreg [dreg:$0x2]  }
0x28b: {  	s0 =	sadd.s32 @!p0 $0x100000, s0  }
0x28c: {  	[sflag:s0] =	ssyncadd.tile.s32 @!p0 $0x1;
	_ =	shalt  }
.Lfunc_end2:
_tile_overlayer_lowered:
.L_overlay_start_2:
0x28d: {  	(tag) =	ssettag $0x2  }
0x28e: {  	s0 =	rddreg [dreg:$0x0];
	s2 =	stileid.u32  }
0x28f: {  	s1 =	rddreg [dreg:$0x1];
	p0 =	sne.s32 s2, $0x0  }
0x290: {  	s3 =	rddreg [dreg:$0x2];
	[bflag:$0x3] =	sbarrier.arrive $0xFFFF;
	s2 =	simm.s32 @!p0 $0x1C03  }
0x291: {  	[timem:s3], [sflag:s2] =	dma.local @!p0 [hbm:s0], s1  }
0x292: {  	s0 =	simm.s32 @!p0 $0x3  }
0x293: {  	_ =	swait.ge @!p0 [sflag:s0], s1  }
0x294: {  	s1 =	ssub.s32 @!p0 $0x0, s1;
	[sflag:s0] =	ssyncset.done @!p0 $0x0  }
0x295: {  	[sflag:s0] =	ssyncadd.s32 @!p0 s1  }
0x296: {  	[bflag:$0x3] =	sbarrier.arrive $0xFFFF  }
0x297: {  	_ =	shalt  }

</sc_bundles>
